<compile_context>
chip_gen: v7x
topology: tpu7x:2x2x1
jax: 0.10.2.dev20260603
libtpu: 0.0.44.dev20260713+nightly
codegen_flags: <defaults>
</compile_context>

<pallas_src>
import functools

import numpy as np
import jax
import jax.numpy as jnp
from jax import lax
from jax.experimental import pallas as pl
from jax.experimental.pallas import tpu as pltpu
from jax.experimental.pallas import tpu_sc as plsc

_B = 16
_n = 2048
_m = 512
_K = 64
_H = 64
_OUT = 64
_F = 8
_R2 = np.float32(0.15 * 0.15)
_R2_BITS = int(np.array(0.15 * 0.15, np.float32).view(np.int32))

_NC = 2
_NS = 16
_NW = _NC * _NS
_HM = (_B * _m) // _NW



def _fps_body(px_ref, py_ref, pz_ref, idx_ref, dists_ref):
    px = px_ref[...]
    py = py_ref[...]
    pz = pz_ref[...]
    iota = lax.broadcasted_iota(jnp.int32, (_B, _n), 1)
    iota_m = lax.broadcasted_iota(jnp.int32, (_B, _m), 1)
    cx = px[:, 0:1]
    cy = py[:, 0:1]
    cz = pz[:, 0:1]
    dx = px - cx
    dy = py - cy
    dz = pz - cz
    dists_ref[...] = dx * dx + dy * dy + dz * dz
    idx_ref[...] = jnp.zeros((_B, _m), jnp.int32)

    def body(i, carry):
        px = px_ref[...]
        py = py_ref[...]
        pz = pz_ref[...]
        dists = dists_ref[...]
        maxv = jnp.max(dists, axis=1, keepdims=True)
        nxt = jnp.min(jnp.where(dists == maxv, iota, _n), axis=1, keepdims=True)
        oh = iota == nxt
        cx = jnp.sum(jnp.where(oh, px, 0.0), axis=1, keepdims=True)
        cy = jnp.sum(jnp.where(oh, py, 0.0), axis=1, keepdims=True)
        cz = jnp.sum(jnp.where(oh, pz, 0.0), axis=1, keepdims=True)
        idx_ref[...] = jnp.where(iota_m == i, nxt, idx_ref[...])
        dx = px - cx
        dy = py - cy
        dz = pz - cz
        d = dx * dx + dy * dy + dz * dz
        dists_ref[...] = jnp.minimum(dists, d)
        return carry

    lax.fori_loop(1, _m, body, jnp.int32(0))


_fps_call = pl.pallas_call(
    _fps_body,
    out_shape=jax.ShapeDtypeStruct((_B, _m), jnp.int32),
    scratch_shapes=[pltpu.VMEM((_B, _n), jnp.float32)],
)



def _sc_body(posx_h, posy_h, posz_h, xx_h, xy_h, xz_h,
             seli_h,
             feat_h, selpx_h, selpy_h, selpz_h,
             px_v, py_v, pz_v, xv0, xv1, xv2,
             sci, spb,
             cand_i, fin_i, stage0, stage1, sem0, sem1):
    wid = lax.axis_index("s") * _NC + lax.axis_index("c")
    cloud = wid // 2
    half = wid % 2
    row0 = cloud * _m + half * _HM

    pltpu.sync_copy(posx_h.at[cloud], px_v)
    pltpu.sync_copy(posy_h.at[cloud], py_v)
    pltpu.sync_copy(posz_h.at[cloud], pz_v)
    pltpu.sync_copy(xx_h.at[cloud], xv0)
    pltpu.sync_copy(xy_h.at[cloud], xv1)
    pltpu.sync_copy(xz_h.at[cloud], xv2)
    sl_half = pl.ds(half * _HM, _HM)
    pltpu.sync_copy(seli_h.at[cloud, sl_half], sci)

    for stage in (stage0, stage1):
        for g in range(_K * _F // 16):
            stage[pl.ds(g * 16, 16)] = jnp.zeros((16,), jnp.float32)

    lane16 = lax.iota(jnp.int32, 16)
    r2 = jnp.float32(_R2)

    def cand_d2(c, cnt, cx, cy, cz):
        sl = pl.ds(c * 16, 16)
        iv = cand_i[sl]
        dx = plsc.load_gather(px_v, [iv]) - cx
        dy = plsc.load_gather(py_v, [iv]) - cy
        dz = plsc.load_gather(pz_v, [iv]) - cz
        d2 = dx * dx + dy * dy + dz * dz
        ln = c * 16 + lane16
        return plsc.bitcast(d2, jnp.int32), iv, ln < cnt

    def do_row(r, stage, sem, other_stage, other_sem, first):
        rsplat = jnp.full((16,), r, jnp.int32)
        si = plsc.load_gather(sci, [rsplat])
        cx = plsc.load_gather(px_v, [si])
        cy = plsc.load_gather(py_v, [si])
        cz = plsc.load_gather(pz_v, [si])

        def chunk4(c4, cur):
            part = []
            for u in range(8):
                c = c4 * 8 + u
                sl = pl.ds(c * 16, 16)
                dx = px_v[sl] - cx
                dy = py_v[sl] - cy
                dz = pz_v[sl] - cz
                d2 = dx * dx + dy * dy + dz * dz
                msk = d2 <= r2
                pc = plsc.all_reduce_population_count(msk)
                part.append((c * 16 + lane16, msk, pc))
            s = cur
            for idxv, msk, pc in part:
                plsc.store_compressed(cand_i.at[pl.ds(s, 16)], idxv, mask=msk)
                s = s + pc[0]
            return s

        cnt = lax.fori_loop(0, _n // 128, chunk4, jnp.int32(0))

        @pl.when(cnt > _K)
        def _fixup():
            nch = (cnt + 15) // 16

            def count_le(v):
                def cc(c, acc):
                    dv, _, inb = cand_d2(c, cnt, cx, cy, cz)
                    mk = (dv <= v) & inb
                    return acc + plsc.all_reduce_population_count(mk)[0]
                return lax.fori_loop(0, nch, cc, jnp.int32(0))

            def bcond(state):
                lo, hi = state
                return lo < hi

            def bstep(state):
                lo, hi = state
                mid = (lo + hi) // 2
                big = count_le(mid) >= _K
                return (jnp.where(big, lo, mid + 1), jnp.where(big, mid, hi))

            vk, _ = lax.while_loop(
                bcond, bstep, (jnp.int32(0), jnp.int32(_R2_BITS)))

            def sel1(c, cur):
                dv, iv, inb = cand_d2(c, cnt, cx, cy, cz)
                mk = (dv < vk) & inb
                plsc.store_compressed(fin_i.at[pl.ds(cur, 16)], iv, mask=mk)
                return cur + plsc.all_reduce_population_count(mk)[0]

            cur = lax.fori_loop(0, nch, sel1, jnp.int32(0))

            def sel2(c, cur):
                dv, iv, inb = cand_d2(c, cnt, cx, cy, cz)
                mk = (dv == vk) & inb
                pref = plsc.cumsum(mk.astype(jnp.int32))
                keep = mk & ((cur + pref) <= _K)
                plsc.store_compressed(fin_i.at[pl.ds(cur, 16)], iv, mask=keep)
                return cur + plsc.all_reduce_population_count(keep)[0]

            lax.fori_loop(0, nch, sel2, cur)
            for g in range(_K // 16):
                sl = pl.ds(g * 16, 16)
                cand_i[sl] = fin_i[sl]

        @pl.when(jnp.logical_not(first))
        def _drain():
            pltpu.make_async_copy(stage, feat_h.at[row0], sem).wait()

        cnt2 = jnp.minimum(cnt, _K)
        for g in range(_K // 16):
            ln = g * 16 + lane16
            cv = cand_i[pl.ds(g * 16, 16)]
            jv = jnp.where(ln < cnt2, cv, si)
            f0 = plsc.load_gather(xv0, [jv])
            f1 = plsc.load_gather(xv1, [jv])
            f2 = plsc.load_gather(xv2, [jv])
            f3 = plsc.load_gather(px_v, [jv]) - cx
            f4 = plsc.load_gather(py_v, [jv]) - cy
            f5 = plsc.load_gather(pz_v, [jv]) - cz
            base = ln * _F
            plsc.store_scatter(stage, [base + 0], f0)
            plsc.store_scatter(stage, [base + 1], f1)
            plsc.store_scatter(stage, [base + 2], f2)
            plsc.store_scatter(stage, [base + 3], f3)
            plsc.store_scatter(stage, [base + 4], f4)
            plsc.store_scatter(stage, [base + 5], f5)
        pltpu.async_copy(stage, feat_h.at[row0 + r], sem)

    def row_pair(rr, carry):
        do_row(rr * 2, stage0, sem0, stage1, sem1, rr == 0)
        do_row(rr * 2 + 1, stage1, sem1, stage0, sem0, rr == 0)
        return carry

    lax.fori_loop(0, _HM // 2, row_pair, jnp.int32(0))
    for g in range(_HM // 16):
        iv = sci[pl.ds(g * 16, 16)]
        spb[pl.ds(g * 16, 16)] = plsc.load_gather(px_v, [iv])
        spb[pl.ds(_HM + g * 16, 16)] = plsc.load_gather(py_v, [iv])
        spb[pl.ds(2 * _HM + g * 16, 16)] = plsc.load_gather(pz_v, [iv])
    for ch, out_h in enumerate((selpx_h, selpy_h, selpz_h)):
        pltpu.sync_copy(spb.at[pl.ds(ch * _HM, _HM)],
                        out_h.at[pl.ds(row0, _HM)])
    pltpu.make_async_copy(stage0, feat_h.at[row0], sem0).wait()
    pltpu.make_async_copy(stage1, feat_h.at[row0], sem1).wait()


@functools.cache
def _make_sc_call():
    mesh = plsc.VectorSubcoreMesh(core_axis_name="c", subcore_axis_name="s")
    return functools.partial(
        pl.kernel,
        mesh=mesh,
        compiler_params=pltpu.CompilerParams(needs_layout_passes=False),
        out_type=[jax.ShapeDtypeStruct((_B * _m, _K * _F), jnp.float32),
                  jax.ShapeDtypeStruct((_B * _m,), jnp.float32),
                  jax.ShapeDtypeStruct((_B * _m,), jnp.float32),
                  jax.ShapeDtypeStruct((_B * _m,), jnp.float32)],
        scratch_types=[
            pltpu.VMEM((_n,), jnp.float32),
            pltpu.VMEM((_n,), jnp.float32),
            pltpu.VMEM((_n,), jnp.float32),
            pltpu.VMEM((_n,), jnp.float32),
            pltpu.VMEM((_n,), jnp.float32),
            pltpu.VMEM((_n,), jnp.float32),
            pltpu.VMEM((_HM,), jnp.int32),
            pltpu.VMEM((3 * _HM,), jnp.float32),
            pltpu.VMEM((_n + 32,), jnp.int32),
            pltpu.VMEM((_K + 16,), jnp.int32),
            pltpu.VMEM((_K * _F,), jnp.float32),
            pltpu.VMEM((_K * _F,), jnp.float32),
            pltpu.SemaphoreType.DMA,
            pltpu.SemaphoreType.DMA,
        ],
    )(_sc_body)





_EB = 8192


def _mlp_body(f_ref, w1_ref, b1_ref, w2_ref, b2_ref, w3_ref, b3_ref, o_ref):
    f = f_ref[...]
    h = jnp.dot(f, w1_ref[...], preferred_element_type=jnp.float32)
    h = jnp.maximum(h + b1_ref[...], 0.0)
    h = jnp.dot(h, w2_ref[...], preferred_element_type=jnp.float32)
    h = jnp.maximum(h + b2_ref[...], 0.0)
    h = jnp.dot(h, w3_ref[...], preferred_element_type=jnp.float32)
    h = jnp.maximum(h + b3_ref[...], 0.0)
    h = h.reshape(_EB // _K, _K, _OUT)
    o_ref[...] = jnp.max(h, axis=1)


_mlp_call = pl.pallas_call(
    _mlp_body,
    grid=(_B * _m * _K // _EB,),
    in_specs=[
        pl.BlockSpec((_EB, _F), lambda i: (i, 0)),
        pl.BlockSpec((_F, _H), lambda i: (0, 0)),
        pl.BlockSpec((1, _H), lambda i: (0, 0)),
        pl.BlockSpec((_H, _H), lambda i: (0, 0)),
        pl.BlockSpec((1, _H), lambda i: (0, 0)),
        pl.BlockSpec((_H, _OUT), lambda i: (0, 0)),
        pl.BlockSpec((1, _OUT), lambda i: (0, 0)),
    ],
    out_specs=pl.BlockSpec((_EB // _K, _OUT), lambda i: (i, 0)),
    out_shape=jax.ShapeDtypeStruct((_B * _m, _OUT), jnp.float32),
)



def kernel(x, pos, batch, W1, b1, W2, b2, W3, b3):
    posb = pos.reshape(_B, _n, 3)
    xb = x.reshape(_B, _n, 3)
    posx = posb[:, :, 0]
    posy = posb[:, :, 1]
    posz = posb[:, :, 2]
    xx = xb[:, :, 0]
    xy = xb[:, :, 1]
    xz = xb[:, :, 2]

    sel_idx = _fps_call(posx, posy, posz)

    feat, spx, spy, spz = _make_sc_call()(posx, posy, posz, xx, xy, xz, sel_idx)
    featr = feat.reshape(_B * _m * _K, _F)

    W1p = jnp.concatenate([W1, jnp.zeros((_F - W1.shape[0], _H), jnp.float32)], axis=0)
    out = _mlp_call(featr, W1p, b1.reshape(1, _H), W2, b2.reshape(1, _H),
                    W3, b3.reshape(1, _OUT))

    sel_pos = jnp.stack([spx, spy, spz], axis=-1)
    sel_batch = jnp.repeat(jnp.arange(_B, dtype=batch.dtype), _m)
    return out, sel_pos, sel_batch

# --- scband reference (transcript-rebuilt; emitter-appended) ---
"""Pipeline reference for scband-samodule-66168266162351 (READ-ONLY COPY).

The authoritative reference and input builder live on the scoring server;
editing this copy changes nothing except your own understanding.
"""

import jax, jax.numpy as jnp
import numpy as np

B = 16
n = 2048
m = 512
K = 64
R = 0.15
IN_CH = 6
H = 64
OUT = 64


def setup_inputs(seed: int = 0):
    key = jax.random.key(seed)
    ks = jax.random.split(key, 8)
    N = B * n
    x = jax.random.normal(ks[0], (N, 3), dtype=jnp.float32)
    pos = jax.random.uniform(ks[1], (N, 3), dtype=jnp.float32)
    batch = jnp.repeat(jnp.arange(B, dtype=jnp.int32), n)
    W1 = jax.random.normal(ks[2], (IN_CH, H), dtype=jnp.float32) / np.sqrt(IN_CH)
    b1 = jnp.zeros((H,), jnp.float32)
    W2 = jax.random.normal(ks[3], (H, H), dtype=jnp.float32) / np.sqrt(H)
    b2 = jnp.zeros((H,), jnp.float32)
    W3 = jax.random.normal(ks[4], (H, OUT), dtype=jnp.float32) / np.sqrt(H)
    b3 = jnp.zeros((OUT,), jnp.float32)
    return {"x": x, "pos": pos, "batch": batch, "W1": W1, "b1": b1, "W2": W2, "b2": b2, "W3": W3, "b3": b3}


def _fps(pts):
    # farthest point sampling on one cloud pts:[n,3] -> [m] indices (deterministic start at 0)
    d0 = jnp.sum((pts - pts[0]) ** 2, axis=-1)
    idxs0 = jnp.zeros((m,), dtype=jnp.int32)
    def body(i, state):
        dists, idxs = state
        nxt = jnp.argmax(dists).astype(jnp.int32)
        idxs = idxs.at[i].set(nxt)
        d = jnp.sum((pts - pts[nxt]) ** 2, axis=-1)
        return (jnp.minimum(dists, d), idxs)
    dists, idxs = jax.lax.fori_loop(1, m, body, (d0, idxs0))
    return idxs


def _forward(x, pos, W1, b1, W2, b2, W3, b3):
    posb = pos.reshape(B, n, 3)
    xb = x.reshape(B, n, 3)
    # 1) FPS per cloud
    sel_idx = jax.vmap(_fps)(jax.lax.stop_gradient(posb))  # [B, m]
    sel_pos = jnp.take_along_axis(posb, sel_idx[..., None], axis=1)  # [B, m, 3]
    # 2) radius neighbors (nearest up to K within radius R), batch-respecting
    d2 = jnp.sum((sel_pos[:, :, None, :] - posb[:, None, :, :]) ** 2, axis=-1)  # [B, m, n]
    neg_d2, nbr = jax.lax.top_k(-jax.lax.stop_gradient(d2), K)  # [B, m, K]
    valid = (-neg_d2) <= R * R  # centroid itself always valid (dist 0)
    # 3) PointNetConv: msg = MLP(concat(x_j, pos_j - pos_i)); aggr = max
    gather = jax.vmap(lambda a, i: a[i])
    xj = gather(xb, nbr)  # [B, m, K, 3]
    pj = gather(posb, nbr)  # [B, m, K, 3]
    feat = jnp.concatenate([xj, pj - sel_pos[:, :, None, :]], axis=-1)  # [B, m, K, 6]
    h = jax.nn.relu(feat @ W1 + b1)
    h = jax.nn.relu(h @ W2 + b2)
    h = jax.nn.relu(h @ W3 + b3)  # [B, m, K, OUT]
    h = jnp.where(valid[..., None], h, -jnp.inf)
    out = jnp.max(h, axis=2)  # [B, m, OUT]
    return out.reshape(B * m, OUT), sel_pos.reshape(B * m, 3)


def reference(x, pos, batch, W1, b1, W2, b2, W3, b3):
    out, sel_pos = _forward(x, pos, W1, b1, W2, b2, W3, b3)
    sel_batch = jnp.repeat(jnp.arange(B, dtype=batch.dtype), m)
    return out, sel_pos, sel_batch

if __name__ == "__main__":
    import jax
    _d = setup_inputs()
    print(jax.jit(kernel)(*tuple(_d.values())))

</pallas_src>

<mosaic_0001>
#map = affine_map<(d0, d1) -> (0, 0)>
#map1 = affine_map<(d0, d1) -> (0)>
module attributes {stable_mosaic.version = 14 : i64} {
  func.func @_sc_body(%arg0: i32, %arg1: i32, %arg2: memref<16x2048xf32, #tpu.memory_space<hbm>>, %arg3: memref<16x2048xf32, #tpu.memory_space<hbm>>, %arg4: memref<16x2048xf32, #tpu.memory_space<hbm>>, %arg5: memref<16x2048xf32, #tpu.memory_space<hbm>>, %arg6: memref<16x2048xf32, #tpu.memory_space<hbm>>, %arg7: memref<16x2048xf32, #tpu.memory_space<hbm>>, %arg8: memref<16x512xi32, #tpu.memory_space<hbm>>, %arg9: memref<8192x512xf32, #tpu.memory_space<hbm>>, %arg10: memref<8192xf32, #tpu.memory_space<hbm>>, %arg11: memref<8192xf32, #tpu.memory_space<hbm>>, %arg12: memref<8192xf32, #tpu.memory_space<hbm>>, %arg13: memref<2048xf32, #tpu.memory_space<vmem>>, %arg14: memref<2048xf32, #tpu.memory_space<vmem>>, %arg15: memref<2048xf32, #tpu.memory_space<vmem>>, %arg16: memref<2048xf32, #tpu.memory_space<vmem>>, %arg17: memref<2048xf32, #tpu.memory_space<vmem>>, %arg18: memref<2048xf32, #tpu.memory_space<vmem>>, %arg19: memref<256xi32, #tpu.memory_space<vmem>>, %arg20: memref<768xf32, #tpu.memory_space<vmem>>, %arg21: memref<2080xi32, #tpu.memory_space<vmem>>, %arg22: memref<80xi32, #tpu.memory_space<vmem>>, %arg23: memref<512xf32, #tpu.memory_space<vmem>>, %arg24: memref<512xf32, #tpu.memory_space<vmem>>, %arg25: memref<!tpu.dma_semaphore, #tpu.memory_space<semaphore_mem>>, %arg26: memref<!tpu.dma_semaphore, #tpu.memory_space<semaphore_mem>>) attributes {dimension_semantics = [#tpu.dimension_semantics<core_parallel>, #tpu.dimension_semantics<subcore_parallel>], iteration_bounds = array<i64: 2, 16>, scalar_prefetch = 0 : i64, scratch_operands = 14 : i64, tpu.core_type = #tpu.core_type<sc_vector_subcore>, window_params = [{transform_indices = #map}, {transform_indices = #map}, {transform_indices = #map}, {transform_indices = #map}, {transform_indices = #map}, {transform_indices = #map}, {transform_indices = #map}, {transform_indices = #map}, {transform_indices = #map1}, {transform_indices = #map1}, {transform_indices = #map1}]} {
    %mul3A = arith.constant 2 : i32
    %mul3A_0 = arith.muli %arg1, %mul3A : i32
    %add3A = arith.addi %mul3A_0, %arg0 : i32
    %jit3A = arith.constant 2 : i32
    %div3A = arith.divsi %add3A, %jit3A : i32
    %sign3A = arith.constant 0 : i32
    %sign3A_1 = arith.cmpi sgt, %add3A, %sign3A : i32
    %sign3A_2 = arith.extui %sign3A_1 : i1 to i32
    %sign3A_3 = arith.constant 0 : i32
    %sign3A_4 = arith.cmpi slt, %add3A, %sign3A_3 : i32
    %sign3A_5 = arith.extui %sign3A_4 : i1 to i32
    %sign3A_6 = arith.subi %sign3A_2, %sign3A_5 : i32
    %sign3A_7 = arith.constant 0 : i32
    %sign3A_8 = arith.cmpi sgt, %jit3A, %sign3A_7 : i32
    %sign3A_9 = arith.extui %sign3A_8 : i1 to i32
    %sign3A_10 = arith.constant 0 : i32
    %sign3A_11 = arith.cmpi slt, %jit3A, %sign3A_10 : i32
    %sign3A_12 = arith.extui %sign3A_11 : i1 to i32
    %sign3A_13 = arith.subi %sign3A_9, %sign3A_12 : i32
    %ne3A = arith.cmpi ne, %sign3A_6, %sign3A_13 : i32
    %rem3A = arith.remsi %add3A, %jit3A : i32
    %ne3A_14 = arith.constant 0 : i32
    %ne3A_15 = arith.cmpi ne, %rem3A, %ne3A_14 : i32
    %and3A = arith.andi %ne3A, %ne3A_15 : i1
    %sub3A = arith.constant 1 : i32
    %sub3A_16 = arith.subi %div3A, %sub3A : i32
    %select_n3A = arith.select %and3A, %sub3A_16, %div3A : i32
    %jit3A_17 = arith.constant 2 : i32
    %eq3A = arith.constant 0 : i32
    %eq3A_18 = arith.cmpi eq, %jit3A_17, %eq3A : i32
    %jit3A_19 = arith.constant 1 : i32
    %select_n3A_20 = arith.select %eq3A_18, %jit3A_19, %jit3A_17 : i32
    %rem3A_21 = arith.remsi %add3A, %select_n3A_20 : i32
    %ne3A_22 = arith.constant 0 : i32
    %ne3A_23 = arith.cmpi ne, %rem3A_21, %ne3A_22 : i32
    %lt3A = arith.constant 0 : i32
    %lt3A_24 = arith.cmpi slt, %rem3A_21, %lt3A : i32
    %lt3A_25 = arith.constant 0 : i32
    %lt3A_26 = arith.cmpi slt, %select_n3A_20, %lt3A_25 : i32
    %ne3A_27 = arith.xori %lt3A_24, %lt3A_26 : i1
    %and3A_28 = arith.andi %ne3A_27, %ne3A_23 : i1
    %add3A_29 = arith.addi %rem3A_21, %select_n3A_20 : i32
    %select_n3A_30 = arith.select %and3A_28, %add3A_29, %rem3A_21 : i32
    %mul3A_31 = arith.constant 512 : i32
    %mul3A_32 = arith.muli %select_n3A, %mul3A_31 : i32
    %mul3A_33 = arith.constant 256 : i32
    %mul3A_34 = arith.muli %select_n3A_30, %mul3A_33 : i32
    %add3A_35 = arith.addi %mul3A_32, %mul3A_34 : i32
    "tpu.region"() ({
      %run_scoped3A = tpu.sem_alloc : memref<!tpu.dma_semaphore, #tpu.memory_space<semaphore_mem>>
      %dma_start3A = arith.constant 0 : i32
      %dma_start3A_483 = tpu.memref_slice %arg2[%select_n3A, %dma_start3A] : memref<16x2048xf32, #tpu.memory_space<hbm>> -> memref<1x2048xf32, #tpu.memory_space<hbm>>
      %dma_start3A_484 = tpu.memref_squeeze %dma_start3A_483 : memref<1x2048xf32, #tpu.memory_space<hbm>> -> memref<2048xf32, #tpu.memory_space<hbm>>
      %dma_start3A_485 = arith.constant 0 : i32
      %dma_start3A_486 = tpu.memref_slice %arg2[%select_n3A, %dma_start3A_485] : memref<16x2048xf32, #tpu.memory_space<hbm>> -> memref<1x2048xf32, #tpu.memory_space<hbm>>
      %dma_start3A_487 = tpu.memref_squeeze %dma_start3A_486 : memref<1x2048xf32, #tpu.memory_space<hbm>> -> memref<2048xf32, #tpu.memory_space<hbm>>
      tpu.enqueue_dma source(%dma_start3A_487 : memref<2048xf32, #tpu.memory_space<hbm>>) target(%arg13 : memref<2048xf32, #tpu.memory_space<vmem>>) target_semaphore(%run_scoped3A : memref<!tpu.dma_semaphore, #tpu.memory_space<semaphore_mem>>)
      %dma_wait3A_488 = arith.constant 0 : i32
      %dma_wait3A_489 = tpu.memref_slice %arg2[%select_n3A, %dma_wait3A_488] : memref<16x2048xf32, #tpu.memory_space<hbm>> -> memref<1x2048xf32, #tpu.memory_space<hbm>>
      %dma_wait3A_490 = tpu.memref_squeeze %dma_wait3A_489 : memref<1x2048xf32, #tpu.memory_space<hbm>> -> memref<2048xf32, #tpu.memory_space<hbm>>
      %dma_wait3A_491 = arith.constant 0 : i32
      %dma_wait3A_492 = tpu.memref_slice %arg2[%select_n3A, %dma_wait3A_491] : memref<16x2048xf32, #tpu.memory_space<hbm>> -> memref<1x2048xf32, #tpu.memory_space<hbm>>
      %dma_wait3A_493 = tpu.memref_squeeze %dma_wait3A_492 : memref<1x2048xf32, #tpu.memory_space<hbm>> -> memref<2048xf32, #tpu.memory_space<hbm>>
      tpu.wait_dma2 semaphore(%run_scoped3A : memref<!tpu.dma_semaphore, #tpu.memory_space<semaphore_mem>>) src(%dma_wait3A_493 : memref<2048xf32, #tpu.memory_space<hbm>>) dst(%arg13 : memref<2048xf32, #tpu.memory_space<vmem>>)
      tpu.yield
    }) : () -> ()
    "tpu.region"() ({
      %run_scoped3A = tpu.sem_alloc : memref<!tpu.dma_semaphore, #tpu.memory_space<semaphore_mem>>
      %dma_start3A = arith.constant 0 : i32
      %dma_start3A_483 = tpu.memref_slice %arg3[%select_n3A, %dma_start3A] : memref<16x2048xf32, #tpu.memory_space<hbm>> -> memref<1x2048xf32, #tpu.memory_space<hbm>>
      %dma_start3A_484 = tpu.memref_squeeze %dma_start3A_483 : memref<1x2048xf32, #tpu.memory_space<hbm>> -> memref<2048xf32, #tpu.memory_space<hbm>>
      %dma_start3A_485 = arith.constant 0 : i32
      %dma_start3A_486 = tpu.memref_slice %arg3[%select_n3A, %dma_start3A_485] : memref<16x2048xf32, #tpu.memory_space<hbm>> -> memref<1x2048xf32, #tpu.memory_space<hbm>>
      %dma_start3A_487 = tpu.memref_squeeze %dma_start3A_486 : memref<1x2048xf32, #tpu.memory_space<hbm>> -> memref<2048xf32, #tpu.memory_space<hbm>>
      tpu.enqueue_dma source(%dma_start3A_487 : memref<2048xf32, #tpu.memory_space<hbm>>) target(%arg14 : memref<2048xf32, #tpu.memory_space<vmem>>) target_semaphore(%run_scoped3A : memref<!tpu.dma_semaphore, #tpu.memory_space<semaphore_mem>>)
      %dma_wait3A_488 = arith.constant 0 : i32
      %dma_wait3A_489 = tpu.memref_slice %arg3[%select_n3A, %dma_wait3A_488] : memref<16x2048xf32, #tpu.memory_space<hbm>> -> memref<1x2048xf32, #tpu.memory_space<hbm>>
      %dma_wait3A_490 = tpu.memref_squeeze %dma_wait3A_489 : memref<1x2048xf32, #tpu.memory_space<hbm>> -> memref<2048xf32, #tpu.memory_space<hbm>>
      %dma_wait3A_491 = arith.constant 0 : i32
      %dma_wait3A_492 = tpu.memref_slice %arg3[%select_n3A, %dma_wait3A_491] : memref<16x2048xf32, #tpu.memory_space<hbm>> -> memref<1x2048xf32, #tpu.memory_space<hbm>>
      %dma_wait3A_493 = tpu.memref_squeeze %dma_wait3A_492 : memref<1x2048xf32, #tpu.memory_space<hbm>> -> memref<2048xf32, #tpu.memory_space<hbm>>
      tpu.wait_dma2 semaphore(%run_scoped3A : memref<!tpu.dma_semaphore, #tpu.memory_space<semaphore_mem>>) src(%dma_wait3A_493 : memref<2048xf32, #tpu.memory_space<hbm>>) dst(%arg14 : memref<2048xf32, #tpu.memory_space<vmem>>)
      tpu.yield
    }) : () -> ()
    "tpu.region"() ({
      %run_scoped3A = tpu.sem_alloc : memref<!tpu.dma_semaphore, #tpu.memory_space<semaphore_mem>>
      %dma_start3A = arith.constant 0 : i32
      %dma_start3A_483 = tpu.memref_slice %arg4[%select_n3A, %dma_start3A] : memref<16x2048xf32, #tpu.memory_space<hbm>> -> memref<1x2048xf32, #tpu.memory_space<hbm>>
      %dma_start3A_484 = tpu.memref_squeeze %dma_start3A_483 : memref<1x2048xf32, #tpu.memory_space<hbm>> -> memref<2048xf32, #tpu.memory_space<hbm>>
      %dma_start3A_485 = arith.constant 0 : i32
      %dma_start3A_486 = tpu.memref_slice %arg4[%select_n3A, %dma_start3A_485] : memref<16x2048xf32, #tpu.memory_space<hbm>> -> memref<1x2048xf32, #tpu.memory_space<hbm>>
      %dma_start3A_487 = tpu.memref_squeeze %dma_start3A_486 : memref<1x2048xf32, #tpu.memory_space<hbm>> -> memref<2048xf32, #tpu.memory_space<hbm>>
      tpu.enqueue_dma source(%dma_start3A_487 : memref<2048xf32, #tpu.memory_space<hbm>>) target(%arg15 : memref<2048xf32, #tpu.memory_space<vmem>>) target_semaphore(%run_scoped3A : memref<!tpu.dma_semaphore, #tpu.memory_space<semaphore_mem>>)
      %dma_wait3A_488 = arith.constant 0 : i32
      %dma_wait3A_489 = tpu.memref_slice %arg4[%select_n3A, %dma_wait3A_488] : memref<16x2048xf32, #tpu.memory_space<hbm>> -> memref<1x2048xf32, #tpu.memory_space<hbm>>
      %dma_wait3A_490 = tpu.memref_squeeze %dma_wait3A_489 : memref<1x2048xf32, #tpu.memory_space<hbm>> -> memref<2048xf32, #tpu.memory_space<hbm>>
      %dma_wait3A_491 = arith.constant 0 : i32
      %dma_wait3A_492 = tpu.memref_slice %arg4[%select_n3A, %dma_wait3A_491] : memref<16x2048xf32, #tpu.memory_space<hbm>> -> memref<1x2048xf32, #tpu.memory_space<hbm>>
      %dma_wait3A_493 = tpu.memref_squeeze %dma_wait3A_492 : memref<1x2048xf32, #tpu.memory_space<hbm>> -> memref<2048xf32, #tpu.memory_space<hbm>>
      tpu.wait_dma2 semaphore(%run_scoped3A : memref<!tpu.dma_semaphore, #tpu.memory_space<semaphore_mem>>) src(%dma_wait3A_493 : memref<2048xf32, #tpu.memory_space<hbm>>) dst(%arg15 : memref<2048xf32, #tpu.memory_space<vmem>>)
      tpu.yield
    }) : () -> ()
    "tpu.region"() ({
      %run_scoped3A = tpu.sem_alloc : memref<!tpu.dma_semaphore, #tpu.memory_space<semaphore_mem>>
      %dma_start3A = arith.constant 0 : i32
      %dma_start3A_483 = tpu.memref_slice %arg5[%select_n3A, %dma_start3A] : memref<16x2048xf32, #tpu.memory_space<hbm>> -> memref<1x2048xf32, #tpu.memory_space<hbm>>
      %dma_start3A_484 = tpu.memref_squeeze %dma_start3A_483 : memref<1x2048xf32, #tpu.memory_space<hbm>> -> memref<2048xf32, #tpu.memory_space<hbm>>
      %dma_start3A_485 = arith.constant 0 : i32
      %dma_start3A_486 = tpu.memref_slice %arg5[%select_n3A, %dma_start3A_485] : memref<16x2048xf32, #tpu.memory_space<hbm>> -> memref<1x2048xf32, #tpu.memory_space<hbm>>
      %dma_start3A_487 = tpu.memref_squeeze %dma_start3A_486 : memref<1x2048xf32, #tpu.memory_space<hbm>> -> memref<2048xf32, #tpu.memory_space<hbm>>
      tpu.enqueue_dma source(%dma_start3A_487 : memref<2048xf32, #tpu.memory_space<hbm>>) target(%arg16 : memref<2048xf32, #tpu.memory_space<vmem>>) target_semaphore(%run_scoped3A : memref<!tpu.dma_semaphore, #tpu.memory_space<semaphore_mem>>)
      %dma_wait3A_488 = arith.constant 0 : i32
      %dma_wait3A_489 = tpu.memref_slice %arg5[%select_n3A, %dma_wait3A_488] : memref<16x2048xf32, #tpu.memory_space<hbm>> -> memref<1x2048xf32, #tpu.memory_space<hbm>>
      %dma_wait3A_490 = tpu.memref_squeeze %dma_wait3A_489 : memref<1x2048xf32, #tpu.memory_space<hbm>> -> memref<2048xf32, #tpu.memory_space<hbm>>
      %dma_wait3A_491 = arith.constant 0 : i32
      %dma_wait3A_492 = tpu.memref_slice %arg5[%select_n3A, %dma_wait3A_491] : memref<16x2048xf32, #tpu.memory_space<hbm>> -> memref<1x2048xf32, #tpu.memory_space<hbm>>
      %dma_wait3A_493 = tpu.memref_squeeze %dma_wait3A_492 : memref<1x2048xf32, #tpu.memory_space<hbm>> -> memref<2048xf32, #tpu.memory_space<hbm>>
      tpu.wait_dma2 semaphore(%run_scoped3A : memref<!tpu.dma_semaphore, #tpu.memory_space<semaphore_mem>>) src(%dma_wait3A_493 : memref<2048xf32, #tpu.memory_space<hbm>>) dst(%arg16 : memref<2048xf32, #tpu.memory_space<vmem>>)
      tpu.yield
    }) : () -> ()
    "tpu.region"() ({
      %run_scoped3A = tpu.sem_alloc : memref<!tpu.dma_semaphore, #tpu.memory_space<semaphore_mem>>
      %dma_start3A = arith.constant 0 : i32
      %dma_start3A_483 = tpu.memref_slice %arg6[%select_n3A, %dma_start3A] : memref<16x2048xf32, #tpu.memory_space<hbm>> -> memref<1x2048xf32, #tpu.memory_space<hbm>>
      %dma_start3A_484 = tpu.memref_squeeze %dma_start3A_483 : memref<1x2048xf32, #tpu.memory_space<hbm>> -> memref<2048xf32, #tpu.memory_space<hbm>>
      %dma_start3A_485 = arith.constant 0 : i32
      %dma_start3A_486 = tpu.memref_slice %arg6[%select_n3A, %dma_start3A_485] : memref<16x2048xf32, #tpu.memory_space<hbm>> -> memref<1x2048xf32, #tpu.memory_space<hbm>>
      %dma_start3A_487 = tpu.memref_squeeze %dma_start3A_486 : memref<1x2048xf32, #tpu.memory_space<hbm>> -> memref<2048xf32, #tpu.memory_space<hbm>>
      tpu.enqueue_dma source(%dma_start3A_487 : memref<2048xf32, #tpu.memory_space<hbm>>) target(%arg17 : memref<2048xf32, #tpu.memory_space<vmem>>) target_semaphore(%run_scoped3A : memref<!tpu.dma_semaphore, #tpu.memory_space<semaphore_mem>>)
      %dma_wait3A_488 = arith.constant 0 : i32
      %dma_wait3A_489 = tpu.memref_slice %arg6[%select_n3A, %dma_wait3A_488] : memref<16x2048xf32, #tpu.memory_space<hbm>> -> memref<1x2048xf32, #tpu.memory_space<hbm>>
      %dma_wait3A_490 = tpu.memref_squeeze %dma_wait3A_489 : memref<1x2048xf32, #tpu.memory_space<hbm>> -> memref<2048xf32, #tpu.memory_space<hbm>>
      %dma_wait3A_491 = arith.constant 0 : i32
      %dma_wait3A_492 = tpu.memref_slice %arg6[%select_n3A, %dma_wait3A_491] : memref<16x2048xf32, #tpu.memory_space<hbm>> -> memref<1x2048xf32, #tpu.memory_space<hbm>>
      %dma_wait3A_493 = tpu.memref_squeeze %dma_wait3A_492 : memref<1x2048xf32, #tpu.memory_space<hbm>> -> memref<2048xf32, #tpu.memory_space<hbm>>
      tpu.wait_dma2 semaphore(%run_scoped3A : memref<!tpu.dma_semaphore, #tpu.memory_space<semaphore_mem>>) src(%dma_wait3A_493 : memref<2048xf32, #tpu.memory_space<hbm>>) dst(%arg17 : memref<2048xf32, #tpu.memory_space<vmem>>)
      tpu.yield
    }) : () -> ()
    "tpu.region"() ({
      %run_scoped3A = tpu.sem_alloc : memref<!tpu.dma_semaphore, #tpu.memory_space<semaphore_mem>>
      %dma_start3A = arith.constant 0 : i32
      %dma_start3A_483 = tpu.memref_slice %arg7[%select_n3A, %dma_start3A] : memref<16x2048xf32, #tpu.memory_space<hbm>> -> memref<1x2048xf32, #tpu.memory_space<hbm>>
      %dma_start3A_484 = tpu.memref_squeeze %dma_start3A_483 : memref<1x2048xf32, #tpu.memory_space<hbm>> -> memref<2048xf32, #tpu.memory_space<hbm>>
      %dma_start3A_485 = arith.constant 0 : i32
      %dma_start3A_486 = tpu.memref_slice %arg7[%select_n3A, %dma_start3A_485] : memref<16x2048xf32, #tpu.memory_space<hbm>> -> memref<1x2048xf32, #tpu.memory_space<hbm>>
      %dma_start3A_487 = tpu.memref_squeeze %dma_start3A_486 : memref<1x2048xf32, #tpu.memory_space<hbm>> -> memref<2048xf32, #tpu.memory_space<hbm>>
      tpu.enqueue_dma source(%dma_start3A_487 : memref<2048xf32, #tpu.memory_space<hbm>>) target(%arg18 : memref<2048xf32, #tpu.memory_space<vmem>>) target_semaphore(%run_scoped3A : memref<!tpu.dma_semaphore, #tpu.memory_space<semaphore_mem>>)
      %dma_wait3A_488 = arith.constant 0 : i32
      %dma_wait3A_489 = tpu.memref_slice %arg7[%select_n3A, %dma_wait3A_488] : memref<16x2048xf32, #tpu.memory_space<hbm>> -> memref<1x2048xf32, #tpu.memory_space<hbm>>
      %dma_wait3A_490 = tpu.memref_squeeze %dma_wait3A_489 : memref<1x2048xf32, #tpu.memory_space<hbm>> -> memref<2048xf32, #tpu.memory_space<hbm>>
      %dma_wait3A_491 = arith.constant 0 : i32
      %dma_wait3A_492 = tpu.memref_slice %arg7[%select_n3A, %dma_wait3A_491] : memref<16x2048xf32, #tpu.memory_space<hbm>> -> memref<1x2048xf32, #tpu.memory_space<hbm>>
      %dma_wait3A_493 = tpu.memref_squeeze %dma_wait3A_492 : memref<1x2048xf32, #tpu.memory_space<hbm>> -> memref<2048xf32, #tpu.memory_space<hbm>>
      tpu.wait_dma2 semaphore(%run_scoped3A : memref<!tpu.dma_semaphore, #tpu.memory_space<semaphore_mem>>) src(%dma_wait3A_493 : memref<2048xf32, #tpu.memory_space<hbm>>) dst(%arg18 : memref<2048xf32, #tpu.memory_space<vmem>>)
      tpu.yield
    }) : () -> ()
    %mul3A_36 = arith.constant 256 : i32
    %mul3A_37 = arith.muli %select_n3A_30, %mul3A_36 : i32
    "tpu.region"() ({
      %run_scoped3A = tpu.sem_alloc : memref<!tpu.dma_semaphore, #tpu.memory_space<semaphore_mem>>
      %dma_start3A = tpu.memref_slice %arg8[%select_n3A, %mul3A_37] : memref<16x512xi32, #tpu.memory_space<hbm>> -> memref<1x256xi32, #tpu.memory_space<hbm>>
      %dma_start3A_483 = tpu.memref_squeeze %dma_start3A : memref<1x256xi32, #tpu.memory_space<hbm>> -> memref<256xi32, #tpu.memory_space<hbm>>
      %dma_start3A_484 = tpu.memref_slice %arg8[%select_n3A, %mul3A_37] : memref<16x512xi32, #tpu.memory_space<hbm>> -> memref<1x256xi32, #tpu.memory_space<hbm>>
      %dma_start3A_485 = tpu.memref_squeeze %dma_start3A_484 : memref<1x256xi32, #tpu.memory_space<hbm>> -> memref<256xi32, #tpu.memory_space<hbm>>
      tpu.enqueue_dma source(%dma_start3A_485 : memref<256xi32, #tpu.memory_space<hbm>>) target(%arg19 : memref<256xi32, #tpu.memory_space<vmem>>) target_semaphore(%run_scoped3A : memref<!tpu.dma_semaphore, #tpu.memory_space<semaphore_mem>>)
      %dma_wait3A_486 = tpu.memref_slice %arg8[%select_n3A, %mul3A_37] : memref<16x512xi32, #tpu.memory_space<hbm>> -> memref<1x256xi32, #tpu.memory_space<hbm>>
      %dma_wait3A_487 = tpu.memref_squeeze %dma_wait3A_486 : memref<1x256xi32, #tpu.memory_space<hbm>> -> memref<256xi32, #tpu.memory_space<hbm>>
      %dma_wait3A_488 = tpu.memref_slice %arg8[%select_n3A, %mul3A_37] : memref<16x512xi32, #tpu.memory_space<hbm>> -> memref<1x256xi32, #tpu.memory_space<hbm>>
      %dma_wait3A_489 = tpu.memref_squeeze %dma_wait3A_488 : memref<1x256xi32, #tpu.memory_space<hbm>> -> memref<256xi32, #tpu.memory_space<hbm>>
      tpu.wait_dma2 semaphore(%run_scoped3A : memref<!tpu.dma_semaphore, #tpu.memory_space<semaphore_mem>>) src(%dma_wait3A_489 : memref<256xi32, #tpu.memory_space<hbm>>) dst(%arg19 : memref<256xi32, #tpu.memory_space<vmem>>)
      tpu.yield
    }) : () -> ()
    %broadcast_in_dim3A = arith.constant 0.000000e+00 : f32
    %broadcast_in_dim3A_38 = vector.broadcast %broadcast_in_dim3A : f32 to vector<16xf32>
    %swap3A = arith.constant 0 : index
    %swap3A_39 = tpu.vector_load %arg23[%swap3A] {strides = array<i32>} : memref<512xf32, #tpu.memory_space<vmem>>, vector<16xf32>,
    tpu.vector_store %arg23[%swap3A], %broadcast_in_dim3A_38 {strides = array<i32>} : memref<512xf32, #tpu.memory_space<vmem>>, vector<16xf32>,
    %broadcast_in_dim3A_40 = arith.constant 0.000000e+00 : f32
    %broadcast_in_dim3A_41 = vector.broadcast %broadcast_in_dim3A_40 : f32 to vector<16xf32>
    %swap3A_42 = arith.constant 16 : index
    %swap3A_43 = tpu.vector_load %arg23[%swap3A_42] {strides = array<i32>} : memref<512xf32, #tpu.memory_space<vmem>>, vector<16xf32>,
    tpu.vector_store %arg23[%swap3A_42], %broadcast_in_dim3A_41 {strides = array<i32>} : memref<512xf32, #tpu.memory_space<vmem>>, vector<16xf32>,
    %broadcast_in_dim3A_44 = arith.constant 0.000000e+00 : f32
    %broadcast_in_dim3A_45 = vector.broadcast %broadcast_in_dim3A_44 : f32 to vector<16xf32>
    %swap3A_46 = arith.constant 32 : index
    %swap3A_47 = tpu.vector_load %arg23[%swap3A_46] {strides = array<i32>} : memref<512xf32, #tpu.memory_space<vmem>>, vector<16xf32>,
    tpu.vector_store %arg23[%swap3A_46], %broadcast_in_dim3A_45 {strides = array<i32>} : memref<512xf32, #tpu.memory_space<vmem>>, vector<16xf32>,
    %broadcast_in_dim3A_48 = arith.constant 0.000000e+00 : f32
    %broadcast_in_dim3A_49 = vector.broadcast %broadcast_in_dim3A_48 : f32 to vector<16xf32>
    %swap3A_50 = arith.constant 48 : index
    %swap3A_51 = tpu.vector_load %arg23[%swap3A_50] {strides = array<i32>} : memref<512xf32, #tpu.memory_space<vmem>>, vector<16xf32>,
    tpu.vector_store %arg23[%swap3A_50], %broadcast_in_dim3A_49 {strides = array<i32>} : memref<512xf32, #tpu.memory_space<vmem>>, vector<16xf32>,
    %broadcast_in_dim3A_52 = arith.constant 0.000000e+00 : f32
    %broadcast_in_dim3A_53 = vector.broadcast %broadcast_in_dim3A_52 : f32 to vector<16xf32>
    %swap3A_54 = arith.constant 64 : index
    %swap3A_55 = tpu.vector_load %arg23[%swap3A_54] {strides = array<i32>} : memref<512xf32, #tpu.memory_space<vmem>>, vector<16xf32>,
    tpu.vector_store %arg23[%swap3A_54], %broadcast_in_dim3A_53 {strides = array<i32>} : memref<512xf32, #tpu.memory_space<vmem>>, vector<16xf32>,
    %broadcast_in_dim3A_56 = arith.constant 0.000000e+00 : f32
    %broadcast_in_dim3A_57 = vector.broadcast %broadcast_in_dim3A_56 : f32 to vector<16xf32>
    %swap3A_58 = arith.constant 80 : index
    %swap3A_59 = tpu.vector_load %arg23[%swap3A_58] {strides = array<i32>} : memref<512xf32, #tpu.memory_space<vmem>>, vector<16xf32>,
    tpu.vector_store %arg23[%swap3A_58], %broadcast_in_dim3A_57 {strides = array<i32>} : memref<512xf32, #tpu.memory_space<vmem>>, vector<16xf32>,
    %broadcast_in_dim3A_60 = arith.constant 0.000000e+00 : f32
    %broadcast_in_dim3A_61 = vector.broadcast %broadcast_in_dim3A_60 : f32 to vector<16xf32>
    %swap3A_62 = arith.constant 96 : index
    %swap3A_63 = tpu.vector_load %arg23[%swap3A_62] {strides = array<i32>} : memref<512xf32, #tpu.memory_space<vmem>>, vector<16xf32>,
    tpu.vector_store %arg23[%swap3A_62], %broadcast_in_dim3A_61 {strides = array<i32>} : memref<512xf32, #tpu.memory_space<vmem>>, vector<16xf32>,
    %broadcast_in_dim3A_64 = arith.constant 0.000000e+00 : f32
    %broadcast_in_dim3A_65 = vector.broadcast %broadcast_in_dim3A_64 : f32 to vector<16xf32>
    %swap3A_66 = arith.constant 112 : index
    %swap3A_67 = tpu.vector_load %arg23[%swap3A_66] {strides = array<i32>} : memref<512xf32, #tpu.memory_space<vmem>>, vector<16xf32>,
    tpu.vector_store %arg23[%swap3A_66], %broadcast_in_dim3A_65 {strides = array<i32>} : memref<512xf32, #tpu.memory_space<vmem>>, vector<16xf32>,
    %broadcast_in_dim3A_68 = arith.constant 0.000000e+00 : f32
    %broadcast_in_dim3A_69 = vector.broadcast %broadcast_in_dim3A_68 : f32 to vector<16xf32>
    %swap3A_70 = arith.constant 128 : index
    %swap3A_71 = tpu.vector_load %arg23[%swap3A_70] {strides = array<i32>} : memref<512xf32, #tpu.memory_space<vmem>>, vector<16xf32>,
    tpu.vector_store %arg23[%swap3A_70], %broadcast_in_dim3A_69 {strides = array<i32>} : memref<512xf32, #tpu.memory_space<vmem>>, vector<16xf32>,
    %broadcast_in_dim3A_72 = arith.constant 0.000000e+00 : f32
    %broadcast_in_dim3A_73 = vector.broadcast %broadcast_in_dim3A_72 : f32 to vector<16xf32>
    %swap3A_74 = arith.constant 144 : index
    %swap3A_75 = tpu.vector_load %arg23[%swap3A_74] {strides = array<i32>} : memref<512xf32, #tpu.memory_space<vmem>>, vector<16xf32>,
    tpu.vector_store %arg23[%swap3A_74], %broadcast_in_dim3A_73 {strides = array<i32>} : memref<512xf32, #tpu.memory_space<vmem>>, vector<16xf32>,
    %broadcast_in_dim3A_76 = arith.constant 0.000000e+00 : f32
    %broadcast_in_dim3A_77 = vector.broadcast %broadcast_in_dim3A_76 : f32 to vector<16xf32>
    %swap3A_78 = arith.constant 160 : index
    %swap3A_79 = tpu.vector_load %arg23[%swap3A_78] {strides = array<i32>} : memref<512xf32, #tpu.memory_space<vmem>>, vector<16xf32>,
    tpu.vector_store %arg23[%swap3A_78], %broadcast_in_dim3A_77 {strides = array<i32>} : memref<512xf32, #tpu.memory_space<vmem>>, vector<16xf32>,
    %broadcast_in_dim3A_80 = arith.constant 0.000000e+00 : f32
    %broadcast_in_dim3A_81 = vector.broadcast %broadcast_in_dim3A_80 : f32 to vector<16xf32>
    %swap3A_82 = arith.constant 176 : index
    %swap3A_83 = tpu.vector_load %arg23[%swap3A_82] {strides = array<i32>} : memref<512xf32, #tpu.memory_space<vmem>>, vector<16xf32>,
    tpu.vector_store %arg23[%swap3A_82], %broadcast_in_dim3A_81 {strides = array<i32>} : memref<512xf32, #tpu.memory_space<vmem>>, vector<16xf32>,
    %broadcast_in_dim3A_84 = arith.constant 0.000000e+00 : f32
    %broadcast_in_dim3A_85 = vector.broadcast %broadcast_in_dim3A_84 : f32 to vector<16xf32>
    %swap3A_86 = arith.constant 192 : index
    %swap3A_87 = tpu.vector_load %arg23[%swap3A_86] {strides = array<i32>} : memref<512xf32, #tpu.memory_space<vmem>>, vector<16xf32>,
    tpu.vector_store %arg23[%swap3A_86], %broadcast_in_dim3A_85 {strides = array<i32>} : memref<512xf32, #tpu.memory_space<vmem>>, vector<16xf32>,
    %broadcast_in_dim3A_88 = arith.constant 0.000000e+00 : f32
    %broadcast_in_dim3A_89 = vector.broadcast %broadcast_in_dim3A_88 : f32 to vector<16xf32>
    %swap3A_90 = arith.constant 208 : index
    %swap3A_91 = tpu.vector_load %arg23[%swap3A_90] {strides = array<i32>} : memref<512xf32, #tpu.memory_space<vmem>>, vector<16xf32>,
    tpu.vector_store %arg23[%swap3A_90], %broadcast_in_dim3A_89 {strides = array<i32>} : memref<512xf32, #tpu.memory_space<vmem>>, vector<16xf32>,
    %broadcast_in_dim3A_92 = arith.constant 0.000000e+00 : f32
    %broadcast_in_dim3A_93 = vector.broadcast %broadcast_in_dim3A_92 : f32 to vector<16xf32>
    %swap3A_94 = arith.constant 224 : index
    %swap3A_95 = tpu.vector_load %arg23[%swap3A_94] {strides = array<i32>} : memref<512xf32, #tpu.memory_space<vmem>>, vector<16xf32>,
    tpu.vector_store %arg23[%swap3A_94], %broadcast_in_dim3A_93 {strides = array<i32>} : memref<512xf32, #tpu.memory_space<vmem>>, vector<16xf32>,
    %broadcast_in_dim3A_96 = arith.constant 0.000000e+00 : f32
    %broadcast_in_dim3A_97 = vector.broadcast %broadcast_in_dim3A_96 : f32 to vector<16xf32>
    %swap3A_98 = arith.constant 240 : index
    %swap3A_99 = tpu.vector_load %arg23[%swap3A_98] {strides = array<i32>} : memref<512xf32, #tpu.memory_space<vmem>>, vector<16xf32>,
    tpu.vector_store %arg23[%swap3A_98], %broadcast_in_dim3A_97 {strides = array<i32>} : memref<512xf32, #tpu.memory_space<vmem>>, vector<16xf32>,
    %broadcast_in_dim3A_100 = arith.constant 0.000000e+00 : f32
    %broadcast_in_dim3A_101 = vector.broadcast %broadcast_in_dim3A_100 : f32 to vector<16xf32>
    %swap3A_102 = arith.constant 256 : index
    %swap3A_103 = tpu.vector_load %arg23[%swap3A_102] {strides = array<i32>} : memref<512xf32, #tpu.memory_space<vmem>>, vector<16xf32>,
    tpu.vector_store %arg23[%swap3A_102], %broadcast_in_dim3A_101 {strides = array<i32>} : memref<512xf32, #tpu.memory_space<vmem>>, vector<16xf32>,
    %broadcast_in_dim3A_104 = arith.constant 0.000000e+00 : f32
    %broadcast_in_dim3A_105 = vector.broadcast %broadcast_in_dim3A_104 : f32 to vector<16xf32>
    %swap3A_106 = arith.constant 272 : index
    %swap3A_107 = tpu.vector_load %arg23[%swap3A_106] {strides = array<i32>} : memref<512xf32, #tpu.memory_space<vmem>>, vector<16xf32>,
    tpu.vector_store %arg23[%swap3A_106], %broadcast_in_dim3A_105 {strides = array<i32>} : memref<512xf32, #tpu.memory_space<vmem>>, vector<16xf32>,
    %broadcast_in_dim3A_108 = arith.constant 0.000000e+00 : f32
    %broadcast_in_dim3A_109 = vector.broadcast %broadcast_in_dim3A_108 : f32 to vector<16xf32>
    %swap3A_110 = arith.constant 288 : index
    %swap3A_111 = tpu.vector_load %arg23[%swap3A_110] {strides = array<i32>} : memref<512xf32, #tpu.memory_space<vmem>>, vector<16xf32>,
    tpu.vector_store %arg23[%swap3A_110], %broadcast_in_dim3A_109 {strides = array<i32>} : memref<512xf32, #tpu.memory_space<vmem>>, vector<16xf32>,
    %broadcast_in_dim3A_112 = arith.constant 0.000000e+00 : f32
    %broadcast_in_dim3A_113 = vector.broadcast %broadcast_in_dim3A_112 : f32 to vector<16xf32>
    %swap3A_114 = arith.constant 304 : index
    %swap3A_115 = tpu.vector_load %arg23[%swap3A_114] {strides = array<i32>} : memref<512xf32, #tpu.memory_space<vmem>>, vector<16xf32>,
    tpu.vector_store %arg23[%swap3A_114], %broadcast_in_dim3A_113 {strides = array<i32>} : memref<512xf32, #tpu.memory_space<vmem>>, vector<16xf32>,
    %broadcast_in_dim3A_116 = arith.constant 0.000000e+00 : f32
    %broadcast_in_dim3A_117 = vector.broadcast %broadcast_in_dim3A_116 : f32 to vector<16xf32>
    %swap3A_118 = arith.constant 320 : index
    %swap3A_119 = tpu.vector_load %arg23[%swap3A_118] {strides = array<i32>} : memref<512xf32, #tpu.memory_space<vmem>>, vector<16xf32>,
    tpu.vector_store %arg23[%swap3A_118], %broadcast_in_dim3A_117 {strides = array<i32>} : memref<512xf32, #tpu.memory_space<vmem>>, vector<16xf32>,
    %broadcast_in_dim3A_120 = arith.constant 0.000000e+00 : f32
    %broadcast_in_dim3A_121 = vector.broadcast %broadcast_in_dim3A_120 : f32 to vector<16xf32>
    %swap3A_122 = arith.constant 336 : index
    %swap3A_123 = tpu.vector_load %arg23[%swap3A_122] {strides = array<i32>} : memref<512xf32, #tpu.memory_space<vmem>>, vector<16xf32>,
    tpu.vector_store %arg23[%swap3A_122], %broadcast_in_dim3A_121 {strides = array<i32>} : memref<512xf32, #tpu.memory_space<vmem>>, vector<16xf32>,
    %broadcast_in_dim3A_124 = arith.constant 0.000000e+00 : f32
    %broadcast_in_dim3A_125 = vector.broadcast %broadcast_in_dim3A_124 : f32 to vector<16xf32>
    %swap3A_126 = arith.constant 352 : index
    %swap3A_127 = tpu.vector_load %arg23[%swap3A_126] {strides = array<i32>} : memref<512xf32, #tpu.memory_space<vmem>>, vector<16xf32>,
    tpu.vector_store %arg23[%swap3A_126], %broadcast_in_dim3A_125 {strides = array<i32>} : memref<512xf32, #tpu.memory_space<vmem>>, vector<16xf32>,
    %broadcast_in_dim3A_128 = arith.constant 0.000000e+00 : f32
    %broadcast_in_dim3A_129 = vector.broadcast %broadcast_in_dim3A_128 : f32 to vector<16xf32>
    %swap3A_130 = arith.constant 368 : index
    %swap3A_131 = tpu.vector_load %arg23[%swap3A_130] {strides = array<i32>} : memref<512xf32, #tpu.memory_space<vmem>>, vector<16xf32>,
    tpu.vector_store %arg23[%swap3A_130], %broadcast_in_dim3A_129 {strides = array<i32>} : memref<512xf32, #tpu.memory_space<vmem>>, vector<16xf32>,
    %broadcast_in_dim3A_132 = arith.constant 0.000000e+00 : f32
    %broadcast_in_dim3A_133 = vector.broadcast %broadcast_in_dim3A_132 : f32 to vector<16xf32>
    %swap3A_134 = arith.constant 384 : index
    %swap3A_135 = tpu.vector_load %arg23[%swap3A_134] {strides = array<i32>} : memref<512xf32, #tpu.memory_space<vmem>>, vector<16xf32>,
    tpu.vector_store %arg23[%swap3A_134], %broadcast_in_dim3A_133 {strides = array<i32>} : memref<512xf32, #tpu.memory_space<vmem>>, vector<16xf32>,
    %broadcast_in_dim3A_136 = arith.constant 0.000000e+00 : f32
    %broadcast_in_dim3A_137 = vector.broadcast %broadcast_in_dim3A_136 : f32 to vector<16xf32>
    %swap3A_138 = arith.constant 400 : index
    %swap3A_139 = tpu.vector_load %arg23[%swap3A_138] {strides = array<i32>} : memref<512xf32, #tpu.memory_space<vmem>>, vector<16xf32>,
    tpu.vector_store %arg23[%swap3A_138], %broadcast_in_dim3A_137 {strides = array<i32>} : memref<512xf32, #tpu.memory_space<vmem>>, vector<16xf32>,
    %broadcast_in_dim3A_140 = arith.constant 0.000000e+00 : f32
    %broadcast_in_dim3A_141 = vector.broadcast %broadcast_in_dim3A_140 : f32 to vector<16xf32>
    %swap3A_142 = arith.constant 416 : index
    %swap3A_143 = tpu.vector_load %arg23[%swap3A_142] {strides = array<i32>} : memref<512xf32, #tpu.memory_space<vmem>>, vector<16xf32>,
    tpu.vector_store %arg23[%swap3A_142], %broadcast_in_dim3A_141 {strides = array<i32>} : memref<512xf32, #tpu.memory_space<vmem>>, vector<16xf32>,
    %broadcast_in_dim3A_144 = arith.constant 0.000000e+00 : f32
    %broadcast_in_dim3A_145 = vector.broadcast %broadcast_in_dim3A_144 : f32 to vector<16xf32>
    %swap3A_146 = arith.constant 432 : index
    %swap3A_147 = tpu.vector_load %arg23[%swap3A_146] {strides = array<i32>} : memref<512xf32, #tpu.memory_space<vmem>>, vector<16xf32>,
    tpu.vector_store %arg23[%swap3A_146], %broadcast_in_dim3A_145 {strides = array<i32>} : memref<512xf32, #tpu.memory_space<vmem>>, vector<16xf32>,
    %broadcast_in_dim3A_148 = arith.constant 0.000000e+00 : f32
    %broadcast_in_dim3A_149 = vector.broadcast %broadcast_in_dim3A_148 : f32 to vector<16xf32>
    %swap3A_150 = arith.constant 448 : index
    %swap3A_151 = tpu.vector_load %arg23[%swap3A_150] {strides = array<i32>} : memref<512xf32, #tpu.memory_space<vmem>>, vector<16xf32>,
    tpu.vector_store %arg23[%swap3A_150], %broadcast_in_dim3A_149 {strides = array<i32>} : memref<512xf32, #tpu.memory_space<vmem>>, vector<16xf32>,
    %broadcast_in_dim3A_152 = arith.constant 0.000000e+00 : f32
    %broadcast_in_dim3A_153 = vector.broadcast %broadcast_in_dim3A_152 : f32 to vector<16xf32>
    %swap3A_154 = arith.constant 464 : index
    %swap3A_155 = tpu.vector_load %arg23[%swap3A_154] {strides = array<i32>} : memref<512xf32, #tpu.memory_space<vmem>>, vector<16xf32>,
    tpu.vector_store %arg23[%swap3A_154], %broadcast_in_dim3A_153 {strides = array<i32>} : memref<512xf32, #tpu.memory_space<vmem>>, vector<16xf32>,
    %broadcast_in_dim3A_156 = arith.constant 0.000000e+00 : f32
    %broadcast_in_dim3A_157 = vector.broadcast %broadcast_in_dim3A_156 : f32 to vector<16xf32>
    %swap3A_158 = arith.constant 480 : index
    %swap3A_159 = tpu.vector_load %arg23[%swap3A_158] {strides = array<i32>} : memref<512xf32, #tpu.memory_space<vmem>>, vector<16xf32>,
    tpu.vector_store %arg23[%swap3A_158], %broadcast_in_dim3A_157 {strides = array<i32>} : memref<512xf32, #tpu.memory_space<vmem>>, vector<16xf32>,
    %broadcast_in_dim3A_160 = arith.constant 0.000000e+00 : f32
    %broadcast_in_dim3A_161 = vector.broadcast %broadcast_in_dim3A_160 : f32 to vector<16xf32>
    %swap3A_162 = arith.constant 496 : index
    %swap3A_163 = tpu.vector_load %arg23[%swap3A_162] {strides = array<i32>} : memref<512xf32, #tpu.memory_space<vmem>>, vector<16xf32>,
    tpu.vector_store %arg23[%swap3A_162], %broadcast_in_dim3A_161 {strides = array<i32>} : memref<512xf32, #tpu.memory_space<vmem>>, vector<16xf32>,
    %broadcast_in_dim3A_164 = arith.constant 0.000000e+00 : f32
    %broadcast_in_dim3A_165 = vector.broadcast %broadcast_in_dim3A_164 : f32 to vector<16xf32>
    %swap3A_166 = arith.constant 0 : index
    %swap3A_167 = tpu.vector_load %arg24[%swap3A_166] {strides = array<i32>} : memref<512xf32, #tpu.memory_space<vmem>>, vector<16xf32>,
    tpu.vector_store %arg24[%swap3A_166], %broadcast_in_dim3A_165 {strides = array<i32>} : memref<512xf32, #tpu.memory_space<vmem>>, vector<16xf32>,
    %broadcast_in_dim3A_168 = arith.constant 0.000000e+00 : f32
    %broadcast_in_dim3A_169 = vector.broadcast %broadcast_in_dim3A_168 : f32 to vector<16xf32>
    %swap3A_170 = arith.constant 16 : index
    %swap3A_171 = tpu.vector_load %arg24[%swap3A_170] {strides = array<i32>} : memref<512xf32, #tpu.memory_space<vmem>>, vector<16xf32>,
    tpu.vector_store %arg24[%swap3A_170], %broadcast_in_dim3A_169 {strides = array<i32>} : memref<512xf32, #tpu.memory_space<vmem>>, vector<16xf32>,
    %broadcast_in_dim3A_172 = arith.constant 0.000000e+00 : f32
    %broadcast_in_dim3A_173 = vector.broadcast %broadcast_in_dim3A_172 : f32 to vector<16xf32>
    %swap3A_174 = arith.constant 32 : index
    %swap3A_175 = tpu.vector_load %arg24[%swap3A_174] {strides = array<i32>} : memref<512xf32, #tpu.memory_space<vmem>>, vector<16xf32>,
    tpu.vector_store %arg24[%swap3A_174], %broadcast_in_dim3A_173 {strides = array<i32>} : memref<512xf32, #tpu.memory_space<vmem>>, vector<16xf32>,
    %broadcast_in_dim3A_176 = arith.constant 0.000000e+00 : f32
    %broadcast_in_dim3A_177 = vector.broadcast %broadcast_in_dim3A_176 : f32 to vector<16xf32>
    %swap3A_178 = arith.constant 48 : index
    %swap3A_179 = tpu.vector_load %arg24[%swap3A_178] {strides = array<i32>} : memref<512xf32, #tpu.memory_space<vmem>>, vector<16xf32>,
    tpu.vector_store %arg24[%swap3A_178], %broadcast_in_dim3A_177 {strides = array<i32>} : memref<512xf32, #tpu.memory_space<vmem>>, vector<16xf32>,
    %broadcast_in_dim3A_180 = arith.constant 0.000000e+00 : f32
    %broadcast_in_dim3A_181 = vector.broadcast %broadcast_in_dim3A_180 : f32 to vector<16xf32>
    %swap3A_182 = arith.constant 64 : index
    %swap3A_183 = tpu.vector_load %arg24[%swap3A_182] {strides = array<i32>} : memref<512xf32, #tpu.memory_space<vmem>>, vector<16xf32>,
    tpu.vector_store %arg24[%swap3A_182], %broadcast_in_dim3A_181 {strides = array<i32>} : memref<512xf32, #tpu.memory_space<vmem>>, vector<16xf32>,
    %broadcast_in_dim3A_184 = arith.constant 0.000000e+00 : f32
    %broadcast_in_dim3A_185 = vector.broadcast %broadcast_in_dim3A_184 : f32 to vector<16xf32>
    %swap3A_186 = arith.constant 80 : index
    %swap3A_187 = tpu.vector_load %arg24[%swap3A_186] {strides = array<i32>} : memref<512xf32, #tpu.memory_space<vmem>>, vector<16xf32>,
    tpu.vector_store %arg24[%swap3A_186], %broadcast_in_dim3A_185 {strides = array<i32>} : memref<512xf32, #tpu.memory_space<vmem>>, vector<16xf32>,
    %broadcast_in_dim3A_188 = arith.constant 0.000000e+00 : f32
    %broadcast_in_dim3A_189 = vector.broadcast %broadcast_in_dim3A_188 : f32 to vector<16xf32>
    %swap3A_190 = arith.constant 96 : index
    %swap3A_191 = tpu.vector_load %arg24[%swap3A_190] {strides = array<i32>} : memref<512xf32, #tpu.memory_space<vmem>>, vector<16xf32>,
    tpu.vector_store %arg24[%swap3A_190], %broadcast_in_dim3A_189 {strides = array<i32>} : memref<512xf32, #tpu.memory_space<vmem>>, vector<16xf32>,
    %broadcast_in_dim3A_192 = arith.constant 0.000000e+00 : f32
    %broadcast_in_dim3A_193 = vector.broadcast %broadcast_in_dim3A_192 : f32 to vector<16xf32>
    %swap3A_194 = arith.constant 112 : index
    %swap3A_195 = tpu.vector_load %arg24[%swap3A_194] {strides = array<i32>} : memref<512xf32, #tpu.memory_space<vmem>>, vector<16xf32>,
    tpu.vector_store %arg24[%swap3A_194], %broadcast_in_dim3A_193 {strides = array<i32>} : memref<512xf32, #tpu.memory_space<vmem>>, vector<16xf32>,
    %broadcast_in_dim3A_196 = arith.constant 0.000000e+00 : f32
    %broadcast_in_dim3A_197 = vector.broadcast %broadcast_in_dim3A_196 : f32 to vector<16xf32>
    %swap3A_198 = arith.constant 128 : index
    %swap3A_199 = tpu.vector_load %arg24[%swap3A_198] {strides = array<i32>} : memref<512xf32, #tpu.memory_space<vmem>>, vector<16xf32>,
    tpu.vector_store %arg24[%swap3A_198], %broadcast_in_dim3A_197 {strides = array<i32>} : memref<512xf32, #tpu.memory_space<vmem>>, vector<16xf32>,
    %broadcast_in_dim3A_200 = arith.constant 0.000000e+00 : f32
    %broadcast_in_dim3A_201 = vector.broadcast %broadcast_in_dim3A_200 : f32 to vector<16xf32>
    %swap3A_202 = arith.constant 144 : index
    %swap3A_203 = tpu.vector_load %arg24[%swap3A_202] {strides = array<i32>} : memref<512xf32, #tpu.memory_space<vmem>>, vector<16xf32>,
    tpu.vector_store %arg24[%swap3A_202], %broadcast_in_dim3A_201 {strides = array<i32>} : memref<512xf32, #tpu.memory_space<vmem>>, vector<16xf32>,
    %broadcast_in_dim3A_204 = arith.constant 0.000000e+00 : f32
    %broadcast_in_dim3A_205 = vector.broadcast %broadcast_in_dim3A_204 : f32 to vector<16xf32>
    %swap3A_206 = arith.constant 160 : index
    %swap3A_207 = tpu.vector_load %arg24[%swap3A_206] {strides = array<i32>} : memref<512xf32, #tpu.memory_space<vmem>>, vector<16xf32>,
    tpu.vector_store %arg24[%swap3A_206], %broadcast_in_dim3A_205 {strides = array<i32>} : memref<512xf32, #tpu.memory_space<vmem>>, vector<16xf32>,
    %broadcast_in_dim3A_208 = arith.constant 0.000000e+00 : f32
    %broadcast_in_dim3A_209 = vector.broadcast %broadcast_in_dim3A_208 : f32 to vector<16xf32>
    %swap3A_210 = arith.constant 176 : index
    %swap3A_211 = tpu.vector_load %arg24[%swap3A_210] {strides = array<i32>} : memref<512xf32, #tpu.memory_space<vmem>>, vector<16xf32>,
    tpu.vector_store %arg24[%swap3A_210], %broadcast_in_dim3A_209 {strides = array<i32>} : memref<512xf32, #tpu.memory_space<vmem>>, vector<16xf32>,
    %broadcast_in_dim3A_212 = arith.constant 0.000000e+00 : f32
    %broadcast_in_dim3A_213 = vector.broadcast %broadcast_in_dim3A_212 : f32 to vector<16xf32>
    %swap3A_214 = arith.constant 192 : index
    %swap3A_215 = tpu.vector_load %arg24[%swap3A_214] {strides = array<i32>} : memref<512xf32, #tpu.memory_space<vmem>>, vector<16xf32>,
    tpu.vector_store %arg24[%swap3A_214], %broadcast_in_dim3A_213 {strides = array<i32>} : memref<512xf32, #tpu.memory_space<vmem>>, vector<16xf32>,
    %broadcast_in_dim3A_216 = arith.constant 0.000000e+00 : f32
    %broadcast_in_dim3A_217 = vector.broadcast %broadcast_in_dim3A_216 : f32 to vector<16xf32>
    %swap3A_218 = arith.constant 208 : index
    %swap3A_219 = tpu.vector_load %arg24[%swap3A_218] {strides = array<i32>} : memref<512xf32, #tpu.memory_space<vmem>>, vector<16xf32>,
    tpu.vector_store %arg24[%swap3A_218], %broadcast_in_dim3A_217 {strides = array<i32>} : memref<512xf32, #tpu.memory_space<vmem>>, vector<16xf32>,
    %broadcast_in_dim3A_220 = arith.constant 0.000000e+00 : f32
    %broadcast_in_dim3A_221 = vector.broadcast %broadcast_in_dim3A_220 : f32 to vector<16xf32>
    %swap3A_222 = arith.constant 224 : index
    %swap3A_223 = tpu.vector_load %arg24[%swap3A_222] {strides = array<i32>} : memref<512xf32, #tpu.memory_space<vmem>>, vector<16xf32>,
    tpu.vector_store %arg24[%swap3A_222], %broadcast_in_dim3A_221 {strides = array<i32>} : memref<512xf32, #tpu.memory_space<vmem>>, vector<16xf32>,
    %broadcast_in_dim3A_224 = arith.constant 0.000000e+00 : f32
    %broadcast_in_dim3A_225 = vector.broadcast %broadcast_in_dim3A_224 : f32 to vector<16xf32>
    %swap3A_226 = arith.constant 240 : index
    %swap3A_227 = tpu.vector_load %arg24[%swap3A_226] {strides = array<i32>} : memref<512xf32, #tpu.memory_space<vmem>>, vector<16xf32>,
    tpu.vector_store %arg24[%swap3A_226], %broadcast_in_dim3A_225 {strides = array<i32>} : memref<512xf32, #tpu.memory_space<vmem>>, vector<16xf32>,
    %broadcast_in_dim3A_228 = arith.constant 0.000000e+00 : f32
    %broadcast_in_dim3A_229 = vector.broadcast %broadcast_in_dim3A_228 : f32 to vector<16xf32>
    %swap3A_230 = arith.constant 256 : index
    %swap3A_231 = tpu.vector_load %arg24[%swap3A_230] {strides = array<i32>} : memref<512xf32, #tpu.memory_space<vmem>>, vector<16xf32>,
    tpu.vector_store %arg24[%swap3A_230], %broadcast_in_dim3A_229 {strides = array<i32>} : memref<512xf32, #tpu.memory_space<vmem>>, vector<16xf32>,
    %broadcast_in_dim3A_232 = arith.constant 0.000000e+00 : f32
    %broadcast_in_dim3A_233 = vector.broadcast %broadcast_in_dim3A_232 : f32 to vector<16xf32>
    %swap3A_234 = arith.constant 272 : index
    %swap3A_235 = tpu.vector_load %arg24[%swap3A_234] {strides = array<i32>} : memref<512xf32, #tpu.memory_space<vmem>>, vector<16xf32>,
    tpu.vector_store %arg24[%swap3A_234], %broadcast_in_dim3A_233 {strides = array<i32>} : memref<512xf32, #tpu.memory_space<vmem>>, vector<16xf32>,
    %broadcast_in_dim3A_236 = arith.constant 0.000000e+00 : f32
    %broadcast_in_dim3A_237 = vector.broadcast %broadcast_in_dim3A_236 : f32 to vector<16xf32>
    %swap3A_238 = arith.constant 288 : index
    %swap3A_239 = tpu.vector_load %arg24[%swap3A_238] {strides = array<i32>} : memref<512xf32, #tpu.memory_space<vmem>>, vector<16xf32>,
    tpu.vector_store %arg24[%swap3A_238], %broadcast_in_dim3A_237 {strides = array<i32>} : memref<512xf32, #tpu.memory_space<vmem>>, vector<16xf32>,
    %broadcast_in_dim3A_240 = arith.constant 0.000000e+00 : f32
    %broadcast_in_dim3A_241 = vector.broadcast %broadcast_in_dim3A_240 : f32 to vector<16xf32>
    %swap3A_242 = arith.constant 304 : index
    %swap3A_243 = tpu.vector_load %arg24[%swap3A_242] {strides = array<i32>} : memref<512xf32, #tpu.memory_space<vmem>>, vector<16xf32>,
    tpu.vector_store %arg24[%swap3A_242], %broadcast_in_dim3A_241 {strides = array<i32>} : memref<512xf32, #tpu.memory_space<vmem>>, vector<16xf32>,
    %broadcast_in_dim3A_244 = arith.constant 0.000000e+00 : f32
    %broadcast_in_dim3A_245 = vector.broadcast %broadcast_in_dim3A_244 : f32 to vector<16xf32>
    %swap3A_246 = arith.constant 320 : index
    %swap3A_247 = tpu.vector_load %arg24[%swap3A_246] {strides = array<i32>} : memref<512xf32, #tpu.memory_space<vmem>>, vector<16xf32>,
    tpu.vector_store %arg24[%swap3A_246], %broadcast_in_dim3A_245 {strides = array<i32>} : memref<512xf32, #tpu.memory_space<vmem>>, vector<16xf32>,
    %broadcast_in_dim3A_248 = arith.constant 0.000000e+00 : f32
    %broadcast_in_dim3A_249 = vector.broadcast %broadcast_in_dim3A_248 : f32 to vector<16xf32>
    %swap3A_250 = arith.constant 336 : index
    %swap3A_251 = tpu.vector_load %arg24[%swap3A_250] {strides = array<i32>} : memref<512xf32, #tpu.memory_space<vmem>>, vector<16xf32>,
    tpu.vector_store %arg24[%swap3A_250], %broadcast_in_dim3A_249 {strides = array<i32>} : memref<512xf32, #tpu.memory_space<vmem>>, vector<16xf32>,
    %broadcast_in_dim3A_252 = arith.constant 0.000000e+00 : f32
    %broadcast_in_dim3A_253 = vector.broadcast %broadcast_in_dim3A_252 : f32 to vector<16xf32>
    %swap3A_254 = arith.constant 352 : index
    %swap3A_255 = tpu.vector_load %arg24[%swap3A_254] {strides = array<i32>} : memref<512xf32, #tpu.memory_space<vmem>>, vector<16xf32>,
    tpu.vector_store %arg24[%swap3A_254], %broadcast_in_dim3A_253 {strides = array<i32>} : memref<512xf32, #tpu.memory_space<vmem>>, vector<16xf32>,
    %broadcast_in_dim3A_256 = arith.constant 0.000000e+00 : f32
    %broadcast_in_dim3A_257 = vector.broadcast %broadcast_in_dim3A_256 : f32 to vector<16xf32>
    %swap3A_258 = arith.constant 368 : index
    %swap3A_259 = tpu.vector_load %arg24[%swap3A_258] {strides = array<i32>} : memref<512xf32, #tpu.memory_space<vmem>>, vector<16xf32>,
    tpu.vector_store %arg24[%swap3A_258], %broadcast_in_dim3A_257 {strides = array<i32>} : memref<512xf32, #tpu.memory_space<vmem>>, vector<16xf32>,
    %broadcast_in_dim3A_260 = arith.constant 0.000000e+00 : f32
    %broadcast_in_dim3A_261 = vector.broadcast %broadcast_in_dim3A_260 : f32 to vector<16xf32>
    %swap3A_262 = arith.constant 384 : index
    %swap3A_263 = tpu.vector_load %arg24[%swap3A_262] {strides = array<i32>} : memref<512xf32, #tpu.memory_space<vmem>>, vector<16xf32>,
    tpu.vector_store %arg24[%swap3A_262], %broadcast_in_dim3A_261 {strides = array<i32>} : memref<512xf32, #tpu.memory_space<vmem>>, vector<16xf32>,
    %broadcast_in_dim3A_264 = arith.constant 0.000000e+00 : f32
    %broadcast_in_dim3A_265 = vector.broadcast %broadcast_in_dim3A_264 : f32 to vector<16xf32>
    %swap3A_266 = arith.constant 400 : index
    %swap3A_267 = tpu.vector_load %arg24[%swap3A_266] {strides = array<i32>} : memref<512xf32, #tpu.memory_space<vmem>>, vector<16xf32>,
    tpu.vector_store %arg24[%swap3A_266], %broadcast_in_dim3A_265 {strides = array<i32>} : memref<512xf32, #tpu.memory_space<vmem>>, vector<16xf32>,
    %broadcast_in_dim3A_268 = arith.constant 0.000000e+00 : f32
    %broadcast_in_dim3A_269 = vector.broadcast %broadcast_in_dim3A_268 : f32 to vector<16xf32>
    %swap3A_270 = arith.constant 416 : index
    %swap3A_271 = tpu.vector_load %arg24[%swap3A_270] {strides = array<i32>} : memref<512xf32, #tpu.memory_space<vmem>>, vector<16xf32>,
    tpu.vector_store %arg24[%swap3A_270], %broadcast_in_dim3A_269 {strides = array<i32>} : memref<512xf32, #tpu.memory_space<vmem>>, vector<16xf32>,
    %broadcast_in_dim3A_272 = arith.constant 0.000000e+00 : f32
    %broadcast_in_dim3A_273 = vector.broadcast %broadcast_in_dim3A_272 : f32 to vector<16xf32>
    %swap3A_274 = arith.constant 432 : index
    %swap3A_275 = tpu.vector_load %arg24[%swap3A_274] {strides = array<i32>} : memref<512xf32, #tpu.memory_space<vmem>>, vector<16xf32>,
    tpu.vector_store %arg24[%swap3A_274], %broadcast_in_dim3A_273 {strides = array<i32>} : memref<512xf32, #tpu.memory_space<vmem>>, vector<16xf32>,
    %broadcast_in_dim3A_276 = arith.constant 0.000000e+00 : f32
    %broadcast_in_dim3A_277 = vector.broadcast %broadcast_in_dim3A_276 : f32 to vector<16xf32>
    %swap3A_278 = arith.constant 448 : index
    %swap3A_279 = tpu.vector_load %arg24[%swap3A_278] {strides = array<i32>} : memref<512xf32, #tpu.memory_space<vmem>>, vector<16xf32>,
    tpu.vector_store %arg24[%swap3A_278], %broadcast_in_dim3A_277 {strides = array<i32>} : memref<512xf32, #tpu.memory_space<vmem>>, vector<16xf32>,
    %broadcast_in_dim3A_280 = arith.constant 0.000000e+00 : f32
    %broadcast_in_dim3A_281 = vector.broadcast %broadcast_in_dim3A_280 : f32 to vector<16xf32>
    %swap3A_282 = arith.constant 464 : index
    %swap3A_283 = tpu.vector_load %arg24[%swap3A_282] {strides = array<i32>} : memref<512xf32, #tpu.memory_space<vmem>>, vector<16xf32>,
    tpu.vector_store %arg24[%swap3A_282], %broadcast_in_dim3A_281 {strides = array<i32>} : memref<512xf32, #tpu.memory_space<vmem>>, vector<16xf32>,
    %broadcast_in_dim3A_284 = arith.constant 0.000000e+00 : f32
    %broadcast_in_dim3A_285 = vector.broadcast %broadcast_in_dim3A_284 : f32 to vector<16xf32>
    %swap3A_286 = arith.constant 480 : index
    %swap3A_287 = tpu.vector_load %arg24[%swap3A_286] {strides = array<i32>} : memref<512xf32, #tpu.memory_space<vmem>>, vector<16xf32>,
    tpu.vector_store %arg24[%swap3A_286], %broadcast_in_dim3A_285 {strides = array<i32>} : memref<512xf32, #tpu.memory_space<vmem>>, vector<16xf32>,
    %broadcast_in_dim3A_288 = arith.constant 0.000000e+00 : f32
    %broadcast_in_dim3A_289 = vector.broadcast %broadcast_in_dim3A_288 : f32 to vector<16xf32>
    %swap3A_290 = arith.constant 496 : index
    %swap3A_291 = tpu.vector_load %arg24[%swap3A_290] {strides = array<i32>} : memref<512xf32, #tpu.memory_space<vmem>>, vector<16xf32>,
    tpu.vector_store %arg24[%swap3A_290], %broadcast_in_dim3A_289 {strides = array<i32>} : memref<512xf32, #tpu.memory_space<vmem>>, vector<16xf32>,
    %iota3A = tpu.iota {dimensions = array<i32: 0>} : vector<16xi32>
    %scan3A = arith.constant 0 : i32
    %scan3A_292 = arith.constant 2.250000e-02 : f32
    %scan3A_293 = arith.constant 0 : i32
    %scan3A_294 = arith.constant 128 : i32
    %scan3A_295 = arith.addi %scan3A_293, %scan3A_294 : i32
    %scan3A_296 = arith.constant 1 : i32
    scf.for %scan3A_483 = %scan3A_293 to %scan3A_295 step %scan3A_296  : i32 {
      %mul3A_484 = arith.constant 2 : i32
      %mul3A_485 = arith.muli %scan3A_483, %mul3A_484 : i32
      %eq3A_486 = arith.constant 0 : i32
      %eq3A_487 = arith.cmpi eq, %scan3A_483, %eq3A_486 : i32
      %broadcast_in_dim3A_488 = vector.broadcast %mul3A_485 : i32 to vector<16xi32>
      %gather3A_489 = tpu.vector_load_idx %arg19[%broadcast_in_dim3A_488] : memref<256xi32, #tpu.memory_space<vmem>>[vector<16xi32>], vector<16xi32>,
      %gather3A_490 = tpu.vector_load_idx %arg13[%gather3A_489] : memref<2048xf32, #tpu.memory_space<vmem>>[vector<16xi32>], vector<16xf32>,
      %gather3A_491 = tpu.vector_load_idx %arg14[%gather3A_489] : memref<2048xf32, #tpu.memory_space<vmem>>[vector<16xi32>], vector<16xf32>,
      %gather3A_492 = tpu.vector_load_idx %arg15[%gather3A_489] : memref<2048xf32, #tpu.memory_space<vmem>>[vector<16xi32>], vector<16xf32>,
      %scan3A_493 = arith.constant 0 : i32
      %scan3A_494 = arith.constant 0 : i32
      %scan3A_495 = arith.constant 16 : i32
      %scan3A_496 = arith.addi %scan3A_494, %scan3A_495 : i32
      %scan3A_497 = arith.constant 1 : i32
      %scan3A_498 = scf.for %scan3A_854 = %scan3A_494 to %scan3A_496 step %scan3A_497 iter_args(%scan3A_855 = %scan3A_493) -> (i32)  : i32 {
        %mul3A_856 = arith.constant 8 : i32
        %mul3A_857 = arith.muli %scan3A_854, %mul3A_856 : i32
        %add3A_858 = arith.constant 0 : i32
        %add3A_859 = arith.addi %mul3A_857, %add3A_858 : i32
        %mul3A_860 = arith.constant 16 : i32
        %mul3A_861 = arith.muli %add3A_859, %mul3A_860 : i32
        %get3A_862 = arith.index_cast %mul3A_861 : i32 to index
        %get3A_863 = tpu.vector_load %arg13[%get3A_862] {strides = array<i32>} : memref<2048xf32, #tpu.memory_space<vmem>>, vector<16xf32>,
        %sub3A_864 = arith.subf %get3A_863, %gather3A_490 : vector<16xf32>
        %get3A_865 = arith.index_cast %mul3A_861 : i32 to index
        %get3A_866 = tpu.vector_load %arg14[%get3A_865] {strides = array<i32>} : memref<2048xf32, #tpu.memory_space<vmem>>, vector<16xf32>,
        %sub3A_867 = arith.subf %get3A_866, %gather3A_491 : vector<16xf32>
        %get3A_868 = arith.index_cast %mul3A_861 : i32 to index
        %get3A_869 = tpu.vector_load %arg15[%get3A_868] {strides = array<i32>} : memref<2048xf32, #tpu.memory_space<vmem>>, vector<16xf32>,
        %sub3A_870 = arith.subf %get3A_869, %gather3A_492 : vector<16xf32>
        %mul3A_871 = arith.mulf %sub3A_864, %sub3A_864 : vector<16xf32>
        %mul3A_872 = arith.mulf %sub3A_867, %sub3A_867 : vector<16xf32>
        %add3A_873 = arith.addf %mul3A_871, %mul3A_872 : vector<16xf32>
        %mul3A_874 = arith.mulf %sub3A_870, %sub3A_870 : vector<16xf32>
        %add3A_875 = arith.addf %add3A_873, %mul3A_874 : vector<16xf32>
        %le3A = vector.broadcast %scan3A_292 : f32 to vector<16xf32>
        %le3A_876 = arith.cmpf ole, %add3A_875, %le3A : vector<16xf32>
        %all_reduce_population_count3A = tpu.all_reduce %le3A_876 {dim = 0 : i64, kind = #tpu.reduction_kind<sum>} : vector<16xi1> -> vector<16xi32>
        %mul3A_877 = arith.constant 16 : i32
        %mul3A_878 = arith.muli %add3A_859, %mul3A_877 : i32
        %add3A_879 = vector.broadcast %mul3A_878 : i32 to vector<16xi32>
        %add3A_880 = arith.addi %add3A_879, %iota3A : vector<16xi32>
        %mul3A_881 = arith.constant 8 : i32
        %mul3A_882 = arith.muli %scan3A_854, %mul3A_881 : i32
        %add3A_883 = arith.constant 1 : i32
        %add3A_884 = arith.addi %mul3A_882, %add3A_883 : i32
        %mul3A_885 = arith.constant 16 : i32
        %mul3A_886 = arith.muli %add3A_884, %mul3A_885 : i32
        %get3A_887 = arith.index_cast %mul3A_886 : i32 to index
        %get3A_888 = tpu.vector_load %arg13[%get3A_887] {strides = array<i32>} : memref<2048xf32, #tpu.memory_space<vmem>>, vector<16xf32>,
        %sub3A_889 = arith.subf %get3A_888, %gather3A_490 : vector<16xf32>
        %get3A_890 = arith.index_cast %mul3A_886 : i32 to index
        %get3A_891 = tpu.vector_load %arg14[%get3A_890] {strides = array<i32>} : memref<2048xf32, #tpu.memory_space<vmem>>, vector<16xf32>,
        %sub3A_892 = arith.subf %get3A_891, %gather3A_491 : vector<16xf32>
        %get3A_893 = arith.index_cast %mul3A_886 : i32 to index
        %get3A_894 = tpu.vector_load %arg15[%get3A_893] {strides = array<i32>} : memref<2048xf32, #tpu.memory_space<vmem>>, vector<16xf32>,
        %sub3A_895 = arith.subf %get3A_894, %gather3A_492 : vector<16xf32>
        %mul3A_896 = arith.mulf %sub3A_889, %sub3A_889 : vector<16xf32>
        %mul3A_897 = arith.mulf %sub3A_892, %sub3A_892 : vector<16xf32>
        %add3A_898 = arith.addf %mul3A_896, %mul3A_897 : vector<16xf32>
        %mul3A_899 = arith.mulf %sub3A_895, %sub3A_895 : vector<16xf32>
        %add3A_900 = arith.addf %add3A_898, %mul3A_899 : vector<16xf32>
        %le3A_901 = vector.broadcast %scan3A_292 : f32 to vector<16xf32>
        %le3A_902 = arith.cmpf ole, %add3A_900, %le3A_901 : vector<16xf32>
        %all_reduce_population_count3A_903 = tpu.all_reduce %le3A_902 {dim = 0 : i64, kind = #tpu.reduction_kind<sum>} : vector<16xi1> -> vector<16xi32>
        %mul3A_904 = arith.constant 16 : i32
        %mul3A_905 = arith.muli %add3A_884, %mul3A_904 : i32
        %add3A_906 = vector.broadcast %mul3A_905 : i32 to vector<16xi32>
        %add3A_907 = arith.addi %add3A_906, %iota3A : vector<16xi32>
        %mul3A_908 = arith.constant 8 : i32
        %mul3A_909 = arith.muli %scan3A_854, %mul3A_908 : i32
        %add3A_910 = arith.constant 2 : i32
        %add3A_911 = arith.addi %mul3A_909, %add3A_910 : i32
        %mul3A_912 = arith.constant 16 : i32
        %mul3A_913 = arith.muli %add3A_911, %mul3A_912 : i32
        %get3A_914 = arith.index_cast %mul3A_913 : i32 to index
        %get3A_915 = tpu.vector_load %arg13[%get3A_914] {strides = array<i32>} : memref<2048xf32, #tpu.memory_space<vmem>>, vector<16xf32>,
        %sub3A_916 = arith.subf %get3A_915, %gather3A_490 : vector<16xf32>
        %get3A_917 = arith.index_cast %mul3A_913 : i32 to index
        %get3A_918 = tpu.vector_load %arg14[%get3A_917] {strides = array<i32>} : memref<2048xf32, #tpu.memory_space<vmem>>, vector<16xf32>,
        %sub3A_919 = arith.subf %get3A_918, %gather3A_491 : vector<16xf32>
        %get3A_920 = arith.index_cast %mul3A_913 : i32 to index
        %get3A_921 = tpu.vector_load %arg15[%get3A_920] {strides = array<i32>} : memref<2048xf32, #tpu.memory_space<vmem>>, vector<16xf32>,
        %sub3A_922 = arith.subf %get3A_921, %gather3A_492 : vector<16xf32>
        %mul3A_923 = arith.mulf %sub3A_916, %sub3A_916 : vector<16xf32>
        %mul3A_924 = arith.mulf %sub3A_919, %sub3A_919 : vector<16xf32>
        %add3A_925 = arith.addf %mul3A_923, %mul3A_924 : vector<16xf32>
        %mul3A_926 = arith.mulf %sub3A_922, %sub3A_922 : vector<16xf32>
        %add3A_927 = arith.addf %add3A_925, %mul3A_926 : vector<16xf32>
        %le3A_928 = vector.broadcast %scan3A_292 : f32 to vector<16xf32>
        %le3A_929 = arith.cmpf ole, %add3A_927, %le3A_928 : vector<16xf32>
        %all_reduce_population_count3A_930 = tpu.all_reduce %le3A_929 {dim = 0 : i64, kind = #tpu.reduction_kind<sum>} : vector<16xi1> -> vector<16xi32>
        %mul3A_931 = arith.constant 16 : i32
        %mul3A_932 = arith.muli %add3A_911, %mul3A_931 : i32
        %add3A_933 = vector.broadcast %mul3A_932 : i32 to vector<16xi32>
        %add3A_934 = arith.addi %add3A_933, %iota3A : vector<16xi32>
        %mul3A_935 = arith.constant 8 : i32
        %mul3A_936 = arith.muli %scan3A_854, %mul3A_935 : i32
        %add3A_937 = arith.constant 3 : i32
        %add3A_938 = arith.addi %mul3A_936, %add3A_937 : i32
        %mul3A_939 = arith.constant 16 : i32
        %mul3A_940 = arith.muli %add3A_938, %mul3A_939 : i32
        %get3A_941 = arith.index_cast %mul3A_940 : i32 to index
        %get3A_942 = tpu.vector_load %arg13[%get3A_941] {strides = array<i32>} : memref<2048xf32, #tpu.memory_space<vmem>>, vector<16xf32>,
        %sub3A_943 = arith.subf %get3A_942, %gather3A_490 : vector<16xf32>
        %get3A_944 = arith.index_cast %mul3A_940 : i32 to index
        %get3A_945 = tpu.vector_load %arg14[%get3A_944] {strides = array<i32>} : memref<2048xf32, #tpu.memory_space<vmem>>, vector<16xf32>,
        %sub3A_946 = arith.subf %get3A_945, %gather3A_491 : vector<16xf32>
        %get3A_947 = arith.index_cast %mul3A_940 : i32 to index
        %get3A_948 = tpu.vector_load %arg15[%get3A_947] {strides = array<i32>} : memref<2048xf32, #tpu.memory_space<vmem>>, vector<16xf32>,
        %sub3A_949 = arith.subf %get3A_948, %gather3A_492 : vector<16xf32>
        %mul3A_950 = arith.mulf %sub3A_943, %sub3A_943 : vector<16xf32>
        %mul3A_951 = arith.mulf %sub3A_946, %sub3A_946 : vector<16xf32>
        %add3A_952 = arith.addf %mul3A_950, %mul3A_951 : vector<16xf32>
        %mul3A_953 = arith.mulf %sub3A_949, %sub3A_949 : vector<16xf32>
        %add3A_954 = arith.addf %add3A_952, %mul3A_953 : vector<16xf32>
        %le3A_955 = vector.broadcast %scan3A_292 : f32 to vector<16xf32>
        %le3A_956 = arith.cmpf ole, %add3A_954, %le3A_955 : vector<16xf32>
        %all_reduce_population_count3A_957 = tpu.all_reduce %le3A_956 {dim = 0 : i64, kind = #tpu.reduction_kind<sum>} : vector<16xi1> -> vector<16xi32>
        %mul3A_958 = arith.constant 16 : i32
        %mul3A_959 = arith.muli %add3A_938, %mul3A_958 : i32
        %add3A_960 = vector.broadcast %mul3A_959 : i32 to vector<16xi32>
        %add3A_961 = arith.addi %add3A_960, %iota3A : vector<16xi32>
        %mul3A_962 = arith.constant 8 : i32
        %mul3A_963 = arith.muli %scan3A_854, %mul3A_962 : i32
        %add3A_964 = arith.constant 4 : i32
        %add3A_965 = arith.addi %mul3A_963, %add3A_964 : i32
        %mul3A_966 = arith.constant 16 : i32
        %mul3A_967 = arith.muli %add3A_965, %mul3A_966 : i32
        %get3A_968 = arith.index_cast %mul3A_967 : i32 to index
        %get3A_969 = tpu.vector_load %arg13[%get3A_968] {strides = array<i32>} : memref<2048xf32, #tpu.memory_space<vmem>>, vector<16xf32>,
        %sub3A_970 = arith.subf %get3A_969, %gather3A_490 : vector<16xf32>
        %get3A_971 = arith.index_cast %mul3A_967 : i32 to index
        %get3A_972 = tpu.vector_load %arg14[%get3A_971] {strides = array<i32>} : memref<2048xf32, #tpu.memory_space<vmem>>, vector<16xf32>,
        %sub3A_973 = arith.subf %get3A_972, %gather3A_491 : vector<16xf32>
        %get3A_974 = arith.index_cast %mul3A_967 : i32 to index
        %get3A_975 = tpu.vector_load %arg15[%get3A_974] {strides = array<i32>} : memref<2048xf32, #tpu.memory_space<vmem>>, vector<16xf32>,
        %sub3A_976 = arith.subf %get3A_975, %gather3A_492 : vector<16xf32>
        %mul3A_977 = arith.mulf %sub3A_970, %sub3A_970 : vector<16xf32>
        %mul3A_978 = arith.mulf %sub3A_973, %sub3A_973 : vector<16xf32>
        %add3A_979 = arith.addf %mul3A_977, %mul3A_978 : vector<16xf32>
        %mul3A_980 = arith.mulf %sub3A_976, %sub3A_976 : vector<16xf32>
        %add3A_981 = arith.addf %add3A_979, %mul3A_980 : vector<16xf32>
        %le3A_982 = vector.broadcast %scan3A_292 : f32 to vector<16xf32>
        %le3A_983 = arith.cmpf ole, %add3A_981, %le3A_982 : vector<16xf32>
        %all_reduce_population_count3A_984 = tpu.all_reduce %le3A_983 {dim = 0 : i64, kind = #tpu.reduction_kind<sum>} : vector<16xi1> -> vector<16xi32>
        %mul3A_985 = arith.constant 16 : i32
        %mul3A_986 = arith.muli %add3A_965, %mul3A_985 : i32
        %add3A_987 = vector.broadcast %mul3A_986 : i32 to vector<16xi32>
        %add3A_988 = arith.addi %add3A_987, %iota3A : vector<16xi32>
        %mul3A_989 = arith.constant 8 : i32
        %mul3A_990 = arith.muli %scan3A_854, %mul3A_989 : i32
        %add3A_991 = arith.constant 5 : i32
        %add3A_992 = arith.addi %mul3A_990, %add3A_991 : i32
        %mul3A_993 = arith.constant 16 : i32
        %mul3A_994 = arith.muli %add3A_992, %mul3A_993 : i32
        %get3A_995 = arith.index_cast %mul3A_994 : i32 to index
        %get3A_996 = tpu.vector_load %arg13[%get3A_995] {strides = array<i32>} : memref<2048xf32, #tpu.memory_space<vmem>>, vector<16xf32>,
        %sub3A_997 = arith.subf %get3A_996, %gather3A_490 : vector<16xf32>
        %get3A_998 = arith.index_cast %mul3A_994 : i32 to index
        %get3A_999 = tpu.vector_load %arg14[%get3A_998] {strides = array<i32>} : memref<2048xf32, #tpu.memory_space<vmem>>, vector<16xf32>,
        %sub3A_1000 = arith.subf %get3A_999, %gather3A_491 : vector<16xf32>
        %get3A_1001 = arith.index_cast %mul3A_994 : i32 to index
        %get3A_1002 = tpu.vector_load %arg15[%get3A_1001] {strides = array<i32>} : memref<2048xf32, #tpu.memory_space<vmem>>, vector<16xf32>,
        %sub3A_1003 = arith.subf %get3A_1002, %gather3A_492 : vector<16xf32>
        %mul3A_1004 = arith.mulf %sub3A_997, %sub3A_997 : vector<16xf32>
        %mul3A_1005 = arith.mulf %sub3A_1000, %sub3A_1000 : vector<16xf32>
        %add3A_1006 = arith.addf %mul3A_1004, %mul3A_1005 : vector<16xf32>
        %mul3A_1007 = arith.mulf %sub3A_1003, %sub3A_1003 : vector<16xf32>
        %add3A_1008 = arith.addf %add3A_1006, %mul3A_1007 : vector<16xf32>
        %le3A_1009 = vector.broadcast %scan3A_292 : f32 to vector<16xf32>
        %le3A_1010 = arith.cmpf ole, %add3A_1008, %le3A_1009 : vector<16xf32>
        %all_reduce_population_count3A_1011 = tpu.all_reduce %le3A_1010 {dim = 0 : i64, kind = #tpu.reduction_kind<sum>} : vector<16xi1> -> vector<16xi32>
        %mul3A_1012 = arith.constant 16 : i32
        %mul3A_1013 = arith.muli %add3A_992, %mul3A_1012 : i32
        %add3A_1014 = vector.broadcast %mul3A_1013 : i32 to vector<16xi32>
        %add3A_1015 = arith.addi %add3A_1014, %iota3A : vector<16xi32>
        %mul3A_1016 = arith.constant 8 : i32
        %mul3A_1017 = arith.muli %scan3A_854, %mul3A_1016 : i32
        %add3A_1018 = arith.constant 6 : i32
        %add3A_1019 = arith.addi %mul3A_1017, %add3A_1018 : i32
        %mul3A_1020 = arith.constant 16 : i32
        %mul3A_1021 = arith.muli %add3A_1019, %mul3A_1020 : i32
        %get3A_1022 = arith.index_cast %mul3A_1021 : i32 to index
        %get3A_1023 = tpu.vector_load %arg13[%get3A_1022] {strides = array<i32>} : memref<2048xf32, #tpu.memory_space<vmem>>, vector<16xf32>,
        %sub3A_1024 = arith.subf %get3A_1023, %gather3A_490 : vector<16xf32>
        %get3A_1025 = arith.index_cast %mul3A_1021 : i32 to index
        %get3A_1026 = tpu.vector_load %arg14[%get3A_1025] {strides = array<i32>} : memref<2048xf32, #tpu.memory_space<vmem>>, vector<16xf32>,
        %sub3A_1027 = arith.subf %get3A_1026, %gather3A_491 : vector<16xf32>
        %get3A_1028 = arith.index_cast %mul3A_1021 : i32 to index
        %get3A_1029 = tpu.vector_load %arg15[%get3A_1028] {strides = array<i32>} : memref<2048xf32, #tpu.memory_space<vmem>>, vector<16xf32>,
        %sub3A_1030 = arith.subf %get3A_1029, %gather3A_492 : vector<16xf32>
        %mul3A_1031 = arith.mulf %sub3A_1024, %sub3A_1024 : vector<16xf32>
        %mul3A_1032 = arith.mulf %sub3A_1027, %sub3A_1027 : vector<16xf32>
        %add3A_1033 = arith.addf %mul3A_1031, %mul3A_1032 : vector<16xf32>
        %mul3A_1034 = arith.mulf %sub3A_1030, %sub3A_1030 : vector<16xf32>
        %add3A_1035 = arith.addf %add3A_1033, %mul3A_1034 : vector<16xf32>
        %le3A_1036 = vector.broadcast %scan3A_292 : f32 to vector<16xf32>
        %le3A_1037 = arith.cmpf ole, %add3A_1035, %le3A_1036 : vector<16xf32>
        %all_reduce_population_count3A_1038 = tpu.all_reduce %le3A_1037 {dim = 0 : i64, kind = #tpu.reduction_kind<sum>} : vector<16xi1> -> vector<16xi32>
        %mul3A_1039 = arith.constant 16 : i32
        %mul3A_1040 = arith.muli %add3A_1019, %mul3A_1039 : i32
        %add3A_1041 = vector.broadcast %mul3A_1040 : i32 to vector<16xi32>
        %add3A_1042 = arith.addi %add3A_1041, %iota3A : vector<16xi32>
        %mul3A_1043 = arith.constant 8 : i32
        %mul3A_1044 = arith.muli %scan3A_854, %mul3A_1043 : i32
        %add3A_1045 = arith.constant 7 : i32
        %add3A_1046 = arith.addi %mul3A_1044, %add3A_1045 : i32
        %mul3A_1047 = arith.constant 16 : i32
        %mul3A_1048 = arith.muli %add3A_1046, %mul3A_1047 : i32
        %get3A_1049 = arith.index_cast %mul3A_1048 : i32 to index
        %get3A_1050 = tpu.vector_load %arg13[%get3A_1049] {strides = array<i32>} : memref<2048xf32, #tpu.memory_space<vmem>>, vector<16xf32>,
        %sub3A_1051 = arith.subf %get3A_1050, %gather3A_490 : vector<16xf32>
        %get3A_1052 = arith.index_cast %mul3A_1048 : i32 to index
        %get3A_1053 = tpu.vector_load %arg14[%get3A_1052] {strides = array<i32>} : memref<2048xf32, #tpu.memory_space<vmem>>, vector<16xf32>,
        %sub3A_1054 = arith.subf %get3A_1053, %gather3A_491 : vector<16xf32>
        %get3A_1055 = arith.index_cast %mul3A_1048 : i32 to index
        %get3A_1056 = tpu.vector_load %arg15[%get3A_1055] {strides = array<i32>} : memref<2048xf32, #tpu.memory_space<vmem>>, vector<16xf32>,
        %sub3A_1057 = arith.subf %get3A_1056, %gather3A_492 : vector<16xf32>
        %mul3A_1058 = arith.mulf %sub3A_1051, %sub3A_1051 : vector<16xf32>
        %mul3A_1059 = arith.mulf %sub3A_1054, %sub3A_1054 : vector<16xf32>
        %add3A_1060 = arith.addf %mul3A_1058, %mul3A_1059 : vector<16xf32>
        %mul3A_1061 = arith.mulf %sub3A_1057, %sub3A_1057 : vector<16xf32>
        %add3A_1062 = arith.addf %add3A_1060, %mul3A_1061 : vector<16xf32>
        %le3A_1063 = vector.broadcast %scan3A_292 : f32 to vector<16xf32>
        %le3A_1064 = arith.cmpf ole, %add3A_1062, %le3A_1063 : vector<16xf32>
        %all_reduce_population_count3A_1065 = tpu.all_reduce %le3A_1064 {dim = 0 : i64, kind = #tpu.reduction_kind<sum>} : vector<16xi1> -> vector<16xi32>
        %mul3A_1066 = arith.constant 16 : i32
        %mul3A_1067 = arith.muli %add3A_1046, %mul3A_1066 : i32
        %add3A_1068 = vector.broadcast %mul3A_1067 : i32 to vector<16xi32>
        %add3A_1069 = arith.addi %add3A_1068, %iota3A : vector<16xi32>
        %swap3A_1070 = arith.index_cast %scan3A_855 : i32 to index
        %swap3A_1071 = tpu.vector_load %arg21[%swap3A_1070] masked %le3A_876 {strides = array<i32>} : memref<2080xi32, #tpu.memory_space<vmem>>, vector<16xi32>, vector<16xi1>
        tpu.vector_store %arg21[%swap3A_1070], %add3A_880 masked %le3A_876 {strides = array<i32>} : memref<2080xi32, #tpu.memory_space<vmem>>, vector<16xi32>, vector<16xi1>
        %slice3A = vector.extract_strided_slice %all_reduce_population_count3A {offsets = [0], sizes = [1], strides = [1]} : vector<16xi32> to vector<1xi32>
        %squeeze3A = vector.extract %slice3A[0] : i32 from vector<1xi32>
        %add3A_1072 = arith.addi %scan3A_855, %squeeze3A : i32
        %swap3A_1073 = arith.index_cast %add3A_1072 : i32 to index
        %swap3A_1074 = tpu.vector_load %arg21[%swap3A_1073] masked %le3A_902 {strides = array<i32>} : memref<2080xi32, #tpu.memory_space<vmem>>, vector<16xi32>, vector<16xi1>
        tpu.vector_store %arg21[%swap3A_1073], %add3A_907 masked %le3A_902 {strides = array<i32>} : memref<2080xi32, #tpu.memory_space<vmem>>, vector<16xi32>, vector<16xi1>
        %slice3A_1075 = vector.extract_strided_slice %all_reduce_population_count3A_903 {offsets = [0], sizes = [1], strides = [1]} : vector<16xi32> to vector<1xi32>
        %squeeze3A_1076 = vector.extract %slice3A_1075[0] : i32 from vector<1xi32>
        %add3A_1077 = arith.addi %add3A_1072, %squeeze3A_1076 : i32
        %swap3A_1078 = arith.index_cast %add3A_1077 : i32 to index
        %swap3A_1079 = tpu.vector_load %arg21[%swap3A_1078] masked %le3A_929 {strides = array<i32>} : memref<2080xi32, #tpu.memory_space<vmem>>, vector<16xi32>, vector<16xi1>
        tpu.vector_store %arg21[%swap3A_1078], %add3A_934 masked %le3A_929 {strides = array<i32>} : memref<2080xi32, #tpu.memory_space<vmem>>, vector<16xi32>, vector<16xi1>
        %slice3A_1080 = vector.extract_strided_slice %all_reduce_population_count3A_930 {offsets = [0], sizes = [1], strides = [1]} : vector<16xi32> to vector<1xi32>
        %squeeze3A_1081 = vector.extract %slice3A_1080[0] : i32 from vector<1xi32>
        %add3A_1082 = arith.addi %add3A_1077, %squeeze3A_1081 : i32
        %swap3A_1083 = arith.index_cast %add3A_1082 : i32 to index
        %swap3A_1084 = tpu.vector_load %arg21[%swap3A_1083] masked %le3A_956 {strides = array<i32>} : memref<2080xi32, #tpu.memory_space<vmem>>, vector<16xi32>, vector<16xi1>
        tpu.vector_store %arg21[%swap3A_1083], %add3A_961 masked %le3A_956 {strides = array<i32>} : memref<2080xi32, #tpu.memory_space<vmem>>, vector<16xi32>, vector<16xi1>
        %slice3A_1085 = vector.extract_strided_slice %all_reduce_population_count3A_957 {offsets = [0], sizes = [1], strides = [1]} : vector<16xi32> to vector<1xi32>
        %squeeze3A_1086 = vector.extract %slice3A_1085[0] : i32 from vector<1xi32>
        %add3A_1087 = arith.addi %add3A_1082, %squeeze3A_1086 : i32
        %swap3A_1088 = arith.index_cast %add3A_1087 : i32 to index
        %swap3A_1089 = tpu.vector_load %arg21[%swap3A_1088] masked %le3A_983 {strides = array<i32>} : memref<2080xi32, #tpu.memory_space<vmem>>, vector<16xi32>, vector<16xi1>
        tpu.vector_store %arg21[%swap3A_1088], %add3A_988 masked %le3A_983 {strides = array<i32>} : memref<2080xi32, #tpu.memory_space<vmem>>, vector<16xi32>, vector<16xi1>
        %slice3A_1090 = vector.extract_strided_slice %all_reduce_population_count3A_984 {offsets = [0], sizes = [1], strides = [1]} : vector<16xi32> to vector<1xi32>
        %squeeze3A_1091 = vector.extract %slice3A_1090[0] : i32 from vector<1xi32>
        %add3A_1092 = arith.addi %add3A_1087, %squeeze3A_1091 : i32
        %swap3A_1093 = arith.index_cast %add3A_1092 : i32 to index
        %swap3A_1094 = tpu.vector_load %arg21[%swap3A_1093] masked %le3A_1010 {strides = array<i32>} : memref<2080xi32, #tpu.memory_space<vmem>>, vector<16xi32>, vector<16xi1>
        tpu.vector_store %arg21[%swap3A_1093], %add3A_1015 masked %le3A_1010 {strides = array<i32>} : memref<2080xi32, #tpu.memory_space<vmem>>, vector<16xi32>, vector<16xi1>
        %slice3A_1095 = vector.extract_strided_slice %all_reduce_population_count3A_1011 {offsets = [0], sizes = [1], strides = [1]} : vector<16xi32> to vector<1xi32>
        %squeeze3A_1096 = vector.extract %slice3A_1095[0] : i32 from vector<1xi32>
        %add3A_1097 = arith.addi %add3A_1092, %squeeze3A_1096 : i32
        %swap3A_1098 = arith.index_cast %add3A_1097 : i32 to index
        %swap3A_1099 = tpu.vector_load %arg21[%swap3A_1098] masked %le3A_1037 {strides = array<i32>} : memref<2080xi32, #tpu.memory_space<vmem>>, vector<16xi32>, vector<16xi1>
        tpu.vector_store %arg21[%swap3A_1098], %add3A_1042 masked %le3A_1037 {strides = array<i32>} : memref<2080xi32, #tpu.memory_space<vmem>>, vector<16xi32>, vector<16xi1>
        %slice3A_1100 = vector.extract_strided_slice %all_reduce_population_count3A_1038 {offsets = [0], sizes = [1], strides = [1]} : vector<16xi32> to vector<1xi32>
        %squeeze3A_1101 = vector.extract %slice3A_1100[0] : i32 from vector<1xi32>
        %add3A_1102 = arith.addi %add3A_1097, %squeeze3A_1101 : i32
        %swap3A_1103 = arith.index_cast %add3A_1102 : i32 to index
        %swap3A_1104 = tpu.vector_load %arg21[%swap3A_1103] masked %le3A_1064 {strides = array<i32>} : memref<2080xi32, #tpu.memory_space<vmem>>, vector<16xi32>, vector<16xi1>
        tpu.vector_store %arg21[%swap3A_1103], %add3A_1069 masked %le3A_1064 {strides = array<i32>} : memref<2080xi32, #tpu.memory_space<vmem>>, vector<16xi32>, vector<16xi1>
        %slice3A_1105 = vector.extract_strided_slice %all_reduce_population_count3A_1065 {offsets = [0], sizes = [1], strides = [1]} : vector<16xi32> to vector<1xi32>
        %squeeze3A_1106 = vector.extract %slice3A_1105[0] : i32 from vector<1xi32>
        %add3A_1107 = arith.addi %add3A_1102, %squeeze3A_1106 : i32
        scf.yield %add3A_1107 : i32
      }
      %scan3A_499 = arith.constant 16 : i32
      %gt3A = arith.constant 64 : i32
      %gt3A_500 = arith.cmpi sgt, %scan3A_498, %gt3A : i32
      %convert_element_type3A = arith.extui %gt3A_500 : i1 to i32
      %cond3A = arith.constant 0 : i32
      %cond3A_501 = arith.cmpi ne, %convert_element_type3A, %cond3A : i32
      scf.if %cond3A_501 {
        %add3A_854 = arith.constant 15 : i32
        %add3A_855 = arith.addi %scan3A_498, %add3A_854 : i32
        %jit3A_856 = arith.constant 16 : i32
        %div3A_857 = arith.divsi %add3A_855, %jit3A_856 : i32
        %sign3A_858 = arith.constant 0 : i32
        %sign3A_859 = arith.cmpi sgt, %add3A_855, %sign3A_858 : i32
        %sign3A_860 = arith.extui %sign3A_859 : i1 to i32
        %sign3A_861 = arith.constant 0 : i32
        %sign3A_862 = arith.cmpi slt, %add3A_855, %sign3A_861 : i32
        %sign3A_863 = arith.extui %sign3A_862 : i1 to i32
        %sign3A_864 = arith.subi %sign3A_860, %sign3A_863 : i32
        %sign3A_865 = arith.constant 0 : i32
        %sign3A_866 = arith.cmpi sgt, %jit3A_856, %sign3A_865 : i32
        %sign3A_867 = arith.extui %sign3A_866 : i1 to i32
        %sign3A_868 = arith.constant 0 : i32
        %sign3A_869 = arith.cmpi slt, %jit3A_856, %sign3A_868 : i32
        %sign3A_870 = arith.extui %sign3A_869 : i1 to i32
        %sign3A_871 = arith.subi %sign3A_867, %sign3A_870 : i32
        %ne3A_872 = arith.cmpi ne, %sign3A_864, %sign3A_871 : i32
        %rem3A_873 = arith.remsi %add3A_855, %jit3A_856 : i32
        %ne3A_874 = arith.constant 0 : i32
        %ne3A_875 = arith.cmpi ne, %rem3A_873, %ne3A_874 : i32
        %and3A_876 = arith.andi %ne3A_872, %ne3A_875 : i1
        %sub3A_877 = arith.constant 1 : i32
        %sub3A_878 = arith.subi %div3A_857, %sub3A_877 : i32
        %select_n3A_879 = arith.select %and3A_876, %sub3A_878, %div3A_857 : i32
        %while3A = arith.constant 0 : i32
        %while3A_880 = arith.constant 1018712556 : i32
        %while3A_881:2 = scf.while (%while3A_921 = %while3A, %while3A_922 = %while3A_880) : (i32, i32) -> (i32, i32) {
          %lt3A_923 = arith.cmpi slt, %while3A_921, %while3A_922 : i32
          scf.condition(%lt3A_923) %while3A_921, %while3A_922 : i32, i32
        } do {
        ^bb0(%while3A_921: i32, %while3A_922: i32):
          %add3A_923 = arith.addi %while3A_921, %while3A_922 : i32
          %jit3A_924 = arith.constant 2 : i32
          %div3A_925 = arith.divsi %add3A_923, %jit3A_924 : i32
          %sign3A_926 = arith.constant 0 : i32
          %sign3A_927 = arith.cmpi sgt, %add3A_923, %sign3A_926 : i32
          %sign3A_928 = arith.extui %sign3A_927 : i1 to i32
          %sign3A_929 = arith.constant 0 : i32
          %sign3A_930 = arith.cmpi slt, %add3A_923, %sign3A_929 : i32
          %sign3A_931 = arith.extui %sign3A_930 : i1 to i32
          %sign3A_932 = arith.subi %sign3A_928, %sign3A_931 : i32
          %sign3A_933 = arith.constant 0 : i32
          %sign3A_934 = arith.cmpi sgt, %jit3A_924, %sign3A_933 : i32
          %sign3A_935 = arith.extui %sign3A_934 : i1 to i32
          %sign3A_936 = arith.constant 0 : i32
          %sign3A_937 = arith.cmpi slt, %jit3A_924, %sign3A_936 : i32
          %sign3A_938 = arith.extui %sign3A_937 : i1 to i32
          %sign3A_939 = arith.subi %sign3A_935, %sign3A_938 : i32
          %ne3A_940 = arith.cmpi ne, %sign3A_932, %sign3A_939 : i32
          %rem3A_941 = arith.remsi %add3A_923, %jit3A_924 : i32
          %ne3A_942 = arith.constant 0 : i32
          %ne3A_943 = arith.cmpi ne, %rem3A_941, %ne3A_942 : i32
          %and3A_944 = arith.andi %ne3A_940, %ne3A_943 : i1
          %sub3A_945 = arith.constant 1 : i32
          %sub3A_946 = arith.subi %div3A_925, %sub3A_945 : i32
          %select_n3A_947 = arith.select %and3A_944, %sub3A_946, %div3A_925 : i32
          %while3A_948 = arith.constant 0 : i32
          %while3A_949 = arith.constant 0 : i32
          %while3A_950 = arith.subi %select_n3A_879, %while3A_948 : i32
          %while3A_951 = arith.addi %while3A_948, %while3A_950 : i32
          %while3A_952 = arith.constant 1 : i32
          %while3A_953 = arith.divsi %while3A_950, %while3A_952 : i32
          %while3A_954 = arith.muli %while3A_953, %while3A_952 : i32
          %while3A_955 = arith.addi %while3A_948, %while3A_954 : i32
          %while3A_956 = arith.constant 1 : i32
          %while3A_957 = scf.for %while3A_965 = %while3A_948 to %while3A_955 step %while3A_956 iter_args(%while3A_966 = %while3A_949) -> (i32)  : i32 {
            %mul3A_967 = arith.constant 16 : i32
            %mul3A_968 = arith.muli %while3A_965, %mul3A_967 : i32
            %get3A_969 = arith.index_cast %mul3A_968 : i32 to index
            %get3A_970 = tpu.vector_load %arg21[%get3A_969] {strides = array<i32>} : memref<2080xi32, #tpu.memory_space<vmem>>, vector<16xi32>,
            %gather3A_971 = tpu.vector_load_idx %arg13[%get3A_970] : memref<2048xf32, #tpu.memory_space<vmem>>[vector<16xi32>], vector<16xf32>,
            %sub3A_972 = arith.subf %gather3A_971, %gather3A_490 : vector<16xf32>
            %gather3A_973 = tpu.vector_load_idx %arg14[%get3A_970] : memref<2048xf32, #tpu.memory_space<vmem>>[vector<16xi32>], vector<16xf32>,
            %sub3A_974 = arith.subf %gather3A_973, %gather3A_491 : vector<16xf32>
            %gather3A_975 = tpu.vector_load_idx %arg15[%get3A_970] : memref<2048xf32, #tpu.memory_space<vmem>>[vector<16xi32>], vector<16xf32>,
            %sub3A_976 = arith.subf %gather3A_975, %gather3A_492 : vector<16xf32>
            %mul3A_977 = arith.mulf %sub3A_972, %sub3A_972 : vector<16xf32>
            %mul3A_978 = arith.mulf %sub3A_974, %sub3A_974 : vector<16xf32>
            %add3A_979 = arith.addf %mul3A_977, %mul3A_978 : vector<16xf32>
            %mul3A_980 = arith.mulf %sub3A_976, %sub3A_976 : vector<16xf32>
            %add3A_981 = arith.addf %add3A_979, %mul3A_980 : vector<16xf32>
            %mul3A_982 = arith.constant 16 : i32
            %mul3A_983 = arith.muli %while3A_965, %mul3A_982 : i32
            %add3A_984 = vector.broadcast %mul3A_983 : i32 to vector<16xi32>
            %add3A_985 = arith.addi %add3A_984, %iota3A : vector<16xi32>
            %bitcast3A = vector.bitcast %add3A_981 : vector<16xf32> to vector<16xi32>
            %lt3A_986 = vector.broadcast %scan3A_498 : i32 to vector<16xi32>
            %lt3A_987 = arith.cmpi slt, %add3A_985, %lt3A_986 : vector<16xi32>
            %le3A = vector.broadcast %select_n3A_947 : i32 to vector<16xi32>
            %le3A_988 = arith.cmpi sle, %bitcast3A, %le3A : vector<16xi32>
            %and3A_989 = arith.andi %le3A_988, %lt3A_987 : vector<16xi1>
            %all_reduce_population_count3A = tpu.all_reduce %and3A_989 {dim = 0 : i64, kind = #tpu.reduction_kind<sum>} : vector<16xi1> -> vector<16xi32>
            %slice3A = vector.extract_strided_slice %all_reduce_population_count3A {offsets = [0], sizes = [1], strides = [1]} : vector<16xi32> to vector<1xi32>
            %squeeze3A = vector.extract %slice3A[0] : i32 from vector<1xi32>
            %add3A_990 = arith.addi %while3A_966, %squeeze3A : i32
            scf.yield %add3A_990 : i32
          }
          %while3A_958 = arith.constant 1 : i32
          %while3A_959 = scf.for %while3A_965 = %while3A_955 to %while3A_951 step %while3A_958 iter_args(%while3A_966 = %while3A_957) -> (i32)  : i32 {
            %mul3A_967 = arith.constant 16 : i32
            %mul3A_968 = arith.muli %while3A_965, %mul3A_967 : i32
            %get3A_969 = arith.index_cast %mul3A_968 : i32 to index
            %get3A_970 = tpu.vector_load %arg21[%get3A_969] {strides = array<i32>} : memref<2080xi32, #tpu.memory_space<vmem>>, vector<16xi32>,
            %gather3A_971 = tpu.vector_load_idx %arg13[%get3A_970] : memref<2048xf32, #tpu.memory_space<vmem>>[vector<16xi32>], vector<16xf32>,
            %sub3A_972 = arith.subf %gather3A_971, %gather3A_490 : vector<16xf32>
            %gather3A_973 = tpu.vector_load_idx %arg14[%get3A_970] : memref<2048xf32, #tpu.memory_space<vmem>>[vector<16xi32>], vector<16xf32>,
            %sub3A_974 = arith.subf %gather3A_973, %gather3A_491 : vector<16xf32>
            %gather3A_975 = tpu.vector_load_idx %arg15[%get3A_970] : memref<2048xf32, #tpu.memory_space<vmem>>[vector<16xi32>], vector<16xf32>,
            %sub3A_976 = arith.subf %gather3A_975, %gather3A_492 : vector<16xf32>
            %mul3A_977 = arith.mulf %sub3A_972, %sub3A_972 : vector<16xf32>
            %mul3A_978 = arith.mulf %sub3A_974, %sub3A_974 : vector<16xf32>
            %add3A_979 = arith.addf %mul3A_977, %mul3A_978 : vector<16xf32>
            %mul3A_980 = arith.mulf %sub3A_976, %sub3A_976 : vector<16xf32>
            %add3A_981 = arith.addf %add3A_979, %mul3A_980 : vector<16xf32>
            %mul3A_982 = arith.constant 16 : i32
            %mul3A_983 = arith.muli %while3A_965, %mul3A_982 : i32
            %add3A_984 = vector.broadcast %mul3A_983 : i32 to vector<16xi32>
            %add3A_985 = arith.addi %add3A_984, %iota3A : vector<16xi32>
            %bitcast3A = vector.bitcast %add3A_981 : vector<16xf32> to vector<16xi32>
            %lt3A_986 = vector.broadcast %scan3A_498 : i32 to vector<16xi32>
            %lt3A_987 = arith.cmpi slt, %add3A_985, %lt3A_986 : vector<16xi32>
            %le3A = vector.broadcast %select_n3A_947 : i32 to vector<16xi32>
            %le3A_988 = arith.cmpi sle, %bitcast3A, %le3A : vector<16xi32>
            %and3A_989 = arith.andi %le3A_988, %lt3A_987 : vector<16xi1>
            %all_reduce_population_count3A = tpu.all_reduce %and3A_989 {dim = 0 : i64, kind = #tpu.reduction_kind<sum>} : vector<16xi1> -> vector<16xi32>
            %slice3A = vector.extract_strided_slice %all_reduce_population_count3A {offsets = [0], sizes = [1], strides = [1]} : vector<16xi32> to vector<1xi32>
            %squeeze3A = vector.extract %slice3A[0] : i32 from vector<1xi32>
            %add3A_990 = arith.addi %while3A_966, %squeeze3A : i32
            scf.yield %add3A_990 : i32
          }
          %ge3A = arith.constant 64 : i32
          %ge3A_960 = arith.cmpi sge, %while3A_959, %ge3A : i32
          %add3A_961 = arith.constant 1 : i32
          %add3A_962 = arith.addi %select_n3A_947, %add3A_961 : i32
          %select_n3A_963 = arith.select %ge3A_960, %while3A_921, %add3A_962 : i32
          %select_n3A_964 = arith.select %ge3A_960, %select_n3A_947, %while3A_922 : i32
          scf.yield %select_n3A_963, %select_n3A_964 : i32, i32
        }
        %while3A_882 = arith.constant 0 : i32
        %while3A_883 = arith.constant 0 : i32
        %while3A_884 = arith.subi %select_n3A_879, %while3A_882 : i32
        %while3A_885 = arith.addi %while3A_882, %while3A_884 : i32
        %while3A_886 = arith.constant 1 : i32
        %while3A_887 = arith.divsi %while3A_884, %while3A_886 : i32
        %while3A_888 = arith.muli %while3A_887, %while3A_886 : i32
        %while3A_889 = arith.addi %while3A_882, %while3A_888 : i32
        %while3A_890 = arith.constant 1 : i32
        %while3A_891 = scf.for %while3A_921 = %while3A_882 to %while3A_889 step %while3A_890 iter_args(%while3A_922 = %while3A_883) -> (i32)  : i32 {
          %mul3A_923 = arith.constant 16 : i32
          %mul3A_924 = arith.muli %while3A_921, %mul3A_923 : i32
          %get3A_925 = arith.index_cast %mul3A_924 : i32 to index
          %get3A_926 = tpu.vector_load %arg21[%get3A_925] {strides = array<i32>} : memref<2080xi32, #tpu.memory_space<vmem>>, vector<16xi32>,
          %gather3A_927 = tpu.vector_load_idx %arg13[%get3A_926] : memref<2048xf32, #tpu.memory_space<vmem>>[vector<16xi32>], vector<16xf32>,
          %sub3A_928 = arith.subf %gather3A_927, %gather3A_490 : vector<16xf32>
          %gather3A_929 = tpu.vector_load_idx %arg14[%get3A_926] : memref<2048xf32, #tpu.memory_space<vmem>>[vector<16xi32>], vector<16xf32>,
          %sub3A_930 = arith.subf %gather3A_929, %gather3A_491 : vector<16xf32>
          %gather3A_931 = tpu.vector_load_idx %arg15[%get3A_926] : memref<2048xf32, #tpu.memory_space<vmem>>[vector<16xi32>], vector<16xf32>,
          %sub3A_932 = arith.subf %gather3A_931, %gather3A_492 : vector<16xf32>
          %mul3A_933 = arith.mulf %sub3A_928, %sub3A_928 : vector<16xf32>
          %mul3A_934 = arith.mulf %sub3A_930, %sub3A_930 : vector<16xf32>
          %add3A_935 = arith.addf %mul3A_933, %mul3A_934 : vector<16xf32>
          %mul3A_936 = arith.mulf %sub3A_932, %sub3A_932 : vector<16xf32>
          %add3A_937 = arith.addf %add3A_935, %mul3A_936 : vector<16xf32>
          %mul3A_938 = arith.constant 16 : i32
          %mul3A_939 = arith.muli %while3A_921, %mul3A_938 : i32
          %add3A_940 = vector.broadcast %mul3A_939 : i32 to vector<16xi32>
          %add3A_941 = arith.addi %add3A_940, %iota3A : vector<16xi32>
          %bitcast3A = vector.bitcast %add3A_937 : vector<16xf32> to vector<16xi32>
          %lt3A_942 = vector.broadcast %scan3A_498 : i32 to vector<16xi32>
          %lt3A_943 = arith.cmpi slt, %add3A_941, %lt3A_942 : vector<16xi32>
          %lt3A_944 = vector.broadcast %while3A_881#0 : i32 to vector<16xi32>
          %lt3A_945 = arith.cmpi slt, %bitcast3A, %lt3A_944 : vector<16xi32>
          %and3A_946 = arith.andi %lt3A_945, %lt3A_943 : vector<16xi1>
          %swap3A_947 = arith.index_cast %while3A_922 : i32 to index
          %swap3A_948 = tpu.vector_load %arg22[%swap3A_947] masked %and3A_946 {strides = array<i32>} : memref<80xi32, #tpu.memory_space<vmem>>, vector<16xi32>, vector<16xi1>
          tpu.vector_store %arg22[%swap3A_947], %get3A_926 masked %and3A_946 {strides = array<i32>} : memref<80xi32, #tpu.memory_space<vmem>>, vector<16xi32>, vector<16xi1>
          %all_reduce_population_count3A = tpu.all_reduce %and3A_946 {dim = 0 : i64, kind = #tpu.reduction_kind<sum>} : vector<16xi1> -> vector<16xi32>
          %slice3A = vector.extract_strided_slice %all_reduce_population_count3A {offsets = [0], sizes = [1], strides = [1]} : vector<16xi32> to vector<1xi32>
          %squeeze3A = vector.extract %slice3A[0] : i32 from vector<1xi32>
          %add3A_949 = arith.addi %while3A_922, %squeeze3A : i32
          scf.yield %add3A_949 : i32
        }
        %while3A_892 = arith.constant 1 : i32
        %while3A_893 = scf.for %while3A_921 = %while3A_889 to %while3A_885 step %while3A_892 iter_args(%while3A_922 = %while3A_891) -> (i32)  : i32 {
          %mul3A_923 = arith.constant 16 : i32
          %mul3A_924 = arith.muli %while3A_921, %mul3A_923 : i32
          %get3A_925 = arith.index_cast %mul3A_924 : i32 to index
          %get3A_926 = tpu.vector_load %arg21[%get3A_925] {strides = array<i32>} : memref<2080xi32, #tpu.memory_space<vmem>>, vector<16xi32>,
          %gather3A_927 = tpu.vector_load_idx %arg13[%get3A_926] : memref<2048xf32, #tpu.memory_space<vmem>>[vector<16xi32>], vector<16xf32>,
          %sub3A_928 = arith.subf %gather3A_927, %gather3A_490 : vector<16xf32>
          %gather3A_929 = tpu.vector_load_idx %arg14[%get3A_926] : memref<2048xf32, #tpu.memory_space<vmem>>[vector<16xi32>], vector<16xf32>,
          %sub3A_930 = arith.subf %gather3A_929, %gather3A_491 : vector<16xf32>
          %gather3A_931 = tpu.vector_load_idx %arg15[%get3A_926] : memref<2048xf32, #tpu.memory_space<vmem>>[vector<16xi32>], vector<16xf32>,
          %sub3A_932 = arith.subf %gather3A_931, %gather3A_492 : vector<16xf32>
          %mul3A_933 = arith.mulf %sub3A_928, %sub3A_928 : vector<16xf32>
          %mul3A_934 = arith.mulf %sub3A_930, %sub3A_930 : vector<16xf32>
          %add3A_935 = arith.addf %mul3A_933, %mul3A_934 : vector<16xf32>
          %mul3A_936 = arith.mulf %sub3A_932, %sub3A_932 : vector<16xf32>
          %add3A_937 = arith.addf %add3A_935, %mul3A_936 : vector<16xf32>
          %mul3A_938 = arith.constant 16 : i32
          %mul3A_939 = arith.muli %while3A_921, %mul3A_938 : i32
          %add3A_940 = vector.broadcast %mul3A_939 : i32 to vector<16xi32>
          %add3A_941 = arith.addi %add3A_940, %iota3A : vector<16xi32>
          %bitcast3A = vector.bitcast %add3A_937 : vector<16xf32> to vector<16xi32>
          %lt3A_942 = vector.broadcast %scan3A_498 : i32 to vector<16xi32>
          %lt3A_943 = arith.cmpi slt, %add3A_941, %lt3A_942 : vector<16xi32>
          %lt3A_944 = vector.broadcast %while3A_881#0 : i32 to vector<16xi32>
          %lt3A_945 = arith.cmpi slt, %bitcast3A, %lt3A_944 : vector<16xi32>
          %and3A_946 = arith.andi %lt3A_945, %lt3A_943 : vector<16xi1>
          %swap3A_947 = arith.index_cast %while3A_922 : i32 to index
          %swap3A_948 = tpu.vector_load %arg22[%swap3A_947] masked %and3A_946 {strides = array<i32>} : memref<80xi32, #tpu.memory_space<vmem>>, vector<16xi32>, vector<16xi1>
          tpu.vector_store %arg22[%swap3A_947], %get3A_926 masked %and3A_946 {strides = array<i32>} : memref<80xi32, #tpu.memory_space<vmem>>, vector<16xi32>, vector<16xi1>
          %all_reduce_population_count3A = tpu.all_reduce %and3A_946 {dim = 0 : i64, kind = #tpu.reduction_kind<sum>} : vector<16xi1> -> vector<16xi32>
          %slice3A = vector.extract_strided_slice %all_reduce_population_count3A {offsets = [0], sizes = [1], strides = [1]} : vector<16xi32> to vector<1xi32>
          %squeeze3A = vector.extract %slice3A[0] : i32 from vector<1xi32>
          %add3A_949 = arith.addi %while3A_922, %squeeze3A : i32
          scf.yield %add3A_949 : i32
        }
        %while3A_894 = arith.constant 0 : i32
        %while3A_895 = arith.subi %select_n3A_879, %while3A_894 : i32
        %while3A_896 = arith.addi %while3A_894, %while3A_895 : i32
        %while3A_897 = arith.constant 1 : i32
        %while3A_898 = arith.divsi %while3A_895, %while3A_897 : i32
        %while3A_899 = arith.muli %while3A_898, %while3A_897 : i32
        %while3A_900 = arith.addi %while3A_894, %while3A_899 : i32
        %while3A_901 = arith.constant 1 : i32
        %while3A_902 = scf.for %while3A_921 = %while3A_894 to %while3A_900 step %while3A_901 iter_args(%while3A_922 = %while3A_893) -> (i32)  : i32 {
          %mul3A_923 = arith.constant 16 : i32
          %mul3A_924 = arith.muli %while3A_921, %mul3A_923 : i32
          %get3A_925 = arith.index_cast %mul3A_924 : i32 to index
          %get3A_926 = tpu.vector_load %arg21[%get3A_925] {strides = array<i32>} : memref<2080xi32, #tpu.memory_space<vmem>>, vector<16xi32>,
          %gather3A_927 = tpu.vector_load_idx %arg13[%get3A_926] : memref<2048xf32, #tpu.memory_space<vmem>>[vector<16xi32>], vector<16xf32>,
          %sub3A_928 = arith.subf %gather3A_927, %gather3A_490 : vector<16xf32>
          %gather3A_929 = tpu.vector_load_idx %arg14[%get3A_926] : memref<2048xf32, #tpu.memory_space<vmem>>[vector<16xi32>], vector<16xf32>,
          %sub3A_930 = arith.subf %gather3A_929, %gather3A_491 : vector<16xf32>
          %gather3A_931 = tpu.vector_load_idx %arg15[%get3A_926] : memref<2048xf32, #tpu.memory_space<vmem>>[vector<16xi32>], vector<16xf32>,
          %sub3A_932 = arith.subf %gather3A_931, %gather3A_492 : vector<16xf32>
          %mul3A_933 = arith.mulf %sub3A_928, %sub3A_928 : vector<16xf32>
          %mul3A_934 = arith.mulf %sub3A_930, %sub3A_930 : vector<16xf32>
          %add3A_935 = arith.addf %mul3A_933, %mul3A_934 : vector<16xf32>
          %mul3A_936 = arith.mulf %sub3A_932, %sub3A_932 : vector<16xf32>
          %add3A_937 = arith.addf %add3A_935, %mul3A_936 : vector<16xf32>
          %mul3A_938 = arith.constant 16 : i32
          %mul3A_939 = arith.muli %while3A_921, %mul3A_938 : i32
          %add3A_940 = vector.broadcast %mul3A_939 : i32 to vector<16xi32>
          %add3A_941 = arith.addi %add3A_940, %iota3A : vector<16xi32>
          %bitcast3A = vector.bitcast %add3A_937 : vector<16xf32> to vector<16xi32>
          %lt3A_942 = vector.broadcast %scan3A_498 : i32 to vector<16xi32>
          %lt3A_943 = arith.cmpi slt, %add3A_941, %lt3A_942 : vector<16xi32>
          %eq3A_944 = vector.broadcast %while3A_881#0 : i32 to vector<16xi32>
          %eq3A_945 = arith.cmpi eq, %bitcast3A, %eq3A_944 : vector<16xi32>
          %and3A_946 = arith.andi %eq3A_945, %lt3A_943 : vector<16xi1>
          %convert_element_type3A_947 = arith.extui %and3A_946 : vector<16xi1> to vector<16xi32>
          %broadcast_in_dim3A_948 = arith.constant true
          %broadcast_in_dim3A_949 = vector.broadcast %broadcast_in_dim3A_948 : i1 to vector<16xi1>
          %masked_cumsum3A = tpu.scan <sum>, %convert_element_type3A_947 masked %broadcast_in_dim3A_949 : vector<16xi32>, vector<16xi1> -> vector<16xi32>
          %add3A_950 = vector.broadcast %while3A_922 : i32 to vector<16xi32>
          %add3A_951 = arith.addi %add3A_950, %masked_cumsum3A : vector<16xi32>
          %le3A = arith.constant 64 : i32
          %le3A_952 = vector.broadcast %le3A : i32 to vector<16xi32>
          %le3A_953 = arith.cmpi sle, %add3A_951, %le3A_952 : vector<16xi32>
          %and3A_954 = arith.andi %and3A_946, %le3A_953 : vector<16xi1>
          %swap3A_955 = arith.index_cast %while3A_922 : i32 to index
          %swap3A_956 = tpu.vector_load %arg22[%swap3A_955] masked %and3A_954 {strides = array<i32>} : memref<80xi32, #tpu.memory_space<vmem>>, vector<16xi32>, vector<16xi1>
          tpu.vector_store %arg22[%swap3A_955], %get3A_926 masked %and3A_954 {strides = array<i32>} : memref<80xi32, #tpu.memory_space<vmem>>, vector<16xi32>, vector<16xi1>
          %all_reduce_population_count3A = tpu.all_reduce %and3A_954 {dim = 0 : i64, kind = #tpu.reduction_kind<sum>} : vector<16xi1> -> vector<16xi32>
          %slice3A = vector.extract_strided_slice %all_reduce_population_count3A {offsets = [0], sizes = [1], strides = [1]} : vector<16xi32> to vector<1xi32>
          %squeeze3A = vector.extract %slice3A[0] : i32 from vector<1xi32>
          %add3A_957 = arith.addi %while3A_922, %squeeze3A : i32
          scf.yield %add3A_957 : i32
        }
        %while3A_903 = arith.constant 1 : i32
        %while3A_904 = scf.for %while3A_921 = %while3A_900 to %while3A_896 step %while3A_903 iter_args(%while3A_922 = %while3A_902) -> (i32)  : i32 {
          %mul3A_923 = arith.constant 16 : i32
          %mul3A_924 = arith.muli %while3A_921, %mul3A_923 : i32
          %get3A_925 = arith.index_cast %mul3A_924 : i32 to index
          %get3A_926 = tpu.vector_load %arg21[%get3A_925] {strides = array<i32>} : memref<2080xi32, #tpu.memory_space<vmem>>, vector<16xi32>,
          %gather3A_927 = tpu.vector_load_idx %arg13[%get3A_926] : memref<2048xf32, #tpu.memory_space<vmem>>[vector<16xi32>], vector<16xf32>,
          %sub3A_928 = arith.subf %gather3A_927, %gather3A_490 : vector<16xf32>
          %gather3A_929 = tpu.vector_load_idx %arg14[%get3A_926] : memref<2048xf32, #tpu.memory_space<vmem>>[vector<16xi32>], vector<16xf32>,
          %sub3A_930 = arith.subf %gather3A_929, %gather3A_491 : vector<16xf32>
          %gather3A_931 = tpu.vector_load_idx %arg15[%get3A_926] : memref<2048xf32, #tpu.memory_space<vmem>>[vector<16xi32>], vector<16xf32>,
          %sub3A_932 = arith.subf %gather3A_931, %gather3A_492 : vector<16xf32>
          %mul3A_933 = arith.mulf %sub3A_928, %sub3A_928 : vector<16xf32>
          %mul3A_934 = arith.mulf %sub3A_930, %sub3A_930 : vector<16xf32>
          %add3A_935 = arith.addf %mul3A_933, %mul3A_934 : vector<16xf32>
          %mul3A_936 = arith.mulf %sub3A_932, %sub3A_932 : vector<16xf32>
          %add3A_937 = arith.addf %add3A_935, %mul3A_936 : vector<16xf32>
          %mul3A_938 = arith.constant 16 : i32
          %mul3A_939 = arith.muli %while3A_921, %mul3A_938 : i32
          %add3A_940 = vector.broadcast %mul3A_939 : i32 to vector<16xi32>
          %add3A_941 = arith.addi %add3A_940, %iota3A : vector<16xi32>
          %bitcast3A = vector.bitcast %add3A_937 : vector<16xf32> to vector<16xi32>
          %lt3A_942 = vector.broadcast %scan3A_498 : i32 to vector<16xi32>
          %lt3A_943 = arith.cmpi slt, %add3A_941, %lt3A_942 : vector<16xi32>
          %eq3A_944 = vector.broadcast %while3A_881#0 : i32 to vector<16xi32>
          %eq3A_945 = arith.cmpi eq, %bitcast3A, %eq3A_944 : vector<16xi32>
          %and3A_946 = arith.andi %eq3A_945, %lt3A_943 : vector<16xi1>
          %convert_element_type3A_947 = arith.extui %and3A_946 : vector<16xi1> to vector<16xi32>
          %broadcast_in_dim3A_948 = arith.constant true
          %broadcast_in_dim3A_949 = vector.broadcast %broadcast_in_dim3A_948 : i1 to vector<16xi1>
          %masked_cumsum3A = tpu.scan <sum>, %convert_element_type3A_947 masked %broadcast_in_dim3A_949 : vector<16xi32>, vector<16xi1> -> vector<16xi32>
          %add3A_950 = vector.broadcast %while3A_922 : i32 to vector<16xi32>
          %add3A_951 = arith.addi %add3A_950, %masked_cumsum3A : vector<16xi32>
          %le3A = arith.constant 64 : i32
          %le3A_952 = vector.broadcast %le3A : i32 to vector<16xi32>
          %le3A_953 = arith.cmpi sle, %add3A_951, %le3A_952 : vector<16xi32>
          %and3A_954 = arith.andi %and3A_946, %le3A_953 : vector<16xi1>
          %swap3A_955 = arith.index_cast %while3A_922 : i32 to index
          %swap3A_956 = tpu.vector_load %arg22[%swap3A_955] masked %and3A_954 {strides = array<i32>} : memref<80xi32, #tpu.memory_space<vmem>>, vector<16xi32>, vector<16xi1>
          tpu.vector_store %arg22[%swap3A_955], %get3A_926 masked %and3A_954 {strides = array<i32>} : memref<80xi32, #tpu.memory_space<vmem>>, vector<16xi32>, vector<16xi1>
          %all_reduce_population_count3A = tpu.all_reduce %and3A_954 {dim = 0 : i64, kind = #tpu.reduction_kind<sum>} : vector<16xi1> -> vector<16xi32>
          %slice3A = vector.extract_strided_slice %all_reduce_population_count3A {offsets = [0], sizes = [1], strides = [1]} : vector<16xi32> to vector<1xi32>
          %squeeze3A = vector.extract %slice3A[0] : i32 from vector<1xi32>
          %add3A_957 = arith.addi %while3A_922, %squeeze3A : i32
          scf.yield %add3A_957 : i32
        }
        %get3A_905 = arith.constant 0 : index
        %get3A_906 = tpu.vector_load %arg22[%get3A_905] {strides = array<i32>} : memref<80xi32, #tpu.memory_space<vmem>>, vector<16xi32>,
        %swap3A_907 = arith.constant 0 : index
        %swap3A_908 = tpu.vector_load %arg21[%swap3A_907] {strides = array<i32>} : memref<2080xi32, #tpu.memory_space<vmem>>, vector<16xi32>,
        tpu.vector_store %arg21[%swap3A_907], %get3A_906 {strides = array<i32>} : memref<2080xi32, #tpu.memory_space<vmem>>, vector<16xi32>,
        %get3A_909 = arith.constant 16 : index
        %get3A_910 = tpu.vector_load %arg22[%get3A_909] {strides = array<i32>} : memref<80xi32, #tpu.memory_space<vmem>>, vector<16xi32>,
        %swap3A_911 = arith.constant 16 : index
        %swap3A_912 = tpu.vector_load %arg21[%swap3A_911] {strides = array<i32>} : memref<2080xi32, #tpu.memory_space<vmem>>, vector<16xi32>,
        tpu.vector_store %arg21[%swap3A_911], %get3A_910 {strides = array<i32>} : memref<2080xi32, #tpu.memory_space<vmem>>, vector<16xi32>,
        %get3A_913 = arith.constant 32 : index
        %get3A_914 = tpu.vector_load %arg22[%get3A_913] {strides = array<i32>} : memref<80xi32, #tpu.memory_space<vmem>>, vector<16xi32>,
        %swap3A_915 = arith.constant 32 : index
        %swap3A_916 = tpu.vector_load %arg21[%swap3A_915] {strides = array<i32>} : memref<2080xi32, #tpu.memory_space<vmem>>, vector<16xi32>,
        tpu.vector_store %arg21[%swap3A_915], %get3A_914 {strides = array<i32>} : memref<2080xi32, #tpu.memory_space<vmem>>, vector<16xi32>,
        %get3A_917 = arith.constant 48 : index
        %get3A_918 = tpu.vector_load %arg22[%get3A_917] {strides = array<i32>} : memref<80xi32, #tpu.memory_space<vmem>>, vector<16xi32>,
        %swap3A_919 = arith.constant 48 : index
        %swap3A_920 = tpu.vector_load %arg21[%swap3A_919] {strides = array<i32>} : memref<2080xi32, #tpu.memory_space<vmem>>, vector<16xi32>,
        tpu.vector_store %arg21[%swap3A_919], %get3A_918 {strides = array<i32>} : memref<2080xi32, #tpu.memory_space<vmem>>, vector<16xi32>,
      } else {
      }
      %not3A = arith.constant true
      %not3A_502 = arith.xori %eq3A_487, %not3A : i1
      %convert_element_type3A_503 = arith.extui %not3A_502 : i1 to i32
      %cond3A_504 = arith.constant 0 : i32
      %cond3A_505 = arith.cmpi ne, %convert_element_type3A_503, %cond3A_504 : i32
      scf.if %cond3A_505 {
        %dma_wait3A_854 = arith.constant 0 : i32
        %dma_wait3A_855 = tpu.memref_slice %arg9[%add3A_35, %dma_wait3A_854] : memref<8192x512xf32, #tpu.memory_space<hbm>> -> memref<1x512xf32, #tpu.memory_space<hbm>>
        %dma_wait3A_856 = tpu.memref_squeeze %dma_wait3A_855 : memref<1x512xf32, #tpu.memory_space<hbm>> -> memref<512xf32, #tpu.memory_space<hbm>>
        %dma_wait3A_857 = arith.constant 0 : i32
        %dma_wait3A_858 = tpu.memref_slice %arg9[%add3A_35, %dma_wait3A_857] : memref<8192x512xf32, #tpu.memory_space<hbm>> -> memref<1x512xf32, #tpu.memory_space<hbm>>
        %dma_wait3A_859 = tpu.memref_squeeze %dma_wait3A_858 : memref<1x512xf32, #tpu.memory_space<hbm>> -> memref<512xf32, #tpu.memory_space<hbm>>
        tpu.wait_dma2 semaphore(%arg25 : memref<!tpu.dma_semaphore, #tpu.memory_space<semaphore_mem>>) src(%arg23 : memref<512xf32, #tpu.memory_space<vmem>>) dst(%dma_wait3A_859 : memref<512xf32, #tpu.memory_space<hbm>>)
      } else {
      }
      %min3A = arith.constant 64 : i32
      %min3A_506 = arith.minsi %scan3A_498, %min3A : i32
      %add3A_507 = arith.constant 0 : i32
      %add3A_508 = vector.broadcast %add3A_507 : i32 to vector<16xi32>
      %add3A_509 = arith.addi %add3A_508, %iota3A : vector<16xi32>
      %get3A_510 = arith.constant 0 : index
      %get3A_511 = tpu.vector_load %arg21[%get3A_510] {strides = array<i32>} : memref<2080xi32, #tpu.memory_space<vmem>>, vector<16xi32>,
      %lt3A_512 = vector.broadcast %min3A_506 : i32 to vector<16xi32>
      %lt3A_513 = arith.cmpi slt, %add3A_509, %lt3A_512 : vector<16xi32>
      %select_n3A_514 = arith.select %lt3A_513, %get3A_511, %gather3A_489 : vector<16xi1>, vector<16xi32>
      %gather3A_515 = tpu.vector_load_idx %arg16[%select_n3A_514] : memref<2048xf32, #tpu.memory_space<vmem>>[vector<16xi32>], vector<16xf32>,
      %gather3A_516 = tpu.vector_load_idx %arg17[%select_n3A_514] : memref<2048xf32, #tpu.memory_space<vmem>>[vector<16xi32>], vector<16xf32>,
      %gather3A_517 = tpu.vector_load_idx %arg18[%select_n3A_514] : memref<2048xf32, #tpu.memory_space<vmem>>[vector<16xi32>], vector<16xf32>,
      %gather3A_518 = tpu.vector_load_idx %arg13[%select_n3A_514] : memref<2048xf32, #tpu.memory_space<vmem>>[vector<16xi32>], vector<16xf32>,
      %sub3A_519 = arith.subf %gather3A_518, %gather3A_490 : vector<16xf32>
      %gather3A_520 = tpu.vector_load_idx %arg14[%select_n3A_514] : memref<2048xf32, #tpu.memory_space<vmem>>[vector<16xi32>], vector<16xf32>,
      %sub3A_521 = arith.subf %gather3A_520, %gather3A_491 : vector<16xf32>
      %gather3A_522 = tpu.vector_load_idx %arg15[%select_n3A_514] : memref<2048xf32, #tpu.memory_space<vmem>>[vector<16xi32>], vector<16xf32>,
      %sub3A_523 = arith.subf %gather3A_522, %gather3A_492 : vector<16xf32>
      %mul3A_524 = arith.constant 8 : i32
      %mul3A_525 = vector.broadcast %mul3A_524 : i32 to vector<16xi32>
      %mul3A_526 = arith.muli %add3A_509, %mul3A_525 : vector<16xi32>
      %add3A_527 = arith.constant 0 : i32
      %add3A_528 = vector.broadcast %add3A_527 : i32 to vector<16xi32>
      %add3A_529 = arith.addi %mul3A_526, %add3A_528 : vector<16xi32>
      tpu.vector_store_idx %arg23[%add3A_529], %gather3A_515 : memref<512xf32, #tpu.memory_space<vmem>>[vector<16xi32>], vector<16xf32>,
      %add3A_530 = arith.constant 1 : i32
      %add3A_531 = vector.broadcast %add3A_530 : i32 to vector<16xi32>
      %add3A_532 = arith.addi %mul3A_526, %add3A_531 : vector<16xi32>
      tpu.vector_store_idx %arg23[%add3A_532], %gather3A_516 : memref<512xf32, #tpu.memory_space<vmem>>[vector<16xi32>], vector<16xf32>,
      %add3A_533 = arith.constant 2 : i32
      %add3A_534 = vector.broadcast %add3A_533 : i32 to vector<16xi32>
      %add3A_535 = arith.addi %mul3A_526, %add3A_534 : vector<16xi32>
      tpu.vector_store_idx %arg23[%add3A_535], %gather3A_517 : memref<512xf32, #tpu.memory_space<vmem>>[vector<16xi32>], vector<16xf32>,
      %add3A_536 = arith.constant 3 : i32
      %add3A_537 = vector.broadcast %add3A_536 : i32 to vector<16xi32>
      %add3A_538 = arith.addi %mul3A_526, %add3A_537 : vector<16xi32>
      tpu.vector_store_idx %arg23[%add3A_538], %sub3A_519 : memref<512xf32, #tpu.memory_space<vmem>>[vector<16xi32>], vector<16xf32>,
      %add3A_539 = arith.constant 4 : i32
      %add3A_540 = vector.broadcast %add3A_539 : i32 to vector<16xi32>
      %add3A_541 = arith.addi %mul3A_526, %add3A_540 : vector<16xi32>
      tpu.vector_store_idx %arg23[%add3A_541], %sub3A_521 : memref<512xf32, #tpu.memory_space<vmem>>[vector<16xi32>], vector<16xf32>,
      %add3A_542 = arith.constant 5 : i32
      %add3A_543 = vector.broadcast %add3A_542 : i32 to vector<16xi32>
      %add3A_544 = arith.addi %mul3A_526, %add3A_543 : vector<16xi32>
      tpu.vector_store_idx %arg23[%add3A_544], %sub3A_523 : memref<512xf32, #tpu.memory_space<vmem>>[vector<16xi32>], vector<16xf32>,
      %add3A_545 = arith.constant 16 : i32
      %add3A_546 = vector.broadcast %add3A_545 : i32 to vector<16xi32>
      %add3A_547 = arith.addi %add3A_546, %iota3A : vector<16xi32>
      %get3A_548 = arith.constant 16 : index
      %get3A_549 = tpu.vector_load %arg21[%get3A_548] {strides = array<i32>} : memref<2080xi32, #tpu.memory_space<vmem>>, vector<16xi32>,
      %lt3A_550 = vector.broadcast %min3A_506 : i32 to vector<16xi32>
      %lt3A_551 = arith.cmpi slt, %add3A_547, %lt3A_550 : vector<16xi32>
      %select_n3A_552 = arith.select %lt3A_551, %get3A_549, %gather3A_489 : vector<16xi1>, vector<16xi32>
      %gather3A_553 = tpu.vector_load_idx %arg16[%select_n3A_552] : memref<2048xf32, #tpu.memory_space<vmem>>[vector<16xi32>], vector<16xf32>,
      %gather3A_554 = tpu.vector_load_idx %arg17[%select_n3A_552] : memref<2048xf32, #tpu.memory_space<vmem>>[vector<16xi32>], vector<16xf32>,
      %gather3A_555 = tpu.vector_load_idx %arg18[%select_n3A_552] : memref<2048xf32, #tpu.memory_space<vmem>>[vector<16xi32>], vector<16xf32>,
      %gather3A_556 = tpu.vector_load_idx %arg13[%select_n3A_552] : memref<2048xf32, #tpu.memory_space<vmem>>[vector<16xi32>], vector<16xf32>,
      %sub3A_557 = arith.subf %gather3A_556, %gather3A_490 : vector<16xf32>
      %gather3A_558 = tpu.vector_load_idx %arg14[%select_n3A_552] : memref<2048xf32, #tpu.memory_space<vmem>>[vector<16xi32>], vector<16xf32>,
      %sub3A_559 = arith.subf %gather3A_558, %gather3A_491 : vector<16xf32>
      %gather3A_560 = tpu.vector_load_idx %arg15[%select_n3A_552] : memref<2048xf32, #tpu.memory_space<vmem>>[vector<16xi32>], vector<16xf32>,
      %sub3A_561 = arith.subf %gather3A_560, %gather3A_492 : vector<16xf32>
      %mul3A_562 = arith.constant 8 : i32
      %mul3A_563 = vector.broadcast %mul3A_562 : i32 to vector<16xi32>
      %mul3A_564 = arith.muli %add3A_547, %mul3A_563 : vector<16xi32>
      %add3A_565 = arith.constant 0 : i32
      %add3A_566 = vector.broadcast %add3A_565 : i32 to vector<16xi32>
      %add3A_567 = arith.addi %mul3A_564, %add3A_566 : vector<16xi32>
      tpu.vector_store_idx %arg23[%add3A_567], %gather3A_553 : memref<512xf32, #tpu.memory_space<vmem>>[vector<16xi32>], vector<16xf32>,
      %add3A_568 = arith.constant 1 : i32
      %add3A_569 = vector.broadcast %add3A_568 : i32 to vector<16xi32>
      %add3A_570 = arith.addi %mul3A_564, %add3A_569 : vector<16xi32>
      tpu.vector_store_idx %arg23[%add3A_570], %gather3A_554 : memref<512xf32, #tpu.memory_space<vmem>>[vector<16xi32>], vector<16xf32>,
      %add3A_571 = arith.constant 2 : i32
      %add3A_572 = vector.broadcast %add3A_571 : i32 to vector<16xi32>
      %add3A_573 = arith.addi %mul3A_564, %add3A_572 : vector<16xi32>
      tpu.vector_store_idx %arg23[%add3A_573], %gather3A_555 : memref<512xf32, #tpu.memory_space<vmem>>[vector<16xi32>], vector<16xf32>,
      %add3A_574 = arith.constant 3 : i32
      %add3A_575 = vector.broadcast %add3A_574 : i32 to vector<16xi32>
      %add3A_576 = arith.addi %mul3A_564, %add3A_575 : vector<16xi32>
      tpu.vector_store_idx %arg23[%add3A_576], %sub3A_557 : memref<512xf32, #tpu.memory_space<vmem>>[vector<16xi32>], vector<16xf32>,
      %add3A_577 = arith.constant 4 : i32
      %add3A_578 = vector.broadcast %add3A_577 : i32 to vector<16xi32>
      %add3A_579 = arith.addi %mul3A_564, %add3A_578 : vector<16xi32>
      tpu.vector_store_idx %arg23[%add3A_579], %sub3A_559 : memref<512xf32, #tpu.memory_space<vmem>>[vector<16xi32>], vector<16xf32>,
      %add3A_580 = arith.constant 5 : i32
      %add3A_581 = vector.broadcast %add3A_580 : i32 to vector<16xi32>
      %add3A_582 = arith.addi %mul3A_564, %add3A_581 : vector<16xi32>
      tpu.vector_store_idx %arg23[%add3A_582], %sub3A_561 : memref<512xf32, #tpu.memory_space<vmem>>[vector<16xi32>], vector<16xf32>,
      %add3A_583 = arith.constant 32 : i32
      %add3A_584 = vector.broadcast %add3A_583 : i32 to vector<16xi32>
      %add3A_585 = arith.addi %add3A_584, %iota3A : vector<16xi32>
      %get3A_586 = arith.constant 32 : index
      %get3A_587 = tpu.vector_load %arg21[%get3A_586] {strides = array<i32>} : memref<2080xi32, #tpu.memory_space<vmem>>, vector<16xi32>,
      %lt3A_588 = vector.broadcast %min3A_506 : i32 to vector<16xi32>
      %lt3A_589 = arith.cmpi slt, %add3A_585, %lt3A_588 : vector<16xi32>
      %select_n3A_590 = arith.select %lt3A_589, %get3A_587, %gather3A_489 : vector<16xi1>, vector<16xi32>
      %gather3A_591 = tpu.vector_load_idx %arg16[%select_n3A_590] : memref<2048xf32, #tpu.memory_space<vmem>>[vector<16xi32>], vector<16xf32>,
      %gather3A_592 = tpu.vector_load_idx %arg17[%select_n3A_590] : memref<2048xf32, #tpu.memory_space<vmem>>[vector<16xi32>], vector<16xf32>,
      %gather3A_593 = tpu.vector_load_idx %arg18[%select_n3A_590] : memref<2048xf32, #tpu.memory_space<vmem>>[vector<16xi32>], vector<16xf32>,
      %gather3A_594 = tpu.vector_load_idx %arg13[%select_n3A_590] : memref<2048xf32, #tpu.memory_space<vmem>>[vector<16xi32>], vector<16xf32>,
      %sub3A_595 = arith.subf %gather3A_594, %gather3A_490 : vector<16xf32>
      %gather3A_596 = tpu.vector_load_idx %arg14[%select_n3A_590] : memref<2048xf32, #tpu.memory_space<vmem>>[vector<16xi32>], vector<16xf32>,
      %sub3A_597 = arith.subf %gather3A_596, %gather3A_491 : vector<16xf32>
      %gather3A_598 = tpu.vector_load_idx %arg15[%select_n3A_590] : memref<2048xf32, #tpu.memory_space<vmem>>[vector<16xi32>], vector<16xf32>,
      %sub3A_599 = arith.subf %gather3A_598, %gather3A_492 : vector<16xf32>
      %mul3A_600 = arith.constant 8 : i32
      %mul3A_601 = vector.broadcast %mul3A_600 : i32 to vector<16xi32>
      %mul3A_602 = arith.muli %add3A_585, %mul3A_601 : vector<16xi32>
      %add3A_603 = arith.constant 0 : i32
      %add3A_604 = vector.broadcast %add3A_603 : i32 to vector<16xi32>
      %add3A_605 = arith.addi %mul3A_602, %add3A_604 : vector<16xi32>
      tpu.vector_store_idx %arg23[%add3A_605], %gather3A_591 : memref<512xf32, #tpu.memory_space<vmem>>[vector<16xi32>], vector<16xf32>,
      %add3A_606 = arith.constant 1 : i32
      %add3A_607 = vector.broadcast %add3A_606 : i32 to vector<16xi32>
      %add3A_608 = arith.addi %mul3A_602, %add3A_607 : vector<16xi32>
      tpu.vector_store_idx %arg23[%add3A_608], %gather3A_592 : memref<512xf32, #tpu.memory_space<vmem>>[vector<16xi32>], vector<16xf32>,
      %add3A_609 = arith.constant 2 : i32
      %add3A_610 = vector.broadcast %add3A_609 : i32 to vector<16xi32>
      %add3A_611 = arith.addi %mul3A_602, %add3A_610 : vector<16xi32>
      tpu.vector_store_idx %arg23[%add3A_611], %gather3A_593 : memref<512xf32, #tpu.memory_space<vmem>>[vector<16xi32>], vector<16xf32>,
      %add3A_612 = arith.constant 3 : i32
      %add3A_613 = vector.broadcast %add3A_612 : i32 to vector<16xi32>
      %add3A_614 = arith.addi %mul3A_602, %add3A_613 : vector<16xi32>
      tpu.vector_store_idx %arg23[%add3A_614], %sub3A_595 : memref<512xf32, #tpu.memory_space<vmem>>[vector<16xi32>], vector<16xf32>,
      %add3A_615 = arith.constant 4 : i32
      %add3A_616 = vector.broadcast %add3A_615 : i32 to vector<16xi32>
      %add3A_617 = arith.addi %mul3A_602, %add3A_616 : vector<16xi32>
      tpu.vector_store_idx %arg23[%add3A_617], %sub3A_597 : memref<512xf32, #tpu.memory_space<vmem>>[vector<16xi32>], vector<16xf32>,
      %add3A_618 = arith.constant 5 : i32
      %add3A_619 = vector.broadcast %add3A_618 : i32 to vector<16xi32>
      %add3A_620 = arith.addi %mul3A_602, %add3A_619 : vector<16xi32>
      tpu.vector_store_idx %arg23[%add3A_620], %sub3A_599 : memref<512xf32, #tpu.memory_space<vmem>>[vector<16xi32>], vector<16xf32>,
      %add3A_621 = arith.constant 48 : i32
      %add3A_622 = vector.broadcast %add3A_621 : i32 to vector<16xi32>
      %add3A_623 = arith.addi %add3A_622, %iota3A : vector<16xi32>
      %get3A_624 = arith.constant 48 : index
      %get3A_625 = tpu.vector_load %arg21[%get3A_624] {strides = array<i32>} : memref<2080xi32, #tpu.memory_space<vmem>>, vector<16xi32>,
      %lt3A_626 = vector.broadcast %min3A_506 : i32 to vector<16xi32>
      %lt3A_627 = arith.cmpi slt, %add3A_623, %lt3A_626 : vector<16xi32>
      %select_n3A_628 = arith.select %lt3A_627, %get3A_625, %gather3A_489 : vector<16xi1>, vector<16xi32>
      %gather3A_629 = tpu.vector_load_idx %arg16[%select_n3A_628] : memref<2048xf32, #tpu.memory_space<vmem>>[vector<16xi32>], vector<16xf32>,
      %gather3A_630 = tpu.vector_load_idx %arg17[%select_n3A_628] : memref<2048xf32, #tpu.memory_space<vmem>>[vector<16xi32>], vector<16xf32>,
      %gather3A_631 = tpu.vector_load_idx %arg18[%select_n3A_628] : memref<2048xf32, #tpu.memory_space<vmem>>[vector<16xi32>], vector<16xf32>,
      %gather3A_632 = tpu.vector_load_idx %arg13[%select_n3A_628] : memref<2048xf32, #tpu.memory_space<vmem>>[vector<16xi32>], vector<16xf32>,
      %sub3A_633 = arith.subf %gather3A_632, %gather3A_490 : vector<16xf32>
      %gather3A_634 = tpu.vector_load_idx %arg14[%select_n3A_628] : memref<2048xf32, #tpu.memory_space<vmem>>[vector<16xi32>], vector<16xf32>,
      %sub3A_635 = arith.subf %gather3A_634, %gather3A_491 : vector<16xf32>
      %gather3A_636 = tpu.vector_load_idx %arg15[%select_n3A_628] : memref<2048xf32, #tpu.memory_space<vmem>>[vector<16xi32>], vector<16xf32>,
      %sub3A_637 = arith.subf %gather3A_636, %gather3A_492 : vector<16xf32>
      %mul3A_638 = arith.constant 8 : i32
      %mul3A_639 = vector.broadcast %mul3A_638 : i32 to vector<16xi32>
      %mul3A_640 = arith.muli %add3A_623, %mul3A_639 : vector<16xi32>
      %add3A_641 = arith.constant 0 : i32
      %add3A_642 = vector.broadcast %add3A_641 : i32 to vector<16xi32>
      %add3A_643 = arith.addi %mul3A_640, %add3A_642 : vector<16xi32>
      tpu.vector_store_idx %arg23[%add3A_643], %gather3A_629 : memref<512xf32, #tpu.memory_space<vmem>>[vector<16xi32>], vector<16xf32>,
      %add3A_644 = arith.constant 1 : i32
      %add3A_645 = vector.broadcast %add3A_644 : i32 to vector<16xi32>
      %add3A_646 = arith.addi %mul3A_640, %add3A_645 : vector<16xi32>
      tpu.vector_store_idx %arg23[%add3A_646], %gather3A_630 : memref<512xf32, #tpu.memory_space<vmem>>[vector<16xi32>], vector<16xf32>,
      %add3A_647 = arith.constant 2 : i32
      %add3A_648 = vector.broadcast %add3A_647 : i32 to vector<16xi32>
      %add3A_649 = arith.addi %mul3A_640, %add3A_648 : vector<16xi32>
      tpu.vector_store_idx %arg23[%add3A_649], %gather3A_631 : memref<512xf32, #tpu.memory_space<vmem>>[vector<16xi32>], vector<16xf32>,
      %add3A_650 = arith.constant 3 : i32
      %add3A_651 = vector.broadcast %add3A_650 : i32 to vector<16xi32>
      %add3A_652 = arith.addi %mul3A_640, %add3A_651 : vector<16xi32>
      tpu.vector_store_idx %arg23[%add3A_652], %sub3A_633 : memref<512xf32, #tpu.memory_space<vmem>>[vector<16xi32>], vector<16xf32>,
      %add3A_653 = arith.constant 4 : i32
      %add3A_654 = vector.broadcast %add3A_653 : i32 to vector<16xi32>
      %add3A_655 = arith.addi %mul3A_640, %add3A_654 : vector<16xi32>
      tpu.vector_store_idx %arg23[%add3A_655], %sub3A_635 : memref<512xf32, #tpu.memory_space<vmem>>[vector<16xi32>], vector<16xf32>,
      %add3A_656 = arith.constant 5 : i32
      %add3A_657 = vector.broadcast %add3A_656 : i32 to vector<16xi32>
      %add3A_658 = arith.addi %mul3A_640, %add3A_657 : vector<16xi32>
      tpu.vector_store_idx %arg23[%add3A_658], %sub3A_637 : memref<512xf32, #tpu.memory_space<vmem>>[vector<16xi32>], vector<16xf32>,
      %add3A_659 = arith.addi %add3A_35, %mul3A_485 : i32
      %dma_start3A = arith.constant 0 : i32
      %dma_start3A_660 = tpu.memref_slice %arg9[%add3A_659, %dma_start3A] : memref<8192x512xf32, #tpu.memory_space<hbm>> -> memref<1x512xf32, #tpu.memory_space<hbm>>
      %dma_start3A_661 = tpu.memref_squeeze %dma_start3A_660 : memref<1x512xf32, #tpu.memory_space<hbm>> -> memref<512xf32, #tpu.memory_space<hbm>>
      %dma_start3A_662 = arith.constant 0 : i32
      %dma_start3A_663 = tpu.memref_slice %arg9[%add3A_659, %dma_start3A_662] : memref<8192x512xf32, #tpu.memory_space<hbm>> -> memref<1x512xf32, #tpu.memory_space<hbm>>
      %dma_start3A_664 = tpu.memref_squeeze %dma_start3A_663 : memref<1x512xf32, #tpu.memory_space<hbm>> -> memref<512xf32, #tpu.memory_space<hbm>>
      tpu.enqueue_dma source(%arg23 : memref<512xf32, #tpu.memory_space<vmem>>) target(%dma_start3A_664 : memref<512xf32, #tpu.memory_space<hbm>>) target_semaphore(%arg25 : memref<!tpu.dma_semaphore, #tpu.memory_space<semaphore_mem>>)
      %mul3A_665 = arith.constant 2 : i32
      %mul3A_666 = arith.muli %scan3A_483, %mul3A_665 : i32
      %add3A_667 = arith.constant 1 : i32
      %add3A_668 = arith.addi %mul3A_666, %add3A_667 : i32
      %eq3A_669 = arith.constant 0 : i32
      %eq3A_670 = arith.cmpi eq, %scan3A_483, %eq3A_669 : i32
      %broadcast_in_dim3A_671 = vector.broadcast %add3A_668 : i32 to vector<16xi32>
      %gather3A_672 = tpu.vector_load_idx %arg19[%broadcast_in_dim3A_671] : memref<256xi32, #tpu.memory_space<vmem>>[vector<16xi32>], vector<16xi32>,
      %gather3A_673 = tpu.vector_load_idx %arg13[%gather3A_672] : memref<2048xf32, #tpu.memory_space<vmem>>[vector<16xi32>], vector<16xf32>,
      %gather3A_674 = tpu.vector_load_idx %arg14[%gather3A_672] : memref<2048xf32, #tpu.memory_space<vmem>>[vector<16xi32>], vector<16xf32>,
      %gather3A_675 = tpu.vector_load_idx %arg15[%gather3A_672] : memref<2048xf32, #tpu.memory_space<vmem>>[vector<16xi32>], vector<16xf32>,
      %scan3A_676 = arith.constant 0 : i32
      %scan3A_677 = arith.constant 0 : i32
      %scan3A_678 = arith.constant 16 : i32
      %scan3A_679 = arith.addi %scan3A_677, %scan3A_678 : i32
      %scan3A_680 = arith.constant 1 : i32
      %scan3A_681 = scf.for %scan3A_854 = %scan3A_677 to %scan3A_679 step %scan3A_680 iter_args(%scan3A_855 = %scan3A_676) -> (i32)  : i32 {
        %mul3A_856 = arith.constant 8 : i32
        %mul3A_857 = arith.muli %scan3A_854, %mul3A_856 : i32
        %add3A_858 = arith.constant 0 : i32
        %add3A_859 = arith.addi %mul3A_857, %add3A_858 : i32
        %mul3A_860 = arith.constant 16 : i32
        %mul3A_861 = arith.muli %add3A_859, %mul3A_860 : i32
        %get3A_862 = arith.index_cast %mul3A_861 : i32 to index
        %get3A_863 = tpu.vector_load %arg13[%get3A_862] {strides = array<i32>} : memref<2048xf32, #tpu.memory_space<vmem>>, vector<16xf32>,
        %sub3A_864 = arith.subf %get3A_863, %gather3A_673 : vector<16xf32>
        %get3A_865 = arith.index_cast %mul3A_861 : i32 to index
        %get3A_866 = tpu.vector_load %arg14[%get3A_865] {strides = array<i32>} : memref<2048xf32, #tpu.memory_space<vmem>>, vector<16xf32>,
        %sub3A_867 = arith.subf %get3A_866, %gather3A_674 : vector<16xf32>
        %get3A_868 = arith.index_cast %mul3A_861 : i32 to index
        %get3A_869 = tpu.vector_load %arg15[%get3A_868] {strides = array<i32>} : memref<2048xf32, #tpu.memory_space<vmem>>, vector<16xf32>,
        %sub3A_870 = arith.subf %get3A_869, %gather3A_675 : vector<16xf32>
        %mul3A_871 = arith.mulf %sub3A_864, %sub3A_864 : vector<16xf32>
        %mul3A_872 = arith.mulf %sub3A_867, %sub3A_867 : vector<16xf32>
        %add3A_873 = arith.addf %mul3A_871, %mul3A_872 : vector<16xf32>
        %mul3A_874 = arith.mulf %sub3A_870, %sub3A_870 : vector<16xf32>
        %add3A_875 = arith.addf %add3A_873, %mul3A_874 : vector<16xf32>
        %le3A = vector.broadcast %scan3A_292 : f32 to vector<16xf32>
        %le3A_876 = arith.cmpf ole, %add3A_875, %le3A : vector<16xf32>
        %all_reduce_population_count3A = tpu.all_reduce %le3A_876 {dim = 0 : i64, kind = #tpu.reduction_kind<sum>} : vector<16xi1> -> vector<16xi32>
        %mul3A_877 = arith.constant 16 : i32
        %mul3A_878 = arith.muli %add3A_859, %mul3A_877 : i32
        %add3A_879 = vector.broadcast %mul3A_878 : i32 to vector<16xi32>
        %add3A_880 = arith.addi %add3A_879, %iota3A : vector<16xi32>
        %mul3A_881 = arith.constant 8 : i32
        %mul3A_882 = arith.muli %scan3A_854, %mul3A_881 : i32
        %add3A_883 = arith.constant 1 : i32
        %add3A_884 = arith.addi %mul3A_882, %add3A_883 : i32
        %mul3A_885 = arith.constant 16 : i32
        %mul3A_886 = arith.muli %add3A_884, %mul3A_885 : i32
        %get3A_887 = arith.index_cast %mul3A_886 : i32 to index
        %get3A_888 = tpu.vector_load %arg13[%get3A_887] {strides = array<i32>} : memref<2048xf32, #tpu.memory_space<vmem>>, vector<16xf32>,
        %sub3A_889 = arith.subf %get3A_888, %gather3A_673 : vector<16xf32>
        %get3A_890 = arith.index_cast %mul3A_886 : i32 to index
        %get3A_891 = tpu.vector_load %arg14[%get3A_890] {strides = array<i32>} : memref<2048xf32, #tpu.memory_space<vmem>>, vector<16xf32>,
        %sub3A_892 = arith.subf %get3A_891, %gather3A_674 : vector<16xf32>
        %get3A_893 = arith.index_cast %mul3A_886 : i32 to index
        %get3A_894 = tpu.vector_load %arg15[%get3A_893] {strides = array<i32>} : memref<2048xf32, #tpu.memory_space<vmem>>, vector<16xf32>,
        %sub3A_895 = arith.subf %get3A_894, %gather3A_675 : vector<16xf32>
        %mul3A_896 = arith.mulf %sub3A_889, %sub3A_889 : vector<16xf32>
        %mul3A_897 = arith.mulf %sub3A_892, %sub3A_892 : vector<16xf32>
        %add3A_898 = arith.addf %mul3A_896, %mul3A_897 : vector<16xf32>
        %mul3A_899 = arith.mulf %sub3A_895, %sub3A_895 : vector<16xf32>
        %add3A_900 = arith.addf %add3A_898, %mul3A_899 : vector<16xf32>
        %le3A_901 = vector.broadcast %scan3A_292 : f32 to vector<16xf32>
        %le3A_902 = arith.cmpf ole, %add3A_900, %le3A_901 : vector<16xf32>
        %all_reduce_population_count3A_903 = tpu.all_reduce %le3A_902 {dim = 0 : i64, kind = #tpu.reduction_kind<sum>} : vector<16xi1> -> vector<16xi32>
        %mul3A_904 = arith.constant 16 : i32
        %mul3A_905 = arith.muli %add3A_884, %mul3A_904 : i32
        %add3A_906 = vector.broadcast %mul3A_905 : i32 to vector<16xi32>
        %add3A_907 = arith.addi %add3A_906, %iota3A : vector<16xi32>
        %mul3A_908 = arith.constant 8 : i32
        %mul3A_909 = arith.muli %scan3A_854, %mul3A_908 : i32
        %add3A_910 = arith.constant 2 : i32
        %add3A_911 = arith.addi %mul3A_909, %add3A_910 : i32
        %mul3A_912 = arith.constant 16 : i32
        %mul3A_913 = arith.muli %add3A_911, %mul3A_912 : i32
        %get3A_914 = arith.index_cast %mul3A_913 : i32 to index
        %get3A_915 = tpu.vector_load %arg13[%get3A_914] {strides = array<i32>} : memref<2048xf32, #tpu.memory_space<vmem>>, vector<16xf32>,
        %sub3A_916 = arith.subf %get3A_915, %gather3A_673 : vector<16xf32>
        %get3A_917 = arith.index_cast %mul3A_913 : i32 to index
        %get3A_918 = tpu.vector_load %arg14[%get3A_917] {strides = array<i32>} : memref<2048xf32, #tpu.memory_space<vmem>>, vector<16xf32>,
        %sub3A_919 = arith.subf %get3A_918, %gather3A_674 : vector<16xf32>
        %get3A_920 = arith.index_cast %mul3A_913 : i32 to index
        %get3A_921 = tpu.vector_load %arg15[%get3A_920] {strides = array<i32>} : memref<2048xf32, #tpu.memory_space<vmem>>, vector<16xf32>,
        %sub3A_922 = arith.subf %get3A_921, %gather3A_675 : vector<16xf32>
        %mul3A_923 = arith.mulf %sub3A_916, %sub3A_916 : vector<16xf32>
        %mul3A_924 = arith.mulf %sub3A_919, %sub3A_919 : vector<16xf32>
        %add3A_925 = arith.addf %mul3A_923, %mul3A_924 : vector<16xf32>
        %mul3A_926 = arith.mulf %sub3A_922, %sub3A_922 : vector<16xf32>
        %add3A_927 = arith.addf %add3A_925, %mul3A_926 : vector<16xf32>
        %le3A_928 = vector.broadcast %scan3A_292 : f32 to vector<16xf32>
        %le3A_929 = arith.cmpf ole, %add3A_927, %le3A_928 : vector<16xf32>
        %all_reduce_population_count3A_930 = tpu.all_reduce %le3A_929 {dim = 0 : i64, kind = #tpu.reduction_kind<sum>} : vector<16xi1> -> vector<16xi32>
        %mul3A_931 = arith.constant 16 : i32
        %mul3A_932 = arith.muli %add3A_911, %mul3A_931 : i32
        %add3A_933 = vector.broadcast %mul3A_932 : i32 to vector<16xi32>
        %add3A_934 = arith.addi %add3A_933, %iota3A : vector<16xi32>
        %mul3A_935 = arith.constant 8 : i32
        %mul3A_936 = arith.muli %scan3A_854, %mul3A_935 : i32
        %add3A_937 = arith.constant 3 : i32
        %add3A_938 = arith.addi %mul3A_936, %add3A_937 : i32
        %mul3A_939 = arith.constant 16 : i32
        %mul3A_940 = arith.muli %add3A_938, %mul3A_939 : i32
        %get3A_941 = arith.index_cast %mul3A_940 : i32 to index
        %get3A_942 = tpu.vector_load %arg13[%get3A_941] {strides = array<i32>} : memref<2048xf32, #tpu.memory_space<vmem>>, vector<16xf32>,
        %sub3A_943 = arith.subf %get3A_942, %gather3A_673 : vector<16xf32>
        %get3A_944 = arith.index_cast %mul3A_940 : i32 to index
        %get3A_945 = tpu.vector_load %arg14[%get3A_944] {strides = array<i32>} : memref<2048xf32, #tpu.memory_space<vmem>>, vector<16xf32>,
        %sub3A_946 = arith.subf %get3A_945, %gather3A_674 : vector<16xf32>
        %get3A_947 = arith.index_cast %mul3A_940 : i32 to index
        %get3A_948 = tpu.vector_load %arg15[%get3A_947] {strides = array<i32>} : memref<2048xf32, #tpu.memory_space<vmem>>, vector<16xf32>,
        %sub3A_949 = arith.subf %get3A_948, %gather3A_675 : vector<16xf32>
        %mul3A_950 = arith.mulf %sub3A_943, %sub3A_943 : vector<16xf32>
        %mul3A_951 = arith.mulf %sub3A_946, %sub3A_946 : vector<16xf32>
        %add3A_952 = arith.addf %mul3A_950, %mul3A_951 : vector<16xf32>
        %mul3A_953 = arith.mulf %sub3A_949, %sub3A_949 : vector<16xf32>
        %add3A_954 = arith.addf %add3A_952, %mul3A_953 : vector<16xf32>
        %le3A_955 = vector.broadcast %scan3A_292 : f32 to vector<16xf32>
        %le3A_956 = arith.cmpf ole, %add3A_954, %le3A_955 : vector<16xf32>
        %all_reduce_population_count3A_957 = tpu.all_reduce %le3A_956 {dim = 0 : i64, kind = #tpu.reduction_kind<sum>} : vector<16xi1> -> vector<16xi32>
        %mul3A_958 = arith.constant 16 : i32
        %mul3A_959 = arith.muli %add3A_938, %mul3A_958 : i32
        %add3A_960 = vector.broadcast %mul3A_959 : i32 to vector<16xi32>
        %add3A_961 = arith.addi %add3A_960, %iota3A : vector<16xi32>
        %mul3A_962 = arith.constant 8 : i32
        %mul3A_963 = arith.muli %scan3A_854, %mul3A_962 : i32
        %add3A_964 = arith.constant 4 : i32
        %add3A_965 = arith.addi %mul3A_963, %add3A_964 : i32
        %mul3A_966 = arith.constant 16 : i32
        %mul3A_967 = arith.muli %add3A_965, %mul3A_966 : i32
        %get3A_968 = arith.index_cast %mul3A_967 : i32 to index
        %get3A_969 = tpu.vector_load %arg13[%get3A_968] {strides = array<i32>} : memref<2048xf32, #tpu.memory_space<vmem>>, vector<16xf32>,
        %sub3A_970 = arith.subf %get3A_969, %gather3A_673 : vector<16xf32>
        %get3A_971 = arith.index_cast %mul3A_967 : i32 to index
        %get3A_972 = tpu.vector_load %arg14[%get3A_971] {strides = array<i32>} : memref<2048xf32, #tpu.memory_space<vmem>>, vector<16xf32>,
        %sub3A_973 = arith.subf %get3A_972, %gather3A_674 : vector<16xf32>
        %get3A_974 = arith.index_cast %mul3A_967 : i32 to index
        %get3A_975 = tpu.vector_load %arg15[%get3A_974] {strides = array<i32>} : memref<2048xf32, #tpu.memory_space<vmem>>, vector<16xf32>,
        %sub3A_976 = arith.subf %get3A_975, %gather3A_675 : vector<16xf32>
        %mul3A_977 = arith.mulf %sub3A_970, %sub3A_970 : vector<16xf32>
        %mul3A_978 = arith.mulf %sub3A_973, %sub3A_973 : vector<16xf32>
        %add3A_979 = arith.addf %mul3A_977, %mul3A_978 : vector<16xf32>
        %mul3A_980 = arith.mulf %sub3A_976, %sub3A_976 : vector<16xf32>
        %add3A_981 = arith.addf %add3A_979, %mul3A_980 : vector<16xf32>
        %le3A_982 = vector.broadcast %scan3A_292 : f32 to vector<16xf32>
        %le3A_983 = arith.cmpf ole, %add3A_981, %le3A_982 : vector<16xf32>
        %all_reduce_population_count3A_984 = tpu.all_reduce %le3A_983 {dim = 0 : i64, kind = #tpu.reduction_kind<sum>} : vector<16xi1> -> vector<16xi32>
        %mul3A_985 = arith.constant 16 : i32
        %mul3A_986 = arith.muli %add3A_965, %mul3A_985 : i32
        %add3A_987 = vector.broadcast %mul3A_986 : i32 to vector<16xi32>
        %add3A_988 = arith.addi %add3A_987, %iota3A : vector<16xi32>
        %mul3A_989 = arith.constant 8 : i32
        %mul3A_990 = arith.muli %scan3A_854, %mul3A_989 : i32
        %add3A_991 = arith.constant 5 : i32
        %add3A_992 = arith.addi %mul3A_990, %add3A_991 : i32
        %mul3A_993 = arith.constant 16 : i32
        %mul3A_994 = arith.muli %add3A_992, %mul3A_993 : i32
        %get3A_995 = arith.index_cast %mul3A_994 : i32 to index
        %get3A_996 = tpu.vector_load %arg13[%get3A_995] {strides = array<i32>} : memref<2048xf32, #tpu.memory_space<vmem>>, vector<16xf32>,
        %sub3A_997 = arith.subf %get3A_996, %gather3A_673 : vector<16xf32>
        %get3A_998 = arith.index_cast %mul3A_994 : i32 to index
        %get3A_999 = tpu.vector_load %arg14[%get3A_998] {strides = array<i32>} : memref<2048xf32, #tpu.memory_space<vmem>>, vector<16xf32>,
        %sub3A_1000 = arith.subf %get3A_999, %gather3A_674 : vector<16xf32>
        %get3A_1001 = arith.index_cast %mul3A_994 : i32 to index
        %get3A_1002 = tpu.vector_load %arg15[%get3A_1001] {strides = array<i32>} : memref<2048xf32, #tpu.memory_space<vmem>>, vector<16xf32>,
        %sub3A_1003 = arith.subf %get3A_1002, %gather3A_675 : vector<16xf32>
        %mul3A_1004 = arith.mulf %sub3A_997, %sub3A_997 : vector<16xf32>
        %mul3A_1005 = arith.mulf %sub3A_1000, %sub3A_1000 : vector<16xf32>
        %add3A_1006 = arith.addf %mul3A_1004, %mul3A_1005 : vector<16xf32>
        %mul3A_1007 = arith.mulf %sub3A_1003, %sub3A_1003 : vector<16xf32>
        %add3A_1008 = arith.addf %add3A_1006, %mul3A_1007 : vector<16xf32>
        %le3A_1009 = vector.broadcast %scan3A_292 : f32 to vector<16xf32>
        %le3A_1010 = arith.cmpf ole, %add3A_1008, %le3A_1009 : vector<16xf32>
        %all_reduce_population_count3A_1011 = tpu.all_reduce %le3A_1010 {dim = 0 : i64, kind = #tpu.reduction_kind<sum>} : vector<16xi1> -> vector<16xi32>
        %mul3A_1012 = arith.constant 16 : i32
        %mul3A_1013 = arith.muli %add3A_992, %mul3A_1012 : i32
        %add3A_1014 = vector.broadcast %mul3A_1013 : i32 to vector<16xi32>
        %add3A_1015 = arith.addi %add3A_1014, %iota3A : vector<16xi32>
        %mul3A_1016 = arith.constant 8 : i32
        %mul3A_1017 = arith.muli %scan3A_854, %mul3A_1016 : i32
        %add3A_1018 = arith.constant 6 : i32
        %add3A_1019 = arith.addi %mul3A_1017, %add3A_1018 : i32
        %mul3A_1020 = arith.constant 16 : i32
        %mul3A_1021 = arith.muli %add3A_1019, %mul3A_1020 : i32
        %get3A_1022 = arith.index_cast %mul3A_1021 : i32 to index
        %get3A_1023 = tpu.vector_load %arg13[%get3A_1022] {strides = array<i32>} : memref<2048xf32, #tpu.memory_space<vmem>>, vector<16xf32>,
        %sub3A_1024 = arith.subf %get3A_1023, %gather3A_673 : vector<16xf32>
        %get3A_1025 = arith.index_cast %mul3A_1021 : i32 to index
        %get3A_1026 = tpu.vector_load %arg14[%get3A_1025] {strides = array<i32>} : memref<2048xf32, #tpu.memory_space<vmem>>, vector<16xf32>,
        %sub3A_1027 = arith.subf %get3A_1026, %gather3A_674 : vector<16xf32>
        %get3A_1028 = arith.index_cast %mul3A_1021 : i32 to index
        %get3A_1029 = tpu.vector_load %arg15[%get3A_1028] {strides = array<i32>} : memref<2048xf32, #tpu.memory_space<vmem>>, vector<16xf32>,
        %sub3A_1030 = arith.subf %get3A_1029, %gather3A_675 : vector<16xf32>
        %mul3A_1031 = arith.mulf %sub3A_1024, %sub3A_1024 : vector<16xf32>
        %mul3A_1032 = arith.mulf %sub3A_1027, %sub3A_1027 : vector<16xf32>
        %add3A_1033 = arith.addf %mul3A_1031, %mul3A_1032 : vector<16xf32>
        %mul3A_1034 = arith.mulf %sub3A_1030, %sub3A_1030 : vector<16xf32>
        %add3A_1035 = arith.addf %add3A_1033, %mul3A_1034 : vector<16xf32>
        %le3A_1036 = vector.broadcast %scan3A_292 : f32 to vector<16xf32>
        %le3A_1037 = arith.cmpf ole, %add3A_1035, %le3A_1036 : vector<16xf32>
        %all_reduce_population_count3A_1038 = tpu.all_reduce %le3A_1037 {dim = 0 : i64, kind = #tpu.reduction_kind<sum>} : vector<16xi1> -> vector<16xi32>
        %mul3A_1039 = arith.constant 16 : i32
        %mul3A_1040 = arith.muli %add3A_1019, %mul3A_1039 : i32
        %add3A_1041 = vector.broadcast %mul3A_1040 : i32 to vector<16xi32>
        %add3A_1042 = arith.addi %add3A_1041, %iota3A : vector<16xi32>
        %mul3A_1043 = arith.constant 8 : i32
        %mul3A_1044 = arith.muli %scan3A_854, %mul3A_1043 : i32
        %add3A_1045 = arith.constant 7 : i32
        %add3A_1046 = arith.addi %mul3A_1044, %add3A_1045 : i32
        %mul3A_1047 = arith.constant 16 : i32
        %mul3A_1048 = arith.muli %add3A_1046, %mul3A_1047 : i32
        %get3A_1049 = arith.index_cast %mul3A_1048 : i32 to index
        %get3A_1050 = tpu.vector_load %arg13[%get3A_1049] {strides = array<i32>} : memref<2048xf32, #tpu.memory_space<vmem>>, vector<16xf32>,
        %sub3A_1051 = arith.subf %get3A_1050, %gather3A_673 : vector<16xf32>
        %get3A_1052 = arith.index_cast %mul3A_1048 : i32 to index
        %get3A_1053 = tpu.vector_load %arg14[%get3A_1052] {strides = array<i32>} : memref<2048xf32, #tpu.memory_space<vmem>>, vector<16xf32>,
        %sub3A_1054 = arith.subf %get3A_1053, %gather3A_674 : vector<16xf32>
        %get3A_1055 = arith.index_cast %mul3A_1048 : i32 to index
        %get3A_1056 = tpu.vector_load %arg15[%get3A_1055] {strides = array<i32>} : memref<2048xf32, #tpu.memory_space<vmem>>, vector<16xf32>,
        %sub3A_1057 = arith.subf %get3A_1056, %gather3A_675 : vector<16xf32>
        %mul3A_1058 = arith.mulf %sub3A_1051, %sub3A_1051 : vector<16xf32>
        %mul3A_1059 = arith.mulf %sub3A_1054, %sub3A_1054 : vector<16xf32>
        %add3A_1060 = arith.addf %mul3A_1058, %mul3A_1059 : vector<16xf32>
        %mul3A_1061 = arith.mulf %sub3A_1057, %sub3A_1057 : vector<16xf32>
        %add3A_1062 = arith.addf %add3A_1060, %mul3A_1061 : vector<16xf32>
        %le3A_1063 = vector.broadcast %scan3A_292 : f32 to vector<16xf32>
        %le3A_1064 = arith.cmpf ole, %add3A_1062, %le3A_1063 : vector<16xf32>
        %all_reduce_population_count3A_1065 = tpu.all_reduce %le3A_1064 {dim = 0 : i64, kind = #tpu.reduction_kind<sum>} : vector<16xi1> -> vector<16xi32>
        %mul3A_1066 = arith.constant 16 : i32
        %mul3A_1067 = arith.muli %add3A_1046, %mul3A_1066 : i32
        %add3A_1068 = vector.broadcast %mul3A_1067 : i32 to vector<16xi32>
        %add3A_1069 = arith.addi %add3A_1068, %iota3A : vector<16xi32>
        %swap3A_1070 = arith.index_cast %scan3A_855 : i32 to index
        %swap3A_1071 = tpu.vector_load %arg21[%swap3A_1070] masked %le3A_876 {strides = array<i32>} : memref<2080xi32, #tpu.memory_space<vmem>>, vector<16xi32>, vector<16xi1>
        tpu.vector_store %arg21[%swap3A_1070], %add3A_880 masked %le3A_876 {strides = array<i32>} : memref<2080xi32, #tpu.memory_space<vmem>>, vector<16xi32>, vector<16xi1>
        %slice3A = vector.extract_strided_slice %all_reduce_population_count3A {offsets = [0], sizes = [1], strides = [1]} : vector<16xi32> to vector<1xi32>
        %squeeze3A = vector.extract %slice3A[0] : i32 from vector<1xi32>
        %add3A_1072 = arith.addi %scan3A_855, %squeeze3A : i32
        %swap3A_1073 = arith.index_cast %add3A_1072 : i32 to index
        %swap3A_1074 = tpu.vector_load %arg21[%swap3A_1073] masked %le3A_902 {strides = array<i32>} : memref<2080xi32, #tpu.memory_space<vmem>>, vector<16xi32>, vector<16xi1>
        tpu.vector_store %arg21[%swap3A_1073], %add3A_907 masked %le3A_902 {strides = array<i32>} : memref<2080xi32, #tpu.memory_space<vmem>>, vector<16xi32>, vector<16xi1>
        %slice3A_1075 = vector.extract_strided_slice %all_reduce_population_count3A_903 {offsets = [0], sizes = [1], strides = [1]} : vector<16xi32> to vector<1xi32>
        %squeeze3A_1076 = vector.extract %slice3A_1075[0] : i32 from vector<1xi32>
        %add3A_1077 = arith.addi %add3A_1072, %squeeze3A_1076 : i32
        %swap3A_1078 = arith.index_cast %add3A_1077 : i32 to index
        %swap3A_1079 = tpu.vector_load %arg21[%swap3A_1078] masked %le3A_929 {strides = array<i32>} : memref<2080xi32, #tpu.memory_space<vmem>>, vector<16xi32>, vector<16xi1>
        tpu.vector_store %arg21[%swap3A_1078], %add3A_934 masked %le3A_929 {strides = array<i32>} : memref<2080xi32, #tpu.memory_space<vmem>>, vector<16xi32>, vector<16xi1>
        %slice3A_1080 = vector.extract_strided_slice %all_reduce_population_count3A_930 {offsets = [0], sizes = [1], strides = [1]} : vector<16xi32> to vector<1xi32>
        %squeeze3A_1081 = vector.extract %slice3A_1080[0] : i32 from vector<1xi32>
        %add3A_1082 = arith.addi %add3A_1077, %squeeze3A_1081 : i32
        %swap3A_1083 = arith.index_cast %add3A_1082 : i32 to index
        %swap3A_1084 = tpu.vector_load %arg21[%swap3A_1083] masked %le3A_956 {strides = array<i32>} : memref<2080xi32, #tpu.memory_space<vmem>>, vector<16xi32>, vector<16xi1>
        tpu.vector_store %arg21[%swap3A_1083], %add3A_961 masked %le3A_956 {strides = array<i32>} : memref<2080xi32, #tpu.memory_space<vmem>>, vector<16xi32>, vector<16xi1>
        %slice3A_1085 = vector.extract_strided_slice %all_reduce_population_count3A_957 {offsets = [0], sizes = [1], strides = [1]} : vector<16xi32> to vector<1xi32>
        %squeeze3A_1086 = vector.extract %slice3A_1085[0] : i32 from vector<1xi32>
        %add3A_1087 = arith.addi %add3A_1082, %squeeze3A_1086 : i32
        %swap3A_1088 = arith.index_cast %add3A_1087 : i32 to index
        %swap3A_1089 = tpu.vector_load %arg21[%swap3A_1088] masked %le3A_983 {strides = array<i32>} : memref<2080xi32, #tpu.memory_space<vmem>>, vector<16xi32>, vector<16xi1>
        tpu.vector_store %arg21[%swap3A_1088], %add3A_988 masked %le3A_983 {strides = array<i32>} : memref<2080xi32, #tpu.memory_space<vmem>>, vector<16xi32>, vector<16xi1>
        %slice3A_1090 = vector.extract_strided_slice %all_reduce_population_count3A_984 {offsets = [0], sizes = [1], strides = [1]} : vector<16xi32> to vector<1xi32>
        %squeeze3A_1091 = vector.extract %slice3A_1090[0] : i32 from vector<1xi32>
        %add3A_1092 = arith.addi %add3A_1087, %squeeze3A_1091 : i32
        %swap3A_1093 = arith.index_cast %add3A_1092 : i32 to index
        %swap3A_1094 = tpu.vector_load %arg21[%swap3A_1093] masked %le3A_1010 {strides = array<i32>} : memref<2080xi32, #tpu.memory_space<vmem>>, vector<16xi32>, vector<16xi1>
        tpu.vector_store %arg21[%swap3A_1093], %add3A_1015 masked %le3A_1010 {strides = array<i32>} : memref<2080xi32, #tpu.memory_space<vmem>>, vector<16xi32>, vector<16xi1>
        %slice3A_1095 = vector.extract_strided_slice %all_reduce_population_count3A_1011 {offsets = [0], sizes = [1], strides = [1]} : vector<16xi32> to vector<1xi32>
        %squeeze3A_1096 = vector.extract %slice3A_1095[0] : i32 from vector<1xi32>
        %add3A_1097 = arith.addi %add3A_1092, %squeeze3A_1096 : i32
        %swap3A_1098 = arith.index_cast %add3A_1097 : i32 to index
        %swap3A_1099 = tpu.vector_load %arg21[%swap3A_1098] masked %le3A_1037 {strides = array<i32>} : memref<2080xi32, #tpu.memory_space<vmem>>, vector<16xi32>, vector<16xi1>
        tpu.vector_store %arg21[%swap3A_1098], %add3A_1042 masked %le3A_1037 {strides = array<i32>} : memref<2080xi32, #tpu.memory_space<vmem>>, vector<16xi32>, vector<16xi1>
        %slice3A_1100 = vector.extract_strided_slice %all_reduce_population_count3A_1038 {offsets = [0], sizes = [1], strides = [1]} : vector<16xi32> to vector<1xi32>
        %squeeze3A_1101 = vector.extract %slice3A_1100[0] : i32 from vector<1xi32>
        %add3A_1102 = arith.addi %add3A_1097, %squeeze3A_1101 : i32
        %swap3A_1103 = arith.index_cast %add3A_1102 : i32 to index
        %swap3A_1104 = tpu.vector_load %arg21[%swap3A_1103] masked %le3A_1064 {strides = array<i32>} : memref<2080xi32, #tpu.memory_space<vmem>>, vector<16xi32>, vector<16xi1>
        tpu.vector_store %arg21[%swap3A_1103], %add3A_1069 masked %le3A_1064 {strides = array<i32>} : memref<2080xi32, #tpu.memory_space<vmem>>, vector<16xi32>, vector<16xi1>
        %slice3A_1105 = vector.extract_strided_slice %all_reduce_population_count3A_1065 {offsets = [0], sizes = [1], strides = [1]} : vector<16xi32> to vector<1xi32>
        %squeeze3A_1106 = vector.extract %slice3A_1105[0] : i32 from vector<1xi32>
        %add3A_1107 = arith.addi %add3A_1102, %squeeze3A_1106 : i32
        scf.yield %add3A_1107 : i32
      }
      %scan3A_682 = arith.constant 16 : i32
      %gt3A_683 = arith.constant 64 : i32
      %gt3A_684 = arith.cmpi sgt, %scan3A_681, %gt3A_683 : i32
      %convert_element_type3A_685 = arith.extui %gt3A_684 : i1 to i32
      %cond3A_686 = arith.constant 0 : i32
      %cond3A_687 = arith.cmpi ne, %convert_element_type3A_685, %cond3A_686 : i32
      scf.if %cond3A_687 {
        %add3A_854 = arith.constant 15 : i32
        %add3A_855 = arith.addi %scan3A_681, %add3A_854 : i32
        %jit3A_856 = arith.constant 16 : i32
        %div3A_857 = arith.divsi %add3A_855, %jit3A_856 : i32
        %sign3A_858 = arith.constant 0 : i32
        %sign3A_859 = arith.cmpi sgt, %add3A_855, %sign3A_858 : i32
        %sign3A_860 = arith.extui %sign3A_859 : i1 to i32
        %sign3A_861 = arith.constant 0 : i32
        %sign3A_862 = arith.cmpi slt, %add3A_855, %sign3A_861 : i32
        %sign3A_863 = arith.extui %sign3A_862 : i1 to i32
        %sign3A_864 = arith.subi %sign3A_860, %sign3A_863 : i32
        %sign3A_865 = arith.constant 0 : i32
        %sign3A_866 = arith.cmpi sgt, %jit3A_856, %sign3A_865 : i32
        %sign3A_867 = arith.extui %sign3A_866 : i1 to i32
        %sign3A_868 = arith.constant 0 : i32
        %sign3A_869 = arith.cmpi slt, %jit3A_856, %sign3A_868 : i32
        %sign3A_870 = arith.extui %sign3A_869 : i1 to i32
        %sign3A_871 = arith.subi %sign3A_867, %sign3A_870 : i32
        %ne3A_872 = arith.cmpi ne, %sign3A_864, %sign3A_871 : i32
        %rem3A_873 = arith.remsi %add3A_855, %jit3A_856 : i32
        %ne3A_874 = arith.constant 0 : i32
        %ne3A_875 = arith.cmpi ne, %rem3A_873, %ne3A_874 : i32
        %and3A_876 = arith.andi %ne3A_872, %ne3A_875 : i1
        %sub3A_877 = arith.constant 1 : i32
        %sub3A_878 = arith.subi %div3A_857, %sub3A_877 : i32
        %select_n3A_879 = arith.select %and3A_876, %sub3A_878, %div3A_857 : i32
        %while3A = arith.constant 0 : i32
        %while3A_880 = arith.constant 1018712556 : i32
        %while3A_881:2 = scf.while (%while3A_921 = %while3A, %while3A_922 = %while3A_880) : (i32, i32) -> (i32, i32) {
          %lt3A_923 = arith.cmpi slt, %while3A_921, %while3A_922 : i32
          scf.condition(%lt3A_923) %while3A_921, %while3A_922 : i32, i32
        } do {
        ^bb0(%while3A_921: i32, %while3A_922: i32):
          %add3A_923 = arith.addi %while3A_921, %while3A_922 : i32
          %jit3A_924 = arith.constant 2 : i32
          %div3A_925 = arith.divsi %add3A_923, %jit3A_924 : i32
          %sign3A_926 = arith.constant 0 : i32
          %sign3A_927 = arith.cmpi sgt, %add3A_923, %sign3A_926 : i32
          %sign3A_928 = arith.extui %sign3A_927 : i1 to i32
          %sign3A_929 = arith.constant 0 : i32
          %sign3A_930 = arith.cmpi slt, %add3A_923, %sign3A_929 : i32
          %sign3A_931 = arith.extui %sign3A_930 : i1 to i32
          %sign3A_932 = arith.subi %sign3A_928, %sign3A_931 : i32
          %sign3A_933 = arith.constant 0 : i32
          %sign3A_934 = arith.cmpi sgt, %jit3A_924, %sign3A_933 : i32
          %sign3A_935 = arith.extui %sign3A_934 : i1 to i32
          %sign3A_936 = arith.constant 0 : i32
          %sign3A_937 = arith.cmpi slt, %jit3A_924, %sign3A_936 : i32
          %sign3A_938 = arith.extui %sign3A_937 : i1 to i32
          %sign3A_939 = arith.subi %sign3A_935, %sign3A_938 : i32
          %ne3A_940 = arith.cmpi ne, %sign3A_932, %sign3A_939 : i32
          %rem3A_941 = arith.remsi %add3A_923, %jit3A_924 : i32
          %ne3A_942 = arith.constant 0 : i32
          %ne3A_943 = arith.cmpi ne, %rem3A_941, %ne3A_942 : i32
          %and3A_944 = arith.andi %ne3A_940, %ne3A_943 : i1
          %sub3A_945 = arith.constant 1 : i32
          %sub3A_946 = arith.subi %div3A_925, %sub3A_945 : i32
          %select_n3A_947 = arith.select %and3A_944, %sub3A_946, %div3A_925 : i32
          %while3A_948 = arith.constant 0 : i32
          %while3A_949 = arith.constant 0 : i32
          %while3A_950 = arith.subi %select_n3A_879, %while3A_948 : i32
          %while3A_951 = arith.addi %while3A_948, %while3A_950 : i32
          %while3A_952 = arith.constant 1 : i32
          %while3A_953 = arith.divsi %while3A_950, %while3A_952 : i32
          %while3A_954 = arith.muli %while3A_953, %while3A_952 : i32
          %while3A_955 = arith.addi %while3A_948, %while3A_954 : i32
          %while3A_956 = arith.constant 1 : i32
          %while3A_957 = scf.for %while3A_965 = %while3A_948 to %while3A_955 step %while3A_956 iter_args(%while3A_966 = %while3A_949) -> (i32)  : i32 {
            %mul3A_967 = arith.constant 16 : i32
            %mul3A_968 = arith.muli %while3A_965, %mul3A_967 : i32
            %get3A_969 = arith.index_cast %mul3A_968 : i32 to index
            %get3A_970 = tpu.vector_load %arg21[%get3A_969] {strides = array<i32>} : memref<2080xi32, #tpu.memory_space<vmem>>, vector<16xi32>,
            %gather3A_971 = tpu.vector_load_idx %arg13[%get3A_970] : memref<2048xf32, #tpu.memory_space<vmem>>[vector<16xi32>], vector<16xf32>,
            %sub3A_972 = arith.subf %gather3A_971, %gather3A_673 : vector<16xf32>
            %gather3A_973 = tpu.vector_load_idx %arg14[%get3A_970] : memref<2048xf32, #tpu.memory_space<vmem>>[vector<16xi32>], vector<16xf32>,
            %sub3A_974 = arith.subf %gather3A_973, %gather3A_674 : vector<16xf32>
            %gather3A_975 = tpu.vector_load_idx %arg15[%get3A_970] : memref<2048xf32, #tpu.memory_space<vmem>>[vector<16xi32>], vector<16xf32>,
            %sub3A_976 = arith.subf %gather3A_975, %gather3A_675 : vector<16xf32>
            %mul3A_977 = arith.mulf %sub3A_972, %sub3A_972 : vector<16xf32>
            %mul3A_978 = arith.mulf %sub3A_974, %sub3A_974 : vector<16xf32>
            %add3A_979 = arith.addf %mul3A_977, %mul3A_978 : vector<16xf32>
            %mul3A_980 = arith.mulf %sub3A_976, %sub3A_976 : vector<16xf32>
            %add3A_981 = arith.addf %add3A_979, %mul3A_980 : vector<16xf32>
            %mul3A_982 = arith.constant 16 : i32
            %mul3A_983 = arith.muli %while3A_965, %mul3A_982 : i32
            %add3A_984 = vector.broadcast %mul3A_983 : i32 to vector<16xi32>
            %add3A_985 = arith.addi %add3A_984, %iota3A : vector<16xi32>
            %bitcast3A = vector.bitcast %add3A_981 : vector<16xf32> to vector<16xi32>
            %lt3A_986 = vector.broadcast %scan3A_681 : i32 to vector<16xi32>
            %lt3A_987 = arith.cmpi slt, %add3A_985, %lt3A_986 : vector<16xi32>
            %le3A = vector.broadcast %select_n3A_947 : i32 to vector<16xi32>
            %le3A_988 = arith.cmpi sle, %bitcast3A, %le3A : vector<16xi32>
            %and3A_989 = arith.andi %le3A_988, %lt3A_987 : vector<16xi1>
            %all_reduce_population_count3A = tpu.all_reduce %and3A_989 {dim = 0 : i64, kind = #tpu.reduction_kind<sum>} : vector<16xi1> -> vector<16xi32>
            %slice3A = vector.extract_strided_slice %all_reduce_population_count3A {offsets = [0], sizes = [1], strides = [1]} : vector<16xi32> to vector<1xi32>
            %squeeze3A = vector.extract %slice3A[0] : i32 from vector<1xi32>
            %add3A_990 = arith.addi %while3A_966, %squeeze3A : i32
            scf.yield %add3A_990 : i32
          }
          %while3A_958 = arith.constant 1 : i32
          %while3A_959 = scf.for %while3A_965 = %while3A_955 to %while3A_951 step %while3A_958 iter_args(%while3A_966 = %while3A_957) -> (i32)  : i32 {
            %mul3A_967 = arith.constant 16 : i32
            %mul3A_968 = arith.muli %while3A_965, %mul3A_967 : i32
            %get3A_969 = arith.index_cast %mul3A_968 : i32 to index
            %get3A_970 = tpu.vector_load %arg21[%get3A_969] {strides = array<i32>} : memref<2080xi32, #tpu.memory_space<vmem>>, vector<16xi32>,
            %gather3A_971 = tpu.vector_load_idx %arg13[%get3A_970] : memref<2048xf32, #tpu.memory_space<vmem>>[vector<16xi32>], vector<16xf32>,
            %sub3A_972 = arith.subf %gather3A_971, %gather3A_673 : vector<16xf32>
            %gather3A_973 = tpu.vector_load_idx %arg14[%get3A_970] : memref<2048xf32, #tpu.memory_space<vmem>>[vector<16xi32>], vector<16xf32>,
            %sub3A_974 = arith.subf %gather3A_973, %gather3A_674 : vector<16xf32>
            %gather3A_975 = tpu.vector_load_idx %arg15[%get3A_970] : memref<2048xf32, #tpu.memory_space<vmem>>[vector<16xi32>], vector<16xf32>,
            %sub3A_976 = arith.subf %gather3A_975, %gather3A_675 : vector<16xf32>
            %mul3A_977 = arith.mulf %sub3A_972, %sub3A_972 : vector<16xf32>
            %mul3A_978 = arith.mulf %sub3A_974, %sub3A_974 : vector<16xf32>
            %add3A_979 = arith.addf %mul3A_977, %mul3A_978 : vector<16xf32>
            %mul3A_980 = arith.mulf %sub3A_976, %sub3A_976 : vector<16xf32>
            %add3A_981 = arith.addf %add3A_979, %mul3A_980 : vector<16xf32>
            %mul3A_982 = arith.constant 16 : i32
            %mul3A_983 = arith.muli %while3A_965, %mul3A_982 : i32
            %add3A_984 = vector.broadcast %mul3A_983 : i32 to vector<16xi32>
            %add3A_985 = arith.addi %add3A_984, %iota3A : vector<16xi32>
            %bitcast3A = vector.bitcast %add3A_981 : vector<16xf32> to vector<16xi32>
            %lt3A_986 = vector.broadcast %scan3A_681 : i32 to vector<16xi32>
            %lt3A_987 = arith.cmpi slt, %add3A_985, %lt3A_986 : vector<16xi32>
            %le3A = vector.broadcast %select_n3A_947 : i32 to vector<16xi32>
            %le3A_988 = arith.cmpi sle, %bitcast3A, %le3A : vector<16xi32>
            %and3A_989 = arith.andi %le3A_988, %lt3A_987 : vector<16xi1>
            %all_reduce_population_count3A = tpu.all_reduce %and3A_989 {dim = 0 : i64, kind = #tpu.reduction_kind<sum>} : vector<16xi1> -> vector<16xi32>
            %slice3A = vector.extract_strided_slice %all_reduce_population_count3A {offsets = [0], sizes = [1], strides = [1]} : vector<16xi32> to vector<1xi32>
            %squeeze3A = vector.extract %slice3A[0] : i32 from vector<1xi32>
            %add3A_990 = arith.addi %while3A_966, %squeeze3A : i32
            scf.yield %add3A_990 : i32
          }
          %ge3A = arith.constant 64 : i32
          %ge3A_960 = arith.cmpi sge, %while3A_959, %ge3A : i32
          %add3A_961 = arith.constant 1 : i32
          %add3A_962 = arith.addi %select_n3A_947, %add3A_961 : i32
          %select_n3A_963 = arith.select %ge3A_960, %while3A_921, %add3A_962 : i32
          %select_n3A_964 = arith.select %ge3A_960, %select_n3A_947, %while3A_922 : i32
          scf.yield %select_n3A_963, %select_n3A_964 : i32, i32
        }
        %while3A_882 = arith.constant 0 : i32
        %while3A_883 = arith.constant 0 : i32
        %while3A_884 = arith.subi %select_n3A_879, %while3A_882 : i32
        %while3A_885 = arith.addi %while3A_882, %while3A_884 : i32
        %while3A_886 = arith.constant 1 : i32
        %while3A_887 = arith.divsi %while3A_884, %while3A_886 : i32
        %while3A_888 = arith.muli %while3A_887, %while3A_886 : i32
        %while3A_889 = arith.addi %while3A_882, %while3A_888 : i32
        %while3A_890 = arith.constant 1 : i32
        %while3A_891 = scf.for %while3A_921 = %while3A_882 to %while3A_889 step %while3A_890 iter_args(%while3A_922 = %while3A_883) -> (i32)  : i32 {
          %mul3A_923 = arith.constant 16 : i32
          %mul3A_924 = arith.muli %while3A_921, %mul3A_923 : i32
          %get3A_925 = arith.index_cast %mul3A_924 : i32 to index
          %get3A_926 = tpu.vector_load %arg21[%get3A_925] {strides = array<i32>} : memref<2080xi32, #tpu.memory_space<vmem>>, vector<16xi32>,
          %gather3A_927 = tpu.vector_load_idx %arg13[%get3A_926] : memref<2048xf32, #tpu.memory_space<vmem>>[vector<16xi32>], vector<16xf32>,
          %sub3A_928 = arith.subf %gather3A_927, %gather3A_673 : vector<16xf32>
          %gather3A_929 = tpu.vector_load_idx %arg14[%get3A_926] : memref<2048xf32, #tpu.memory_space<vmem>>[vector<16xi32>], vector<16xf32>,
          %sub3A_930 = arith.subf %gather3A_929, %gather3A_674 : vector<16xf32>
          %gather3A_931 = tpu.vector_load_idx %arg15[%get3A_926] : memref<2048xf32, #tpu.memory_space<vmem>>[vector<16xi32>], vector<16xf32>,
          %sub3A_932 = arith.subf %gather3A_931, %gather3A_675 : vector<16xf32>
          %mul3A_933 = arith.mulf %sub3A_928, %sub3A_928 : vector<16xf32>
          %mul3A_934 = arith.mulf %sub3A_930, %sub3A_930 : vector<16xf32>
          %add3A_935 = arith.addf %mul3A_933, %mul3A_934 : vector<16xf32>
          %mul3A_936 = arith.mulf %sub3A_932, %sub3A_932 : vector<16xf32>
          %add3A_937 = arith.addf %add3A_935, %mul3A_936 : vector<16xf32>
          %mul3A_938 = arith.constant 16 : i32
          %mul3A_939 = arith.muli %while3A_921, %mul3A_938 : i32
          %add3A_940 = vector.broadcast %mul3A_939 : i32 to vector<16xi32>
          %add3A_941 = arith.addi %add3A_940, %iota3A : vector<16xi32>
          %bitcast3A = vector.bitcast %add3A_937 : vector<16xf32> to vector<16xi32>
          %lt3A_942 = vector.broadcast %scan3A_681 : i32 to vector<16xi32>
          %lt3A_943 = arith.cmpi slt, %add3A_941, %lt3A_942 : vector<16xi32>
          %lt3A_944 = vector.broadcast %while3A_881#0 : i32 to vector<16xi32>
          %lt3A_945 = arith.cmpi slt, %bitcast3A, %lt3A_944 : vector<16xi32>
          %and3A_946 = arith.andi %lt3A_945, %lt3A_943 : vector<16xi1>
          %swap3A_947 = arith.index_cast %while3A_922 : i32 to index
          %swap3A_948 = tpu.vector_load %arg22[%swap3A_947] masked %and3A_946 {strides = array<i32>} : memref<80xi32, #tpu.memory_space<vmem>>, vector<16xi32>, vector<16xi1>
          tpu.vector_store %arg22[%swap3A_947], %get3A_926 masked %and3A_946 {strides = array<i32>} : memref<80xi32, #tpu.memory_space<vmem>>, vector<16xi32>, vector<16xi1>
          %all_reduce_population_count3A = tpu.all_reduce %and3A_946 {dim = 0 : i64, kind = #tpu.reduction_kind<sum>} : vector<16xi1> -> vector<16xi32>
          %slice3A = vector.extract_strided_slice %all_reduce_population_count3A {offsets = [0], sizes = [1], strides = [1]} : vector<16xi32> to vector<1xi32>
          %squeeze3A = vector.extract %slice3A[0] : i32 from vector<1xi32>
          %add3A_949 = arith.addi %while3A_922, %squeeze3A : i32
          scf.yield %add3A_949 : i32
        }
        %while3A_892 = arith.constant 1 : i32
        %while3A_893 = scf.for %while3A_921 = %while3A_889 to %while3A_885 step %while3A_892 iter_args(%while3A_922 = %while3A_891) -> (i32)  : i32 {
          %mul3A_923 = arith.constant 16 : i32
          %mul3A_924 = arith.muli %while3A_921, %mul3A_923 : i32
          %get3A_925 = arith.index_cast %mul3A_924 : i32 to index
          %get3A_926 = tpu.vector_load %arg21[%get3A_925] {strides = array<i32>} : memref<2080xi32, #tpu.memory_space<vmem>>, vector<16xi32>,
          %gather3A_927 = tpu.vector_load_idx %arg13[%get3A_926] : memref<2048xf32, #tpu.memory_space<vmem>>[vector<16xi32>], vector<16xf32>,
          %sub3A_928 = arith.subf %gather3A_927, %gather3A_673 : vector<16xf32>
          %gather3A_929 = tpu.vector_load_idx %arg14[%get3A_926] : memref<2048xf32, #tpu.memory_space<vmem>>[vector<16xi32>], vector<16xf32>,
          %sub3A_930 = arith.subf %gather3A_929, %gather3A_674 : vector<16xf32>
          %gather3A_931 = tpu.vector_load_idx %arg15[%get3A_926] : memref<2048xf32, #tpu.memory_space<vmem>>[vector<16xi32>], vector<16xf32>,
          %sub3A_932 = arith.subf %gather3A_931, %gather3A_675 : vector<16xf32>
          %mul3A_933 = arith.mulf %sub3A_928, %sub3A_928 : vector<16xf32>
          %mul3A_934 = arith.mulf %sub3A_930, %sub3A_930 : vector<16xf32>
          %add3A_935 = arith.addf %mul3A_933, %mul3A_934 : vector<16xf32>
          %mul3A_936 = arith.mulf %sub3A_932, %sub3A_932 : vector<16xf32>
          %add3A_937 = arith.addf %add3A_935, %mul3A_936 : vector<16xf32>
          %mul3A_938 = arith.constant 16 : i32
          %mul3A_939 = arith.muli %while3A_921, %mul3A_938 : i32
          %add3A_940 = vector.broadcast %mul3A_939 : i32 to vector<16xi32>
          %add3A_941 = arith.addi %add3A_940, %iota3A : vector<16xi32>
          %bitcast3A = vector.bitcast %add3A_937 : vector<16xf32> to vector<16xi32>
          %lt3A_942 = vector.broadcast %scan3A_681 : i32 to vector<16xi32>
          %lt3A_943 = arith.cmpi slt, %add3A_941, %lt3A_942 : vector<16xi32>
          %lt3A_944 = vector.broadcast %while3A_881#0 : i32 to vector<16xi32>
          %lt3A_945 = arith.cmpi slt, %bitcast3A, %lt3A_944 : vector<16xi32>
          %and3A_946 = arith.andi %lt3A_945, %lt3A_943 : vector<16xi1>
          %swap3A_947 = arith.index_cast %while3A_922 : i32 to index
          %swap3A_948 = tpu.vector_load %arg22[%swap3A_947] masked %and3A_946 {strides = array<i32>} : memref<80xi32, #tpu.memory_space<vmem>>, vector<16xi32>, vector<16xi1>
          tpu.vector_store %arg22[%swap3A_947], %get3A_926 masked %and3A_946 {strides = array<i32>} : memref<80xi32, #tpu.memory_space<vmem>>, vector<16xi32>, vector<16xi1>
          %all_reduce_population_count3A = tpu.all_reduce %and3A_946 {dim = 0 : i64, kind = #tpu.reduction_kind<sum>} : vector<16xi1> -> vector<16xi32>
          %slice3A = vector.extract_strided_slice %all_reduce_population_count3A {offsets = [0], sizes = [1], strides = [1]} : vector<16xi32> to vector<1xi32>
          %squeeze3A = vector.extract %slice3A[0] : i32 from vector<1xi32>
          %add3A_949 = arith.addi %while3A_922, %squeeze3A : i32
          scf.yield %add3A_949 : i32
        }
        %while3A_894 = arith.constant 0 : i32
        %while3A_895 = arith.subi %select_n3A_879, %while3A_894 : i32
        %while3A_896 = arith.addi %while3A_894, %while3A_895 : i32
        %while3A_897 = arith.constant 1 : i32
        %while3A_898 = arith.divsi %while3A_895, %while3A_897 : i32
        %while3A_899 = arith.muli %while3A_898, %while3A_897 : i32
        %while3A_900 = arith.addi %while3A_894, %while3A_899 : i32
        %while3A_901 = arith.constant 1 : i32
        %while3A_902 = scf.for %while3A_921 = %while3A_894 to %while3A_900 step %while3A_901 iter_args(%while3A_922 = %while3A_893) -> (i32)  : i32 {
          %mul3A_923 = arith.constant 16 : i32
          %mul3A_924 = arith.muli %while3A_921, %mul3A_923 : i32
          %get3A_925 = arith.index_cast %mul3A_924 : i32 to index
          %get3A_926 = tpu.vector_load %arg21[%get3A_925] {strides = array<i32>} : memref<2080xi32, #tpu.memory_space<vmem>>, vector<16xi32>,
          %gather3A_927 = tpu.vector_load_idx %arg13[%get3A_926] : memref<2048xf32, #tpu.memory_space<vmem>>[vector<16xi32>], vector<16xf32>,
          %sub3A_928 = arith.subf %gather3A_927, %gather3A_673 : vector<16xf32>
          %gather3A_929 = tpu.vector_load_idx %arg14[%get3A_926] : memref<2048xf32, #tpu.memory_space<vmem>>[vector<16xi32>], vector<16xf32>,
          %sub3A_930 = arith.subf %gather3A_929, %gather3A_674 : vector<16xf32>
          %gather3A_931 = tpu.vector_load_idx %arg15[%get3A_926] : memref<2048xf32, #tpu.memory_space<vmem>>[vector<16xi32>], vector<16xf32>,
          %sub3A_932 = arith.subf %gather3A_931, %gather3A_675 : vector<16xf32>
          %mul3A_933 = arith.mulf %sub3A_928, %sub3A_928 : vector<16xf32>
          %mul3A_934 = arith.mulf %sub3A_930, %sub3A_930 : vector<16xf32>
          %add3A_935 = arith.addf %mul3A_933, %mul3A_934 : vector<16xf32>
          %mul3A_936 = arith.mulf %sub3A_932, %sub3A_932 : vector<16xf32>
          %add3A_937 = arith.addf %add3A_935, %mul3A_936 : vector<16xf32>
          %mul3A_938 = arith.constant 16 : i32
          %mul3A_939 = arith.muli %while3A_921, %mul3A_938 : i32
          %add3A_940 = vector.broadcast %mul3A_939 : i32 to vector<16xi32>
          %add3A_941 = arith.addi %add3A_940, %iota3A : vector<16xi32>
          %bitcast3A = vector.bitcast %add3A_937 : vector<16xf32> to vector<16xi32>
          %lt3A_942 = vector.broadcast %scan3A_681 : i32 to vector<16xi32>
          %lt3A_943 = arith.cmpi slt, %add3A_941, %lt3A_942 : vector<16xi32>
          %eq3A_944 = vector.broadcast %while3A_881#0 : i32 to vector<16xi32>
          %eq3A_945 = arith.cmpi eq, %bitcast3A, %eq3A_944 : vector<16xi32>
          %and3A_946 = arith.andi %eq3A_945, %lt3A_943 : vector<16xi1>
          %convert_element_type3A_947 = arith.extui %and3A_946 : vector<16xi1> to vector<16xi32>
          %broadcast_in_dim3A_948 = arith.constant true
          %broadcast_in_dim3A_949 = vector.broadcast %broadcast_in_dim3A_948 : i1 to vector<16xi1>
          %masked_cumsum3A = tpu.scan <sum>, %convert_element_type3A_947 masked %broadcast_in_dim3A_949 : vector<16xi32>, vector<16xi1> -> vector<16xi32>
          %add3A_950 = vector.broadcast %while3A_922 : i32 to vector<16xi32>
          %add3A_951 = arith.addi %add3A_950, %masked_cumsum3A : vector<16xi32>
          %le3A = arith.constant 64 : i32
          %le3A_952 = vector.broadcast %le3A : i32 to vector<16xi32>
          %le3A_953 = arith.cmpi sle, %add3A_951, %le3A_952 : vector<16xi32>
          %and3A_954 = arith.andi %and3A_946, %le3A_953 : vector<16xi1>
          %swap3A_955 = arith.index_cast %while3A_922 : i32 to index
          %swap3A_956 = tpu.vector_load %arg22[%swap3A_955] masked %and3A_954 {strides = array<i32>} : memref<80xi32, #tpu.memory_space<vmem>>, vector<16xi32>, vector<16xi1>
          tpu.vector_store %arg22[%swap3A_955], %get3A_926 masked %and3A_954 {strides = array<i32>} : memref<80xi32, #tpu.memory_space<vmem>>, vector<16xi32>, vector<16xi1>
          %all_reduce_population_count3A = tpu.all_reduce %and3A_954 {dim = 0 : i64, kind = #tpu.reduction_kind<sum>} : vector<16xi1> -> vector<16xi32>
          %slice3A = vector.extract_strided_slice %all_reduce_population_count3A {offsets = [0], sizes = [1], strides = [1]} : vector<16xi32> to vector<1xi32>
          %squeeze3A = vector.extract %slice3A[0] : i32 from vector<1xi32>
          %add3A_957 = arith.addi %while3A_922, %squeeze3A : i32
          scf.yield %add3A_957 : i32
        }
        %while3A_903 = arith.constant 1 : i32
        %while3A_904 = scf.for %while3A_921 = %while3A_900 to %while3A_896 step %while3A_903 iter_args(%while3A_922 = %while3A_902) -> (i32)  : i32 {
          %mul3A_923 = arith.constant 16 : i32
          %mul3A_924 = arith.muli %while3A_921, %mul3A_923 : i32
          %get3A_925 = arith.index_cast %mul3A_924 : i32 to index
          %get3A_926 = tpu.vector_load %arg21[%get3A_925] {strides = array<i32>} : memref<2080xi32, #tpu.memory_space<vmem>>, vector<16xi32>,
          %gather3A_927 = tpu.vector_load_idx %arg13[%get3A_926] : memref<2048xf32, #tpu.memory_space<vmem>>[vector<16xi32>], vector<16xf32>,
          %sub3A_928 = arith.subf %gather3A_927, %gather3A_673 : vector<16xf32>
          %gather3A_929 = tpu.vector_load_idx %arg14[%get3A_926] : memref<2048xf32, #tpu.memory_space<vmem>>[vector<16xi32>], vector<16xf32>,
          %sub3A_930 = arith.subf %gather3A_929, %gather3A_674 : vector<16xf32>
          %gather3A_931 = tpu.vector_load_idx %arg15[%get3A_926] : memref<2048xf32, #tpu.memory_space<vmem>>[vector<16xi32>], vector<16xf32>,
          %sub3A_932 = arith.subf %gather3A_931, %gather3A_675 : vector<16xf32>
          %mul3A_933 = arith.mulf %sub3A_928, %sub3A_928 : vector<16xf32>
          %mul3A_934 = arith.mulf %sub3A_930, %sub3A_930 : vector<16xf32>
          %add3A_935 = arith.addf %mul3A_933, %mul3A_934 : vector<16xf32>
          %mul3A_936 = arith.mulf %sub3A_932, %sub3A_932 : vector<16xf32>
          %add3A_937 = arith.addf %add3A_935, %mul3A_936 : vector<16xf32>
          %mul3A_938 = arith.constant 16 : i32
          %mul3A_939 = arith.muli %while3A_921, %mul3A_938 : i32
          %add3A_940 = vector.broadcast %mul3A_939 : i32 to vector<16xi32>
          %add3A_941 = arith.addi %add3A_940, %iota3A : vector<16xi32>
          %bitcast3A = vector.bitcast %add3A_937 : vector<16xf32> to vector<16xi32>
          %lt3A_942 = vector.broadcast %scan3A_681 : i32 to vector<16xi32>
          %lt3A_943 = arith.cmpi slt, %add3A_941, %lt3A_942 : vector<16xi32>
          %eq3A_944 = vector.broadcast %while3A_881#0 : i32 to vector<16xi32>
          %eq3A_945 = arith.cmpi eq, %bitcast3A, %eq3A_944 : vector<16xi32>
          %and3A_946 = arith.andi %eq3A_945, %lt3A_943 : vector<16xi1>
          %convert_element_type3A_947 = arith.extui %and3A_946 : vector<16xi1> to vector<16xi32>
          %broadcast_in_dim3A_948 = arith.constant true
          %broadcast_in_dim3A_949 = vector.broadcast %broadcast_in_dim3A_948 : i1 to vector<16xi1>
          %masked_cumsum3A = tpu.scan <sum>, %convert_element_type3A_947 masked %broadcast_in_dim3A_949 : vector<16xi32>, vector<16xi1> -> vector<16xi32>
          %add3A_950 = vector.broadcast %while3A_922 : i32 to vector<16xi32>
          %add3A_951 = arith.addi %add3A_950, %masked_cumsum3A : vector<16xi32>
          %le3A = arith.constant 64 : i32
          %le3A_952 = vector.broadcast %le3A : i32 to vector<16xi32>
          %le3A_953 = arith.cmpi sle, %add3A_951, %le3A_952 : vector<16xi32>
          %and3A_954 = arith.andi %and3A_946, %le3A_953 : vector<16xi1>
          %swap3A_955 = arith.index_cast %while3A_922 : i32 to index
          %swap3A_956 = tpu.vector_load %arg22[%swap3A_955] masked %and3A_954 {strides = array<i32>} : memref<80xi32, #tpu.memory_space<vmem>>, vector<16xi32>, vector<16xi1>
          tpu.vector_store %arg22[%swap3A_955], %get3A_926 masked %and3A_954 {strides = array<i32>} : memref<80xi32, #tpu.memory_space<vmem>>, vector<16xi32>, vector<16xi1>
          %all_reduce_population_count3A = tpu.all_reduce %and3A_954 {dim = 0 : i64, kind = #tpu.reduction_kind<sum>} : vector<16xi1> -> vector<16xi32>
          %slice3A = vector.extract_strided_slice %all_reduce_population_count3A {offsets = [0], sizes = [1], strides = [1]} : vector<16xi32> to vector<1xi32>
          %squeeze3A = vector.extract %slice3A[0] : i32 from vector<1xi32>
          %add3A_957 = arith.addi %while3A_922, %squeeze3A : i32
          scf.yield %add3A_957 : i32
        }
        %get3A_905 = arith.constant 0 : index
        %get3A_906 = tpu.vector_load %arg22[%get3A_905] {strides = array<i32>} : memref<80xi32, #tpu.memory_space<vmem>>, vector<16xi32>,
        %swap3A_907 = arith.constant 0 : index
        %swap3A_908 = tpu.vector_load %arg21[%swap3A_907] {strides = array<i32>} : memref<2080xi32, #tpu.memory_space<vmem>>, vector<16xi32>,
        tpu.vector_store %arg21[%swap3A_907], %get3A_906 {strides = array<i32>} : memref<2080xi32, #tpu.memory_space<vmem>>, vector<16xi32>,
        %get3A_909 = arith.constant 16 : index
        %get3A_910 = tpu.vector_load %arg22[%get3A_909] {strides = array<i32>} : memref<80xi32, #tpu.memory_space<vmem>>, vector<16xi32>,
        %swap3A_911 = arith.constant 16 : index
        %swap3A_912 = tpu.vector_load %arg21[%swap3A_911] {strides = array<i32>} : memref<2080xi32, #tpu.memory_space<vmem>>, vector<16xi32>,
        tpu.vector_store %arg21[%swap3A_911], %get3A_910 {strides = array<i32>} : memref<2080xi32, #tpu.memory_space<vmem>>, vector<16xi32>,
        %get3A_913 = arith.constant 32 : index
        %get3A_914 = tpu.vector_load %arg22[%get3A_913] {strides = array<i32>} : memref<80xi32, #tpu.memory_space<vmem>>, vector<16xi32>,
        %swap3A_915 = arith.constant 32 : index
        %swap3A_916 = tpu.vector_load %arg21[%swap3A_915] {strides = array<i32>} : memref<2080xi32, #tpu.memory_space<vmem>>, vector<16xi32>,
        tpu.vector_store %arg21[%swap3A_915], %get3A_914 {strides = array<i32>} : memref<2080xi32, #tpu.memory_space<vmem>>, vector<16xi32>,
        %get3A_917 = arith.constant 48 : index
        %get3A_918 = tpu.vector_load %arg22[%get3A_917] {strides = array<i32>} : memref<80xi32, #tpu.memory_space<vmem>>, vector<16xi32>,
        %swap3A_919 = arith.constant 48 : index
        %swap3A_920 = tpu.vector_load %arg21[%swap3A_919] {strides = array<i32>} : memref<2080xi32, #tpu.memory_space<vmem>>, vector<16xi32>,
        tpu.vector_store %arg21[%swap3A_919], %get3A_918 {strides = array<i32>} : memref<2080xi32, #tpu.memory_space<vmem>>, vector<16xi32>,
      } else {
      }
      %not3A_688 = arith.constant true
      %not3A_689 = arith.xori %eq3A_670, %not3A_688 : i1
      %convert_element_type3A_690 = arith.extui %not3A_689 : i1 to i32
      %cond3A_691 = arith.constant 0 : i32
      %cond3A_692 = arith.cmpi ne, %convert_element_type3A_690, %cond3A_691 : i32
      scf.if %cond3A_692 {
        %dma_wait3A_854 = arith.constant 0 : i32
        %dma_wait3A_855 = tpu.memref_slice %arg9[%add3A_35, %dma_wait3A_854] : memref<8192x512xf32, #tpu.memory_space<hbm>> -> memref<1x512xf32, #tpu.memory_space<hbm>>
        %dma_wait3A_856 = tpu.memref_squeeze %dma_wait3A_855 : memref<1x512xf32, #tpu.memory_space<hbm>> -> memref<512xf32, #tpu.memory_space<hbm>>
        %dma_wait3A_857 = arith.constant 0 : i32
        %dma_wait3A_858 = tpu.memref_slice %arg9[%add3A_35, %dma_wait3A_857] : memref<8192x512xf32, #tpu.memory_space<hbm>> -> memref<1x512xf32, #tpu.memory_space<hbm>>
        %dma_wait3A_859 = tpu.memref_squeeze %dma_wait3A_858 : memref<1x512xf32, #tpu.memory_space<hbm>> -> memref<512xf32, #tpu.memory_space<hbm>>
        tpu.wait_dma2 semaphore(%arg26 : memref<!tpu.dma_semaphore, #tpu.memory_space<semaphore_mem>>) src(%arg24 : memref<512xf32, #tpu.memory_space<vmem>>) dst(%dma_wait3A_859 : memref<512xf32, #tpu.memory_space<hbm>>)
      } else {
      }
      %min3A_693 = arith.constant 64 : i32
      %min3A_694 = arith.minsi %scan3A_681, %min3A_693 : i32
      %add3A_695 = arith.constant 0 : i32
      %add3A_696 = vector.broadcast %add3A_695 : i32 to vector<16xi32>
      %add3A_697 = arith.addi %add3A_696, %iota3A : vector<16xi32>
      %get3A_698 = arith.constant 0 : index
      %get3A_699 = tpu.vector_load %arg21[%get3A_698] {strides = array<i32>} : memref<2080xi32, #tpu.memory_space<vmem>>, vector<16xi32>,
      %lt3A_700 = vector.broadcast %min3A_694 : i32 to vector<16xi32>
      %lt3A_701 = arith.cmpi slt, %add3A_697, %lt3A_700 : vector<16xi32>
      %select_n3A_702 = arith.select %lt3A_701, %get3A_699, %gather3A_672 : vector<16xi1>, vector<16xi32>
      %gather3A_703 = tpu.vector_load_idx %arg16[%select_n3A_702] : memref<2048xf32, #tpu.memory_space<vmem>>[vector<16xi32>], vector<16xf32>,
      %gather3A_704 = tpu.vector_load_idx %arg17[%select_n3A_702] : memref<2048xf32, #tpu.memory_space<vmem>>[vector<16xi32>], vector<16xf32>,
      %gather3A_705 = tpu.vector_load_idx %arg18[%select_n3A_702] : memref<2048xf32, #tpu.memory_space<vmem>>[vector<16xi32>], vector<16xf32>,
      %gather3A_706 = tpu.vector_load_idx %arg13[%select_n3A_702] : memref<2048xf32, #tpu.memory_space<vmem>>[vector<16xi32>], vector<16xf32>,
      %sub3A_707 = arith.subf %gather3A_706, %gather3A_673 : vector<16xf32>
      %gather3A_708 = tpu.vector_load_idx %arg14[%select_n3A_702] : memref<2048xf32, #tpu.memory_space<vmem>>[vector<16xi32>], vector<16xf32>,
      %sub3A_709 = arith.subf %gather3A_708, %gather3A_674 : vector<16xf32>
      %gather3A_710 = tpu.vector_load_idx %arg15[%select_n3A_702] : memref<2048xf32, #tpu.memory_space<vmem>>[vector<16xi32>], vector<16xf32>,
      %sub3A_711 = arith.subf %gather3A_710, %gather3A_675 : vector<16xf32>
      %mul3A_712 = arith.constant 8 : i32
      %mul3A_713 = vector.broadcast %mul3A_712 : i32 to vector<16xi32>
      %mul3A_714 = arith.muli %add3A_697, %mul3A_713 : vector<16xi32>
      %add3A_715 = arith.constant 0 : i32
      %add3A_716 = vector.broadcast %add3A_715 : i32 to vector<16xi32>
      %add3A_717 = arith.addi %mul3A_714, %add3A_716 : vector<16xi32>
      tpu.vector_store_idx %arg24[%add3A_717], %gather3A_703 : memref<512xf32, #tpu.memory_space<vmem>>[vector<16xi32>], vector<16xf32>,
      %add3A_718 = arith.constant 1 : i32
      %add3A_719 = vector.broadcast %add3A_718 : i32 to vector<16xi32>
      %add3A_720 = arith.addi %mul3A_714, %add3A_719 : vector<16xi32>
      tpu.vector_store_idx %arg24[%add3A_720], %gather3A_704 : memref<512xf32, #tpu.memory_space<vmem>>[vector<16xi32>], vector<16xf32>,
      %add3A_721 = arith.constant 2 : i32
      %add3A_722 = vector.broadcast %add3A_721 : i32 to vector<16xi32>
      %add3A_723 = arith.addi %mul3A_714, %add3A_722 : vector<16xi32>
      tpu.vector_store_idx %arg24[%add3A_723], %gather3A_705 : memref<512xf32, #tpu.memory_space<vmem>>[vector<16xi32>], vector<16xf32>,
      %add3A_724 = arith.constant 3 : i32
      %add3A_725 = vector.broadcast %add3A_724 : i32 to vector<16xi32>
      %add3A_726 = arith.addi %mul3A_714, %add3A_725 : vector<16xi32>
      tpu.vector_store_idx %arg24[%add3A_726], %sub3A_707 : memref<512xf32, #tpu.memory_space<vmem>>[vector<16xi32>], vector<16xf32>,
      %add3A_727 = arith.constant 4 : i32
      %add3A_728 = vector.broadcast %add3A_727 : i32 to vector<16xi32>
      %add3A_729 = arith.addi %mul3A_714, %add3A_728 : vector<16xi32>
      tpu.vector_store_idx %arg24[%add3A_729], %sub3A_709 : memref<512xf32, #tpu.memory_space<vmem>>[vector<16xi32>], vector<16xf32>,
      %add3A_730 = arith.constant 5 : i32
      %add3A_731 = vector.broadcast %add3A_730 : i32 to vector<16xi32>
      %add3A_732 = arith.addi %mul3A_714, %add3A_731 : vector<16xi32>
      tpu.vector_store_idx %arg24[%add3A_732], %sub3A_711 : memref<512xf32, #tpu.memory_space<vmem>>[vector<16xi32>], vector<16xf32>,
      %add3A_733 = arith.constant 16 : i32
      %add3A_734 = vector.broadcast %add3A_733 : i32 to vector<16xi32>
      %add3A_735 = arith.addi %add3A_734, %iota3A : vector<16xi32>
      %get3A_736 = arith.constant 16 : index
      %get3A_737 = tpu.vector_load %arg21[%get3A_736] {strides = array<i32>} : memref<2080xi32, #tpu.memory_space<vmem>>, vector<16xi32>,
      %lt3A_738 = vector.broadcast %min3A_694 : i32 to vector<16xi32>
      %lt3A_739 = arith.cmpi slt, %add3A_735, %lt3A_738 : vector<16xi32>
      %select_n3A_740 = arith.select %lt3A_739, %get3A_737, %gather3A_672 : vector<16xi1>, vector<16xi32>
      %gather3A_741 = tpu.vector_load_idx %arg16[%select_n3A_740] : memref<2048xf32, #tpu.memory_space<vmem>>[vector<16xi32>], vector<16xf32>,
      %gather3A_742 = tpu.vector_load_idx %arg17[%select_n3A_740] : memref<2048xf32, #tpu.memory_space<vmem>>[vector<16xi32>], vector<16xf32>,
      %gather3A_743 = tpu.vector_load_idx %arg18[%select_n3A_740] : memref<2048xf32, #tpu.memory_space<vmem>>[vector<16xi32>], vector<16xf32>,
      %gather3A_744 = tpu.vector_load_idx %arg13[%select_n3A_740] : memref<2048xf32, #tpu.memory_space<vmem>>[vector<16xi32>], vector<16xf32>,
      %sub3A_745 = arith.subf %gather3A_744, %gather3A_673 : vector<16xf32>
      %gather3A_746 = tpu.vector_load_idx %arg14[%select_n3A_740] : memref<2048xf32, #tpu.memory_space<vmem>>[vector<16xi32>], vector<16xf32>,
      %sub3A_747 = arith.subf %gather3A_746, %gather3A_674 : vector<16xf32>
      %gather3A_748 = tpu.vector_load_idx %arg15[%select_n3A_740] : memref<2048xf32, #tpu.memory_space<vmem>>[vector<16xi32>], vector<16xf32>,
      %sub3A_749 = arith.subf %gather3A_748, %gather3A_675 : vector<16xf32>
      %mul3A_750 = arith.constant 8 : i32
      %mul3A_751 = vector.broadcast %mul3A_750 : i32 to vector<16xi32>
      %mul3A_752 = arith.muli %add3A_735, %mul3A_751 : vector<16xi32>
      %add3A_753 = arith.constant 0 : i32
      %add3A_754 = vector.broadcast %add3A_753 : i32 to vector<16xi32>
      %add3A_755 = arith.addi %mul3A_752, %add3A_754 : vector<16xi32>
      tpu.vector_store_idx %arg24[%add3A_755], %gather3A_741 : memref<512xf32, #tpu.memory_space<vmem>>[vector<16xi32>], vector<16xf32>,
      %add3A_756 = arith.constant 1 : i32
      %add3A_757 = vector.broadcast %add3A_756 : i32 to vector<16xi32>
      %add3A_758 = arith.addi %mul3A_752, %add3A_757 : vector<16xi32>
      tpu.vector_store_idx %arg24[%add3A_758], %gather3A_742 : memref<512xf32, #tpu.memory_space<vmem>>[vector<16xi32>], vector<16xf32>,
      %add3A_759 = arith.constant 2 : i32
      %add3A_760 = vector.broadcast %add3A_759 : i32 to vector<16xi32>
      %add3A_761 = arith.addi %mul3A_752, %add3A_760 : vector<16xi32>
      tpu.vector_store_idx %arg24[%add3A_761], %gather3A_743 : memref<512xf32, #tpu.memory_space<vmem>>[vector<16xi32>], vector<16xf32>,
      %add3A_762 = arith.constant 3 : i32
      %add3A_763 = vector.broadcast %add3A_762 : i32 to vector<16xi32>
      %add3A_764 = arith.addi %mul3A_752, %add3A_763 : vector<16xi32>
      tpu.vector_store_idx %arg24[%add3A_764], %sub3A_745 : memref<512xf32, #tpu.memory_space<vmem>>[vector<16xi32>], vector<16xf32>,
      %add3A_765 = arith.constant 4 : i32
      %add3A_766 = vector.broadcast %add3A_765 : i32 to vector<16xi32>
      %add3A_767 = arith.addi %mul3A_752, %add3A_766 : vector<16xi32>
      tpu.vector_store_idx %arg24[%add3A_767], %sub3A_747 : memref<512xf32, #tpu.memory_space<vmem>>[vector<16xi32>], vector<16xf32>,
      %add3A_768 = arith.constant 5 : i32
      %add3A_769 = vector.broadcast %add3A_768 : i32 to vector<16xi32>
      %add3A_770 = arith.addi %mul3A_752, %add3A_769 : vector<16xi32>
      tpu.vector_store_idx %arg24[%add3A_770], %sub3A_749 : memref<512xf32, #tpu.memory_space<vmem>>[vector<16xi32>], vector<16xf32>,
      %add3A_771 = arith.constant 32 : i32
      %add3A_772 = vector.broadcast %add3A_771 : i32 to vector<16xi32>
      %add3A_773 = arith.addi %add3A_772, %iota3A : vector<16xi32>
      %get3A_774 = arith.constant 32 : index
      %get3A_775 = tpu.vector_load %arg21[%get3A_774] {strides = array<i32>} : memref<2080xi32, #tpu.memory_space<vmem>>, vector<16xi32>,
      %lt3A_776 = vector.broadcast %min3A_694 : i32 to vector<16xi32>
      %lt3A_777 = arith.cmpi slt, %add3A_773, %lt3A_776 : vector<16xi32>
      %select_n3A_778 = arith.select %lt3A_777, %get3A_775, %gather3A_672 : vector<16xi1>, vector<16xi32>
      %gather3A_779 = tpu.vector_load_idx %arg16[%select_n3A_778] : memref<2048xf32, #tpu.memory_space<vmem>>[vector<16xi32>], vector<16xf32>,
      %gather3A_780 = tpu.vector_load_idx %arg17[%select_n3A_778] : memref<2048xf32, #tpu.memory_space<vmem>>[vector<16xi32>], vector<16xf32>,
      %gather3A_781 = tpu.vector_load_idx %arg18[%select_n3A_778] : memref<2048xf32, #tpu.memory_space<vmem>>[vector<16xi32>], vector<16xf32>,
      %gather3A_782 = tpu.vector_load_idx %arg13[%select_n3A_778] : memref<2048xf32, #tpu.memory_space<vmem>>[vector<16xi32>], vector<16xf32>,
      %sub3A_783 = arith.subf %gather3A_782, %gather3A_673 : vector<16xf32>
      %gather3A_784 = tpu.vector_load_idx %arg14[%select_n3A_778] : memref<2048xf32, #tpu.memory_space<vmem>>[vector<16xi32>], vector<16xf32>,
      %sub3A_785 = arith.subf %gather3A_784, %gather3A_674 : vector<16xf32>
      %gather3A_786 = tpu.vector_load_idx %arg15[%select_n3A_778] : memref<2048xf32, #tpu.memory_space<vmem>>[vector<16xi32>], vector<16xf32>,
      %sub3A_787 = arith.subf %gather3A_786, %gather3A_675 : vector<16xf32>
      %mul3A_788 = arith.constant 8 : i32
      %mul3A_789 = vector.broadcast %mul3A_788 : i32 to vector<16xi32>
      %mul3A_790 = arith.muli %add3A_773, %mul3A_789 : vector<16xi32>
      %add3A_791 = arith.constant 0 : i32
      %add3A_792 = vector.broadcast %add3A_791 : i32 to vector<16xi32>
      %add3A_793 = arith.addi %mul3A_790, %add3A_792 : vector<16xi32>
      tpu.vector_store_idx %arg24[%add3A_793], %gather3A_779 : memref<512xf32, #tpu.memory_space<vmem>>[vector<16xi32>], vector<16xf32>,
      %add3A_794 = arith.constant 1 : i32
      %add3A_795 = vector.broadcast %add3A_794 : i32 to vector<16xi32>
      %add3A_796 = arith.addi %mul3A_790, %add3A_795 : vector<16xi32>
      tpu.vector_store_idx %arg24[%add3A_796], %gather3A_780 : memref<512xf32, #tpu.memory_space<vmem>>[vector<16xi32>], vector<16xf32>,
      %add3A_797 = arith.constant 2 : i32
      %add3A_798 = vector.broadcast %add3A_797 : i32 to vector<16xi32>
      %add3A_799 = arith.addi %mul3A_790, %add3A_798 : vector<16xi32>
      tpu.vector_store_idx %arg24[%add3A_799], %gather3A_781 : memref<512xf32, #tpu.memory_space<vmem>>[vector<16xi32>], vector<16xf32>,
      %add3A_800 = arith.constant 3 : i32
      %add3A_801 = vector.broadcast %add3A_800 : i32 to vector<16xi32>
      %add3A_802 = arith.addi %mul3A_790, %add3A_801 : vector<16xi32>
      tpu.vector_store_idx %arg24[%add3A_802], %sub3A_783 : memref<512xf32, #tpu.memory_space<vmem>>[vector<16xi32>], vector<16xf32>,
      %add3A_803 = arith.constant 4 : i32
      %add3A_804 = vector.broadcast %add3A_803 : i32 to vector<16xi32>
      %add3A_805 = arith.addi %mul3A_790, %add3A_804 : vector<16xi32>
      tpu.vector_store_idx %arg24[%add3A_805], %sub3A_785 : memref<512xf32, #tpu.memory_space<vmem>>[vector<16xi32>], vector<16xf32>,
      %add3A_806 = arith.constant 5 : i32
      %add3A_807 = vector.broadcast %add3A_806 : i32 to vector<16xi32>
      %add3A_808 = arith.addi %mul3A_790, %add3A_807 : vector<16xi32>
      tpu.vector_store_idx %arg24[%add3A_808], %sub3A_787 : memref<512xf32, #tpu.memory_space<vmem>>[vector<16xi32>], vector<16xf32>,
      %add3A_809 = arith.constant 48 : i32
      %add3A_810 = vector.broadcast %add3A_809 : i32 to vector<16xi32>
      %add3A_811 = arith.addi %add3A_810, %iota3A : vector<16xi32>
      %get3A_812 = arith.constant 48 : index
      %get3A_813 = tpu.vector_load %arg21[%get3A_812] {strides = array<i32>} : memref<2080xi32, #tpu.memory_space<vmem>>, vector<16xi32>,
      %lt3A_814 = vector.broadcast %min3A_694 : i32 to vector<16xi32>
      %lt3A_815 = arith.cmpi slt, %add3A_811, %lt3A_814 : vector<16xi32>
      %select_n3A_816 = arith.select %lt3A_815, %get3A_813, %gather3A_672 : vector<16xi1>, vector<16xi32>
      %gather3A_817 = tpu.vector_load_idx %arg16[%select_n3A_816] : memref<2048xf32, #tpu.memory_space<vmem>>[vector<16xi32>], vector<16xf32>,
      %gather3A_818 = tpu.vector_load_idx %arg17[%select_n3A_816] : memref<2048xf32, #tpu.memory_space<vmem>>[vector<16xi32>], vector<16xf32>,
      %gather3A_819 = tpu.vector_load_idx %arg18[%select_n3A_816] : memref<2048xf32, #tpu.memory_space<vmem>>[vector<16xi32>], vector<16xf32>,
      %gather3A_820 = tpu.vector_load_idx %arg13[%select_n3A_816] : memref<2048xf32, #tpu.memory_space<vmem>>[vector<16xi32>], vector<16xf32>,
      %sub3A_821 = arith.subf %gather3A_820, %gather3A_673 : vector<16xf32>
      %gather3A_822 = tpu.vector_load_idx %arg14[%select_n3A_816] : memref<2048xf32, #tpu.memory_space<vmem>>[vector<16xi32>], vector<16xf32>,
      %sub3A_823 = arith.subf %gather3A_822, %gather3A_674 : vector<16xf32>
      %gather3A_824 = tpu.vector_load_idx %arg15[%select_n3A_816] : memref<2048xf32, #tpu.memory_space<vmem>>[vector<16xi32>], vector<16xf32>,
      %sub3A_825 = arith.subf %gather3A_824, %gather3A_675 : vector<16xf32>
      %mul3A_826 = arith.constant 8 : i32
      %mul3A_827 = vector.broadcast %mul3A_826 : i32 to vector<16xi32>
      %mul3A_828 = arith.muli %add3A_811, %mul3A_827 : vector<16xi32>
      %add3A_829 = arith.constant 0 : i32
      %add3A_830 = vector.broadcast %add3A_829 : i32 to vector<16xi32>
      %add3A_831 = arith.addi %mul3A_828, %add3A_830 : vector<16xi32>
      tpu.vector_store_idx %arg24[%add3A_831], %gather3A_817 : memref<512xf32, #tpu.memory_space<vmem>>[vector<16xi32>], vector<16xf32>,
      %add3A_832 = arith.constant 1 : i32
      %add3A_833 = vector.broadcast %add3A_832 : i32 to vector<16xi32>
      %add3A_834 = arith.addi %mul3A_828, %add3A_833 : vector<16xi32>
      tpu.vector_store_idx %arg24[%add3A_834], %gather3A_818 : memref<512xf32, #tpu.memory_space<vmem>>[vector<16xi32>], vector<16xf32>,
      %add3A_835 = arith.constant 2 : i32
      %add3A_836 = vector.broadcast %add3A_835 : i32 to vector<16xi32>
      %add3A_837 = arith.addi %mul3A_828, %add3A_836 : vector<16xi32>
      tpu.vector_store_idx %arg24[%add3A_837], %gather3A_819 : memref<512xf32, #tpu.memory_space<vmem>>[vector<16xi32>], vector<16xf32>,
      %add3A_838 = arith.constant 3 : i32
      %add3A_839 = vector.broadcast %add3A_838 : i32 to vector<16xi32>
      %add3A_840 = arith.addi %mul3A_828, %add3A_839 : vector<16xi32>
      tpu.vector_store_idx %arg24[%add3A_840], %sub3A_821 : memref<512xf32, #tpu.memory_space<vmem>>[vector<16xi32>], vector<16xf32>,
      %add3A_841 = arith.constant 4 : i32
      %add3A_842 = vector.broadcast %add3A_841 : i32 to vector<16xi32>
      %add3A_843 = arith.addi %mul3A_828, %add3A_842 : vector<16xi32>
      tpu.vector_store_idx %arg24[%add3A_843], %sub3A_823 : memref<512xf32, #tpu.memory_space<vmem>>[vector<16xi32>], vector<16xf32>,
      %add3A_844 = arith.constant 5 : i32
      %add3A_845 = vector.broadcast %add3A_844 : i32 to vector<16xi32>
      %add3A_846 = arith.addi %mul3A_828, %add3A_845 : vector<16xi32>
      tpu.vector_store_idx %arg24[%add3A_846], %sub3A_825 : memref<512xf32, #tpu.memory_space<vmem>>[vector<16xi32>], vector<16xf32>,
      %add3A_847 = arith.addi %add3A_35, %add3A_668 : i32
      %dma_start3A_848 = arith.constant 0 : i32
      %dma_start3A_849 = tpu.memref_slice %arg9[%add3A_847, %dma_start3A_848] : memref<8192x512xf32, #tpu.memory_space<hbm>> -> memref<1x512xf32, #tpu.memory_space<hbm>>
      %dma_start3A_850 = tpu.memref_squeeze %dma_start3A_849 : memref<1x512xf32, #tpu.memory_space<hbm>> -> memref<512xf32, #tpu.memory_space<hbm>>
      %dma_start3A_851 = arith.constant 0 : i32
      %dma_start3A_852 = tpu.memref_slice %arg9[%add3A_847, %dma_start3A_851] : memref<8192x512xf32, #tpu.memory_space<hbm>> -> memref<1x512xf32, #tpu.memory_space<hbm>>
      %dma_start3A_853 = tpu.memref_squeeze %dma_start3A_852 : memref<1x512xf32, #tpu.memory_space<hbm>> -> memref<512xf32, #tpu.memory_space<hbm>>
      tpu.enqueue_dma source(%arg24 : memref<512xf32, #tpu.memory_space<vmem>>) target(%dma_start3A_853 : memref<512xf32, #tpu.memory_space<hbm>>) target_semaphore(%arg26 : memref<!tpu.dma_semaphore, #tpu.memory_space<semaphore_mem>>)
    }
    %scan3A_297 = arith.constant 128 : i32
    %get3A = arith.constant 0 : index
    %get3A_298 = tpu.vector_load %arg19[%get3A] {strides = array<i32>} : memref<256xi32, #tpu.memory_space<vmem>>, vector<16xi32>,
    %gather3A = tpu.vector_load_idx %arg13[%get3A_298] : memref<2048xf32, #tpu.memory_space<vmem>>[vector<16xi32>], vector<16xf32>,
    %swap3A_299 = arith.constant 0 : index
    %swap3A_300 = tpu.vector_load %arg20[%swap3A_299] {strides = array<i32>} : memref<768xf32, #tpu.memory_space<vmem>>, vector<16xf32>,
    tpu.vector_store %arg20[%swap3A_299], %gather3A {strides = array<i32>} : memref<768xf32, #tpu.memory_space<vmem>>, vector<16xf32>,
    %gather3A_301 = tpu.vector_load_idx %arg14[%get3A_298] : memref<2048xf32, #tpu.memory_space<vmem>>[vector<16xi32>], vector<16xf32>,
    %swap3A_302 = arith.constant 256 : index
    %swap3A_303 = tpu.vector_load %arg20[%swap3A_302] {strides = array<i32>} : memref<768xf32, #tpu.memory_space<vmem>>, vector<16xf32>,
    tpu.vector_store %arg20[%swap3A_302], %gather3A_301 {strides = array<i32>} : memref<768xf32, #tpu.memory_space<vmem>>, vector<16xf32>,
    %gather3A_304 = tpu.vector_load_idx %arg15[%get3A_298] : memref<2048xf32, #tpu.memory_space<vmem>>[vector<16xi32>], vector<16xf32>,
    %swap3A_305 = arith.constant 512 : index
    %swap3A_306 = tpu.vector_load %arg20[%swap3A_305] {strides = array<i32>} : memref<768xf32, #tpu.memory_space<vmem>>, vector<16xf32>,
    tpu.vector_store %arg20[%swap3A_305], %gather3A_304 {strides = array<i32>} : memref<768xf32, #tpu.memory_space<vmem>>, vector<16xf32>,
    %get3A_307 = arith.constant 16 : index
    %get3A_308 = tpu.vector_load %arg19[%get3A_307] {strides = array<i32>} : memref<256xi32, #tpu.memory_space<vmem>>, vector<16xi32>,
    %gather3A_309 = tpu.vector_load_idx %arg13[%get3A_308] : memref<2048xf32, #tpu.memory_space<vmem>>[vector<16xi32>], vector<16xf32>,
    %swap3A_310 = arith.constant 16 : index
    %swap3A_311 = tpu.vector_load %arg20[%swap3A_310] {strides = array<i32>} : memref<768xf32, #tpu.memory_space<vmem>>, vector<16xf32>,
    tpu.vector_store %arg20[%swap3A_310], %gather3A_309 {strides = array<i32>} : memref<768xf32, #tpu.memory_space<vmem>>, vector<16xf32>,
    %gather3A_312 = tpu.vector_load_idx %arg14[%get3A_308] : memref<2048xf32, #tpu.memory_space<vmem>>[vector<16xi32>], vector<16xf32>,
    %swap3A_313 = arith.constant 272 : index
    %swap3A_314 = tpu.vector_load %arg20[%swap3A_313] {strides = array<i32>} : memref<768xf32, #tpu.memory_space<vmem>>, vector<16xf32>,
    tpu.vector_store %arg20[%swap3A_313], %gather3A_312 {strides = array<i32>} : memref<768xf32, #tpu.memory_space<vmem>>, vector<16xf32>,
    %gather3A_315 = tpu.vector_load_idx %arg15[%get3A_308] : memref<2048xf32, #tpu.memory_space<vmem>>[vector<16xi32>], vector<16xf32>,
    %swap3A_316 = arith.constant 528 : index
    %swap3A_317 = tpu.vector_load %arg20[%swap3A_316] {strides = array<i32>} : memref<768xf32, #tpu.memory_space<vmem>>, vector<16xf32>,
    tpu.vector_store %arg20[%swap3A_316], %gather3A_315 {strides = array<i32>} : memref<768xf32, #tpu.memory_space<vmem>>, vector<16xf32>,
    %get3A_318 = arith.constant 32 : index
    %get3A_319 = tpu.vector_load %arg19[%get3A_318] {strides = array<i32>} : memref<256xi32, #tpu.memory_space<vmem>>, vector<16xi32>,
    %gather3A_320 = tpu.vector_load_idx %arg13[%get3A_319] : memref<2048xf32, #tpu.memory_space<vmem>>[vector<16xi32>], vector<16xf32>,
    %swap3A_321 = arith.constant 32 : index
    %swap3A_322 = tpu.vector_load %arg20[%swap3A_321] {strides = array<i32>} : memref<768xf32, #tpu.memory_space<vmem>>, vector<16xf32>,
    tpu.vector_store %arg20[%swap3A_321], %gather3A_320 {strides = array<i32>} : memref<768xf32, #tpu.memory_space<vmem>>, vector<16xf32>,
    %gather3A_323 = tpu.vector_load_idx %arg14[%get3A_319] : memref<2048xf32, #tpu.memory_space<vmem>>[vector<16xi32>], vector<16xf32>,
    %swap3A_324 = arith.constant 288 : index
    %swap3A_325 = tpu.vector_load %arg20[%swap3A_324] {strides = array<i32>} : memref<768xf32, #tpu.memory_space<vmem>>, vector<16xf32>,
    tpu.vector_store %arg20[%swap3A_324], %gather3A_323 {strides = array<i32>} : memref<768xf32, #tpu.memory_space<vmem>>, vector<16xf32>,
    %gather3A_326 = tpu.vector_load_idx %arg15[%get3A_319] : memref<2048xf32, #tpu.memory_space<vmem>>[vector<16xi32>], vector<16xf32>,
    %swap3A_327 = arith.constant 544 : index
    %swap3A_328 = tpu.vector_load %arg20[%swap3A_327] {strides = array<i32>} : memref<768xf32, #tpu.memory_space<vmem>>, vector<16xf32>,
    tpu.vector_store %arg20[%swap3A_327], %gather3A_326 {strides = array<i32>} : memref<768xf32, #tpu.memory_space<vmem>>, vector<16xf32>,
    %get3A_329 = arith.constant 48 : index
    %get3A_330 = tpu.vector_load %arg19[%get3A_329] {strides = array<i32>} : memref<256xi32, #tpu.memory_space<vmem>>, vector<16xi32>,
    %gather3A_331 = tpu.vector_load_idx %arg13[%get3A_330] : memref<2048xf32, #tpu.memory_space<vmem>>[vector<16xi32>], vector<16xf32>,
    %swap3A_332 = arith.constant 48 : index
    %swap3A_333 = tpu.vector_load %arg20[%swap3A_332] {strides = array<i32>} : memref<768xf32, #tpu.memory_space<vmem>>, vector<16xf32>,
    tpu.vector_store %arg20[%swap3A_332], %gather3A_331 {strides = array<i32>} : memref<768xf32, #tpu.memory_space<vmem>>, vector<16xf32>,
    %gather3A_334 = tpu.vector_load_idx %arg14[%get3A_330] : memref<2048xf32, #tpu.memory_space<vmem>>[vector<16xi32>], vector<16xf32>,
    %swap3A_335 = arith.constant 304 : index
    %swap3A_336 = tpu.vector_load %arg20[%swap3A_335] {strides = array<i32>} : memref<768xf32, #tpu.memory_space<vmem>>, vector<16xf32>,
    tpu.vector_store %arg20[%swap3A_335], %gather3A_334 {strides = array<i32>} : memref<768xf32, #tpu.memory_space<vmem>>, vector<16xf32>,
    %gather3A_337 = tpu.vector_load_idx %arg15[%get3A_330] : memref<2048xf32, #tpu.memory_space<vmem>>[vector<16xi32>], vector<16xf32>,
    %swap3A_338 = arith.constant 560 : index
    %swap3A_339 = tpu.vector_load %arg20[%swap3A_338] {strides = array<i32>} : memref<768xf32, #tpu.memory_space<vmem>>, vector<16xf32>,
    tpu.vector_store %arg20[%swap3A_338], %gather3A_337 {strides = array<i32>} : memref<768xf32, #tpu.memory_space<vmem>>, vector<16xf32>,
    %get3A_340 = arith.constant 64 : index
    %get3A_341 = tpu.vector_load %arg19[%get3A_340] {strides = array<i32>} : memref<256xi32, #tpu.memory_space<vmem>>, vector<16xi32>,
    %gather3A_342 = tpu.vector_load_idx %arg13[%get3A_341] : memref<2048xf32, #tpu.memory_space<vmem>>[vector<16xi32>], vector<16xf32>,
    %swap3A_343 = arith.constant 64 : index
    %swap3A_344 = tpu.vector_load %arg20[%swap3A_343] {strides = array<i32>} : memref<768xf32, #tpu.memory_space<vmem>>, vector<16xf32>,
    tpu.vector_store %arg20[%swap3A_343], %gather3A_342 {strides = array<i32>} : memref<768xf32, #tpu.memory_space<vmem>>, vector<16xf32>,
    %gather3A_345 = tpu.vector_load_idx %arg14[%get3A_341] : memref<2048xf32, #tpu.memory_space<vmem>>[vector<16xi32>], vector<16xf32>,
    %swap3A_346 = arith.constant 320 : index
    %swap3A_347 = tpu.vector_load %arg20[%swap3A_346] {strides = array<i32>} : memref<768xf32, #tpu.memory_space<vmem>>, vector<16xf32>,
    tpu.vector_store %arg20[%swap3A_346], %gather3A_345 {strides = array<i32>} : memref<768xf32, #tpu.memory_space<vmem>>, vector<16xf32>,
    %gather3A_348 = tpu.vector_load_idx %arg15[%get3A_341] : memref<2048xf32, #tpu.memory_space<vmem>>[vector<16xi32>], vector<16xf32>,
    %swap3A_349 = arith.constant 576 : index
    %swap3A_350 = tpu.vector_load %arg20[%swap3A_349] {strides = array<i32>} : memref<768xf32, #tpu.memory_space<vmem>>, vector<16xf32>,
    tpu.vector_store %arg20[%swap3A_349], %gather3A_348 {strides = array<i32>} : memref<768xf32, #tpu.memory_space<vmem>>, vector<16xf32>,
    %get3A_351 = arith.constant 80 : index
    %get3A_352 = tpu.vector_load %arg19[%get3A_351] {strides = array<i32>} : memref<256xi32, #tpu.memory_space<vmem>>, vector<16xi32>,
    %gather3A_353 = tpu.vector_load_idx %arg13[%get3A_352] : memref<2048xf32, #tpu.memory_space<vmem>>[vector<16xi32>], vector<16xf32>,
    %swap3A_354 = arith.constant 80 : index
    %swap3A_355 = tpu.vector_load %arg20[%swap3A_354] {strides = array<i32>} : memref<768xf32, #tpu.memory_space<vmem>>, vector<16xf32>,
    tpu.vector_store %arg20[%swap3A_354], %gather3A_353 {strides = array<i32>} : memref<768xf32, #tpu.memory_space<vmem>>, vector<16xf32>,
    %gather3A_356 = tpu.vector_load_idx %arg14[%get3A_352] : memref<2048xf32, #tpu.memory_space<vmem>>[vector<16xi32>], vector<16xf32>,
    %swap3A_357 = arith.constant 336 : index
    %swap3A_358 = tpu.vector_load %arg20[%swap3A_357] {strides = array<i32>} : memref<768xf32, #tpu.memory_space<vmem>>, vector<16xf32>,
    tpu.vector_store %arg20[%swap3A_357], %gather3A_356 {strides = array<i32>} : memref<768xf32, #tpu.memory_space<vmem>>, vector<16xf32>,
    %gather3A_359 = tpu.vector_load_idx %arg15[%get3A_352] : memref<2048xf32, #tpu.memory_space<vmem>>[vector<16xi32>], vector<16xf32>,
    %swap3A_360 = arith.constant 592 : index
    %swap3A_361 = tpu.vector_load %arg20[%swap3A_360] {strides = array<i32>} : memref<768xf32, #tpu.memory_space<vmem>>, vector<16xf32>,
    tpu.vector_store %arg20[%swap3A_360], %gather3A_359 {strides = array<i32>} : memref<768xf32, #tpu.memory_space<vmem>>, vector<16xf32>,
    %get3A_362 = arith.constant 96 : index
    %get3A_363 = tpu.vector_load %arg19[%get3A_362] {strides = array<i32>} : memref<256xi32, #tpu.memory_space<vmem>>, vector<16xi32>,
    %gather3A_364 = tpu.vector_load_idx %arg13[%get3A_363] : memref<2048xf32, #tpu.memory_space<vmem>>[vector<16xi32>], vector<16xf32>,
    %swap3A_365 = arith.constant 96 : index
    %swap3A_366 = tpu.vector_load %arg20[%swap3A_365] {strides = array<i32>} : memref<768xf32, #tpu.memory_space<vmem>>, vector<16xf32>,
    tpu.vector_store %arg20[%swap3A_365], %gather3A_364 {strides = array<i32>} : memref<768xf32, #tpu.memory_space<vmem>>, vector<16xf32>,
    %gather3A_367 = tpu.vector_load_idx %arg14[%get3A_363] : memref<2048xf32, #tpu.memory_space<vmem>>[vector<16xi32>], vector<16xf32>,
    %swap3A_368 = arith.constant 352 : index
    %swap3A_369 = tpu.vector_load %arg20[%swap3A_368] {strides = array<i32>} : memref<768xf32, #tpu.memory_space<vmem>>, vector<16xf32>,
    tpu.vector_store %arg20[%swap3A_368], %gather3A_367 {strides = array<i32>} : memref<768xf32, #tpu.memory_space<vmem>>, vector<16xf32>,
    %gather3A_370 = tpu.vector_load_idx %arg15[%get3A_363] : memref<2048xf32, #tpu.memory_space<vmem>>[vector<16xi32>], vector<16xf32>,
    %swap3A_371 = arith.constant 608 : index
    %swap3A_372 = tpu.vector_load %arg20[%swap3A_371] {strides = array<i32>} : memref<768xf32, #tpu.memory_space<vmem>>, vector<16xf32>,
    tpu.vector_store %arg20[%swap3A_371], %gather3A_370 {strides = array<i32>} : memref<768xf32, #tpu.memory_space<vmem>>, vector<16xf32>,
    %get3A_373 = arith.constant 112 : index
    %get3A_374 = tpu.vector_load %arg19[%get3A_373] {strides = array<i32>} : memref<256xi32, #tpu.memory_space<vmem>>, vector<16xi32>,
    %gather3A_375 = tpu.vector_load_idx %arg13[%get3A_374] : memref<2048xf32, #tpu.memory_space<vmem>>[vector<16xi32>], vector<16xf32>,
    %swap3A_376 = arith.constant 112 : index
    %swap3A_377 = tpu.vector_load %arg20[%swap3A_376] {strides = array<i32>} : memref<768xf32, #tpu.memory_space<vmem>>, vector<16xf32>,
    tpu.vector_store %arg20[%swap3A_376], %gather3A_375 {strides = array<i32>} : memref<768xf32, #tpu.memory_space<vmem>>, vector<16xf32>,
    %gather3A_378 = tpu.vector_load_idx %arg14[%get3A_374] : memref<2048xf32, #tpu.memory_space<vmem>>[vector<16xi32>], vector<16xf32>,
    %swap3A_379 = arith.constant 368 : index
    %swap3A_380 = tpu.vector_load %arg20[%swap3A_379] {strides = array<i32>} : memref<768xf32, #tpu.memory_space<vmem>>, vector<16xf32>,
    tpu.vector_store %arg20[%swap3A_379], %gather3A_378 {strides = array<i32>} : memref<768xf32, #tpu.memory_space<vmem>>, vector<16xf32>,
    %gather3A_381 = tpu.vector_load_idx %arg15[%get3A_374] : memref<2048xf32, #tpu.memory_space<vmem>>[vector<16xi32>], vector<16xf32>,
    %swap3A_382 = arith.constant 624 : index
    %swap3A_383 = tpu.vector_load %arg20[%swap3A_382] {strides = array<i32>} : memref<768xf32, #tpu.memory_space<vmem>>, vector<16xf32>,
    tpu.vector_store %arg20[%swap3A_382], %gather3A_381 {strides = array<i32>} : memref<768xf32, #tpu.memory_space<vmem>>, vector<16xf32>,
    %get3A_384 = arith.constant 128 : index
    %get3A_385 = tpu.vector_load %arg19[%get3A_384] {strides = array<i32>} : memref<256xi32, #tpu.memory_space<vmem>>, vector<16xi32>,
    %gather3A_386 = tpu.vector_load_idx %arg13[%get3A_385] : memref<2048xf32, #tpu.memory_space<vmem>>[vector<16xi32>], vector<16xf32>,
    %swap3A_387 = arith.constant 128 : index
    %swap3A_388 = tpu.vector_load %arg20[%swap3A_387] {strides = array<i32>} : memref<768xf32, #tpu.memory_space<vmem>>, vector<16xf32>,
    tpu.vector_store %arg20[%swap3A_387], %gather3A_386 {strides = array<i32>} : memref<768xf32, #tpu.memory_space<vmem>>, vector<16xf32>,
    %gather3A_389 = tpu.vector_load_idx %arg14[%get3A_385] : memref<2048xf32, #tpu.memory_space<vmem>>[vector<16xi32>], vector<16xf32>,
    %swap3A_390 = arith.constant 384 : index
    %swap3A_391 = tpu.vector_load %arg20[%swap3A_390] {strides = array<i32>} : memref<768xf32, #tpu.memory_space<vmem>>, vector<16xf32>,
    tpu.vector_store %arg20[%swap3A_390], %gather3A_389 {strides = array<i32>} : memref<768xf32, #tpu.memory_space<vmem>>, vector<16xf32>,
    %gather3A_392 = tpu.vector_load_idx %arg15[%get3A_385] : memref<2048xf32, #tpu.memory_space<vmem>>[vector<16xi32>], vector<16xf32>,
    %swap3A_393 = arith.constant 640 : index
    %swap3A_394 = tpu.vector_load %arg20[%swap3A_393] {strides = array<i32>} : memref<768xf32, #tpu.memory_space<vmem>>, vector<16xf32>,
    tpu.vector_store %arg20[%swap3A_393], %gather3A_392 {strides = array<i32>} : memref<768xf32, #tpu.memory_space<vmem>>, vector<16xf32>,
    %get3A_395 = arith.constant 144 : index
    %get3A_396 = tpu.vector_load %arg19[%get3A_395] {strides = array<i32>} : memref<256xi32, #tpu.memory_space<vmem>>, vector<16xi32>,
    %gather3A_397 = tpu.vector_load_idx %arg13[%get3A_396] : memref<2048xf32, #tpu.memory_space<vmem>>[vector<16xi32>], vector<16xf32>,
    %swap3A_398 = arith.constant 144 : index
    %swap3A_399 = tpu.vector_load %arg20[%swap3A_398] {strides = array<i32>} : memref<768xf32, #tpu.memory_space<vmem>>, vector<16xf32>,
    tpu.vector_store %arg20[%swap3A_398], %gather3A_397 {strides = array<i32>} : memref<768xf32, #tpu.memory_space<vmem>>, vector<16xf32>,
    %gather3A_400 = tpu.vector_load_idx %arg14[%get3A_396] : memref<2048xf32, #tpu.memory_space<vmem>>[vector<16xi32>], vector<16xf32>,
    %swap3A_401 = arith.constant 400 : index
    %swap3A_402 = tpu.vector_load %arg20[%swap3A_401] {strides = array<i32>} : memref<768xf32, #tpu.memory_space<vmem>>, vector<16xf32>,
    tpu.vector_store %arg20[%swap3A_401], %gather3A_400 {strides = array<i32>} : memref<768xf32, #tpu.memory_space<vmem>>, vector<16xf32>,
    %gather3A_403 = tpu.vector_load_idx %arg15[%get3A_396] : memref<2048xf32, #tpu.memory_space<vmem>>[vector<16xi32>], vector<16xf32>,
    %swap3A_404 = arith.constant 656 : index
    %swap3A_405 = tpu.vector_load %arg20[%swap3A_404] {strides = array<i32>} : memref<768xf32, #tpu.memory_space<vmem>>, vector<16xf32>,
    tpu.vector_store %arg20[%swap3A_404], %gather3A_403 {strides = array<i32>} : memref<768xf32, #tpu.memory_space<vmem>>, vector<16xf32>,
    %get3A_406 = arith.constant 160 : index
    %get3A_407 = tpu.vector_load %arg19[%get3A_406] {strides = array<i32>} : memref<256xi32, #tpu.memory_space<vmem>>, vector<16xi32>,
    %gather3A_408 = tpu.vector_load_idx %arg13[%get3A_407] : memref<2048xf32, #tpu.memory_space<vmem>>[vector<16xi32>], vector<16xf32>,
    %swap3A_409 = arith.constant 160 : index
    %swap3A_410 = tpu.vector_load %arg20[%swap3A_409] {strides = array<i32>} : memref<768xf32, #tpu.memory_space<vmem>>, vector<16xf32>,
    tpu.vector_store %arg20[%swap3A_409], %gather3A_408 {strides = array<i32>} : memref<768xf32, #tpu.memory_space<vmem>>, vector<16xf32>,
    %gather3A_411 = tpu.vector_load_idx %arg14[%get3A_407] : memref<2048xf32, #tpu.memory_space<vmem>>[vector<16xi32>], vector<16xf32>,
    %swap3A_412 = arith.constant 416 : index
    %swap3A_413 = tpu.vector_load %arg20[%swap3A_412] {strides = array<i32>} : memref<768xf32, #tpu.memory_space<vmem>>, vector<16xf32>,
    tpu.vector_store %arg20[%swap3A_412], %gather3A_411 {strides = array<i32>} : memref<768xf32, #tpu.memory_space<vmem>>, vector<16xf32>,
    %gather3A_414 = tpu.vector_load_idx %arg15[%get3A_407] : memref<2048xf32, #tpu.memory_space<vmem>>[vector<16xi32>], vector<16xf32>,
    %swap3A_415 = arith.constant 672 : index
    %swap3A_416 = tpu.vector_load %arg20[%swap3A_415] {strides = array<i32>} : memref<768xf32, #tpu.memory_space<vmem>>, vector<16xf32>,
    tpu.vector_store %arg20[%swap3A_415], %gather3A_414 {strides = array<i32>} : memref<768xf32, #tpu.memory_space<vmem>>, vector<16xf32>,
    %get3A_417 = arith.constant 176 : index
    %get3A_418 = tpu.vector_load %arg19[%get3A_417] {strides = array<i32>} : memref<256xi32, #tpu.memory_space<vmem>>, vector<16xi32>,
    %gather3A_419 = tpu.vector_load_idx %arg13[%get3A_418] : memref<2048xf32, #tpu.memory_space<vmem>>[vector<16xi32>], vector<16xf32>,
    %swap3A_420 = arith.constant 176 : index
    %swap3A_421 = tpu.vector_load %arg20[%swap3A_420] {strides = array<i32>} : memref<768xf32, #tpu.memory_space<vmem>>, vector<16xf32>,
    tpu.vector_store %arg20[%swap3A_420], %gather3A_419 {strides = array<i32>} : memref<768xf32, #tpu.memory_space<vmem>>, vector<16xf32>,
    %gather3A_422 = tpu.vector_load_idx %arg14[%get3A_418] : memref<2048xf32, #tpu.memory_space<vmem>>[vector<16xi32>], vector<16xf32>,
    %swap3A_423 = arith.constant 432 : index
    %swap3A_424 = tpu.vector_load %arg20[%swap3A_423] {strides = array<i32>} : memref<768xf32, #tpu.memory_space<vmem>>, vector<16xf32>,
    tpu.vector_store %arg20[%swap3A_423], %gather3A_422 {strides = array<i32>} : memref<768xf32, #tpu.memory_space<vmem>>, vector<16xf32>,
    %gather3A_425 = tpu.vector_load_idx %arg15[%get3A_418] : memref<2048xf32, #tpu.memory_space<vmem>>[vector<16xi32>], vector<16xf32>,
    %swap3A_426 = arith.constant 688 : index
    %swap3A_427 = tpu.vector_load %arg20[%swap3A_426] {strides = array<i32>} : memref<768xf32, #tpu.memory_space<vmem>>, vector<16xf32>,
    tpu.vector_store %arg20[%swap3A_426], %gather3A_425 {strides = array<i32>} : memref<768xf32, #tpu.memory_space<vmem>>, vector<16xf32>,
    %get3A_428 = arith.constant 192 : index
    %get3A_429 = tpu.vector_load %arg19[%get3A_428] {strides = array<i32>} : memref<256xi32, #tpu.memory_space<vmem>>, vector<16xi32>,
    %gather3A_430 = tpu.vector_load_idx %arg13[%get3A_429] : memref<2048xf32, #tpu.memory_space<vmem>>[vector<16xi32>], vector<16xf32>,
    %swap3A_431 = arith.constant 192 : index
    %swap3A_432 = tpu.vector_load %arg20[%swap3A_431] {strides = array<i32>} : memref<768xf32, #tpu.memory_space<vmem>>, vector<16xf32>,
    tpu.vector_store %arg20[%swap3A_431], %gather3A_430 {strides = array<i32>} : memref<768xf32, #tpu.memory_space<vmem>>, vector<16xf32>,
    %gather3A_433 = tpu.vector_load_idx %arg14[%get3A_429] : memref<2048xf32, #tpu.memory_space<vmem>>[vector<16xi32>], vector<16xf32>,
    %swap3A_434 = arith.constant 448 : index
    %swap3A_435 = tpu.vector_load %arg20[%swap3A_434] {strides = array<i32>} : memref<768xf32, #tpu.memory_space<vmem>>, vector<16xf32>,
    tpu.vector_store %arg20[%swap3A_434], %gather3A_433 {strides = array<i32>} : memref<768xf32, #tpu.memory_space<vmem>>, vector<16xf32>,
    %gather3A_436 = tpu.vector_load_idx %arg15[%get3A_429] : memref<2048xf32, #tpu.memory_space<vmem>>[vector<16xi32>], vector<16xf32>,
    %swap3A_437 = arith.constant 704 : index
    %swap3A_438 = tpu.vector_load %arg20[%swap3A_437] {strides = array<i32>} : memref<768xf32, #tpu.memory_space<vmem>>, vector<16xf32>,
    tpu.vector_store %arg20[%swap3A_437], %gather3A_436 {strides = array<i32>} : memref<768xf32, #tpu.memory_space<vmem>>, vector<16xf32>,
    %get3A_439 = arith.constant 208 : index
    %get3A_440 = tpu.vector_load %arg19[%get3A_439] {strides = array<i32>} : memref<256xi32, #tpu.memory_space<vmem>>, vector<16xi32>,
    %gather3A_441 = tpu.vector_load_idx %arg13[%get3A_440] : memref<2048xf32, #tpu.memory_space<vmem>>[vector<16xi32>], vector<16xf32>,
    %swap3A_442 = arith.constant 208 : index
    %swap3A_443 = tpu.vector_load %arg20[%swap3A_442] {strides = array<i32>} : memref<768xf32, #tpu.memory_space<vmem>>, vector<16xf32>,
    tpu.vector_store %arg20[%swap3A_442], %gather3A_441 {strides = array<i32>} : memref<768xf32, #tpu.memory_space<vmem>>, vector<16xf32>,
    %gather3A_444 = tpu.vector_load_idx %arg14[%get3A_440] : memref<2048xf32, #tpu.memory_space<vmem>>[vector<16xi32>], vector<16xf32>,
    %swap3A_445 = arith.constant 464 : index
    %swap3A_446 = tpu.vector_load %arg20[%swap3A_445] {strides = array<i32>} : memref<768xf32, #tpu.memory_space<vmem>>, vector<16xf32>,
    tpu.vector_store %arg20[%swap3A_445], %gather3A_444 {strides = array<i32>} : memref<768xf32, #tpu.memory_space<vmem>>, vector<16xf32>,
    %gather3A_447 = tpu.vector_load_idx %arg15[%get3A_440] : memref<2048xf32, #tpu.memory_space<vmem>>[vector<16xi32>], vector<16xf32>,
    %swap3A_448 = arith.constant 720 : index
    %swap3A_449 = tpu.vector_load %arg20[%swap3A_448] {strides = array<i32>} : memref<768xf32, #tpu.memory_space<vmem>>, vector<16xf32>,
    tpu.vector_store %arg20[%swap3A_448], %gather3A_447 {strides = array<i32>} : memref<768xf32, #tpu.memory_space<vmem>>, vector<16xf32>,
    %get3A_450 = arith.constant 224 : index
    %get3A_451 = tpu.vector_load %arg19[%get3A_450] {strides = array<i32>} : memref<256xi32, #tpu.memory_space<vmem>>, vector<16xi32>,
    %gather3A_452 = tpu.vector_load_idx %arg13[%get3A_451] : memref<2048xf32, #tpu.memory_space<vmem>>[vector<16xi32>], vector<16xf32>,
    %swap3A_453 = arith.constant 224 : index
    %swap3A_454 = tpu.vector_load %arg20[%swap3A_453] {strides = array<i32>} : memref<768xf32, #tpu.memory_space<vmem>>, vector<16xf32>,
    tpu.vector_store %arg20[%swap3A_453], %gather3A_452 {strides = array<i32>} : memref<768xf32, #tpu.memory_space<vmem>>, vector<16xf32>,
    %gather3A_455 = tpu.vector_load_idx %arg14[%get3A_451] : memref<2048xf32, #tpu.memory_space<vmem>>[vector<16xi32>], vector<16xf32>,
    %swap3A_456 = arith.constant 480 : index
    %swap3A_457 = tpu.vector_load %arg20[%swap3A_456] {strides = array<i32>} : memref<768xf32, #tpu.memory_space<vmem>>, vector<16xf32>,
    tpu.vector_store %arg20[%swap3A_456], %gather3A_455 {strides = array<i32>} : memref<768xf32, #tpu.memory_space<vmem>>, vector<16xf32>,
    %gather3A_458 = tpu.vector_load_idx %arg15[%get3A_451] : memref<2048xf32, #tpu.memory_space<vmem>>[vector<16xi32>], vector<16xf32>,
    %swap3A_459 = arith.constant 736 : index
    %swap3A_460 = tpu.vector_load %arg20[%swap3A_459] {strides = array<i32>} : memref<768xf32, #tpu.memory_space<vmem>>, vector<16xf32>,
    tpu.vector_store %arg20[%swap3A_459], %gather3A_458 {strides = array<i32>} : memref<768xf32, #tpu.memory_space<vmem>>, vector<16xf32>,
    %get3A_461 = arith.constant 240 : index
    %get3A_462 = tpu.vector_load %arg19[%get3A_461] {strides = array<i32>} : memref<256xi32, #tpu.memory_space<vmem>>, vector<16xi32>,
    %gather3A_463 = tpu.vector_load_idx %arg13[%get3A_462] : memref<2048xf32, #tpu.memory_space<vmem>>[vector<16xi32>], vector<16xf32>,
    %swap3A_464 = arith.constant 240 : index
    %swap3A_465 = tpu.vector_load %arg20[%swap3A_464] {strides = array<i32>} : memref<768xf32, #tpu.memory_space<vmem>>, vector<16xf32>,
    tpu.vector_store %arg20[%swap3A_464], %gather3A_463 {strides = array<i32>} : memref<768xf32, #tpu.memory_space<vmem>>, vector<16xf32>,
    %gather3A_466 = tpu.vector_load_idx %arg14[%get3A_462] : memref<2048xf32, #tpu.memory_space<vmem>>[vector<16xi32>], vector<16xf32>,
    %swap3A_467 = arith.constant 496 : index
    %swap3A_468 = tpu.vector_load %arg20[%swap3A_467] {strides = array<i32>} : memref<768xf32, #tpu.memory_space<vmem>>, vector<16xf32>,
    tpu.vector_store %arg20[%swap3A_467], %gather3A_466 {strides = array<i32>} : memref<768xf32, #tpu.memory_space<vmem>>, vector<16xf32>,
    %gather3A_469 = tpu.vector_load_idx %arg15[%get3A_462] : memref<2048xf32, #tpu.memory_space<vmem>>[vector<16xi32>], vector<16xf32>,
    %swap3A_470 = arith.constant 752 : index
    %swap3A_471 = tpu.vector_load %arg20[%swap3A_470] {strides = array<i32>} : memref<768xf32, #tpu.memory_space<vmem>>, vector<16xf32>,
    tpu.vector_store %arg20[%swap3A_470], %gather3A_469 {strides = array<i32>} : memref<768xf32, #tpu.memory_space<vmem>>, vector<16xf32>,
    "tpu.region"() ({
      %run_scoped3A = tpu.sem_alloc : memref<!tpu.dma_semaphore, #tpu.memory_space<semaphore_mem>>
      %dma_start3A = arith.constant 0 : i32
      %dma_start3A_483 = tpu.memref_slice %arg20[%dma_start3A] : memref<768xf32, #tpu.memory_space<vmem>> -> memref<256xf32, #tpu.memory_space<vmem>>
      %dma_start3A_484 = tpu.memref_slice %arg10[%add3A_35] : memref<8192xf32, #tpu.memory_space<hbm>> -> memref<256xf32, #tpu.memory_space<hbm>>
      %dma_start3A_485 = tpu.memref_slice %arg10[%add3A_35] : memref<8192xf32, #tpu.memory_space<hbm>> -> memref<256xf32, #tpu.memory_space<hbm>>
      %dma_start3A_486 = arith.constant 0 : i32
      %dma_start3A_487 = tpu.memref_slice %arg20[%dma_start3A_486] : memref<768xf32, #tpu.memory_space<vmem>> -> memref<256xf32, #tpu.memory_space<vmem>>
      tpu.enqueue_dma source(%dma_start3A_487 : memref<256xf32, #tpu.memory_space<vmem>>) target(%dma_start3A_485 : memref<256xf32, #tpu.memory_space<hbm>>) target_semaphore(%run_scoped3A : memref<!tpu.dma_semaphore, #tpu.memory_space<semaphore_mem>>)
      %dma_wait3A_488 = arith.constant 0 : i32
      %dma_wait3A_489 = tpu.memref_slice %arg20[%dma_wait3A_488] : memref<768xf32, #tpu.memory_space<vmem>> -> memref<256xf32, #tpu.memory_space<vmem>>
      %dma_wait3A_490 = tpu.memref_slice %arg10[%add3A_35] : memref<8192xf32, #tpu.memory_space<hbm>> -> memref<256xf32, #tpu.memory_space<hbm>>
      %dma_wait3A_491 = tpu.memref_slice %arg10[%add3A_35] : memref<8192xf32, #tpu.memory_space<hbm>> -> memref<256xf32, #tpu.memory_space<hbm>>
      %dma_wait3A_492 = arith.constant 0 : i32
      %dma_wait3A_493 = tpu.memref_slice %arg20[%dma_wait3A_492] : memref<768xf32, #tpu.memory_space<vmem>> -> memref<256xf32, #tpu.memory_space<vmem>>
      tpu.wait_dma2 semaphore(%run_scoped3A : memref<!tpu.dma_semaphore, #tpu.memory_space<semaphore_mem>>) src(%dma_wait3A_493 : memref<256xf32, #tpu.memory_space<vmem>>) dst(%dma_wait3A_491 : memref<256xf32, #tpu.memory_space<hbm>>)
      tpu.yield
    }) : () -> ()
    "tpu.region"() ({
      %run_scoped3A = tpu.sem_alloc : memref<!tpu.dma_semaphore, #tpu.memory_space<semaphore_mem>>
      %dma_start3A = arith.constant 256 : i32
      %dma_start3A_483 = tpu.memref_slice %arg20[%dma_start3A] : memref<768xf32, #tpu.memory_space<vmem>> -> memref<256xf32, #tpu.memory_space<vmem>>
      %dma_start3A_484 = tpu.memref_slice %arg11[%add3A_35] : memref<8192xf32, #tpu.memory_space<hbm>> -> memref<256xf32, #tpu.memory_space<hbm>>
      %dma_start3A_485 = tpu.memref_slice %arg11[%add3A_35] : memref<8192xf32, #tpu.memory_space<hbm>> -> memref<256xf32, #tpu.memory_space<hbm>>
      %dma_start3A_486 = arith.constant 256 : i32
      %dma_start3A_487 = tpu.memref_slice %arg20[%dma_start3A_486] : memref<768xf32, #tpu.memory_space<vmem>> -> memref<256xf32, #tpu.memory_space<vmem>>
      tpu.enqueue_dma source(%dma_start3A_487 : memref<256xf32, #tpu.memory_space<vmem>>) target(%dma_start3A_485 : memref<256xf32, #tpu.memory_space<hbm>>) target_semaphore(%run_scoped3A : memref<!tpu.dma_semaphore, #tpu.memory_space<semaphore_mem>>)
      %dma_wait3A_488 = arith.constant 256 : i32
      %dma_wait3A_489 = tpu.memref_slice %arg20[%dma_wait3A_488] : memref<768xf32, #tpu.memory_space<vmem>> -> memref<256xf32, #tpu.memory_space<vmem>>
      %dma_wait3A_490 = tpu.memref_slice %arg11[%add3A_35] : memref<8192xf32, #tpu.memory_space<hbm>> -> memref<256xf32, #tpu.memory_space<hbm>>
      %dma_wait3A_491 = tpu.memref_slice %arg11[%add3A_35] : memref<8192xf32, #tpu.memory_space<hbm>> -> memref<256xf32, #tpu.memory_space<hbm>>
      %dma_wait3A_492 = arith.constant 256 : i32
      %dma_wait3A_493 = tpu.memref_slice %arg20[%dma_wait3A_492] : memref<768xf32, #tpu.memory_space<vmem>> -> memref<256xf32, #tpu.memory_space<vmem>>
      tpu.wait_dma2 semaphore(%run_scoped3A : memref<!tpu.dma_semaphore, #tpu.memory_space<semaphore_mem>>) src(%dma_wait3A_493 : memref<256xf32, #tpu.memory_space<vmem>>) dst(%dma_wait3A_491 : memref<256xf32, #tpu.memory_space<hbm>>)
      tpu.yield
    }) : () -> ()
    "tpu.region"() ({
      %run_scoped3A = tpu.sem_alloc : memref<!tpu.dma_semaphore, #tpu.memory_space<semaphore_mem>>
      %dma_start3A = arith.constant 512 : i32
      %dma_start3A_483 = tpu.memref_slice %arg20[%dma_start3A] : memref<768xf32, #tpu.memory_space<vmem>> -> memref<256xf32, #tpu.memory_space<vmem>>
      %dma_start3A_484 = tpu.memref_slice %arg12[%add3A_35] : memref<8192xf32, #tpu.memory_space<hbm>> -> memref<256xf32, #tpu.memory_space<hbm>>
      %dma_start3A_485 = tpu.memref_slice %arg12[%add3A_35] : memref<8192xf32, #tpu.memory_space<hbm>> -> memref<256xf32, #tpu.memory_space<hbm>>
      %dma_start3A_486 = arith.constant 512 : i32
      %dma_start3A_487 = tpu.memref_slice %arg20[%dma_start3A_486] : memref<768xf32, #tpu.memory_space<vmem>> -> memref<256xf32, #tpu.memory_space<vmem>>
      tpu.enqueue_dma source(%dma_start3A_487 : memref<256xf32, #tpu.memory_space<vmem>>) target(%dma_start3A_485 : memref<256xf32, #tpu.memory_space<hbm>>) target_semaphore(%run_scoped3A : memref<!tpu.dma_semaphore, #tpu.memory_space<semaphore_mem>>)
      %dma_wait3A_488 = arith.constant 512 : i32
      %dma_wait3A_489 = tpu.memref_slice %arg20[%dma_wait3A_488] : memref<768xf32, #tpu.memory_space<vmem>> -> memref<256xf32, #tpu.memory_space<vmem>>
      %dma_wait3A_490 = tpu.memref_slice %arg12[%add3A_35] : memref<8192xf32, #tpu.memory_space<hbm>> -> memref<256xf32, #tpu.memory_space<hbm>>
      %dma_wait3A_491 = tpu.memref_slice %arg12[%add3A_35] : memref<8192xf32, #tpu.memory_space<hbm>> -> memref<256xf32, #tpu.memory_space<hbm>>
      %dma_wait3A_492 = arith.constant 512 : i32
      %dma_wait3A_493 = tpu.memref_slice %arg20[%dma_wait3A_492] : memref<768xf32, #tpu.memory_space<vmem>> -> memref<256xf32, #tpu.memory_space<vmem>>
      tpu.wait_dma2 semaphore(%run_scoped3A : memref<!tpu.dma_semaphore, #tpu.memory_space<semaphore_mem>>) src(%dma_wait3A_493 : memref<256xf32, #tpu.memory_space<vmem>>) dst(%dma_wait3A_491 : memref<256xf32, #tpu.memory_space<hbm>>)
      tpu.yield
    }) : () -> ()
    %dma_wait3A = arith.constant 0 : i32
    %dma_wait3A_472 = tpu.memref_slice %arg9[%add3A_35, %dma_wait3A] : memref<8192x512xf32, #tpu.memory_space<hbm>> -> memref<1x512xf32, #tpu.memory_space<hbm>>
    %dma_wait3A_473 = tpu.memref_squeeze %dma_wait3A_472 : memref<1x512xf32, #tpu.memory_space<hbm>> -> memref<512xf32, #tpu.memory_space<hbm>>
    %dma_wait3A_474 = arith.constant 0 : i32
    %dma_wait3A_475 = tpu.memref_slice %arg9[%add3A_35, %dma_wait3A_474] : memref<8192x512xf32, #tpu.memory_space<hbm>> -> memref<1x512xf32, #tpu.memory_space<hbm>>
    %dma_wait3A_476 = tpu.memref_squeeze %dma_wait3A_475 : memref<1x512xf32, #tpu.memory_space<hbm>> -> memref<512xf32, #tpu.memory_space<hbm>>
    tpu.wait_dma2 semaphore(%arg25 : memref<!tpu.dma_semaphore, #tpu.memory_space<semaphore_mem>>) src(%arg23 : memref<512xf32, #tpu.memory_space<vmem>>) dst(%dma_wait3A_476 : memref<512xf32, #tpu.memory_space<hbm>>)
    %dma_wait3A_477 = arith.constant 0 : i32
    %dma_wait3A_478 = tpu.memref_slice %arg9[%add3A_35, %dma_wait3A_477] : memref<8192x512xf32, #tpu.memory_space<hbm>> -> memref<1x512xf32, #tpu.memory_space<hbm>>
    %dma_wait3A_479 = tpu.memref_squeeze %dma_wait3A_478 : memref<1x512xf32, #tpu.memory_space<hbm>> -> memref<512xf32, #tpu.memory_space<hbm>>
    %dma_wait3A_480 = arith.constant 0 : i32
    %dma_wait3A_481 = tpu.memref_slice %arg9[%add3A_35, %dma_wait3A_480] : memref<8192x512xf32, #tpu.memory_space<hbm>> -> memref<1x512xf32, #tpu.memory_space<hbm>>
    %dma_wait3A_482 = tpu.memref_squeeze %dma_wait3A_481 : memref<1x512xf32, #tpu.memory_space<hbm>> -> memref<512xf32, #tpu.memory_space<hbm>>
    tpu.wait_dma2 semaphore(%arg26 : memref<!tpu.dma_semaphore, #tpu.memory_space<semaphore_mem>>) src(%arg24 : memref<512xf32, #tpu.memory_space<vmem>>) dst(%dma_wait3A_482 : memref<512xf32, #tpu.memory_space<hbm>>)
    return
  }
}

module attributes {stable_mosaic.version = 14 : i64} {
  func.func @_mlp_body(%arg0: i32, %arg1: memref<8192x8xf32, #tpu.memory_space<vmem>>, %arg2: memref<8x64xf32, #tpu.memory_space<vmem>>, %arg3: memref<1x64xf32, #tpu.memory_space<vmem>>, %arg4: memref<64x64xf32, #tpu.memory_space<vmem>>, %arg5: memref<1x64xf32, #tpu.memory_space<vmem>>, %arg6: memref<64x64xf32, #tpu.memory_space<vmem>>, %arg7: memref<1x64xf32, #tpu.memory_space<vmem>>, %arg8: memref<128x64xf32, #tpu.memory_space<vmem>>) attributes {dimension_semantics = [#tpu.dimension_semantics<arbitrary>], iteration_bounds = array<i64: 64>, scalar_prefetch = 0 : i64, scratch_operands = 0 : i64, tpu.core_type = #tpu.core_type<tc>, window_params = [{transform_indices = @transform_0, window_bounds = array<i64: 8192, 8>}, {pipeline_mode = #tpu.pipeline_mode<synchronous>, transform_indices = @transform_1, window_bounds = array<i64: 8, 64>}, {pipeline_mode = #tpu.pipeline_mode<synchronous>, transform_indices = @transform_2, window_bounds = array<i64: 1, 64>}, {pipeline_mode = #tpu.pipeline_mode<synchronous>, transform_indices = @transform_3, window_bounds = array<i64: 64, 64>}, {pipeline_mode = #tpu.pipeline_mode<synchronous>, transform_indices = @transform_4, window_bounds = array<i64: 1, 64>}, {pipeline_mode = #tpu.pipeline_mode<synchronous>, transform_indices = @transform_5, window_bounds = array<i64: 64, 64>}, {pipeline_mode = #tpu.pipeline_mode<synchronous>, transform_indices = @transform_6, window_bounds = array<i64: 1, 64>}, {transform_indices = @transform_7, window_bounds = array<i64: 128, 64>}]} {
    %get3A = arith.constant 0 : index
    %get3A_0 = arith.constant 0 : index
    %get3A_1 = vector.load %arg1[%get3A, %get3A_0] : memref<8192x8xf32, #tpu.memory_space<vmem>>, vector<8192x8xf32>
    %get3A_2 = arith.constant 0 : index
    %get3A_3 = arith.constant 0 : index
    %get3A_4 = vector.load %arg2[%get3A_2, %get3A_3] : memref<8x64xf32, #tpu.memory_space<vmem>>, vector<8x64xf32>
    %dot_general3A = arith.constant dense<0.000000e+00> : vector<8192x64xf32>
    %dot_general3A_5 = tpu.matmul %get3A_1, %get3A_4, %dot_general3A {dimension_numbers = #tpu.dot_dimension_numbers<[1], [0], [0], [1], [0, 0, 1, 1], [], []>, transpose_lhs_hint = false} : vector<8192x8xf32>, vector<8x64xf32>, vector<8192x64xf32> -> vector<8192x64xf32>
    %get3A_6 = arith.constant 0 : index
    %get3A_7 = arith.constant 0 : index
    %get3A_8 = vector.load %arg3[%get3A_6, %get3A_7] : memref<1x64xf32, #tpu.memory_space<vmem>>, vector<1x64xf32>
    %add3A = vector.broadcast %get3A_8 : vector<1x64xf32> to vector<8192x64xf32>
    %add3A_9 = arith.addf %dot_general3A_5, %add3A : vector<8192x64xf32>
    %max3A = arith.constant 0.000000e+00 : f32
    %max3A_10 = vector.broadcast %max3A : f32 to vector<8192x64xf32>
    %max3A_11 = arith.maximumf %add3A_9, %max3A_10 : vector<8192x64xf32>
    %get3A_12 = arith.constant 0 : index
    %get3A_13 = arith.constant 0 : index
    %get3A_14 = vector.load %arg4[%get3A_12, %get3A_13] : memref<64x64xf32, #tpu.memory_space<vmem>>, vector<64x64xf32>
    %dot_general3A_15 = arith.constant dense<0.000000e+00> : vector<8192x64xf32>
    %dot_general3A_16 = tpu.matmul %max3A_11, %get3A_14, %dot_general3A_15 {dimension_numbers = #tpu.dot_dimension_numbers<[1], [0], [0], [1], [0, 0, 1, 1], [], []>, transpose_lhs_hint = false} : vector<8192x64xf32>, vector<64x64xf32>, vector<8192x64xf32> -> vector<8192x64xf32>
    %get3A_17 = arith.constant 0 : index
    %get3A_18 = arith.constant 0 : index
    %get3A_19 = vector.load %arg5[%get3A_17, %get3A_18] : memref<1x64xf32, #tpu.memory_space<vmem>>, vector<1x64xf32>
    %add3A_20 = vector.broadcast %get3A_19 : vector<1x64xf32> to vector<8192x64xf32>
    %add3A_21 = arith.addf %dot_general3A_16, %add3A_20 : vector<8192x64xf32>
    %max3A_22 = arith.constant 0.000000e+00 : f32
    %max3A_23 = vector.broadcast %max3A_22 : f32 to vector<8192x64xf32>
    %max3A_24 = arith.maximumf %add3A_21, %max3A_23 : vector<8192x64xf32>
    %get3A_25 = arith.constant 0 : index
    %get3A_26 = arith.constant 0 : index
    %get3A_27 = vector.load %arg6[%get3A_25, %get3A_26] : memref<64x64xf32, #tpu.memory_space<vmem>>, vector<64x64xf32>
    %dot_general3A_28 = arith.constant dense<0.000000e+00> : vector<8192x64xf32>
    %dot_general3A_29 = tpu.matmul %max3A_24, %get3A_27, %dot_general3A_28 {dimension_numbers = #tpu.dot_dimension_numbers<[1], [0], [0], [1], [0, 0, 1, 1], [], []>, transpose_lhs_hint = false} : vector<8192x64xf32>, vector<64x64xf32>, vector<8192x64xf32> -> vector<8192x64xf32>
    %get3A_30 = arith.constant 0 : index
    %get3A_31 = arith.constant 0 : index
    %get3A_32 = vector.load %arg7[%get3A_30, %get3A_31] : memref<1x64xf32, #tpu.memory_space<vmem>>, vector<1x64xf32>
    %add3A_33 = vector.broadcast %get3A_32 : vector<1x64xf32> to vector<8192x64xf32>
    %add3A_34 = arith.addf %dot_general3A_29, %add3A_33 : vector<8192x64xf32>
    %max3A_35 = arith.constant 0.000000e+00 : f32
    %max3A_36 = vector.broadcast %max3A_35 : f32 to vector<8192x64xf32>
    %max3A_37 = arith.maximumf %add3A_34, %max3A_36 : vector<8192x64xf32>
    %reshape3A = vector.shape_cast %max3A_37 : vector<8192x64xf32> to vector<128x64x64xf32>
    %reduce_max3A = arith.constant dense<0xFF800000> : vector<128x64xf32>
    %reduce_max3A_38 = vector.multi_reduction <maximumf>, %reshape3A, %reduce_max3A [1] : vector<128x64x64xf32> to vector<128x64xf32>
    %swap3A = arith.constant 0 : index
    %swap3A_39 = arith.constant 0 : index
    %swap3A_40 = vector.load %arg8[%swap3A, %swap3A_39] : memref<128x64xf32, #tpu.memory_space<vmem>>, vector<128x64xf32>
    tpu.vector_store %arg8[%swap3A, %swap3A_39], %reduce_max3A_38 {strides = array<i32>} : memref<128x64xf32, #tpu.memory_space<vmem>>, vector<128x64xf32>,
    return
  }
  func.func @transform_0(%arg0: i32) -> (i32, i32) {
    %c0_i32 = arith.constant 0 : i32
    %c0_i32_0 = arith.constant 0 : i32
    return %arg0, %c0_i32 : i32, i32
  }
  func.func @transform_1(%arg0: i32) -> (i32, i32) {
    %c0_i32 = arith.constant 0 : i32
    %c0_i32_0 = arith.constant 0 : i32
    %c0_i32_1 = arith.constant 0 : i32
    return %c0_i32, %c0_i32_0 : i32, i32
  }
  func.func @transform_2(%arg0: i32) -> (i32, i32) {
    %c0_i32 = arith.constant 0 : i32
    %c0_i32_0 = arith.constant 0 : i32
    %c0_i32_1 = arith.constant 0 : i32
    return %c0_i32, %c0_i32_0 : i32, i32
  }
  func.func @transform_3(%arg0: i32) -> (i32, i32) {
    %c0_i32 = arith.constant 0 : i32
    %c0_i32_0 = arith.constant 0 : i32
    %c0_i32_1 = arith.constant 0 : i32
    return %c0_i32, %c0_i32_0 : i32, i32
  }
  func.func @transform_4(%arg0: i32) -> (i32, i32) {
    %c0_i32 = arith.constant 0 : i32
    %c0_i32_0 = arith.constant 0 : i32
    %c0_i32_1 = arith.constant 0 : i32
    return %c0_i32, %c0_i32_0 : i32, i32
  }
  func.func @transform_5(%arg0: i32) -> (i32, i32) {
    %c0_i32 = arith.constant 0 : i32
    %c0_i32_0 = arith.constant 0 : i32
    %c0_i32_1 = arith.constant 0 : i32
    return %c0_i32, %c0_i32_0 : i32, i32
  }
  func.func @transform_6(%arg0: i32) -> (i32, i32) {
    %c0_i32 = arith.constant 0 : i32
    %c0_i32_0 = arith.constant 0 : i32
    %c0_i32_1 = arith.constant 0 : i32
    return %c0_i32, %c0_i32_0 : i32, i32
  }
  func.func @transform_7(%arg0: i32) -> (i32, i32) {
    %c0_i32 = arith.constant 0 : i32
    %c0_i32_0 = arith.constant 0 : i32
    return %arg0, %c0_i32 : i32, i32
  }
}

module attributes {stable_mosaic.version = 14 : i64} {
  func.func @_fps_body(%arg0: memref<16x2048xf32, #tpu.memory_space<vmem>>, %arg1: memref<16x2048xf32, #tpu.memory_space<vmem>>, %arg2: memref<16x2048xf32, #tpu.memory_space<vmem>>, %arg3: memref<16x512xi32, #tpu.memory_space<vmem>>, %arg4: memref<16x2048xf32, #tpu.memory_space<vmem>>) attributes {dimension_semantics = [], scalar_prefetch = 0 : i64, scratch_operands = 1 : i64, tpu.core_type = #tpu.core_type<tc>} {
    %get3A = arith.constant 0 : index
    %get3A_0 = arith.constant 0 : index
    %get3A_1 = vector.load %arg0[%get3A, %get3A_0] : memref<16x2048xf32, #tpu.memory_space<vmem>>, vector<16x2048xf32>
    %get3A_2 = arith.constant 0 : index
    %get3A_3 = arith.constant 0 : index
    %get3A_4 = vector.load %arg1[%get3A_2, %get3A_3] : memref<16x2048xf32, #tpu.memory_space<vmem>>, vector<16x2048xf32>
    %get3A_5 = arith.constant 0 : index
    %get3A_6 = arith.constant 0 : index
    %get3A_7 = vector.load %arg2[%get3A_5, %get3A_6] : memref<16x2048xf32, #tpu.memory_space<vmem>>, vector<16x2048xf32>
    %iota3A = tpu.iota {dimensions = array<i32: 1>} : vector<16x2048xi32>
    %iota3A_8 = tpu.iota {dimensions = array<i32: 1>} : vector<16x512xi32>
    %slice3A = vector.extract_strided_slice %get3A_1 {offsets = [0, 0], sizes = [16, 1], strides = [1, 1]} : vector<16x2048xf32> to vector<16x1xf32>
    %slice3A_9 = vector.extract_strided_slice %get3A_4 {offsets = [0, 0], sizes = [16, 1], strides = [1, 1]} : vector<16x2048xf32> to vector<16x1xf32>
    %slice3A_10 = vector.extract_strided_slice %get3A_7 {offsets = [0, 0], sizes = [16, 1], strides = [1, 1]} : vector<16x2048xf32> to vector<16x1xf32>
    %sub3A = vector.broadcast %slice3A : vector<16x1xf32> to vector<16x2048xf32>
    %sub3A_11 = arith.subf %get3A_1, %sub3A : vector<16x2048xf32>
    %sub3A_12 = vector.broadcast %slice3A_9 : vector<16x1xf32> to vector<16x2048xf32>
    %sub3A_13 = arith.subf %get3A_4, %sub3A_12 : vector<16x2048xf32>
    %sub3A_14 = vector.broadcast %slice3A_10 : vector<16x1xf32> to vector<16x2048xf32>
    %sub3A_15 = arith.subf %get3A_7, %sub3A_14 : vector<16x2048xf32>
    %mul3A = arith.mulf %sub3A_11, %sub3A_11 : vector<16x2048xf32>
    %mul3A_16 = arith.mulf %sub3A_13, %sub3A_13 : vector<16x2048xf32>
    %add3A = arith.addf %mul3A, %mul3A_16 : vector<16x2048xf32>
    %mul3A_17 = arith.mulf %sub3A_15, %sub3A_15 : vector<16x2048xf32>
    %add3A_18 = arith.addf %add3A, %mul3A_17 : vector<16x2048xf32>
    %swap3A = arith.constant 0 : index
    %swap3A_19 = arith.constant 0 : index
    %swap3A_20 = vector.load %arg4[%swap3A, %swap3A_19] : memref<16x2048xf32, #tpu.memory_space<vmem>>, vector<16x2048xf32>
    tpu.vector_store %arg4[%swap3A, %swap3A_19], %add3A_18 {strides = array<i32>} : memref<16x2048xf32, #tpu.memory_space<vmem>>, vector<16x2048xf32>,
    %broadcast_in_dim3A = arith.constant 0 : i32
    %broadcast_in_dim3A_21 = vector.broadcast %broadcast_in_dim3A : i32 to vector<16x512xi32>
    %swap3A_22 = arith.constant 0 : index
    %swap3A_23 = arith.constant 0 : index
    %swap3A_24 = vector.load %arg3[%swap3A_22, %swap3A_23] : memref<16x512xi32, #tpu.memory_space<vmem>>, vector<16x512xi32>
    tpu.vector_store %arg3[%swap3A_22, %swap3A_23], %broadcast_in_dim3A_21 {strides = array<i32>} : memref<16x512xi32, #tpu.memory_space<vmem>>, vector<16x512xi32>,
    %scan3A = arith.constant 1 : i32
    %scan3A_25 = arith.constant 511 : i32
    %scan3A_26 = arith.addi %scan3A, %scan3A_25 : i32
    %scan3A_27 = arith.constant 1 : i32
    scf.for %scan3A_29 = %scan3A to %scan3A_26 step %scan3A_27  : i32 {
      %get3A_30 = arith.constant 0 : index
      %get3A_31 = arith.constant 0 : index
      %get3A_32 = vector.load %arg0[%get3A_30, %get3A_31] : memref<16x2048xf32, #tpu.memory_space<vmem>>, vector<16x2048xf32>
      %get3A_33 = arith.constant 0 : index
      %get3A_34 = arith.constant 0 : index
      %get3A_35 = vector.load %arg1[%get3A_33, %get3A_34] : memref<16x2048xf32, #tpu.memory_space<vmem>>, vector<16x2048xf32>
      %get3A_36 = arith.constant 0 : index
      %get3A_37 = arith.constant 0 : index
      %get3A_38 = vector.load %arg2[%get3A_36, %get3A_37] : memref<16x2048xf32, #tpu.memory_space<vmem>>, vector<16x2048xf32>
      %get3A_39 = arith.constant 0 : index
      %get3A_40 = arith.constant 0 : index
      %get3A_41 = vector.load %arg4[%get3A_39, %get3A_40] : memref<16x2048xf32, #tpu.memory_space<vmem>>, vector<16x2048xf32>
      %reduce_max3A = arith.constant dense<0xFF800000> : vector<16xf32>
      %reduce_max3A_42 = vector.multi_reduction <maximumf>, %get3A_41, %reduce_max3A [1] : vector<16x2048xf32> to vector<16xf32>
      %broadcast_in_dim3A_43 = vector.shape_cast %reduce_max3A_42 : vector<16xf32> to vector<16x1xf32>
      %eq3A = vector.broadcast %broadcast_in_dim3A_43 : vector<16x1xf32> to vector<16x2048xf32>
      %eq3A_44 = arith.cmpf oeq, %get3A_41, %eq3A : vector<16x2048xf32>
      %jit3A = arith.constant 2048 : i32
      %broadcast_in_dim3A_45 = vector.broadcast %jit3A : i32 to vector<16x2048xi32>
      %select_n3A = arith.select %eq3A_44, %iota3A, %broadcast_in_dim3A_45 : vector<16x2048xi1>, vector<16x2048xi32>
      %reduce_min3A = arith.constant dense<2147483647> : vector<16xi32>
      %reduce_min3A_46 = vector.multi_reduction <minsi>, %select_n3A, %reduce_min3A [1] : vector<16x2048xi32> to vector<16xi32>
      %broadcast_in_dim3A_47 = vector.shape_cast %reduce_min3A_46 : vector<16xi32> to vector<16x1xi32>
      %eq3A_48 = vector.broadcast %broadcast_in_dim3A_47 : vector<16x1xi32> to vector<16x2048xi32>
      %eq3A_49 = arith.cmpi eq, %iota3A, %eq3A_48 : vector<16x2048xi32>
      %jit3A_50 = arith.constant 0.000000e+00 : f32
      %broadcast_in_dim3A_51 = vector.broadcast %jit3A_50 : f32 to vector<16x2048xf32>
      %select_n3A_52 = arith.select %eq3A_49, %get3A_32, %broadcast_in_dim3A_51 : vector<16x2048xi1>, vector<16x2048xf32>
      %reduce_sum3A = arith.constant dense<0.000000e+00> : vector<16xf32>
      %reduce_sum3A_53 = vector.multi_reduction <add>, %select_n3A_52, %reduce_sum3A [1] : vector<16x2048xf32> to vector<16xf32>
      %broadcast_in_dim3A_54 = vector.shape_cast %reduce_sum3A_53 : vector<16xf32> to vector<16x1xf32>
      %jit3A_55 = arith.constant 0.000000e+00 : f32
      %broadcast_in_dim3A_56 = vector.broadcast %jit3A_55 : f32 to vector<16x2048xf32>
      %select_n3A_57 = arith.select %eq3A_49, %get3A_35, %broadcast_in_dim3A_56 : vector<16x2048xi1>, vector<16x2048xf32>
      %reduce_sum3A_58 = arith.constant dense<0.000000e+00> : vector<16xf32>
      %reduce_sum3A_59 = vector.multi_reduction <add>, %select_n3A_57, %reduce_sum3A_58 [1] : vector<16x2048xf32> to vector<16xf32>
      %broadcast_in_dim3A_60 = vector.shape_cast %reduce_sum3A_59 : vector<16xf32> to vector<16x1xf32>
      %jit3A_61 = arith.constant 0.000000e+00 : f32
      %broadcast_in_dim3A_62 = vector.broadcast %jit3A_61 : f32 to vector<16x2048xf32>
      %select_n3A_63 = arith.select %eq3A_49, %get3A_38, %broadcast_in_dim3A_62 : vector<16x2048xi1>, vector<16x2048xf32>
      %reduce_sum3A_64 = arith.constant dense<0.000000e+00> : vector<16xf32>
      %reduce_sum3A_65 = vector.multi_reduction <add>, %select_n3A_63, %reduce_sum3A_64 [1] : vector<16x2048xf32> to vector<16xf32>
      %broadcast_in_dim3A_66 = vector.shape_cast %reduce_sum3A_65 : vector<16xf32> to vector<16x1xf32>
      %eq3A_67 = vector.broadcast %scan3A_29 : i32 to vector<16x512xi32>
      %eq3A_68 = arith.cmpi eq, %iota3A_8, %eq3A_67 : vector<16x512xi32>
      %get3A_69 = arith.constant 0 : index
      %get3A_70 = arith.constant 0 : index
      %get3A_71 = vector.load %arg3[%get3A_69, %get3A_70] : memref<16x512xi32, #tpu.memory_space<vmem>>, vector<16x512xi32>
      %broadcast_in_dim3A_72 = vector.shape_cast %broadcast_in_dim3A_47 : vector<16x1xi32> to vector<16x1xi32>
      %broadcast_in_dim3A_73 = vector.broadcast %broadcast_in_dim3A_72 : vector<16x1xi32> to vector<16x512xi32>
      %select_n3A_74 = arith.select %eq3A_68, %broadcast_in_dim3A_73, %get3A_71 : vector<16x512xi1>, vector<16x512xi32>
      %swap3A_75 = arith.constant 0 : index
      %swap3A_76 = arith.constant 0 : index
      %swap3A_77 = vector.load %arg3[%swap3A_75, %swap3A_76] : memref<16x512xi32, #tpu.memory_space<vmem>>, vector<16x512xi32>
      tpu.vector_store %arg3[%swap3A_75, %swap3A_76], %select_n3A_74 {strides = array<i32>} : memref<16x512xi32, #tpu.memory_space<vmem>>, vector<16x512xi32>,
      %sub3A_78 = vector.broadcast %broadcast_in_dim3A_54 : vector<16x1xf32> to vector<16x2048xf32>
      %sub3A_79 = arith.subf %get3A_32, %sub3A_78 : vector<16x2048xf32>
      %sub3A_80 = vector.broadcast %broadcast_in_dim3A_60 : vector<16x1xf32> to vector<16x2048xf32>
      %sub3A_81 = arith.subf %get3A_35, %sub3A_80 : vector<16x2048xf32>
      %sub3A_82 = vector.broadcast %broadcast_in_dim3A_66 : vector<16x1xf32> to vector<16x2048xf32>
      %sub3A_83 = arith.subf %get3A_38, %sub3A_82 : vector<16x2048xf32>
      %mul3A_84 = arith.mulf %sub3A_79, %sub3A_79 : vector<16x2048xf32>
      %mul3A_85 = arith.mulf %sub3A_81, %sub3A_81 : vector<16x2048xf32>
      %add3A_86 = arith.addf %mul3A_84, %mul3A_85 : vector<16x2048xf32>
      %mul3A_87 = arith.mulf %sub3A_83, %sub3A_83 : vector<16x2048xf32>
      %add3A_88 = arith.addf %add3A_86, %mul3A_87 : vector<16x2048xf32>
      %min3A = arith.minimumf %get3A_41, %add3A_88 : vector<16x2048xf32>
      %swap3A_89 = arith.constant 0 : index
      %swap3A_90 = arith.constant 0 : index
      %swap3A_91 = vector.load %arg4[%swap3A_89, %swap3A_90] : memref<16x2048xf32, #tpu.memory_space<vmem>>, vector<16x2048xf32>
      tpu.vector_store %arg4[%swap3A_89, %swap3A_90], %min3A {strides = array<i32>} : memref<16x2048xf32, #tpu.memory_space<vmem>>, vector<16x2048xf32>,
    }
    %scan3A_28 = arith.constant 511 : i32
    return
  }
}

</mosaic_0001>

<sc_bundles>
// kernel: kernel.5.cloned.1.call-start
scs
__scs_entry_jumppad:
0x0: {  	(pc) =	sbr.rel $0x88, $3  }
0x1: {  	(tag) =	ssettag $0x0;
	lr =	simm.s32 $0x1  }
0x2: {  	[smem:$0x3F99] =	sst lr;
	_ =	strace $0xD0000000  }
0x3: {  	_ = 	snop  }
0x4: {  	_ = 	snop  }
0x5: {  	_ = 	snop  }
0x6: {  	_ = 	snop  }
0x7: {  	_ = 	snop  }
__scs_overlays_trampoline_lowered:
0x8: {  	[smem:$0x3FA8] =	sst s0  }
0x9: {  	[smem:$0x3FA9] =	sst s1  }
0xa: {  	[smem:$0x3FAA] =	sst s2  }
0xb: {  	[smem:$0x3FAB] =	sst s3  }
0xc: {  	[smem:$0x3FAC] =	sst s4  }
0xd: {  	[smem:$0x3FAD] =	sst s5  }
0xe: {  	[smem:$0x3FAE] =	sst s6  }
0xf: {  	[smem:$0x3FAF] =	sst s7  }
0x10: {  	[smem:$0x3FB0] =	sst s8  }
0x11: {  	[smem:$0x3FB1] =	sst s9;
	s0 =	simm.s32 @!p0 $0x0  }
0x12: {  	s1 =	sld [smem:$0x3F97];
	s0 =	simm.s32 @p0 $0x1  }
0x13: {  	[smem:$0x3FB2] =	sst s0;
	s0 =	simm.s32 @!p1 $0x0  }
0x14: {  	s2 =	sld [smem:$0x3F96];
	s0 =	simm.s32 @p1 $0x1  }
0x15: {  	[smem:$0x3FB3] =	sst s0;
	s0 =	simm.s32 @!p2 $0x0  }
0x16: {  	s3 =	sld [smem:$0x3FDB];
	s0 =	simm.s32 @p2 $0x1  }
0x17: {  	s4 =	simm.s32 $0x1BF5;
	[smem:$0x3FB5] =	sst s0  }
0x18: {  	s0 =	sld [smem:$0x3F98];
	_ =	swait.ge [sflag:s4], $0x0  }
0x19: {  	s7 =	sld [smem:$0x3F99]  }
0x1a: {  	s8 =	sadd.s32 $0xFFFFE003, lr  }
0x1b: {  	s9 =	sadd.s32 $0xFFFFFEF7, lr;
	s5 =	simm.s32 $0xFFFFFFFF;
	p2 =	slt.u32 s8, $0xFFFFF086  }
0x1c: {  	p1 =	slt.u32 s9, $0xF7A;
	s5 =	simm.s32 @!p2 $0x0  }
0x1d: {  	s5 =	simm.s32 @p1 $0x1;
	p0 =	seq.s32 s7, s2  }
0x1e: {  	s7 =	smul.u32 @!p0 $0xF7A, s2;
	p2 =	seq.s32 @!p0 s5, $0x0  }
0x1f: {  	s9 =	smul.u32 $0xF7A, s1;
	s8 =	simm.s32 @!p0 $0x1BF5;
	p2 =	por !p2, p0  }
0x20: {  	[sflag:s8] =	ssyncset.s32 @!p0 $0xFFFFF086;
	s6 =	sadd.s32 @!p0 s3, s7;
	s7 =	simm.s32 @!p0 $0x108  }
0x21: {  	s3 =	sadd.s32 s3, s9;
	s6 =	sadd.s32 @!p0 $0x88, s6;
	s7 =	simm.s32 @p2 $0x1082  }
0x22: {  	[simem:s7], [sflag:s8] =	dma.local @!p0 [hbm:s6], $0xF7A  }
0x23: {  	s9 =	sor.u32 $0xD0000000, s2;
	s6 =	simm.s32 $0x108;
	_ =	swait.ge @!p0 [sflag:s8], $0x0  }
0x24: {  	s3 =	sadd.s32 $0x88, s3;
	s6 =	simm.s32 @!p1 $0x1082;
	[sflag:s4] =	ssyncset.s32 $0xFFFFF086  }
0x25: {  	[simem:s6], [sflag:s4] =	dma.local [hbm:s3], $0xF7A  }
0x26: {  	[smem:$0x3F99] =	sst s1;
	(tag) =	ssettag s2;
	_ =	strace s9  }
0x27: {  	s1 =	sld [smem:$0x3FA9]  }
0x28: {  	s2 =	sld [smem:$0x3FAA]  }
0x29: {  	s4 =	sld [smem:$0x3FAC]  }
0x2a: {  	p0 =	seq.s32 s5, $0x0;
	s5 =	sld [smem:$0x3FAD]  }
0x2b: {  	s6 =	sld [smem:$0x3FAE]  }
0x2c: {  	s7 =	sld [smem:$0x3FAF]  }
0x2d: {  	s3 =	simm.s32 $0x108;
	s8 =	sld [smem:$0x3FB0]  }
0x2e: {  	s3 =	simm.s32 @!p0 $0x1082;
	s9 =	sld [smem:$0x3FB1]  }
0x2f: {  	lr =	sadd.s32 s0, s3;
	s0 =	sld [smem:$0x3FA8]  }
0x30: {  	s3 =	sld [smem:$0x3FAB]  }
0x31: {  	[smem:$0x3FB4] =	sst s10  }
0x32: {  	s10 =	sld [smem:$0x3FB2];
	_ =	sdelay $0x3  }
0x33: {  	p0 =	seq.s32 s10, $0x1;
	s10 =	sld [smem:$0x3FB4];
	_ =	sdelay $0x3  }
0x34: {  	[smem:$0x3FB4] =	sst s10  }
0x35: {  	s10 =	sld [smem:$0x3FB3];
	_ =	sdelay $0x3  }
0x36: {  	p1 =	seq.s32 s10, $0x1;
	s10 =	sld [smem:$0x3FB4];
	_ =	sdelay $0x3  }
0x37: {  	[smem:$0x3FB4] =	sst s10  }
0x38: {  	s10 =	sld [smem:$0x3FB5]  }
0x39: {  	_ = 	snop;
	(pc) =	sbr.ind lr, $3  }
0x3a: {  	_ = 	snop  }
0x3b: {  	_ = 	snop  }
0x3c: {  	p2 =	seq.s32 s10, $0x1;
	s10 =	sld [smem:$0x3FB4]  }
0x3d: {  	_ =	shalt  }
0x3e: {  	_ =	shalt  }
0x3f: {  	_ =	shalt  }
0x40: {  	_ =	shalt  }
0x41: {  	_ =	shalt  }
0x42: {  	_ =	shalt  }
0x43: {  	_ =	shalt  }
0x44: {  	_ =	shalt  }
0x45: {  	_ =	shalt  }
0x46: {  	_ =	shalt  }
0x47: {  	_ =	shalt  }
0x48: {  	_ =	shalt  }
0x49: {  	_ =	shalt  }
0x4a: {  	_ =	shalt  }
0x4b: {  	_ =	shalt  }
0x4c: {  	_ =	shalt  }
0x4d: {  	_ =	shalt  }
0x4e: {  	_ =	shalt  }
0x4f: {  	_ =	shalt  }
0x50: {  	_ =	shalt  }
0x51: {  	_ =	shalt  }
0x52: {  	_ =	shalt  }
0x53: {  	_ =	shalt  }
0x54: {  	_ =	shalt  }
0x55: {  	_ =	shalt  }
0x56: {  	_ =	shalt  }
0x57: {  	_ =	shalt  }
0x58: {  	_ =	shalt  }
0x59: {  	_ =	shalt  }
0x5a: {  	_ =	shalt  }
0x5b: {  	_ =	shalt  }
0x5c: {  	_ =	shalt  }
0x5d: {  	_ =	shalt  }
0x5e: {  	_ =	shalt  }
0x5f: {  	_ =	shalt  }
0x60: {  	_ =	shalt  }
0x61: {  	_ =	shalt  }
0x62: {  	_ =	shalt  }
0x63: {  	_ =	shalt  }
0x64: {  	_ =	shalt  }
0x65: {  	_ =	shalt  }
0x66: {  	_ =	shalt  }
0x67: {  	_ =	shalt  }
0x68: {  	_ =	shalt  }
0x69: {  	_ =	shalt  }
0x6a: {  	_ =	shalt  }
0x6b: {  	_ =	shalt  }
0x6c: {  	_ =	shalt  }
0x6d: {  	_ =	shalt  }
0x6e: {  	_ =	shalt  }
0x6f: {  	_ =	shalt  }
0x70: {  	_ =	shalt  }
0x71: {  	_ =	shalt  }
0x72: {  	_ =	shalt  }
0x73: {  	_ =	shalt  }
0x74: {  	_ =	shalt  }
0x75: {  	_ =	shalt  }
0x76: {  	_ =	shalt  }
0x77: {  	_ =	shalt  }
0x78: {  	_ =	shalt  }
0x79: {  	_ =	shalt  }
0x7a: {  	_ =	shalt  }
0x7b: {  	_ =	shalt  }
0x7c: {  	_ =	shalt  }
0x7d: {  	_ =	shalt  }
0x7e: {  	_ =	shalt  }
0x7f: {  	_ =	shalt  }
0x80: {  	_ =	shalt  }
0x81: {  	_ =	shalt  }
0x82: {  	_ =	shalt  }
0x83: {  	_ =	shalt  }
0x84: {  	_ =	shalt  }
0x85: {  	_ =	shalt  }
0x86: {  	_ =	shalt  }
0x87: {  	_ =	shalt  }
.Lfunc_end0:
.L_simem_size_0:
called_computation_lowered:
.L_overlay_start_0:
0x88: {  	s2 =	sld [smem:$0x3FD9]  }
0x89: {  	s3 =	sld [smem:$0x3FFE];
	_ =	sdelay $0x1  }
0x8a: {  	s1 =	srdreg.scid  }
0x8b: {  	s0 =	sand.u32 $0x1, s1  }
0x8c: {  	s14 =	sshll.u32 s0, $0xA;
	s2 =	sadd.s32 s3, s2  }
0x8d: {  	s2 =	sadd.s32 s2, s14  }
0x8e: {  	[smem:$0x3FC0] =	sst s2  }
0x8f: {  	_ = 	snop  }
0x90: {  	s2 =	sld [smem:$0x3FD0];
	_ =	sdelay $0x2  }
0x91: {  	s15 =	simm.s32 $0xA;
	s4 =	simm.s32 $0x10  }
0x92: {  	[smem:s4], [sflag:s15] =	dma.local [hbm:s2], $0x1  }
0x93: {  	_ =	swait.eq [sflag:s15], $0x1  }
0x94: {  	[sflag:s15] =	ssyncset.done $0x0  }
0x95: {  	s16 =	sld [smem:$0x10];
	[sflag:s15] =	ssyncadd.s32 $0xFFFFFFFF  }
0x96: {  	s17 =	sld [smem:$0x11];
	(tm) =	ssettm $0x1  }
0x97: {  	s18 =	sld [smem:$0x3FFB];
	_ =	sdelay $0x3  }
0x98: {  	_ =	strace s18  }
0x99: {  	s4 =	sld [smem:$0x3FFC];
	_ =	sdelay $0x3  }
0x9a: {  	_ =	strace s4  }
0x9b: {  	s4 =	sld [smem:$0x3FFD];
	_ =	sdelay $0x3  }
0x9c: {  	_ =	strace s4  }
0x9d: {  	_ =	strace $0x8FFFFFFF  }
0x9e: {  	s19 =	sld [smem:$0x3FDB];
	_ =	sdelay $0x1  }
0x9f: {  	s5 =	simm.s32 $_scs_section_size  }
0xa0: {  	s6 =	simm.s32 $_size__tile_overlayer_lowered;
	s7 =	simm.s32 $_tile_overlayer_lowered  }
0xa1: {  	s22 =	simm.s32 $0x1BFF;
	s21 =	sshll.u32 s7, $0x1;
	s4 =	sadd.s32 s5, s19  }
0xa2: {  	s8 =	simm.s32 $0x0;
	s20 =	sshll.u32 s6, $0x1;
	s6 =	sadd.s32 s21, s4  }
0xa3: {  	[timem:s8], [sflag:s22] =	dma.local [hbm:s6], s20  }
0xa4: {  	_ =	swait.ge [sflag:s22], s20  }
0xa5: {  	s5 =	ssub.s32 $0x0, s20;
	[sflag:s22] =	ssyncset.done $0x0  }
0xa6: {  	[sflag:s22] =	ssyncadd.s32 s5;
	_ =	sdelay $0x1  }
0xa7: {  	s23 =	simm.s32 $0x1B8B  }
0xa8: {  	_ =	swait.ge [sflag:s23], $0x1  }
0xa9: {  	[sflag:s23] =	ssyncset.done $0x0  }
0xaa: {  	s25 =	simm.s32 $0x1B8E;
	s24 =	sld [smem:$0x3FFE];
	[sflag:s23] =	ssyncadd.s32 $0xFFFFFFFF  }
0xab: {  	s26 =	simm.s32 $execute0_lowered;
	[smem:$0x3FD2] =	sst s25  }
0xac: {  	s6 =	sshll.u32 s26, $0x1;
	_ =	strace $0x80000046;
	[dreg:$0x1] =	wrdreg $0xFFFFFFFF  }
0xad: {  	s28 =	simm.s32 $_size_execute0_lowered;
	s4 =	sadd.s32 s4, s6;
	[dreg:$0x0] =	wrdreg $0x0  }
0xae: {  	s6 =	sshll.u32 s28, $0x1;
	[dreg:$0x2] =	wrdreg s4  }
0xaf: {  	[dreg:$0x3] =	wrdreg s6  }
0xb0: {  	[dreg:$0x4] =	wrdreg $0xC0  }
0xb1: {  	_ =	task [dreg:s8], $0x5FFFF  }
0xb2: {  	[dreg:$0x1] =	wrdreg $0xFFFFFFFF  }
0xb3: {  	[dreg:$0x0] =	wrdreg $0x60  }
0xb4: {  	[dreg:$0x2] =	wrdreg s24  }
0xb5: {  	[dreg:$0x3] =	wrdreg s16  }
0xb6: {  	[dreg:$0x4] =	wrdreg s17  }
0xb7: {  	[dreg:$0x5] =	wrdreg $0x9  }
0xb8: {  	_ =	task.clear_ibuf [dreg:s8], $0x6FFFF;
	_ =	strace $0x90000046  }
0xb9: {  	s29 =	simm.s32 $0x9;
	_ =	strace $0x80000048  }
0xba: {  	_ =	swait.ge [sflag:s29], $0x1  }
0xbb: {  	[sflag:s29] =	ssyncadd.s32 $0xFFFFFFFF  }
0xbc: {  	_ =	strace $0x90000048  }
0xbd: {  	_ =	sfence  }
0xbe: {  	s30 =	sld [smem:$0x0];
	_ =	sdelay $0x2  }
0xbf: {  	s31 =	sshll.u32 s1, $0xD;
	s1 =	sshrl.u32 s1, $0x2  }
0xc0: {  	s3 =	sand.u32 $0x4000, s31;
	s1 =	sadd.s32 s1, s30  }
0xc1: {  	s0 =	sor.u32 s3, s0;
	s1 =	sshll.u32 s1, $0x11  }
0xc2: {  	s0 =	sor.u32 s1, s0  }
0xc3: {  	s0 =	sadd.s32 $0x8F2B, s0  }
0xc4: {  	[sflag:s0] =	ssyncadd.remote.s32 $0x1  }
0xc5: {  	_ =	sfence.sel $0xFFFF  }
0xc6: {  	[dreg:$0x0] =	wrdreg $0xFFFFFFFF;
	(pc) =	sbr.abs _section_cstart, $3  }
0xc7: {  	[dreg:$0x1] =	wrdreg $0xFFFFFFFF  }
0xc8: {  	_ =	task.clear_ibuf [dreg:s8], $0x2FFFF;
	_ =	strace $0x9FFFFFFF  }
0xc9: {  	(tm) =	ssettm $0x7FFFFFFF  }
tec
execute0_lowered:
.L_overlay_start_1:
0x0: {  	(tag) =	ssettag $0x1  }
0x1: {  	s0 =	srdreg.scid  }
0x2: {  	s3 =	stileid.u32;
	s17 =	rddreg [dreg:$0x0];
	s0 =	sand.u32 $0x1, s0  }
0x3: {  	s6 =	rddreg [dreg:$0x1];
	s1 =	sor.u32 s0, s3  }
0x4: {  	p1 =	seq.s32 s0, $0x1;
	s10 =	sshll.u32 s0, $0xB;
	p0 =	seq.s32 s1, $0x0  }
0x5: {  	s18 =	sshll.u32 s0, $0x8;
	s0 =	ssub.s32 $0x2, s0;
	p0 =	por !p0, !p1  }
0x6: {  	s2 =	simm.s32 $0x1;
	s12 =	sshrl.u32 s0, $0x1;
	p0 =	por !p0, !p0  }
0x7: {  	s7 =	rddreg [dreg:$0x2];
	s0 =	ssub.s32 s0, s12;
	s2 =	simm.s32 @!p0 $0x0  }
0x8: {  	s28 =	simm.s32 $0x3F00;
	s0 =	smax.u32 s0, $0x1;
	s4 =	ssub.s32 s3, s2  }
0x9: {  	s2 =	simm.s32 $0x0;
	s3 =	sshrl.u32 s4, $0x3;
	s5 =	sshll.u32 s4, $0x7  }
0xa: {  	[smem:$0x7FF] =	sst s2;
	s4 =	sshll.u32 s4, $0x9;
	s5 =	sand.u32 $0x380, s5  }
0xb: {  	s8 =	sshll.u32 s3, $0xE;
	_ =	strace $0x80000047;
	s9 =	sshll.u32 s3, $0xC  }
0xc: {  	s4 =	sor.u32 s18, s4;
	[dreg:$0xe] =	wrdreg s0;
	s18 =	simm.s32 $0x400  }
0xd: {  	s0 =	simm.s32 $0x0;
	s8 =	sor.u32 s5, s8;
	s9 =	sor.u32 s10, s9  }
0xe: {  	s20 =	sshrl.u32 s4, $0x3;
	s8 =	sshrl.u32 s8, $0x3;
	s5 =	sor.u32 s5, s9  }
0xf: {  	s1 =	sadd.s32 s20, s17;
	s20 =	simm.s32 $0x800;
	s25 =	sadd.s32 s6, s8  }
0x10: {  	s11 =	sadd.s32 s8, s17;
	s26 =	sadd.s32 s7, s8;
	[dreg:$0x8] =	wrdreg s25  }
0x11: {  	s5 =	sshrl.u32 s5, $0x3;
	s30 =	sadd.s32 $0x86600, s1;
	[dreg:$0x9] =	wrdreg s26  }
0x12: {  	v0 =	vlaneseq.u32;
	s31 =	sadd.s32 $0x86A00, s1;
	s1 =	sadd.s32 $0x86E00, s1;
	[dreg:$0xb] =	wrdreg s30  }
0x13: {  	v1 =	vmul.u32 $0x8, v0;
	s19 =	sadd.s32 s5, s17;
	s5 =	sadd.s32 $0x6600, s17;
	[dreg:$0xc] =	wrdreg s31  }
0x14: {  	v2 =	vimm.f32 $0.0e+00;
	v3 =	vimm.s32 $0x0;
	s21 =	sadd.s32 $0x3200, s11;
	s22 =	sadd.s32 $0x4200, s11;
	[dreg:$0xd] =	wrdreg s1  }
0x15: {  	v9 =	vor.u32 $0x10, v0;
	v16 =	vor.u32 $0x20, v0;
	v4 =	vor.u32 $0x1, v1;
	s23 =	sadd.s32 $0x5200, s11;
	s24 =	sadd.s32 $0x2200, s11;
	[dreg:$0x4] =	wrdreg s21  }
.Ltmp0:
0x16: {  	v5 =	vor.u32 $0x2, v1;
	v6 =	vor.u32 $0x3, v1;
	v7 =	vor.u32 $0x4, v1;
	s17 =	simm.s32 $0x80;
	[dreg:$0x5] =	wrdreg s22;
	(pc) =	sbr.rel .LBB2_1-.Ltmp0, $4  }
0x17: {  	v8 =	vor.u32 $0x5, v1;
	v10 =	vor.u32 $0x80, v1;
	v11 =	vor.u32 $0x81, v1;
	s25 =	simm.s32 $0x3000;
	s26 =	simm.s32 $0x3D00;
	[dreg:$0x6] =	wrdreg s23  }
0x18: {  	v12 =	vor.u32 $0x82, v1;
	v13 =	vor.u32 $0x83, v1;
	v14 =	vor.u32 $0x84, v1;
	s1 =	simm.s32 $0x2;
	[dreg:$0x7] =	wrdreg s24;
	s29 =	sadd.s32 $0x6200, s19  }
0x19: {  	v15 =	vor.u32 $0x85, v1;
	v17 =	vor.u32 $0x100, v1;
	v18 =	vor.u32 $0x101, v1;
	s19 =	simm.s32 $0x3;
	s21 =	simm.s32 $0x1000;
	s22 =	simm.s32 $0x1800  }
0x1a: {  	v19 =	vor.u32 $0x102, v1;
	v20 =	vor.u32 $0x103, v1;
	v21 =	vor.u32 $0x104, v1;
	s23 =	simm.s32 $0x2000;
	s24 =	simm.s32 $0x2800;
	[dreg:$0xa] =	wrdreg s29  }
.LBB2_71:
0x1b: {  	v22 =	vld [tilespmem:$0x3000];
	_ =	sdelay $0x7  }
0x1c: {  	v23 =	vld.idx.msk [tilespmem:v22+s2+$0x0], $0xffff;
	_ =	sdelay $0x4  }
0x1d: {  	[tilespmem:$0x3100] =	vst v23  }
0x1e: {  	v23 =	vld.idx.msk [tilespmem:v22+s20+$0x0], $0xffff;
	_ =	sdelay $0x3  }
0x1f: {  	v24 =	vld [tilespmem:$0x3010]  }
0x20: {  	[tilespmem:$0x3200] =	vst v23  }
0x21: {  	v22 =	vld.idx.msk [tilespmem:v22+s21+$0x0], $0xffff;
	_ =	sdelay $0x4  }
0x22: {  	[tilespmem:$0x3300] =	vst v22  }
0x23: {  	v22 =	vld.idx.msk [tilespmem:v24+s2+$0x0], $0xffff;
	_ =	sdelay $0x4  }
0x24: {  	[tilespmem:$0x3110] =	vst v22  }
0x25: {  	v22 =	vld.idx.msk [tilespmem:v24+s20+$0x0], $0xffff;
	_ =	sdelay $0x3  }
0x26: {  	v23 =	vld [tilespmem:$0x3020]  }
0x27: {  	[tilespmem:$0x3210] =	vst v22  }
0x28: {  	v22 =	vld.idx.msk [tilespmem:v24+s21+$0x0], $0xffff;
	_ =	sdelay $0x4  }
0x29: {  	[tilespmem:$0x3310] =	vst v22  }
0x2a: {  	v22 =	vld.idx.msk [tilespmem:v23+s2+$0x0], $0xffff;
	_ =	sdelay $0x4  }
0x2b: {  	[tilespmem:$0x3120] =	vst v22  }
0x2c: {  	v22 =	vld.idx.msk [tilespmem:v23+s20+$0x0], $0xffff;
	_ =	sdelay $0x3  }
0x2d: {  	v57 =	vld [tilespmem:$0x3030]  }
0x2e: {  	[tilespmem:$0x3220] =	vst v22  }
0x2f: {  	v22 =	vld.idx.msk [tilespmem:v23+s21+$0x0], $0xffff;
	_ =	sdelay $0x4  }
0x30: {  	[tilespmem:$0x3320] =	vst v22  }
0x31: {  	v22 =	vld.idx.msk [tilespmem:v57+s2+$0x0], $0xffff;
	_ =	sdelay $0x4  }
0x32: {  	[tilespmem:$0x3130] =	vst v22  }
0x33: {  	v22 =	vld.idx.msk [tilespmem:v57+s20+$0x0], $0xffff;
	_ =	sdelay $0x3  }
0x34: {  	v23 =	vld [tilespmem:$0x3040]  }
0x35: {  	[tilespmem:$0x3230] =	vst v22  }
0x36: {  	v22 =	vld.idx.msk [tilespmem:v57+s21+$0x0], $0xffff;
	_ =	sdelay $0x4  }
0x37: {  	[tilespmem:$0x3330] =	vst v22  }
0x38: {  	v22 =	vld.idx.msk [tilespmem:v23+s2+$0x0], $0xffff;
	_ =	sdelay $0x4  }
0x39: {  	[tilespmem:$0x3140] =	vst v22  }
0x3a: {  	v22 =	vld.idx.msk [tilespmem:v23+s20+$0x0], $0xffff;
	_ =	sdelay $0x3  }
0x3b: {  	v58 =	vld [tilespmem:$0x3050]  }
0x3c: {  	[tilespmem:$0x3240] =	vst v22  }
0x3d: {  	v22 =	vld.idx.msk [tilespmem:v23+s21+$0x0], $0xffff;
	_ =	sdelay $0x4  }
0x3e: {  	[tilespmem:$0x3340] =	vst v22  }
0x3f: {  	v22 =	vld.idx.msk [tilespmem:v58+s2+$0x0], $0xffff;
	_ =	sdelay $0x4  }
0x40: {  	[tilespmem:$0x3150] =	vst v22  }
0x41: {  	v22 =	vld.idx.msk [tilespmem:v58+s20+$0x0], $0xffff;
	_ =	sdelay $0x3  }
0x42: {  	v23 =	vld [tilespmem:$0x3060]  }
0x43: {  	[tilespmem:$0x3250] =	vst v22  }
0x44: {  	v22 =	vld.idx.msk [tilespmem:v58+s21+$0x0], $0xffff;
	_ =	sdelay $0x4  }
0x45: {  	[tilespmem:$0x3350] =	vst v22  }
0x46: {  	v22 =	vld.idx.msk [tilespmem:v23+s2+$0x0], $0xffff;
	_ =	sdelay $0x4  }
0x47: {  	[tilespmem:$0x3160] =	vst v22  }
0x48: {  	v22 =	vld.idx.msk [tilespmem:v23+s20+$0x0], $0xffff;
	_ =	sdelay $0x3  }
0x49: {  	v59 =	vld [tilespmem:$0x3070]  }
0x4a: {  	[tilespmem:$0x3260] =	vst v22  }
0x4b: {  	v22 =	vld.idx.msk [tilespmem:v23+s21+$0x0], $0xffff;
	_ =	sdelay $0x4  }
0x4c: {  	[tilespmem:$0x3360] =	vst v22  }
0x4d: {  	v22 =	vld.idx.msk [tilespmem:v59+s2+$0x0], $0xffff;
	_ =	sdelay $0x4  }
0x4e: {  	[tilespmem:$0x3170] =	vst v22  }
0x4f: {  	v22 =	vld.idx.msk [tilespmem:v59+s20+$0x0], $0xffff;
	_ =	sdelay $0x3  }
0x50: {  	v23 =	vld [tilespmem:$0x3080]  }
0x51: {  	[tilespmem:$0x3270] =	vst v22  }
0x52: {  	v22 =	vld.idx.msk [tilespmem:v59+s21+$0x0], $0xffff;
	_ =	sdelay $0x4  }
0x53: {  	[tilespmem:$0x3370] =	vst v22  }
0x54: {  	v22 =	vld.idx.msk [tilespmem:v23+s2+$0x0], $0xffff;
	_ =	sdelay $0x4  }
0x55: {  	[tilespmem:$0x3180] =	vst v22  }
0x56: {  	v22 =	vld.idx.msk [tilespmem:v23+s20+$0x0], $0xffff;
	_ =	sdelay $0x3  }
0x57: {  	v60 =	vld [tilespmem:$0x3090]  }
0x58: {  	[tilespmem:$0x3280] =	vst v22  }
0x59: {  	v22 =	vld.idx.msk [tilespmem:v23+s21+$0x0], $0xffff;
	_ =	sdelay $0x4  }
0x5a: {  	[tilespmem:$0x3380] =	vst v22  }
0x5b: {  	v22 =	vld.idx.msk [tilespmem:v60+s2+$0x0], $0xffff;
	_ =	sdelay $0x4  }
0x5c: {  	[tilespmem:$0x3190] =	vst v22  }
0x5d: {  	v22 =	vld.idx.msk [tilespmem:v60+s20+$0x0], $0xffff;
	_ =	sdelay $0x3  }
0x5e: {  	v23 =	vld [tilespmem:$0x30A0]  }
0x5f: {  	[tilespmem:$0x3290] =	vst v22  }
0x60: {  	v22 =	vld.idx.msk [tilespmem:v60+s21+$0x0], $0xffff;
	_ =	sdelay $0x4  }
0x61: {  	[tilespmem:$0x3390] =	vst v22  }
0x62: {  	v22 =	vld.idx.msk [tilespmem:v23+s2+$0x0], $0xffff;
	_ =	sdelay $0x4  }
0x63: {  	[tilespmem:$0x31A0] =	vst v22  }
0x64: {  	v22 =	vld.idx.msk [tilespmem:v23+s20+$0x0], $0xffff;
	_ =	sdelay $0x3  }
0x65: {  	v61 =	vld [tilespmem:$0x30B0]  }
0x66: {  	[tilespmem:$0x32A0] =	vst v22  }
0x67: {  	v22 =	vld.idx.msk [tilespmem:v23+s21+$0x0], $0xffff;
	_ =	sdelay $0x4  }
0x68: {  	[tilespmem:$0x33A0] =	vst v22  }
0x69: {  	v22 =	vld.idx.msk [tilespmem:v61+s2+$0x0], $0xffff;
	_ =	sdelay $0x4  }
0x6a: {  	[tilespmem:$0x31B0] =	vst v22  }
0x6b: {  	v22 =	vld.idx.msk [tilespmem:v61+s20+$0x0], $0xffff;
	_ =	sdelay $0x3  }
0x6c: {  	v23 =	vld [tilespmem:$0x30C0]  }
0x6d: {  	[tilespmem:$0x32B0] =	vst v22  }
0x6e: {  	v22 =	vld.idx.msk [tilespmem:v61+s21+$0x0], $0xffff;
	_ =	sdelay $0x4  }
0x6f: {  	[tilespmem:$0x33B0] =	vst v22  }
0x70: {  	v22 =	vld.idx.msk [tilespmem:v23+s2+$0x0], $0xffff;
	_ =	sdelay $0x4  }
0x71: {  	[tilespmem:$0x31C0] =	vst v22  }
0x72: {  	v22 =	vld.idx.msk [tilespmem:v23+s20+$0x0], $0xffff;
	_ =	sdelay $0x3  }
0x73: {  	v62 =	vld [tilespmem:$0x30D0]  }
0x74: {  	[tilespmem:$0x32C0] =	vst v22  }
0x75: {  	v22 =	vld.idx.msk [tilespmem:v23+s21+$0x0], $0xffff;
	_ =	sdelay $0x4  }
0x76: {  	[tilespmem:$0x33C0] =	vst v22  }
0x77: {  	v22 =	vld.idx.msk [tilespmem:v62+s2+$0x0], $0xffff;
	_ =	sdelay $0x4  }
0x78: {  	[tilespmem:$0x31D0] =	vst v22  }
0x79: {  	v22 =	vld.idx.msk [tilespmem:v62+s20+$0x0], $0xffff;
	_ =	sdelay $0x3  }
0x7a: {  	v23 =	vld [tilespmem:$0x30E0]  }
0x7b: {  	[tilespmem:$0x32D0] =	vst v22  }
0x7c: {  	v22 =	vld.idx.msk [tilespmem:v62+s21+$0x0], $0xffff;
	_ =	sdelay $0x4  }
0x7d: {  	[tilespmem:$0x33D0] =	vst v22  }
0x7e: {  	v22 =	vld.idx.msk [tilespmem:v23+s2+$0x0], $0xffff;
	_ =	sdelay $0x4  }
0x7f: {  	[tilespmem:$0x31E0] =	vst v22  }
0x80: {  	v22 =	vld.idx.msk [tilespmem:v23+s20+$0x0], $0xffff;
	_ =	sdelay $0x3  }
0x81: {  	v63 =	vld [tilespmem:$0x30F0]  }
0x82: {  	[tilespmem:$0x32E0] =	vst v22  }
0x83: {  	v22 =	vld.idx.msk [tilespmem:v23+s21+$0x0], $0xffff;
	_ =	sdelay $0x4  }
0x84: {  	[tilespmem:$0x33E0] =	vst v22  }
0x85: {  	v22 =	vld.idx.msk [tilespmem:v63+s2+$0x0], $0xffff;
	_ =	sdelay $0x4  }
0x86: {  	[tilespmem:$0x31F0] =	vst v22  }
0x87: {  	v22 =	vld.idx.msk [tilespmem:v63+s20+$0x0], $0xffff;
	_ =	sdelay $0x4  }
0x88: {  	[tilespmem:$0x32F0] =	vst v22  }
0x89: {  	v22 =	vld.idx.msk [tilespmem:v63+s21+$0x0], $0xffff;
	_ =	sdelay $0x4  }
0x8a: {  	s3 =	rddreg [dreg:$0xb];
	s6 =	simm.s32 $0x3100;
	[tilespmem:$0x33F0] =	vst v22  }
0x8b: {  	[hbm4b:s3+s2] =	stream.linear.scatter [tilespmem:s6], [sflag:$0x3], $0x100, $0x38;
	[tilespmem:$0x4100] =	vst v63  }
0x8c: {  	_ =	swait.ge [sflag:s19], $0x100  }
0x8d: {  	[sflag:s19] =	ssyncset.done $0x0  }
0x8e: {  	s15 =	simm.s32 $0x3200;
	s14 =	rddreg [dreg:$0xc];
	[sflag:s19] =	ssyncadd.s32 $0xFFFFFF00  }
0x8f: {  	[hbm4b:s14+s2] =	stream.linear.scatter [tilespmem:s15], [sflag:$0x3], $0x100, $0x38;
	[tilespmem:$0x4100] =	vst v63  }
0x90: {  	_ =	swait.ge [sflag:s19], $0x100  }
0x91: {  	[sflag:s19] =	ssyncset.done $0x0  }
0x92: {  	s29 =	simm.s32 $0x3300;
	s16 =	rddreg [dreg:$0xd];
	[sflag:s19] =	ssyncadd.s32 $0xFFFFFF00  }
0x93: {  	[hbm4b:s16+s2] =	stream.linear.scatter [tilespmem:s29], [sflag:$0x3], $0x100, $0x38;
	[tilespmem:$0x4100] =	vst v63  }
0x94: {  	_ =	swait.ge [sflag:s19], $0x100  }
0x95: {  	[sflag:s19] =	ssyncset.done $0x0  }
0x96: {  	s30 =	simm.s32 $0x1;
	[sflag:s19] =	ssyncadd.s32 $0xFFFFFF00  }
0x97: {  	_ =	swait.ge [sflag:s30], $0x200  }
0x98: {  	[sflag:s30] =	ssyncset.done $0x0  }
0x99: {  	[sflag:s30] =	ssyncadd.s32 $0xFFFFFE00  }
0x9a: {  	_ =	swait.ge [sflag:s1], $0x200  }
0x9b: {  	s0 =	sadd.s32 $0x1, s0;
	s31 =	rddreg [dreg:$0xe]  }
0x9c: {  	p0 =	sne.s32 s0, s31  }
.Ltmp1:
0x9d: {  	_ = 	snop;
	(pc) =	sbr.rel @!p0 .LBB2_72-.Ltmp1, $3  }
0x9e: {  	_ =	sdelay $0x1  }
0x9f: {  	[sflag:s1] =	ssyncset.done $0x0  }
0xa0: {  	[sflag:s1] =	ssyncadd.s32 $0xFFFFFE00  }
.LBB2_1:
0xa1: {  	s3 =	rddreg [dreg:$0x4]  }
0xa2: {  	[tilespmem:s2], [sflag:$0x3] =	stream.strided.gather [hbm4b:s3+s17], $0x800, s18, s17, $0x38;
	[tilespmem:$0x4100] =	vst v63  }
0xa3: {  	_ =	swait.ge [sflag:s19], $0x800  }
0xa4: {  	[sflag:s19] =	ssyncset.done $0x0  }
0xa5: {  	s13 =	rddreg [dreg:$0x5];
	[sflag:s19] =	ssyncadd.s32 $0xFFFFF800  }
0xa6: {  	[tilespmem:s20], [sflag:$0x3] =	stream.strided.gather [hbm4b:s13+s17], $0x800, s18, s17, $0x38;
	[tilespmem:$0x4100] =	vst v63  }
0xa7: {  	_ =	swait.ge [sflag:s19], $0x800  }
0xa8: {  	[sflag:s19] =	ssyncset.done $0x0  }
0xa9: {  	s14 =	rddreg [dreg:$0x6];
	[sflag:s19] =	ssyncadd.s32 $0xFFFFF800  }
0xaa: {  	[tilespmem:s21], [sflag:$0x3] =	stream.strided.gather [hbm4b:s14+s17], $0x800, s18, s17, $0x38;
	[tilespmem:$0x4100] =	vst v63  }
0xab: {  	_ =	swait.ge [sflag:s19], $0x800  }
0xac: {  	[sflag:s19] =	ssyncset.done $0x0  }
0xad: {  	s15 =	rddreg [dreg:$0x7];
	[sflag:s19] =	ssyncadd.s32 $0xFFFFF800  }
0xae: {  	[tilespmem:s22], [sflag:$0x3] =	stream.strided.gather [hbm4b:s15+s17], $0x800, s18, s17, $0x38;
	[tilespmem:$0x4100] =	vst v63  }
0xaf: {  	_ =	swait.ge [sflag:s19], $0x800  }
0xb0: {  	[sflag:s19] =	ssyncset.done $0x0  }
0xb1: {  	s16 =	rddreg [dreg:$0x8];
	[sflag:s19] =	ssyncadd.s32 $0xFFFFF800  }
0xb2: {  	[tilespmem:s23], [sflag:$0x3] =	stream.strided.gather [hbm4b:s16+s17], $0x800, s18, s17, $0x38;
	[tilespmem:$0x4100] =	vst v63  }
0xb3: {  	_ =	swait.ge [sflag:s19], $0x800  }
0xb4: {  	[sflag:s19] =	ssyncset.done $0x0  }
0xb5: {  	s30 =	rddreg [dreg:$0x9];
	[sflag:s19] =	ssyncadd.s32 $0xFFFFF800  }
0xb6: {  	[tilespmem:s24], [sflag:$0x3] =	stream.strided.gather [hbm4b:s30+s17], $0x800, s18, s17, $0x38;
	[tilespmem:$0x4100] =	vst v63  }
0xb7: {  	_ =	swait.ge [sflag:s19], $0x800  }
0xb8: {  	[sflag:s19] =	ssyncset.done $0x0  }
0xb9: {  	s31 =	rddreg [dreg:$0xa];
	[sflag:s19] =	ssyncadd.s32 $0xFFFFF800  }
0xba: {  	[tilespmem:s25], [sflag:$0x3] =	stream.strided.gather [hbm4b:s31+s17], $0x100, s18, s17, $0x38;
	[tilespmem:$0x4100] =	vst v63  }
0xbb: {  	_ =	swait.ge [sflag:s19], $0x100  }
0xbc: {  	[sflag:s19] =	ssyncset.done $0x0  }
0xbd: {  	[sflag:s19] =	ssyncadd.s32 $0xFFFFFF00  }
0xbe: {  	[tilespmem:$0x3D00] =	vst v2  }
0xbf: {  	[tilespmem:$0x3D10] =	vst v2  }
0xc0: {  	[tilespmem:$0x3D20] =	vst v2  }
0xc1: {  	[tilespmem:$0x3D30] =	vst v2  }
0xc2: {  	[tilespmem:$0x3D40] =	vst v2  }
0xc3: {  	[tilespmem:$0x3D50] =	vst v2  }
0xc4: {  	[tilespmem:$0x3D60] =	vst v2  }
0xc5: {  	[tilespmem:$0x3D70] =	vst v2  }
0xc6: {  	[tilespmem:$0x3D80] =	vst v2  }
0xc7: {  	[tilespmem:$0x3D90] =	vst v2  }
0xc8: {  	[tilespmem:$0x3DA0] =	vst v2  }
0xc9: {  	[tilespmem:$0x3DB0] =	vst v2  }
0xca: {  	[tilespmem:$0x3DC0] =	vst v2  }
0xcb: {  	[tilespmem:$0x3DD0] =	vst v2  }
0xcc: {  	[tilespmem:$0x3DE0] =	vst v2  }
0xcd: {  	[tilespmem:$0x3DF0] =	vst v2  }
0xce: {  	[tilespmem:$0x3E00] =	vst v2  }
0xcf: {  	[tilespmem:$0x3E10] =	vst v2  }
0xd0: {  	[tilespmem:$0x3E20] =	vst v2  }
0xd1: {  	[tilespmem:$0x3E30] =	vst v2  }
0xd2: {  	[tilespmem:$0x3E40] =	vst v2  }
0xd3: {  	[tilespmem:$0x3E50] =	vst v2  }
0xd4: {  	[tilespmem:$0x3E60] =	vst v2  }
0xd5: {  	[tilespmem:$0x3E70] =	vst v2  }
0xd6: {  	[tilespmem:$0x3E80] =	vst v2  }
0xd7: {  	[tilespmem:$0x3E90] =	vst v2  }
0xd8: {  	[tilespmem:$0x3EA0] =	vst v2  }
0xd9: {  	[tilespmem:$0x3EB0] =	vst v2  }
0xda: {  	[tilespmem:$0x3EC0] =	vst v2  }
0xdb: {  	[tilespmem:$0x3ED0] =	vst v2  }
0xdc: {  	[tilespmem:$0x3EE0] =	vst v2  }
0xdd: {  	[tilespmem:$0x3EF0] =	vst v2  }
0xde: {  	[tilespmem:$0x3F00] =	vst v2  }
0xdf: {  	[tilespmem:$0x3F10] =	vst v2  }
0xe0: {  	[tilespmem:$0x3F20] =	vst v2  }
0xe1: {  	[tilespmem:$0x3F30] =	vst v2  }
0xe2: {  	[tilespmem:$0x3F40] =	vst v2  }
0xe3: {  	[tilespmem:$0x3F50] =	vst v2  }
0xe4: {  	[tilespmem:$0x3F60] =	vst v2  }
0xe5: {  	[tilespmem:$0x3F70] =	vst v2  }
0xe6: {  	[tilespmem:$0x3F80] =	vst v2  }
0xe7: {  	[tilespmem:$0x3F90] =	vst v2  }
0xe8: {  	[tilespmem:$0x3FA0] =	vst v2  }
0xe9: {  	[tilespmem:$0x3FB0] =	vst v2  }
0xea: {  	[tilespmem:$0x3FC0] =	vst v2  }
0xeb: {  	[tilespmem:$0x3FD0] =	vst v2  }
0xec: {  	[tilespmem:$0x3FE0] =	vst v2  }
0xed: {  	[tilespmem:$0x3FF0] =	vst v2  }
0xee: {  	[tilespmem:$0x4000] =	vst v2  }
0xef: {  	[tilespmem:$0x4010] =	vst v2  }
0xf0: {  	[tilespmem:$0x4020] =	vst v2  }
0xf1: {  	[tilespmem:$0x4030] =	vst v2  }
0xf2: {  	[tilespmem:$0x4040] =	vst v2  }
0xf3: {  	[tilespmem:$0x4050] =	vst v2  }
0xf4: {  	[tilespmem:$0x4060] =	vst v2  }
0xf5: {  	[tilespmem:$0x4070] =	vst v2  }
0xf6: {  	[tilespmem:$0x4080] =	vst v2  }
0xf7: {  	[tilespmem:$0x4090] =	vst v2  }
0xf8: {  	[tilespmem:$0x40A0] =	vst v2  }
.Ltmp2:
0xf9: {  	[tilespmem:$0x40B0] =	vst v2;
	(pc) =	sbr.rel .LBB2_2-.Ltmp2, $4  }
0xfa: {  	[tilespmem:$0x40C0] =	vst v2  }
0xfb: {  	[tilespmem:$0x40D0] =	vst v2  }
0xfc: {  	[tilespmem:$0x40E0] =	vst v2  }
0xfd: {  	s29 =	simm.s32 $0x0;
	[tilespmem:$0x40F0] =	vst v2  }
.LBB2_62:
0xfe: {  	s12 =	simm.s32 $0x0  }
0xff: {  	s7 =	smov.u32 s10;
	s11 =	simm.s32 $0x3400;
	p1 =	por $0x0, $0x0  }
.LBB2_68:
0x100: {  	s3 =	sadd.s32 @p2 $0x10, s12;
	s12 =	simm.s32 $0x0  }
0x101: {  	v37 =	vadd.f32 @p1 v38, v37;
	s12 =	smov.u32 @p2 s3  }
0x102: {  	v38 =	vor.u32 @p1 s12, v0  }
0x103: {  	vm1 =	veq.s32 @p1 v35, v37;
	vm0 =	vlt.s32 @p1 v38, v34  }
0x104: {  	vm0 =	vmand @p1 vm0, vm1  }
0x105: {  	v37 =	vsel @p1 vm0, $0x1, v3  }
0x106: {  	(xrf0) =	vadd.scan.msk.s32 @p1 $0xffff, v37;
	_ =	sdelay $0x5  }
0x107: {  	v37, _, _ =	vpop @p1 (xrf0)  }
0x108: {  	v37 =	vadd.s32 @p1 s7, v37  }
0x109: {  	vm1 =	vlt.s32 @p1 v37, $0x41  }
0x10a: {  	s3 =	sadd.s32 @p1 $0x10, s11;
	vm0 =	vmand @p1 vm0, vm1  }
0x10b: {  	s9 =	smov.u32 @p1 s3;
	[tilespmem:s7+$0x3C80] =	vst.msk @p1 vm0, v36  }
0x10c: {  	v36 =	vld [tilespmem:s9+$0x0];
	_ =	sdelay $0x7  }
0x10d: {  	v57 =	vld.idx.msk [tilespmem:v36+s2+$0x0], $0xffff  }
0x10e: {  	v58 =	vld.idx.msk [tilespmem:v36+s20+$0x0], $0xffff;
	_ =	sdelay $0x1  }
0x10f: {  	v39 =	vmpcnt.ones.xlane @p1 vm0;
	v40 =	vld.idx.msk [tilespmem:v36+s21+$0x0], $0xffff;
	_ =	sdelay $0x1  }
0x110: {  	(v2sf) =	vpush @p1 v39, $0x0  }
0x111: {  	v37 =	vsub.f32 v57, v32;
	v38 =	vsub.f32 v58, v31;
	_ =	sdelay $0x1  }
0x112: {  	v59 =	vsub.f32 v40, v30;
	v37 =	vmul.f32 v37, v37;
	v38 =	vmul.f32 v38, v38;
	_ =	sdelay $0x1  }
0x113: {  	v60 =	vmul.f32 v59, v59;
	v37 =	vadd.f32 v38, v37  }
0x114: {  	s3 =	sadd.s32 @p1 $0x10, s12  }
0x115: {  	s8 =	smov.u32 @p1 s3;
	v37 =	vadd.f32 v60, v37  }
0x116: {  	v61 =	vor.u32 s8, v0  }
0x117: {  	vm13 =	vlt.s32 v61, v34;
	vm14 =	veq.s32 v35, v37  }
0x118: {  	vm0 =	vmand vm13, vm14  }
0x119: {  	v62 =	vsel vm0, $0x1, v3  }
0x11a: {  	(xrf0) =	vadd.scan.msk.s32 $0xffff, v62;
	_ =	sdelay $0x3  }
0x11b: {  	s3 =	spop @p1 (v2sf)  }
0x11c: {  	s3 =	sadd.s32 @p1 s7, s3  }
0x11d: {  	s10 =	smov.u32 @p1 s3;
	v34, _, _ =	vpop (xrf0)  }
0x11e: {  	v34 =	vadd.s32 s10, v34  }
0x11f: {  	vm15 =	vlt.s32 v34, $0x41  }
0x120: {  	vm0 =	vmand vm0, vm15  }
0x121: {  	v63 =	vmpcnt.ones.xlane vm0;
	_ =	sdelay $0x1  }
0x122: {  	(v2sf) =	vpush v63, $0x0;
	_ =	sdelay $0xe  }
0x123: {  	[tilespmem:s10+$0x3C80] =	vst.msk vm0, v36;
	s16 =	spop (v2sf)  }
.LBB2_69:
0x124: {  	v34 =	vld [tilespmem:$0x3C80]  }
0x125: {  	v35 =	vld [tilespmem:$0x3C90]  }
0x126: {  	v36 =	vld [tilespmem:$0x3CA0]  }
0x127: {  	v37 =	vld [tilespmem:$0x3CB0];
	_ =	sdelay $0x1  }
0x128: {  	[tilespmem:$0x3400] =	vst v34  }
0x129: {  	[tilespmem:$0x3410] =	vst v35  }
0x12a: {  	[tilespmem:$0x3420] =	vst v36  }
0x12b: {  	[tilespmem:$0x3430] =	vst v37  }
.LBB2_70:
0x12c: {  	s3 =	simm.s32 @!p0 $0x2  }
0x12d: {  	_ =	swait.ge @!p0 [sflag:s3], $0x200  }
0x12e: {  	[sflag:s3] =	ssyncset.done @!p0 $0x0  }
0x12f: {  	[sflag:s3] =	ssyncadd.s32 @!p0 $0xFFFFFE00  }
0x130: {  	v34 =	vld [tilespmem:$0x3400]  }
0x131: {  	p0 =	slt.s32 s6, $0x40  }
0x132: {  	s6 =	simm.s32 @!p0 $0x40  }
0x133: {  	v35 =	vmov s6  }
0x134: {  	vm0 =	vgt.s32 v35, v0  }
0x135: {  	v34 =	vsel vm0, v34, v33;
	_ =	sdelay $0x4  }
0x136: {  	v36 =	vld.idx.msk [tilespmem:v34+s22+$0x0], $0xffff  }
0x137: {  	v37 =	vld.idx.msk [tilespmem:v34+s23+$0x0], $0xffff  }
0x138: {  	v38 =	vld.idx.msk [tilespmem:v34+s24+$0x0], $0xffff  }
0x139: {  	v39 =	vld.idx.msk [tilespmem:v34+s2+$0x0], $0xffff  }
0x13a: {  	v40 =	vld.idx.msk [tilespmem:v34+s20+$0x0], $0xffff  }
0x13b: {  	v34 =	vld.idx.msk [tilespmem:v34+s21+$0x0], $0xffff;
	_ =	sdelay $0x1  }
0x13c: {  	[tilespmem:v1+s28+$0x0] =	vst.idx.msk $0xffff, v36  }
0x13d: {  	v50 =	vsub.f32 v39, v32;
	[tilespmem:v4+s28+$0x0] =	vst.idx.msk $0xffff, v37  }
0x13e: {  	v51 =	vsub.f32 v40, v31;
	[tilespmem:v5+s28+$0x0] =	vst.idx.msk $0xffff, v38  }
0x13f: {  	v34 =	vsub.f32 v34, v30;
	[tilespmem:v6+s28+$0x0] =	vst.idx.msk $0xffff, v50  }
0x140: {  	[tilespmem:v7+s28+$0x0] =	vst.idx.msk $0xffff, v51  }
0x141: {  	[tilespmem:v8+s28+$0x0] =	vst.idx.msk $0xffff, v34  }
0x142: {  	v34 =	vld [tilespmem:$0x3410];
	_ =	sdelay $0x3  }
0x143: {  	vm13 =	vgt.s32 v35, v9  }
0x144: {  	v34 =	vsel vm13, v34, v33;
	_ =	sdelay $0x4  }
0x145: {  	v36 =	vld.idx.msk [tilespmem:v34+s22+$0x0], $0xffff  }
0x146: {  	v37 =	vld.idx.msk [tilespmem:v34+s23+$0x0], $0xffff  }
0x147: {  	v38 =	vld.idx.msk [tilespmem:v34+s24+$0x0], $0xffff  }
0x148: {  	v52 =	vld.idx.msk [tilespmem:v34+s2+$0x0], $0xffff  }
0x149: {  	v53 =	vld.idx.msk [tilespmem:v34+s20+$0x0], $0xffff  }
0x14a: {  	v34 =	vld.idx.msk [tilespmem:v34+s21+$0x0], $0xffff;
	_ =	sdelay $0x1  }
0x14b: {  	[tilespmem:v10+s28+$0x0] =	vst.idx.msk $0xffff, v36  }
0x14c: {  	v54 =	vsub.f32 v52, v32;
	[tilespmem:v11+s28+$0x0] =	vst.idx.msk $0xffff, v37  }
0x14d: {  	v55 =	vsub.f32 v53, v31;
	[tilespmem:v12+s28+$0x0] =	vst.idx.msk $0xffff, v38  }
0x14e: {  	v34 =	vsub.f32 v34, v30;
	[tilespmem:v13+s28+$0x0] =	vst.idx.msk $0xffff, v54  }
0x14f: {  	[tilespmem:v14+s28+$0x0] =	vst.idx.msk $0xffff, v55  }
0x150: {  	[tilespmem:v15+s28+$0x0] =	vst.idx.msk $0xffff, v34  }
0x151: {  	v34 =	vld [tilespmem:$0x3420];
	_ =	sdelay $0x3  }
0x152: {  	vm14 =	vgt.s32 v35, v16  }
0x153: {  	v34 =	vsel vm14, v34, v33;
	_ =	sdelay $0x4  }
0x154: {  	v36 =	vld.idx.msk [tilespmem:v34+s22+$0x0], $0xffff  }
0x155: {  	v37 =	vld.idx.msk [tilespmem:v34+s23+$0x0], $0xffff  }
0x156: {  	v38 =	vld.idx.msk [tilespmem:v34+s24+$0x0], $0xffff  }
0x157: {  	v56 =	vld.idx.msk [tilespmem:v34+s2+$0x0], $0xffff  }
0x158: {  	v57 =	vld.idx.msk [tilespmem:v34+s20+$0x0], $0xffff  }
0x159: {  	v34 =	vld.idx.msk [tilespmem:v34+s21+$0x0], $0xffff;
	_ =	sdelay $0x1  }
0x15a: {  	[tilespmem:v17+s28+$0x0] =	vst.idx.msk $0xffff, v36  }
0x15b: {  	v58 =	vsub.f32 v56, v32;
	[tilespmem:v18+s28+$0x0] =	vst.idx.msk $0xffff, v37  }
0x15c: {  	v59 =	vsub.f32 v57, v31;
	[tilespmem:v19+s28+$0x0] =	vst.idx.msk $0xffff, v38  }
0x15d: {  	v34 =	vsub.f32 v34, v30;
	[tilespmem:v20+s28+$0x0] =	vst.idx.msk $0xffff, v58  }
0x15e: {  	[tilespmem:v21+s28+$0x0] =	vst.idx.msk $0xffff, v59  }
0x15f: {  	[tilespmem:v22+s28+$0x0] =	vst.idx.msk $0xffff, v34  }
0x160: {  	v22 =	vld [tilespmem:$0x3430];
	_ =	sdelay $0x3  }
0x161: {  	vm15 =	vgt.s32 v35, v29  }
0x162: {  	v22 =	vsel vm15, v22, v33;
	_ =	sdelay $0x4  }
0x163: {  	v60 =	vld.idx.msk [tilespmem:v22+s22+$0x0], $0xffff  }
0x164: {  	v33 =	vld.idx.msk [tilespmem:v22+s23+$0x0], $0xffff  }
0x165: {  	v34 =	vld.idx.msk [tilespmem:v22+s24+$0x0], $0xffff  }
0x166: {  	v61 =	vld.idx.msk [tilespmem:v22+s2+$0x0], $0xffff  }
0x167: {  	v36 =	vld.idx.msk [tilespmem:v22+s20+$0x0], $0xffff  }
0x168: {  	v22 =	vld.idx.msk [tilespmem:v22+s21+$0x0], $0xffff;
	_ =	sdelay $0x1  }
0x169: {  	s29 =	sadd.s32 $0x1, s29;
	[tilespmem:v27+s28+$0x0] =	vst.idx.msk $0xffff, v60  }
0x16a: {  	s31 =	sshll.u32 s31, $0x7;
	p0 =	sne.s32 s29, $0x80;
	v62 =	vsub.f32 v61, v32;
	[tilespmem:v28+s28+$0x0] =	vst.idx.msk $0xffff, v33  }
.Ltmp3:
0x16b: {  	s3 =	sand.u32 $0x380, s31;
	v63 =	vsub.f32 v36, v31;
	[tilespmem:v26+s28+$0x0] =	vst.idx.msk $0xffff, v34;
	(pc) =	sbr.rel @!p0 .LBB2_71-.Ltmp3, $4  }
0x16c: {  	s3 =	sor.u32 s3, s30;
	v22 =	vsub.f32 v22, v30;
	[tilespmem:v25+s28+$0x0] =	vst.idx.msk $0xffff, v62  }
0x16d: {  	s3 =	sshrl.u32 s3, $0x3;
	[tilespmem:v23+s28+$0x0] =	vst.idx.msk $0xffff, v63  }
0x16e: {  	s3 =	sadd.s32 s5, s3;
	[tilespmem:v24+s28+$0x0] =	vst.idx.msk $0xffff, v22  }
0x16f: {  	[hbm4b:s3+s17] =	stream.strided.scatter [tilespmem:s28], [sflag:$0x2], $0x200, s18, s17, $0x38;
	[tilespmem:$0x4100] =	vst v63  }
.LBB2_2:
0x170: {  	s30 =	sshll.u32 s29, $0x1  }
0x171: {  	v22 =	vmov s30  }
0x172: {  	v22 =	vbroadcast v22, $0x0;
	_ =	sdelay $0x5  }
0x173: {  	v23 =	vld.idx.msk [tilespmem:v22+s25+$0x0], $0xffff  }
0x174: {  	s7 =	simm.s32 $0x840  }
0x175: {  	s31 =	simm.s32 $0x40;
	v24 =	vld [tilespmem:s7+$0xFFFFFFF0]  }
0x176: {  	s6 =	simm.s32 $0x1040;
	v25 =	vld [tilespmem:s31+$0xFFFFFFF0]  }
0x177: {  	v26 =	vld [tilespmem:s6+$0xFFFFFFE0]  }
0x178: {  	v27 =	vld [tilespmem:s7+$0xFFFFFFE0]  }
0x179: {  	v28 =	vld [tilespmem:s31+$0xFFFFFFE0]  }
0x17a: {  	s8 =	simm.s32 $0x0;
	v22 =	vld [tilespmem:s6+$0xFFFFFFF0]  }
0x17b: {  	v32 =	vld.idx.msk [tilespmem:v23+s8+$0x0], $0xffff  }
0x17c: {  	v30 =	vld.idx.msk [tilespmem:v23+s21+$0x0], $0xffff  }
0x17d: {  	v31 =	vld.idx.msk [tilespmem:v23+s20+$0x0], $0xffff  }
0x17e: {  	v29 =	vld [tilespmem:s7+$0xFFFFFFD0]  }
0x17f: {  	v33 =	vld [tilespmem:s7+$0xFFFFFFC0]  }
0x180: {  	v34 =	vld [tilespmem:s31+$0xFFFFFFC0]  }
0x181: {  	v35 =	vld [tilespmem:s31+$0xFFFFFFD0];
	v22 =	vsub.f32 v22, v30  }
0x182: {  	v36 =	vld [tilespmem:s6+$0xFFFFFFC0];
	v24 =	vsub.f32 v24, v31;
	v25 =	vsub.f32 v25, v32  }
0x183: {  	v37 =	vld [tilespmem:s6+$0xFFFFFFD0];
	v26 =	vsub.f32 v26, v30;
	v27 =	vsub.f32 v27, v31  }
0x184: {  	v28 =	vsub.f32 v28, v32;
	v33 =	vsub.f32 v33, v31  }
0x185: {  	v34 =	vsub.f32 v34, v32;
	v29 =	vsub.f32 v29, v31  }
0x186: {  	v35 =	vsub.f32 v35, v32;
	v24 =	vmul.f32 v24, v24;
	v28 =	vmul.f32 v28, v28  }
0x187: {  	v36 =	vsub.f32 v36, v30;
	v34 =	vmul.f32 v34, v34;
	v33 =	vmul.f32 v33, v33  }
0x188: {  	v37 =	vsub.f32 v37, v30;
	v29 =	vmul.f32 v29, v29;
	v35 =	vmul.f32 v35, v35  }
0x189: {  	v61 =	vld [tilespmem:s7+$0x20];
	v27 =	vmul.f32 v27, v27;
	v60 =	vmul.f32 v36, v36;
	v33 =	vadd.f32 v33, v34  }
0x18a: {  	v63 =	vld [tilespmem:s6+$0x20];
	v25 =	vmul.f32 v25, v25;
	v62 =	vmul.f32 v37, v37;
	v29 =	vadd.f32 v29, v35  }
0x18b: {  	v39 =	vld [tilespmem:s31+$0x20];
	v26 =	vmul.f32 v26, v26;
	v27 =	vadd.f32 v27, v28;
	v28 =	vadd.f32 v60, v33  }
0x18c: {  	v41 =	vld [tilespmem:s7+$0x0];
	v22 =	vmul.f32 v22, v22;
	v24 =	vadd.f32 v24, v25;
	v40 =	vadd.f32 v62, v29  }
0x18d: {  	v48 =	vld [tilespmem:s6+$0x10];
	v26 =	vadd.f32 v26, v27;
	vm2 =	vle.f32 v28, $2.250000090e-02  }
0x18e: {  	v43 =	vld [tilespmem:s31+$0x0];
	v22 =	vadd.f32 v22, v24;
	vm5 =	vle.f32 v40, $2.250000090e-02;
	v42 =	vmpcnt.ones.xlane vm2  }
0x18f: {  	v45 =	vsub.f32 v61, v31;
	v29 =	vld [tilespmem:s7+$0x10];
	vm4 =	vle.f32 v26, $2.250000090e-02;
	v28 =	vmpcnt.ones.xlane vm5  }
0x190: {  	v44 =	vld [tilespmem:s31+$0x10];
	vm3 =	vle.f32 v22, $2.250000090e-02;
	v22 =	vmpcnt.ones.xlane vm4;
	(v2sf) =	vpush v42, $0x0  }
0x191: {  	v49 =	vld [tilespmem:s7+$0x30];
	v50 =	vsub.f32 v63, v30;
	v47 =	vmpcnt.ones.xlane vm3;
	(v2sf) =	vpush v28, $0x0  }
0x192: {  	v46 =	vld [tilespmem:s6+$0x0];
	v52 =	vsub.f32 v48, v30;
	(v2sf) =	vpush v22, $0x0  }
0x193: {  	v51 =	vld [tilespmem:s6+$0x30];
	v28 =	vsub.f32 v39, v32;
	(v2sf) =	vpush v47, $0x0  }
0x194: {  	v25 =	vsub.f32 v43, v32;
	v22 =	vsub.f32 v29, v31;
	v29 =	vld [tilespmem:s31+$0x30]  }
0x195: {  	v27 =	vsub.f32 v41, v31;
	v24 =	vmul.f32 v45, v45;
	v28 =	vmul.f32 v28, v28  }
0x196: {  	v54 =	vsub.f32 v49, v31;
	v25 =	vmul.f32 v25, v25;
	v26 =	vsub.f32 v44, v32  }
0x197: {  	v27 =	vmul.f32 v27, v27;
	v24 =	vadd.f32 v24, v28;
	v28 =	vsub.f32 v46, v30  }
0x198: {  	v56 =	vsub.f32 v51, v30;
	v26 =	vmul.f32 v26, v26;
	v22 =	vmul.f32 v22, v22  }
0x199: {  	v25 =	vadd.f32 v27, v25;
	v29 =	vsub.f32 v29, v32;
	v28 =	vmul.f32 v28, v28  }
0x19a: {  	v53 =	vmul.f32 v50, v50;
	v55 =	vmul.f32 v52, v52;
	v22 =	vadd.f32 v22, v26  }
0x19b: {  	v34 =	vmul.f32 v54, v54;
	v29 =	vmul.f32 v29, v29;
	v25 =	vadd.f32 v28, v25  }
0x19c: {  	v57 =	vmul.f32 v56, v56;
	v22 =	vadd.f32 v55, v22  }
0x19d: {  	v24 =	vadd.f32 v53, v24;
	v58 =	vadd.f32 v34, v29;
	vm6 =	vle.f32 v25, $2.250000090e-02  }
0x19e: {  	vm0 =	vle.f32 v22, $2.250000090e-02;
	v22 =	vmpcnt.ones.xlane vm6  }
0x19f: {  	s9 =	simm.s32 $0x0;
	vm1 =	vle.f32 v24, $2.250000090e-02;
	v60 =	vmpcnt.ones.xlane vm0;
	v59 =	vadd.f32 v57, v58;
	s10 =	spop (v2sf)  }
0x1a0: {  	v28 =	vor.u32 s9, v0;
	v61 =	vmpcnt.ones.xlane vm1;
	(v2sf) =	vpush v22, $0x0;
	s12 =	spop (v2sf)  }
0x1a1: {  	[tilespmem:s8+$0x3400] =	vst.msk vm2, v28;
	vm2 =	vle.f32 v59, $2.250000090e-02;
	(v2sf) =	vpush v60, $0x0;
	s14 =	spop (v2sf)  }
0x1a2: {  	v24 =	vmpcnt.ones.xlane vm2;
	s16 =	spop (v2sf);
	(v2sf) =	vpush v61, $0x0;
	_ =	sdelay $0x1  }
0x1a3: {  	(v2sf) =	vpush v24, $0x0;
	_ =	sdelay $0x2  }
0x1a4: {  	s3 =	simm.s32 $0x10  }
0x1a5: {  	v62 =	vor.u32 s3, v0;
	s9 =	simm.s32 $0x20;
	s11 =	sadd.s32 $0x0, s10  }
0x1a6: {  	s13 =	simm.s32 $0x30;
	v22 =	vor.u32 s9, v0;
	[tilespmem:s11+$0x3400] =	vst.msk vm5, v62;
	s9 =	sadd.s32 s11, s12  }
0x1a7: {  	v63 =	vor.u32 s13, v0;
	s11 =	simm.s32 $0x40;
	[tilespmem:s9+$0x3400] =	vst.msk vm4, v22;
	s15 =	sadd.s32 s9, s14  }
0x1a8: {  	v22 =	vor.u32 s11, v0;
	[tilespmem:s15+$0x3400] =	vst.msk vm3, v63;
	s10 =	sadd.s32 s15, s16  }
0x1a9: {  	s8 =	simm.s32 $0x70;
	s9 =	simm.s32 $0xF0;
	s11 =	simm.s32 $0x50;
	[tilespmem:s10+$0x3400] =	vst.msk vm6, v22  }
.LBB2_3:
0x1aa: {  	s6 =	sadd.s32 $0x80, s6  }
0x1ab: {  	s7 =	sadd.s32 $0x80, s7;
	s31 =	sadd.s32 $0x80, s31;
	s12 =	smov.u32 s9  }
0x1ac: {  	p0 =	sne.s32 s9, $0x7F0;
	s9 =	sadd.s32 $0x80, s9;
	s13 =	spop (v2sf)  }
0x1ad: {  	v22 =	vor.u32 s11, v0;
	s11 =	sadd.s32 $0xFFFFFFF0, s8;
	s10 =	sadd.s32 s10, s13;
	s13 =	spop (v2sf)  }
0x1ae: {  	v24 =	vor.u32 s11, v0;
	[tilespmem:s10+$0x3400] =	vst.msk vm0, v22;
	s10 =	sadd.s32 s10, s13;
	s11 =	spop (v2sf)  }
0x1af: {  	v22 =	vor.u32 s8, v0;
	s8 =	smov.u32 s12;
	[tilespmem:s10+$0x3400] =	vst.msk vm1, v24;
	s10 =	sadd.s32 s10, s11  }
0x1b0: {  	[tilespmem:s10+$0x3400] =	vst.msk vm2, v22;
	s11 =	spop (v2sf)  }
0x1b1: {  	v22 =	vld [tilespmem:s7+$0x20];
	s10 =	sadd.s32 s10, s11  }
0x1b2: {  	v24 =	vld [tilespmem:s6+$0x20]  }
0x1b3: {  	v25 =	vld [tilespmem:s31+$0x20]  }
0x1b4: {  	v26 =	vld [tilespmem:s7+$0x10]  }
0x1b5: {  	v27 =	vld [tilespmem:s7+$0x0]  }
0x1b6: {  	v28 =	vld [tilespmem:s6+$0xFFFFFFF0]  }
0x1b7: {  	v22 =	vsub.f32 v22, v31;
	v29 =	vld [tilespmem:s7+$0xFFFFFFF0]  }
0x1b8: {  	v33 =	vld [tilespmem:s31+$0xFFFFFFF0];
	v25 =	vsub.f32 v25, v32  }
0x1b9: {  	v22 =	vmul.f32 v22, v22;
	v34 =	vld [tilespmem:s6+$0xFFFFFFE0];
	v26 =	vsub.f32 v26, v31  }
0x1ba: {  	v24 =	vsub.f32 v24, v30;
	v35 =	vld [tilespmem:s7+$0xFFFFFFE0];
	v27 =	vsub.f32 v27, v31;
	v25 =	vmul.f32 v25, v25  }
0x1bb: {  	v36 =	vld [tilespmem:s31+$0xFFFFFFE0];
	v28 =	vsub.f32 v28, v30;
	v26 =	vmul.f32 v26, v26  }
0x1bc: {  	v24 =	vmul.f32 v24, v24;
	v37 =	vld [tilespmem:s7+$0xFFFFFFD0];
	v29 =	vsub.f32 v29, v31;
	v22 =	vadd.f32 v22, v25  }
0x1bd: {  	v25 =	vld [tilespmem:s7+$0xFFFFFFC0];
	v33 =	vsub.f32 v33, v32  }
0x1be: {  	v38 =	vld [tilespmem:s31+$0xFFFFFFC0];
	v34 =	vsub.f32 v34, v30;
	v29 =	vmul.f32 v29, v29;
	v22 =	vadd.f32 v24, v22  }
0x1bf: {  	v24 =	vld [tilespmem:s31+$0xFFFFFFD0];
	v35 =	vsub.f32 v35, v31;
	v33 =	vmul.f32 v33, v33  }
0x1c0: {  	v27 =	vmul.f32 v27, v27;
	v39 =	vld [tilespmem:s6+$0xFFFFFFC0];
	v36 =	vsub.f32 v36, v32  }
0x1c1: {  	v28 =	vmul.f32 v28, v28;
	v37 =	vsub.f32 v37, v31;
	v40 =	vld [tilespmem:s6+$0xFFFFFFD0];
	v29 =	vadd.f32 v29, v33  }
0x1c2: {  	v35 =	vmul.f32 v35, v35;
	v25 =	vsub.f32 v25, v31;
	v33 =	vmul.f32 v36, v36;
	v36 =	vld [tilespmem:s31+$0x0]  }
0x1c3: {  	v38 =	vsub.f32 v38, v32;
	v37 =	vmul.f32 v37, v37;
	v28 =	vadd.f32 v28, v29;
	v29 =	vld [tilespmem:s31+$0x10]  }
0x1c4: {  	v34 =	vmul.f32 v34, v34;
	v24 =	vsub.f32 v24, v32;
	v33 =	vadd.f32 v35, v33;
	v35 =	vld [tilespmem:s6+$0x0]  }
0x1c5: {  	v25 =	vmul.f32 v25, v25;
	v39 =	vsub.f32 v39, v30;
	v38 =	vmul.f32 v38, v38;
	v41 =	vld [tilespmem:s6+$0x10]  }
0x1c6: {  	v40 =	vsub.f32 v40, v30;
	v24 =	vmul.f32 v24, v24;
	v33 =	vadd.f32 v34, v33  }
0x1c7: {  	v25 =	vadd.f32 v25, v38;
	v34 =	vmul.f32 v39, v39;
	v36 =	vsub.f32 v36, v32;
	v38 =	vld [tilespmem:s31+$0x30]  }
0x1c8: {  	v24 =	vadd.f32 v37, v24;
	v37 =	vmul.f32 v40, v40;
	v29 =	vsub.f32 v29, v32  }
0x1c9: {  	vm3 =	vle.f32 v28, $2.250000090e-02;
	v25 =	vadd.f32 v34, v25;
	v28 =	vmul.f32 v36, v36;
	v34 =	vld [tilespmem:s7+$0x30]  }
0x1ca: {  	s11 =	sadd.s32 $0xFFFFFF90, s8;
	v35 =	vsub.f32 v35, v30;
	v24 =	vadd.f32 v37, v24;
	v29 =	vmul.f32 v29, v29  }
0x1cb: {  	vm0 =	vle.f32 v25, $2.250000090e-02;
	v25 =	vadd.f32 v27, v28;
	v27 =	vsub.f32 v41, v30;
	v28 =	vld [tilespmem:s6+$0x30]  }
0x1cc: {  	v37 =	vor.u32 s11, v0;
	v36 =	vmpcnt.ones.xlane vm0;
	vm5 =	vle.f32 v24, $2.250000090e-02  }
0x1cd: {  	vm4 =	vle.f32 v33, $2.250000090e-02;
	v33 =	vmul.f32 v35, v35;
	v24 =	vmpcnt.ones.xlane vm5;
	[tilespmem:s10+$0x3400] =	vst.msk vm0, v37  }
0x1ce: {  	v35 =	vmpcnt.ones.xlane vm4;
	v37 =	vsub.f32 v38, v32;
	(v2sf) =	vpush v36, $0x0  }
0x1cf: {  	v26 =	vadd.f32 v26, v29;
	v36 =	vmpcnt.ones.xlane vm3;
	(v2sf) =	vpush v24, $0x0  }
0x1d0: {  	v24 =	vmul.f32 v27, v27;
	v27 =	vsub.f32 v34, v31;
	(v2sf) =	vpush v35, $0x0  }
0x1d1: {  	v29 =	vmul.f32 v37, v37;
	v28 =	vsub.f32 v28, v30;
	(v2sf) =	vpush v36, $0x0  }
0x1d2: {  	v25 =	vadd.f32 v33, v25;
	v24 =	vadd.f32 v24, v26;
	v26 =	vmul.f32 v27, v27  }
0x1d3: {  	v27 =	vmul.f32 v28, v28  }
0x1d4: {  	vm6 =	vle.f32 v25, $2.250000090e-02;
	vm0 =	vle.f32 v24, $2.250000090e-02;
	v24 =	vadd.f32 v26, v29  }
0x1d5: {  	v25 =	vmpcnt.ones.xlane vm6;
	v26 =	vmpcnt.ones.xlane vm0  }
0x1d6: {  	vm1 =	vle.f32 v22, $2.250000090e-02;
	v22 =	vadd.f32 v27, v24  }
0x1d7: {  	v24 =	vmpcnt.ones.xlane vm1;
	(v2sf) =	vpush v25, $0x0  }
0x1d8: {  	vm2 =	vle.f32 v22, $2.250000090e-02;
	(v2sf) =	vpush v26, $0x0  }
0x1d9: {  	v22 =	vmpcnt.ones.xlane vm2;
	(v2sf) =	vpush v24, $0x0;
	_ =	sdelay $0x1  }
0x1da: {  	(v2sf) =	vpush v22, $0x0;
	_ =	sdelay $0x1  }
0x1db: {  	s12 =	sadd.s32 $0xFFFFFFD0, s8;
	s11 =	sadd.s32 $0xFFFFFFA0, s8;
	s13 =	spop (v2sf)  }
0x1dc: {  	v22 =	vor.u32 s11, v0;
	s11 =	sadd.s32 $0xFFFFFFB0, s8;
	s10 =	sadd.s32 s10, s13;
	s13 =	spop (v2sf)  }
0x1dd: {  	v24 =	vor.u32 s11, v0;
	s11 =	sadd.s32 $0xFFFFFFC0, s8;
	[tilespmem:s10+$0x3400] =	vst.msk vm5, v22;
	s10 =	sadd.s32 s10, s13;
	s13 =	spop (v2sf)  }
.Ltmp4:
0x1de: {  	v22 =	vor.u32 s11, v0;
	[tilespmem:s10+$0x3400] =	vst.msk vm4, v24;
	s10 =	sadd.s32 s10, s13;
	s11 =	spop (v2sf);
	(pc) =	sbr.rel @p0 .LBB2_3-.Ltmp4, $3  }
0x1df: {  	v24 =	vor.u32 s12, v0;
	[tilespmem:s10+$0x3400] =	vst.msk vm3, v22;
	s10 =	sadd.s32 s10, s11  }
0x1e0: {  	[tilespmem:s10+$0x3400] =	vst.msk vm6, v24;
	_ =	sdelay $0x1  }
0x1e1: {  	s11 =	sadd.s32 $0xFFFFFFE0, s8  }
0x1e2: {  	_ =	sdelay $0x1  }
0x1e3: {  	s6 =	spop (v2sf)  }
0x1e4: {  	s6 =	sadd.s32 s10, s6;
	s7 =	spop (v2sf)  }
0x1e5: {  	s7 =	sadd.s32 s6, s7;
	s9 =	spop (v2sf)  }
0x1e6: {  	s9 =	sadd.s32 s7, s9;
	s16 =	spop (v2sf)  }
0x1e7: {  	s31 =	sadd.s32 s9, s16  }
0x1e8: {  	p0 =	slt.s32 s31, $0x41  }
.Ltmp5:
0x1e9: {  	_ = 	snop;
	(pc) =	sbr.rel @p0 .LBB2_36-.Ltmp5, $4  }
0x1ea: {  	v22 =	vor.u32 s11, v0;
	s15 =	sadd.s32 $0xFFFFFFF0, s8  }
0x1eb: {  	v24 =	vor.u32 s15, v0;
	[tilespmem:s6+$0x3400] =	vst.msk vm0, v22  }
0x1ec: {  	v22 =	vor.u32 s8, v0;
	[tilespmem:s7+$0x3400] =	vst.msk vm1, v24  }
0x1ed: {  	[tilespmem:s9+$0x3400] =	vst.msk vm2, v22  }
0x1ee: {  	s6 =	sadd.s32 $0xF, s31  }
0x1ef: {  	s7 =	sand.u32 $0xF, s6  }
0x1f0: {  	s8 =	sshra.s32 s6, $0x1F;
	p0 =	slt.s32 s6, $0x0;
	p1 =	sne.s32 s7, $0x0  }
0x1f1: {  	s16 =	sshrl.u32 s8, $0x1C;
	p0 =	por !p0, !p1  }
0x1f2: {  	s7 =	simm.s32 $0x1;
	s6 =	sadd.s32 s16, s6;
	p0 =	por !p0, !p0  }
0x1f3: {  	s6 =	sshra.s32 s6, $0x4;
	s7 =	simm.s32 @!p0 $0x0  }
0x1f4: {  	s7 =	ssub.s32 s6, s7  }
0x1f5: {  	v22 =	vmov s31;
	s9 =	simm.s32 $0x0;
	s8 =	simm.s32 $0x3CB851EC;
	p1 =	slt.s32 s7, $0x1  }
.LBB2_7:
0x1f6: {  	s6 =	sadd.s32 s9, s8  }
0x1f7: {  	s10 =	sand.u32 $0x1, s6  }
.Ltmp6:
0x1f8: {  	p0 =	slt.s32 s6, $0x1;
	p2 =	seq.s32 s10, $0x1;
	(pc) =	sbr.rel @!p1 .LBB2_8-.Ltmp6, $4  }
0x1f9: {  	s16 =	sshrl.u32 s6, $0x1F;
	p0 =	por !p0, !p2  }
0x1fa: {  	s6 =	sadd.s32 s16, s6;
	s10 =	simm.s32 $0x1;
	p0 =	por !p0, !p0  }
0x1fb: {  	s6 =	sshra.s32 s6, $0x1;
	s10 =	simm.s32 @!p0 $0x0  }
0x1fc: {  	s10 =	ssub.s32 s6, s10  }
0x1fd: {  	s9 =	sadd.s32 $0x1, s10  }
0x1fe: {  	p0 =	slt.s32 s9, s8  }
.Ltmp7:
0x1ff: {  	_ = 	snop;
	(pc) =	sbr.rel @p0 .LBB2_7-.Ltmp7, $4  }
.Ltmp8:
0x200: {  	_ = 	snop;
	(pc) =	sbr.rel @!p0 .LBB2_35-.Ltmp8, $4  }
0x201: {  	_ = 	snop  }
0x202: {  	_ = 	snop  }
0x203: {  	_ = 	snop  }
0x204: {  	_ = 	snop  }
.LBB2_8:
0x205: {  	p0 =	sne.s32 s7, $0x1  }
.Ltmp9:
0x206: {  	_ = 	snop;
	(pc) =	sbr.rel @!p0 .LBB2_9-.Ltmp9, $4  }
0x207: {  	_ = 	snop  }
0x208: {  	s12 =	simm.s32 $0x3400  }
0x209: {  	s11 =	simm.s32 $0x0;
	s6 =	sadd.s32 $0xFFFFFFFF, s7;
	p2 =	por $0x0, $0x0  }
0x20a: {  	v24 =	vmov s10;
	p3 =	por $0x0, $0x0;
	p4 =	por $0x0, $0x0;
	p5 =	por $0x0, $0x0;
	v35 =	vld [tilespmem:s12+$0x0]  }
0x20b: {  	_ =	sdelay $0x3  }
0x20c: {  	p6 =	sne.s32 s6, $0x1  }
.Ltmp10:
0x20d: {  	_ = 	snop;
	(pc) =	sbr.rel @!p6 .LBB2_11-.Ltmp10, $4  }
0x20e: {  	s12 =	simm.s32 $0x3410  }
0x20f: {  	v25 =	vld [tilespmem:s12+$0x0]  }
0x210: {  	v26 =	vld.idx.msk [tilespmem:v35+s2+$0x0], $0xffff  }
0x211: {  	p2 =	por $0x1, $0x1;
	s12 =	sadd.s32 $0xFFFFFFFF, s6;
	v28 =	vld.idx.msk [tilespmem:v35+s20+$0x0], $0xffff  }
0x212: {  	_ =	sdelay $0x3  }
0x213: {  	v27 =	vld.idx.msk [tilespmem:v35+s21+$0x0], $0xffff;
	_ =	sdelay $0x1  }
0x214: {  	p6 =	sne.s32 s12, $0x1  }
.Ltmp11:
0x215: {  	v26 =	vsub.f32 v26, v32;
	v28 =	vsub.f32 v28, v31;
	(pc) =	sbr.rel @!p6 .LBB2_13-.Ltmp11, $4  }
0x216: {  	s13 =	simm.s32 $0x3420  }
0x217: {  	v36 =	vld [tilespmem:s13+$0x0];
	v27 =	vsub.f32 v27, v30;
	v29 =	vmul.f32 v26, v26;
	v33 =	vmul.f32 v28, v28  }
0x218: {  	v26 =	vld.idx.msk [tilespmem:v25+s2+$0x0], $0xffff  }
0x219: {  	s12 =	sadd.s32 $0xFFFFFFFF, s12;
	p3 =	por $0x1, $0x1;
	v28 =	vld.idx.msk [tilespmem:v25+s20+$0x0], $0xffff;
	v34 =	vmul.f32 v27, v27;
	v33 =	vadd.f32 v33, v29  }
0x21a: {  	_ =	sdelay $0x3  }
0x21b: {  	v27 =	vld.idx.msk [tilespmem:v25+s21+$0x0], $0xffff;
	v25 =	vadd.f32 v34, v33  }
0x21c: {  	v29 =	vor.u32 s11, v0  }
0x21d: {  	vm0 =	vlt.s32 v29, v22;
	vm1 =	vge.s32 v24, v25  }
0x21e: {  	vm0 =	vmand vm0, vm1  }
0x21f: {  	v29 =	vmpcnt.ones.xlane vm0;
	_ =	sdelay $0x1  }
0x220: {  	(v2sf) =	vpush v29, $0x0;
	_ =	sdelay $0x1  }
0x221: {  	s13 =	simm.s32 $0x3430  }
0x222: {  	v25 =	vld [tilespmem:s13+$0x0];
	_ =	sdelay $0x1  }
0x223: {  	p6 =	sne.s32 s12, $0x1  }
.Ltmp12:
0x224: {  	v26 =	vsub.f32 v26, v32;
	v28 =	vsub.f32 v28, v31;
	(pc) =	sbr.rel @!p6 .LBB2_15-.Ltmp12, $4  }
0x225: {  	_ = 	snop  }
0x226: {  	v62 =	vsub.f32 v27, v30;
	v27 =	vmul.f32 v26, v26;
	v63 =	vmul.f32 v28, v28  }
0x227: {  	v26 =	vld.idx.msk [tilespmem:v36+s2+$0x0], $0xffff  }
0x228: {  	s12 =	sadd.s32 $0xFFFFFFFF, s12;
	p4 =	por $0x1, $0x1;
	v28 =	vld.idx.msk [tilespmem:v36+s20+$0x0], $0xffff;
	v29 =	vmul.f32 v62, v62;
	v27 =	vadd.f32 v63, v27  }
0x229: {  	_ = 	snop  }
0x22a: {  	s13 =	simm.s32 $0x10;
	v34 =	vadd.f32 v29, v27  }
0x22b: {  	v35 =	vor.u32 s13, v0  }
0x22c: {  	vm0 =	vlt.s32 v35, v22;
	vm1 =	vge.s32 v24, v34  }
0x22d: {  	vm0 =	vmand vm0, vm1  }
0x22e: {  	v61 =	vmpcnt.ones.xlane vm0  }
0x22f: {  	v33 =	vld.idx.msk [tilespmem:v36+s21+$0x0], $0xffff  }
0x230: {  	(v2sf) =	vpush v61, $0x0  }
0x231: {  	p6 =	sne.s32 s12, $0x1  }
.Ltmp13:
0x232: {  	s14 =	simm.s32 $0x3440;
	v26 =	vsub.f32 v26, v32;
	v28 =	vsub.f32 v28, v31;
	(pc) =	sbr.rel @!p6 .LBB2_17-.Ltmp13, $4  }
0x233: {  	v36 =	vld [tilespmem:s14+$0x0]  }
0x234: {  	v62 =	vsub.f32 v33, v30;
	v63 =	vmul.f32 v26, v26;
	v37 =	vmul.f32 v28, v28  }
0x235: {  	v26 =	vld.idx.msk [tilespmem:v25+s2+$0x0], $0xffff  }
0x236: {  	s15 =	sadd.s32 $0xFFFFFFFF, s12;
	p5 =	por $0x1, $0x1;
	s12 =	simm.s32 $0x0;
	v28 =	vld.idx.msk [tilespmem:v25+s20+$0x0], $0xffff;
	v34 =	vmul.f32 v62, v62;
	v33 =	vadd.f32 v37, v63  }
.LBB2_18:
0x237: {  	p6 =	sne.s32 s15, $0x1;
	v35 =	vld.idx.msk [tilespmem:v25+s21+$0x0], $0xffff  }
0x238: {  	s13 =	sadd.s32 $0x10, s13;
	v33 =	vadd.f32 v34, v33;
	v25 =	vmov v36  }
0x239: {  	v34 =	vor.u32 s13, v0  }
0x23a: {  	vm0 =	vlt.s32 v34, v22;
	vm1 =	vge.s32 v24, v33  }
.Ltmp14:
0x23b: {  	s14 =	sadd.s32 $0x10, s14;
	v33 =	vsub.f32 v26, v32;
	v28 =	vsub.f32 v28, v31;
	vm0 =	vmand vm0, vm1;
	s16 =	spop (v2sf);
	(pc) =	sbr.rel @p6 .LBB2_18-.Ltmp14, $4  }
0x23c: {  	v36 =	vld [tilespmem:s14+$0x0];
	v34 =	vmpcnt.ones.xlane vm0;
	s12 =	sadd.s32 s12, s16  }
0x23d: {  	v35 =	vsub.f32 v35, v30;
	v33 =	vmul.f32 v33, v33;
	v37 =	vmul.f32 v28, v28;
	v26 =	vld.idx.msk [tilespmem:v25+s2+$0x0], $0xffff  }
0x23e: {  	v28 =	vld.idx.msk [tilespmem:v25+s20+$0x0], $0xffff;
	(v2sf) =	vpush v34, $0x0  }
0x23f: {  	s15 =	sadd.s32 $0xFFFFFFFF, s15;
	v33 =	vadd.f32 v37, v33;
	v34 =	vmul.f32 v35, v35  }
0x240: {  	_ = 	snop  }
0x241: {  	v35 =	vmov v25;
	v25 =	vmov v36  }
.LBB2_20:
0x242: {  	_ =	sdelay $0x3  }
0x243: {  	v35 =	vld.idx.msk @p2 [tilespmem:v35+s21+$0x0], $0xffff  }
0x244: {  	v36 =	vld.idx.msk [tilespmem:v25+s2+$0x0], $0xffff  }
0x245: {  	v26 =	vsub.f32 @p2 v26, v32;
	v37 =	vld.idx.msk [tilespmem:v25+s20+$0x0], $0xffff;
	v28 =	vsub.f32 @p2 v28, v31;
	_ =	sdelay $0x1  }
0x246: {  	v56 =	vld.idx.msk [tilespmem:v25+s21+$0x0], $0xffff;
	v26 =	vmul.f32 @p2 v26, v26;
	v28 =	vmul.f32 @p2 v28, v28  }
0x247: {  	v33 =	vadd.f32 @p3 v34, v33;
	s13 =	sadd.s32 @p4 $0x10, s13;
	s14 =	simm.s32 $0x0  }
0x248: {  	s14 =	smov.u32 @p4 s13;
	v34 =	vsub.f32 @p2 v35, v30;
	v26 =	vadd.f32 @p2 v28, v26  }
0x249: {  	v28 =	vor.u32 @p3 s14, v0;
	v57 =	vsub.f32 v36, v32;
	v58 =	vsub.f32 v37, v31  }
0x24a: {  	vm1 =	vge.s32 @p3 v24, v33;
	vm0 =	vlt.s32 @p3 v28, v22;
	v28 =	vmul.f32 @p2 v34, v34  }
0x24b: {  	v25 =	vsub.f32 v56, v30;
	v59 =	vmul.f32 v57, v57;
	v60 =	vmul.f32 v58, v58  }
0x24c: {  	s13 =	sadd.s32 @p3 $0x10, s14;
	s14 =	simm.s32 $0x0;
	vm0 =	vmand @p3 vm0, vm1;
	v26 =	vpsel p2, v26, v27;
	v27 =	vpsel p2, v28, v29  }
0x24d: {  	s14 =	smov.u32 @p3 s13;
	v25 =	vmul.f32 v25, v25;
	v61 =	vadd.f32 v60, v59;
	v26 =	vadd.f32 @p2 v27, v26  }
0x24e: {  	s13 =	sadd.s32 @p2 $0x10, s14;
	v28 =	vmpcnt.ones.xlane @p3 vm0;
	v29 =	vor.u32 @p2 s14, v0;
	s14 =	simm.s32 $0x0  }
0x24f: {  	vm0 =	vlt.s32 @p2 v29, v22;
	s14 =	smov.u32 @p2 s13;
	v25 =	vadd.f32 v25, v61;
	vm1 =	vge.s32 @p2 v24, v26  }
0x250: {  	(v2sf) =	vpush @p3 v28, $0x0;
	v62 =	vor.u32 s14, v0;
	vm0 =	vmand @p2 vm0, vm1  }
0x251: {  	vm14 =	vlt.s32 v62, v22;
	vm15 =	vge.s32 v24, v25;
	v27 =	vmpcnt.ones.xlane @p2 vm0  }
0x252: {  	vm0 =	vmand vm14, vm15  }
0x253: {  	v63 =	vmpcnt.ones.xlane vm0;
	(v2sf) =	vpush @p2 v27, $0x0;
	_ =	sdelay $0x1  }
0x254: {  	(v2sf) =	vpush v63, $0x0;
	_ =	sdelay $0x6  }
0x255: {  	s13 =	spop @p5 (v2sf)  }
0x256: {  	s12 =	sadd.s32 @p5 s12, s13;
	s13 =	simm.s32 $0x0  }
0x257: {  	s14 =	spop @p4 (v2sf);
	s13 =	smov.u32 @p5 s12  }
0x258: {  	s12 =	sadd.s32 @p4 s13, s14;
	s13 =	simm.s32 $0x0  }
0x259: {  	s13 =	smov.u32 @p4 s12;
	s14 =	spop @p3 (v2sf)  }
0x25a: {  	s12 =	sadd.s32 @p3 s13, s14;
	s13 =	simm.s32 $0x0  }
0x25b: {  	s13 =	smov.u32 @p3 s12;
	s12 =	spop @p2 (v2sf)  }
0x25c: {  	s12 =	sadd.s32 @p2 s13, s12  }
0x25d: {  	s16 =	spop (v2sf);
	s11 =	smov.u32 @p2 s12  }
0x25e: {  	s11 =	sadd.s32 s11, s16  }
0x25f: {  	p2 =	sgt.s32 s11, $0x3F;
	s11 =	sadd.s32 $0x1, s10  }
0x260: {  	s11 =	smov.u32 @p2 s9;
	s8 =	smov.u32 @p2 s10  }
0x261: {  	p2 =	sge.s32 s11, s8  }
.Ltmp15:
0x262: {  	_ = 	snop;
	(pc) =	sbr.rel @p2 .LBB2_22-.Ltmp15, $1  }
0x263: {  	_ =	sdelay $0x3  }
.Ltmp16:
0x264: {  	(pc) =	sbr.rel .LBB2_7-.Ltmp16, $2  }
0x265: {  	_ =	sdelay $0x2  }
0x266: {  	s9 =	smov.u32 s11  }
.LBB2_9:
.Ltmp17:
0x267: {  	_ = 	snop;
	(pc) =	sbr.rel .LBB2_20-.Ltmp17, $2  }
0x268: {  	_ =	sdelay $0x2  }
0x269: {  	s13 =	simm.s32 $0x0;
	s12 =	simm.s32 $0x0;
	v25 =	vmov v35  }
.LBB2_11:
.Ltmp18:
0x26a: {  	(pc) =	sbr.rel .LBB2_20-.Ltmp18, $2  }
0x26b: {  	_ =	sdelay $0x2  }
0x26c: {  	s13 =	simm.s32 $0x0;
	s12 =	simm.s32 $0x0  }
.LBB2_13:
.Ltmp19:
0x26d: {  	(pc) =	sbr.rel .LBB2_20-.Ltmp19, $2  }
0x26e: {  	_ =	sdelay $0x2  }
0x26f: {  	v35 =	vmov v25;
	s13 =	simm.s32 $0x0;
	s12 =	simm.s32 $0x0;
	v25 =	vmov v36  }
.LBB2_15:
.Ltmp20:
0x270: {  	(pc) =	sbr.rel .LBB2_20-.Ltmp20, $2  }
0x271: {  	_ =	sdelay $0x2  }
0x272: {  	v35 =	vmov v36;
	s13 =	simm.s32 $0x0;
	s12 =	simm.s32 $0x0;
	v33 =	vmov v27;
	v34 =	vmov v29  }
.LBB2_17:
.Ltmp21:
0x273: {  	(pc) =	sbr.rel .LBB2_20-.Ltmp21, $2  }
0x274: {  	_ =	sdelay $0x2  }
0x275: {  	v35 =	vmov v25;
	s12 =	simm.s32 $0x0;
	v25 =	vmov v36  }
.LBB2_22:
.Ltmp22:
0x276: {  	(pc) =	sbr.rel @!p0 .LBB2_23-.Ltmp22, $3  }
0x277: {  	_ =	sdelay $0x1  }
0x278: {  	s8 =	simm.s32 $0x3400  }
0x279: {  	v24 =	vmov s11;
	s7 =	simm.s32 $0x0;
	p1 =	por $0x0, $0x0;
	v25 =	vld [tilespmem:s8+$0x0]  }
0x27a: {  	_ =	sdelay $0x7  }
0x27b: {  	v26 =	vld.idx.msk [tilespmem:v25+s7+$0x0], $0xffff  }
0x27c: {  	v27 =	vld.idx.msk [tilespmem:v25+s20+$0x0], $0xffff;
	_ =	sdelay $0x1  }
0x27d: {  	v28 =	vld.idx.msk [tilespmem:v25+s21+$0x0], $0xffff;
	_ =	sdelay $0x2  }
0x27e: {  	v26 =	vsub.f32 v26, v32;
	v27 =	vsub.f32 v27, v31;
	_ =	sdelay $0x1  }
0x27f: {  	v28 =	vsub.f32 v28, v30;
	v26 =	vmul.f32 v26, v26;
	v27 =	vmul.f32 v27, v27;
	_ =	sdelay $0x1  }
0x280: {  	v26 =	vadd.f32 v27, v26;
	v27 =	vmul.f32 v28, v28;
	_ =	sdelay $0x1  }
0x281: {  	v26 =	vadd.f32 v27, v26  }
0x282: {  	p3 =	sne.s32 s6, $0x1;
	v27 =	vor.u32 s7, v0  }
.Ltmp23:
0x283: {  	vm0 =	vlt.s32 v27, v22;
	vm1 =	vgt.s32 v24, v26;
	(pc) =	sbr.rel @!p3 .LBB2_25-.Ltmp23, $4  }
0x284: {  	vm0 =	vmand vm0, vm1  }
0x285: {  	s11 =	simm.s32 $0x3410;
	v26 =	vmpcnt.ones.xlane vm0;
	[tilespmem:s7+$0x3C80] =	vst.msk vm0, v25  }
0x286: {  	s12 =	sadd.s32 $0xFFFFFFFF, s6;
	v25 =	vld [tilespmem:s11+$0x0]  }
0x287: {  	p2 =	por $0x1, $0x1;
	s9 =	simm.s32 $0x0;
	s10 =	simm.s32 $0x0;
	(v2sf) =	vpush v26, $0x0  }
.LBB2_26:
0x288: {  	p3 =	sne.s32 s12, $0x1;
	_ =	sdelay $0x5  }
0x289: {  	v26 =	vld.idx.msk [tilespmem:v25+s7+$0x0], $0xffff  }
0x28a: {  	v27 =	vld.idx.msk [tilespmem:v25+s20+$0x0], $0xffff;
	_ =	sdelay $0x1  }
0x28b: {  	v28 =	vld.idx.msk [tilespmem:v25+s21+$0x0], $0xffff;
	_ =	sdelay $0x3  }
0x28c: {  	v26 =	vsub.f32 v26, v32;
	v27 =	vsub.f32 v27, v31  }
0x28d: {  	s13 =	spop (v2sf)  }
0x28e: {  	v26 =	vmul.f32 v26, v26;
	v28 =	vsub.f32 v28, v30;
	v27 =	vmul.f32 v27, v27;
	s9 =	sadd.s32 s9, s13;
	_ =	sdelay $0x1  }
0x28f: {  	v26 =	vadd.f32 v27, v26;
	v27 =	vmul.f32 v28, v28;
	_ =	sdelay $0x1  }
0x290: {  	s10 =	sadd.s32 $0x10, s10;
	v26 =	vadd.f32 v27, v26  }
0x291: {  	v27 =	vor.u32 s10, v0  }
.Ltmp24:
0x292: {  	vm0 =	vlt.s32 v27, v22;
	vm1 =	vgt.s32 v24, v26;
	(pc) =	sbr.rel @p3 .LBB2_26-.Ltmp24, $4  }
0x293: {  	vm0 =	vmand vm0, vm1  }
0x294: {  	s11 =	sadd.s32 $0x10, s11;
	v26 =	vmpcnt.ones.xlane vm0;
	[tilespmem:s9+$0x3C80] =	vst.msk vm0, v25  }
0x295: {  	v25 =	vld [tilespmem:s11+$0x0]  }
0x296: {  	s12 =	sadd.s32 $0xFFFFFFFF, s12;
	(v2sf) =	vpush v26, $0x0  }
.LBB2_27:
0x297: {  	_ =	sdelay $0x6  }
0x298: {  	v26 =	vld.idx.msk [tilespmem:v25+s7+$0x0], $0xffff  }
0x299: {  	v27 =	vld.idx.msk [tilespmem:v25+s20+$0x0], $0xffff;
	_ =	sdelay $0x1  }
0x29a: {  	v28 =	vld.idx.msk [tilespmem:v25+s21+$0x0], $0xffff;
	_ =	sdelay $0x2  }
0x29b: {  	v26 =	vsub.f32 v26, v32;
	v27 =	vsub.f32 v27, v31;
	_ =	sdelay $0x1  }
0x29c: {  	v28 =	vsub.f32 v28, v30;
	v26 =	vmul.f32 v26, v26;
	v27 =	vmul.f32 v27, v27;
	_ =	sdelay $0x1  }
0x29d: {  	v26 =	vadd.f32 v27, v26;
	v27 =	vmul.f32 v28, v28  }
0x29e: {  	s10 =	sadd.s32 @p2 $0x10, s10;
	s11 =	simm.s32 $0x0  }
0x29f: {  	s11 =	smov.u32 @p2 s10;
	v26 =	vadd.f32 v27, v26  }
0x2a0: {  	v27 =	vor.u32 s11, v0  }
0x2a1: {  	vm0 =	vlt.s32 v27, v22;
	vm1 =	vgt.s32 v24, v26  }
0x2a2: {  	vm0 =	vmand vm0, vm1  }
0x2a3: {  	v26 =	vmpcnt.ones.xlane vm0;
	_ =	sdelay $0x1  }
0x2a4: {  	(v2sf) =	vpush v26, $0x0;
	_ =	sdelay $0xb  }
.Ltmp25:
0x2a5: {  	_ = 	snop;
	(pc) =	sbr.rel @!p0 .LBB2_28-.Ltmp25, $4  }
0x2a6: {  	s10 =	spop @p2 (v2sf)  }
0x2a7: {  	s9 =	sadd.s32 @p2 s9, s10;
	s10 =	simm.s32 $0x0  }
0x2a8: {  	s10 =	smov.u32 @p2 s9;
	s16 =	spop (v2sf)  }
0x2a9: {  	[tilespmem:s10+$0x3C80] =	vst.msk vm0, v25;
	s9 =	sadd.s32 s10, s16  }
0x2aa: {  	v25 =	vld [tilespmem:s8+$0x0];
	_ =	sdelay $0x7  }
0x2ab: {  	v26 =	vld.idx.msk [tilespmem:v25+s2+$0x0], $0xffff  }
0x2ac: {  	v27 =	vld.idx.msk [tilespmem:v25+s20+$0x0], $0xffff;
	_ =	sdelay $0x1  }
0x2ad: {  	v28 =	vld.idx.msk [tilespmem:v25+s21+$0x0], $0xffff;
	_ =	sdelay $0x1  }
0x2ae: {  	p2 =	sne.s32 s6, $0x1  }
.Ltmp26:
0x2af: {  	v26 =	vsub.f32 v26, v32;
	v27 =	vsub.f32 v27, v31;
	(pc) =	sbr.rel @!p2 .LBB2_30-.Ltmp26, $3  }
0x2b0: {  	_ = 	snop  }
0x2b1: {  	v28 =	vsub.f32 v28, v30;
	v26 =	vmul.f32 v26, v26;
	v27 =	vmul.f32 v27, v27;
	_ =	sdelay $0x1  }
0x2b2: {  	s11 =	sadd.s32 $0xFFFFFFFF, s6;
	p0 =	por $0x1, $0x1;
	v26 =	vadd.f32 v27, v26;
	v27 =	vmul.f32 v28, v28  }
0x2b3: {  	_ = 	snop  }
0x2b4: {  	v26 =	vadd.f32 v27, v26  }
0x2b5: {  	v27 =	vor.u32 s7, v0  }
0x2b6: {  	vm0 =	vlt.s32 v27, v22;
	vm1 =	veq.s32 v24, v26  }
0x2b7: {  	vm0 =	vmand vm0, vm1  }
0x2b8: {  	v26 =	vsel vm0, $0x1, v3  }
0x2b9: {  	(xrf0) =	vadd.scan.msk.s32 $0xffff, v26;
	_ =	sdelay $0x5  }
0x2ba: {  	v26, _, _ =	vpop (xrf0)  }
0x2bb: {  	v26 =	vadd.s32 s9, v26  }
0x2bc: {  	vm15 =	vlt.s32 v26, $0x41  }
0x2bd: {  	vm0 =	vmand vm0, vm15  }
0x2be: {  	s10 =	simm.s32 $0x3410;
	[tilespmem:s9+$0x3C80] =	vst.msk vm0, v25  }
0x2bf: {  	v25 =	vld [tilespmem:s10+$0x0]  }
0x2c0: {  	v26 =	vmpcnt.ones.xlane vm0;
	_ =	sdelay $0x1  }
0x2c1: {  	(v2sf) =	vpush v26, $0x0;
	_ =	sdelay $0x4  }
0x2c2: {  	v26 =	vld.idx.msk [tilespmem:v25+s2+$0x0], $0xffff  }
0x2c3: {  	v27 =	vld.idx.msk [tilespmem:v25+s20+$0x0], $0xffff;
	_ =	sdelay $0x1  }
0x2c4: {  	v28 =	vld.idx.msk [tilespmem:v25+s21+$0x0], $0xffff;
	_ =	sdelay $0x2  }
0x2c5: {  	p2 =	sne.s32 s11, $0x1;
	v26 =	vsub.f32 v26, v32;
	v27 =	vsub.f32 v27, v31  }
.Ltmp27:
0x2c6: {  	_ = 	snop;
	(pc) =	sbr.rel @!p2 .LBB2_32-.Ltmp27, $3  }
0x2c7: {  	v28 =	vsub.f32 v28, v30;
	v26 =	vmul.f32 v26, v26;
	v27 =	vmul.f32 v27, v27;
	_ =	sdelay $0x1  }
0x2c8: {  	s12 =	sadd.s32 $0xFFFFFFFF, s11;
	s6 =	spop (v2sf);
	v26 =	vadd.f32 v27, v26;
	v27 =	vmul.f32 v28, v28  }
0x2c9: {  	p1 =	por $0x1, $0x1;
	s11 =	simm.s32 $0x0;
	s6 =	sadd.s32 s9, s6  }
.LBB2_33:
0x2ca: {  	p2 =	sne.s32 s12, $0x1;
	v26 =	vadd.f32 v27, v26;
	s11 =	sadd.s32 $0x10, s11  }
0x2cb: {  	v27 =	vor.u32 s11, v0  }
0x2cc: {  	vm0 =	vlt.s32 v27, v22;
	vm1 =	veq.s32 v24, v26  }
0x2cd: {  	vm0 =	vmand vm0, vm1  }
0x2ce: {  	v26 =	vsel vm0, $0x1, v3  }
0x2cf: {  	(xrf0) =	vadd.scan.msk.s32 $0xffff, v26;
	_ =	sdelay $0x5  }
0x2d0: {  	v26, _, _ =	vpop (xrf0)  }
0x2d1: {  	v26 =	vadd.s32 s6, v26  }
0x2d2: {  	vm1 =	vlt.s32 v26, $0x41  }
0x2d3: {  	vm0 =	vmand vm0, vm1  }
0x2d4: {  	s10 =	sadd.s32 $0x10, s10;
	[tilespmem:s6+$0x3C80] =	vst.msk vm0, v25;
	v26 =	vmpcnt.ones.xlane vm0  }
0x2d5: {  	v25 =	vld [tilespmem:s10+$0x0]  }
0x2d6: {  	(v2sf) =	vpush v26, $0x0;
	_ =	sdelay $0x6  }
0x2d7: {  	v26 =	vld.idx.msk [tilespmem:v25+s2+$0x0], $0xffff  }
0x2d8: {  	v27 =	vld.idx.msk [tilespmem:v25+s20+$0x0], $0xffff;
	_ =	sdelay $0x1  }
0x2d9: {  	v28 =	vld.idx.msk [tilespmem:v25+s21+$0x0], $0xffff;
	_ =	sdelay $0x3  }
0x2da: {  	v26 =	vsub.f32 v26, v32;
	v27 =	vsub.f32 v27, v31  }
.Ltmp28:
0x2db: {  	s13 =	spop (v2sf);
	(pc) =	sbr.rel @p2 .LBB2_33-.Ltmp28, $3  }
0x2dc: {  	v26 =	vmul.f32 v26, v26;
	v28 =	vsub.f32 v28, v30;
	v27 =	vmul.f32 v27, v27;
	s6 =	sadd.s32 s6, s13;
	_ =	sdelay $0x1  }
0x2dd: {  	v26 =	vadd.f32 v27, v26;
	v27 =	vmul.f32 v28, v28  }
0x2de: {  	s12 =	sadd.s32 $0xFFFFFFFF, s12  }
.LBB2_34:
0x2df: {  	s11 =	sadd.s32 @p1 $0x10, s11;
	s12 =	simm.s32 $0x0  }
0x2e0: {  	v26 =	vadd.f32 @p0 v27, v26;
	s12 =	smov.u32 @p1 s11  }
0x2e1: {  	v27 =	vor.u32 @p0 s12, v0  }
0x2e2: {  	vm1 =	veq.s32 @p0 v24, v26;
	vm0 =	vlt.s32 @p0 v27, v22  }
0x2e3: {  	vm0 =	vmand @p0 vm0, vm1  }
0x2e4: {  	v26 =	vsel @p0 vm0, $0x1, v3  }
0x2e5: {  	(xrf0) =	vadd.scan.msk.s32 @p0 $0xffff, v26;
	_ =	sdelay $0x5  }
0x2e6: {  	v26, _, _ =	vpop @p0 (xrf0)  }
0x2e7: {  	v26 =	vadd.s32 @p0 s6, v26  }
0x2e8: {  	vm1 =	vlt.s32 @p0 v26, $0x41  }
0x2e9: {  	s10 =	sadd.s32 @p0 $0x10, s10;
	vm0 =	vmand @p0 vm0, vm1  }
0x2ea: {  	s8 =	smov.u32 @p0 s10;
	[tilespmem:s6+$0x3C80] =	vst.msk @p0 vm0, v25  }
0x2eb: {  	v25 =	vld [tilespmem:s8+$0x0];
	_ =	sdelay $0x7  }
0x2ec: {  	v60 =	vld.idx.msk [tilespmem:v25+s2+$0x0], $0xffff  }
0x2ed: {  	v61 =	vld.idx.msk [tilespmem:v25+s20+$0x0], $0xffff;
	_ =	sdelay $0x1  }
0x2ee: {  	v28 =	vmpcnt.ones.xlane @p0 vm0;
	v29 =	vld.idx.msk [tilespmem:v25+s21+$0x0], $0xffff;
	_ =	sdelay $0x1  }
0x2ef: {  	(v2sf) =	vpush @p0 v28, $0x0  }
0x2f0: {  	v26 =	vsub.f32 v60, v32;
	v27 =	vsub.f32 v61, v31;
	_ =	sdelay $0x1  }
0x2f1: {  	v28 =	vsub.f32 v29, v30;
	v26 =	vmul.f32 v26, v26;
	v27 =	vmul.f32 v27, v27;
	_ =	sdelay $0x1  }
0x2f2: {  	v62 =	vmul.f32 v28, v28;
	v26 =	vadd.f32 v27, v26  }
0x2f3: {  	s8 =	sadd.s32 @p0 $0x10, s12  }
0x2f4: {  	s7 =	smov.u32 @p0 s8;
	v26 =	vadd.f32 v62, v26  }
0x2f5: {  	v63 =	vor.u32 s7, v0  }
0x2f6: {  	vm13 =	vlt.s32 v63, v22;
	vm14 =	veq.s32 v24, v26  }
0x2f7: {  	vm0 =	vmand vm13, vm14  }
0x2f8: {  	v22 =	vsel vm0, $0x1, v3  }
0x2f9: {  	(xrf0) =	vadd.scan.msk.s32 $0xffff, v22;
	_ =	sdelay $0x3  }
0x2fa: {  	s7 =	spop @p0 (v2sf)  }
0x2fb: {  	s6 =	sadd.s32 @p0 s6, s7  }
0x2fc: {  	s9 =	smov.u32 @p0 s6;
	v22, _, _ =	vpop (xrf0)  }
0x2fd: {  	v22 =	vadd.s32 s9, v22  }
0x2fe: {  	vm15 =	vlt.s32 v22, $0x41  }
0x2ff: {  	vm0 =	vmand vm0, vm15  }
0x300: {  	v22 =	vmpcnt.ones.xlane vm0;
	_ =	sdelay $0x1  }
0x301: {  	(v2sf) =	vpush v22, $0x0;
	_ =	sdelay $0xe  }
0x302: {  	[tilespmem:s9+$0x3C80] =	vst.msk vm0, v25;
	s16 =	spop (v2sf)  }
.LBB2_35:
0x303: {  	v22 =	vld [tilespmem:$0x3C80]  }
0x304: {  	v24 =	vld [tilespmem:$0x3C90]  }
0x305: {  	v25 =	vld [tilespmem:$0x3CA0]  }
0x306: {  	v26 =	vld [tilespmem:$0x3CB0];
	_ =	sdelay $0x1  }
0x307: {  	[tilespmem:$0x3400] =	vst v22  }
0x308: {  	[tilespmem:$0x3410] =	vst v24  }
0x309: {  	[tilespmem:$0x3420] =	vst v25  }
0x30a: {  	[tilespmem:$0x3430] =	vst v26  }
.LBB2_36:
0x30b: {  	p0 =	seq.s32 s29, $0x0  }
0x30c: {  	s6 =	simm.s32 @!p0 $0x1  }
0x30d: {  	_ =	swait.ge @!p0 [sflag:s6], $0x200  }
0x30e: {  	[sflag:s6] =	ssyncset.done @!p0 $0x0  }
0x30f: {  	[sflag:s6] =	ssyncadd.s32 @!p0 $0xFFFFFE00  }
0x310: {  	v22 =	vld [tilespmem:$0x3400]  }
0x311: {  	p1 =	slt.s32 s31, $0x40  }
0x312: {  	s31 =	simm.s32 @!p1 $0x40  }
0x313: {  	v24 =	vmov s31  }
0x314: {  	vm0 =	vgt.s32 v24, v0  }
0x315: {  	v22 =	vsel vm0, v22, v23;
	_ =	sdelay $0x4  }
0x316: {  	v25 =	vld.idx.msk [tilespmem:v22+s22+$0x0], $0xffff  }
0x317: {  	v26 =	vld.idx.msk [tilespmem:v22+s23+$0x0], $0xffff  }
0x318: {  	s9 =	simm.s32 $0x0;
	v27 =	vld.idx.msk [tilespmem:v22+s24+$0x0], $0xffff  }
0x319: {  	v28 =	vld.idx.msk [tilespmem:v22+s9+$0x0], $0xffff  }
0x31a: {  	v29 =	vld.idx.msk [tilespmem:v22+s20+$0x0], $0xffff  }
0x31b: {  	v22 =	vld.idx.msk [tilespmem:v22+s21+$0x0], $0xffff;
	_ =	sdelay $0x1  }
0x31c: {  	[tilespmem:v1+s26+$0x0] =	vst.idx.msk $0xffff, v25  }
0x31d: {  	v25 =	vsub.f32 v28, v32;
	[tilespmem:v4+s26+$0x0] =	vst.idx.msk $0xffff, v26  }
0x31e: {  	v26 =	vsub.f32 v29, v31;
	[tilespmem:v5+s26+$0x0] =	vst.idx.msk $0xffff, v27  }
0x31f: {  	v22 =	vsub.f32 v22, v30;
	[tilespmem:v6+s26+$0x0] =	vst.idx.msk $0xffff, v25  }
0x320: {  	[tilespmem:v7+s26+$0x0] =	vst.idx.msk $0xffff, v26  }
0x321: {  	[tilespmem:v8+s26+$0x0] =	vst.idx.msk $0xffff, v22  }
0x322: {  	v22 =	vld [tilespmem:$0x3410];
	_ =	sdelay $0x3  }
0x323: {  	vm0 =	vgt.s32 v24, v9  }
0x324: {  	v22 =	vsel vm0, v22, v23;
	_ =	sdelay $0x4  }
0x325: {  	v25 =	vld.idx.msk [tilespmem:v22+s22+$0x0], $0xffff  }
0x326: {  	v26 =	vld.idx.msk [tilespmem:v22+s23+$0x0], $0xffff  }
0x327: {  	v27 =	vld.idx.msk [tilespmem:v22+s24+$0x0], $0xffff  }
0x328: {  	v28 =	vld.idx.msk [tilespmem:v22+s9+$0x0], $0xffff  }
0x329: {  	v29 =	vld.idx.msk [tilespmem:v22+s20+$0x0], $0xffff  }
0x32a: {  	v22 =	vld.idx.msk [tilespmem:v22+s21+$0x0], $0xffff;
	_ =	sdelay $0x1  }
0x32b: {  	[tilespmem:v10+s26+$0x0] =	vst.idx.msk $0xffff, v25  }
0x32c: {  	v25 =	vsub.f32 v28, v32;
	[tilespmem:v11+s26+$0x0] =	vst.idx.msk $0xffff, v26  }
0x32d: {  	v26 =	vsub.f32 v29, v31;
	[tilespmem:v12+s26+$0x0] =	vst.idx.msk $0xffff, v27  }
0x32e: {  	v22 =	vsub.f32 v22, v30;
	[tilespmem:v13+s26+$0x0] =	vst.idx.msk $0xffff, v25  }
0x32f: {  	[tilespmem:v14+s26+$0x0] =	vst.idx.msk $0xffff, v26  }
0x330: {  	[tilespmem:v15+s26+$0x0] =	vst.idx.msk $0xffff, v22  }
0x331: {  	v22 =	vld [tilespmem:$0x3420];
	_ =	sdelay $0x3  }
0x332: {  	vm0 =	vgt.s32 v24, v16  }
0x333: {  	v22 =	vsel vm0, v22, v23;
	_ =	sdelay $0x4  }
0x334: {  	v25 =	vld.idx.msk [tilespmem:v22+s22+$0x0], $0xffff  }
0x335: {  	v26 =	vld.idx.msk [tilespmem:v22+s23+$0x0], $0xffff  }
0x336: {  	v27 =	vld.idx.msk [tilespmem:v22+s24+$0x0], $0xffff  }
0x337: {  	v28 =	vld.idx.msk [tilespmem:v22+s9+$0x0], $0xffff  }
0x338: {  	v29 =	vld.idx.msk [tilespmem:v22+s20+$0x0], $0xffff  }
0x339: {  	v33 =	vld.idx.msk [tilespmem:v22+s21+$0x0], $0xffff;
	_ =	sdelay $0x1  }
0x33a: {  	v22 =	vor.u32 $0x105, v1;
	[tilespmem:v17+s26+$0x0] =	vst.idx.msk $0xffff, v25  }
0x33b: {  	v25 =	vsub.f32 v28, v32;
	[tilespmem:v18+s26+$0x0] =	vst.idx.msk $0xffff, v26  }
0x33c: {  	v26 =	vsub.f32 v29, v31;
	[tilespmem:v19+s26+$0x0] =	vst.idx.msk $0xffff, v27  }
0x33d: {  	v27 =	vsub.f32 v33, v30;
	[tilespmem:v20+s26+$0x0] =	vst.idx.msk $0xffff, v25  }
0x33e: {  	[tilespmem:v21+s26+$0x0] =	vst.idx.msk $0xffff, v26  }
0x33f: {  	[tilespmem:v22+s26+$0x0] =	vst.idx.msk $0xffff, v27  }
0x340: {  	v25 =	vld [tilespmem:$0x3430];
	_ =	sdelay $0x2  }
0x341: {  	v29 =	vor.u32 $0x30, v0  }
0x342: {  	vm0 =	vgt.s32 v24, v29  }
0x343: {  	v23 =	vsel vm0, v25, v23;
	_ =	sdelay $0x4  }
0x344: {  	v24 =	vld.idx.msk [tilespmem:v23+s22+$0x0], $0xffff  }
0x345: {  	v53 =	vld.idx.msk [tilespmem:v23+s23+$0x0], $0xffff  }
0x346: {  	v27 =	vor.u32 $0x180, v1;
	v34 =	vld.idx.msk [tilespmem:v23+s24+$0x0], $0xffff  }
0x347: {  	v28 =	vor.u32 $0x181, v1;
	v35 =	vld.idx.msk [tilespmem:v23+s9+$0x0], $0xffff  }
0x348: {  	v26 =	vor.u32 $0x182, v1;
	v36 =	vld.idx.msk [tilespmem:v23+s20+$0x0], $0xffff  }
0x349: {  	v25 =	vor.u32 $0x183, v1;
	v37 =	vld.idx.msk [tilespmem:v23+s21+$0x0], $0xffff  }
0x34a: {  	v23 =	vor.u32 $0x184, v1  }
0x34b: {  	s15 =	sadd.s32 s4, s30;
	[tilespmem:v27+s26+$0x0] =	vst.idx.msk $0xffff, v24;
	v24 =	vor.u32 $0x185, v1  }
0x34c: {  	s7 =	sshll.u32 s29, $0x8;
	s31 =	sor.u32 $0x1, s30;
	s6 =	sshll.u32 s15, $0x9;
	v54 =	vsub.f32 v35, v32;
	[tilespmem:v28+s26+$0x0] =	vst.idx.msk $0xffff, v53  }
0x34d: {  	s16 =	sand.u32 $0x300, s7;
	v55 =	vmov s31;
	s30 =	sand.u32 $0xFFFFF000, s6;
	v31 =	vsub.f32 v36, v31;
	[tilespmem:v26+s26+$0x0] =	vst.idx.msk $0xffff, v34  }
0x34e: {  	s6 =	sor.u32 s16, s30;
	v30 =	vsub.f32 v37, v30;
	[tilespmem:v25+s26+$0x0] =	vst.idx.msk $0xffff, v54  }
0x34f: {  	s6 =	sshrl.u32 s6, $0x3;
	[tilespmem:v23+s26+$0x0] =	vst.idx.msk $0xffff, v31  }
0x350: {  	s6 =	sadd.s32 s5, s6;
	[tilespmem:v24+s26+$0x0] =	vst.idx.msk $0xffff, v30  }
0x351: {  	[hbm4b:s6+s17] =	stream.strided.scatter [tilespmem:s26], [sflag:$0x1], $0x200, s18, s17, $0x38;
	[tilespmem:$0x4100] =	vst v63  }
0x352: {  	v33 =	vld.idx.msk [tilespmem:v55+s25+$0x0], $0xffff  }
0x353: {  	s6 =	simm.s32 $0x1040  }
0x354: {  	s7 =	simm.s32 $0x840;
	v34 =	vld [tilespmem:s6+$0xFFFFFFF0]  }
0x355: {  	s8 =	simm.s32 $0x40;
	v56 =	vld [tilespmem:s7+$0xFFFFFFF0]  }
0x356: {  	v57 =	vld [tilespmem:s8+$0xFFFFFFF0]  }
0x357: {  	v58 =	vld [tilespmem:s6+$0xFFFFFFE0]  }
0x358: {  	v38 =	vld [tilespmem:s7+$0xFFFFFFE0]  }
0x359: {  	v39 =	vld [tilespmem:s8+$0xFFFFFFE0]  }
0x35a: {  	v32 =	vld.idx.msk [tilespmem:v33+s9+$0x0], $0xffff  }
0x35b: {  	v30 =	vld.idx.msk [tilespmem:v33+s21+$0x0], $0xffff  }
0x35c: {  	v31 =	vld.idx.msk [tilespmem:v33+s20+$0x0], $0xffff  }
0x35d: {  	v40 =	vld [tilespmem:s7+$0xFFFFFFD0]  }
0x35e: {  	v41 =	vld [tilespmem:s7+$0xFFFFFFC0]  }
0x35f: {  	v42 =	vld [tilespmem:s8+$0xFFFFFFC0]  }
0x360: {  	v43 =	vld [tilespmem:s8+$0xFFFFFFD0];
	v34 =	vsub.f32 v34, v30  }
0x361: {  	v44 =	vld [tilespmem:s6+$0xFFFFFFC0];
	v35 =	vsub.f32 v56, v31;
	v36 =	vsub.f32 v57, v32  }
0x362: {  	v45 =	vld [tilespmem:s6+$0xFFFFFFD0];
	v37 =	vsub.f32 v58, v30;
	v38 =	vsub.f32 v38, v31  }
0x363: {  	v39 =	vsub.f32 v39, v32;
	v41 =	vsub.f32 v41, v31  }
0x364: {  	v42 =	vsub.f32 v42, v32;
	v40 =	vsub.f32 v40, v31  }
0x365: {  	v43 =	vsub.f32 v43, v32;
	v35 =	vmul.f32 v35, v35;
	v39 =	vmul.f32 v39, v39  }
0x366: {  	v44 =	vsub.f32 v44, v30;
	v42 =	vmul.f32 v42, v42;
	v41 =	vmul.f32 v41, v41  }
0x367: {  	v45 =	vsub.f32 v45, v30;
	v40 =	vmul.f32 v40, v40;
	v43 =	vmul.f32 v43, v43  }
0x368: {  	v60 =	vld [tilespmem:s7+$0x20];
	v38 =	vmul.f32 v38, v38;
	v59 =	vmul.f32 v44, v44;
	v41 =	vadd.f32 v41, v42  }
0x369: {  	v63 =	vld [tilespmem:s8+$0x20];
	v36 =	vmul.f32 v36, v36;
	v61 =	vmul.f32 v45, v45;
	v40 =	vadd.f32 v40, v43  }
0x36a: {  	v47 =	vld [tilespmem:s7+$0x10];
	v37 =	vmul.f32 v37, v37;
	v38 =	vadd.f32 v38, v39;
	v62 =	vadd.f32 v59, v41  }
0x36b: {  	v48 =	vld [tilespmem:s7+$0x0];
	v34 =	vmul.f32 v34, v34;
	v35 =	vadd.f32 v35, v36;
	v46 =	vadd.f32 v61, v40  }
0x36c: {  	v50 =	vld [tilespmem:s8+$0x0];
	v37 =	vadd.f32 v37, v38;
	vm2 =	vle.f32 v62, $2.250000090e-02  }
0x36d: {  	v52 =	vld [tilespmem:s8+$0x10];
	v34 =	vadd.f32 v34, v35;
	vm5 =	vle.f32 v46, $2.250000090e-02;
	v49 =	vmpcnt.ones.xlane vm2  }
0x36e: {  	v55 =	vld [tilespmem:s6+$0x0];
	vm4 =	vle.f32 v37, $2.250000090e-02;
	v51 =	vmpcnt.ones.xlane vm5  }
0x36f: {  	v58 =	vld [tilespmem:s6+$0x10];
	vm3 =	vle.f32 v34, $2.250000090e-02;
	v53 =	vmpcnt.ones.xlane vm4;
	(v2sf) =	vpush v49, $0x0  }
0x370: {  	v54 =	vsub.f32 v60, v31;
	v60 =	vld [tilespmem:s8+$0x30];
	v56 =	vmpcnt.ones.xlane vm3;
	(v2sf) =	vpush v51, $0x0  }
0x371: {  	v57 =	vsub.f32 v63, v32;
	v45 =	vld [tilespmem:s6+$0x20];
	(v2sf) =	vpush v53, $0x0  }
0x372: {  	v63 =	vld [tilespmem:s6+$0x30];
	v36 =	vsub.f32 v50, v32;
	(v2sf) =	vpush v56, $0x0  }
0x373: {  	v39 =	vmul.f32 v57, v57;
	v59 =	vsub.f32 v47, v31;
	v38 =	vsub.f32 v48, v31;
	v61 =	vld [tilespmem:s7+$0x30]  }
0x374: {  	v35 =	vmul.f32 v54, v54;
	v47 =	vsub.f32 v55, v30;
	v48 =	vsub.f32 v58, v30  }
0x375: {  	v36 =	vmul.f32 v36, v36;
	v40 =	vsub.f32 v60, v32;
	v37 =	vsub.f32 v52, v32  }
0x376: {  	v62 =	vsub.f32 v45, v30;
	v38 =	vmul.f32 v38, v38;
	v34 =	vmul.f32 v59, v59  }
0x377: {  	v35 =	vadd.f32 v35, v39;
	v52 =	vsub.f32 v63, v30;
	v37 =	vmul.f32 v37, v37  }
0x378: {  	v39 =	vmul.f32 v47, v47;
	v36 =	vadd.f32 v38, v36;
	v50 =	vsub.f32 v61, v31  }
0x379: {  	v49 =	vmul.f32 v62, v62;
	v34 =	vadd.f32 v34, v37;
	v51 =	vmul.f32 v48, v48  }
0x37a: {  	v40 =	vmul.f32 v40, v40;
	v36 =	vadd.f32 v39, v36;
	v42 =	vmul.f32 v50, v50  }
0x37b: {  	v35 =	vadd.f32 v49, v35;
	v34 =	vadd.f32 v51, v34  }
0x37c: {  	v53 =	vmul.f32 v52, v52;
	vm6 =	vle.f32 v36, $2.250000090e-02;
	v54 =	vadd.f32 v42, v40  }
0x37d: {  	v56 =	vmpcnt.ones.xlane vm6;
	vm0 =	vle.f32 v34, $2.250000090e-02  }
0x37e: {  	s10 =	simm.s32 $0x0;
	vm1 =	vle.f32 v35, $2.250000090e-02;
	v57 =	vadd.f32 v53, v54;
	v58 =	vmpcnt.ones.xlane vm0;
	s11 =	spop (v2sf)  }
0x37f: {  	v55 =	vor.u32 s10, v0;
	v59 =	vmpcnt.ones.xlane vm1;
	(v2sf) =	vpush v56, $0x0;
	s12 =	spop (v2sf)  }
0x380: {  	[tilespmem:s9+$0x3400] =	vst.msk vm2, v55;
	vm2 =	vle.f32 v57, $2.250000090e-02;
	(v2sf) =	vpush v58, $0x0;
	s14 =	spop (v2sf)  }
0x381: {  	v35 =	vmpcnt.ones.xlane vm2;
	s16 =	spop (v2sf);
	(v2sf) =	vpush v59, $0x0;
	_ =	sdelay $0x1  }
0x382: {  	(v2sf) =	vpush v35, $0x0;
	_ =	sdelay $0x2  }
0x383: {  	s3 =	simm.s32 $0x10  }
0x384: {  	v60 =	vor.u32 s3, v0;
	s10 =	simm.s32 $0x20;
	s11 =	sadd.s32 $0x0, s11  }
0x385: {  	s13 =	simm.s32 $0x30;
	v61 =	vor.u32 s10, v0;
	[tilespmem:s11+$0x3400] =	vst.msk vm5, v60;
	s10 =	sadd.s32 s11, s12  }
0x386: {  	v62 =	vor.u32 s13, v0;
	s12 =	simm.s32 $0x40;
	[tilespmem:s10+$0x3400] =	vst.msk vm4, v61;
	s15 =	sadd.s32 s10, s14  }
0x387: {  	v63 =	vor.u32 s12, v0;
	[tilespmem:s15+$0x3400] =	vst.msk vm3, v62;
	s11 =	sadd.s32 s15, s16  }
0x388: {  	s9 =	simm.s32 $0x70;
	s10 =	simm.s32 $0xF0;
	s12 =	simm.s32 $0x50;
	[tilespmem:s11+$0x3400] =	vst.msk vm6, v63  }
.LBB2_37:
0x389: {  	s6 =	sadd.s32 $0x80, s6  }
0x38a: {  	s7 =	sadd.s32 $0x80, s7;
	s8 =	sadd.s32 $0x80, s8;
	s13 =	smov.u32 s10  }
0x38b: {  	p1 =	sne.s32 s10, $0x7F0;
	s10 =	sadd.s32 $0x80, s10;
	s14 =	spop (v2sf)  }
0x38c: {  	v34 =	vor.u32 s12, v0;
	s12 =	sadd.s32 $0xFFFFFFF0, s9;
	s11 =	sadd.s32 s11, s14;
	s14 =	spop (v2sf)  }
0x38d: {  	v35 =	vor.u32 s12, v0;
	[tilespmem:s11+$0x3400] =	vst.msk vm0, v34;
	s11 =	sadd.s32 s11, s14;
	s12 =	spop (v2sf)  }
0x38e: {  	v34 =	vor.u32 s9, v0;
	s9 =	smov.u32 s13;
	[tilespmem:s11+$0x3400] =	vst.msk vm1, v35;
	s11 =	sadd.s32 s11, s12  }
0x38f: {  	[tilespmem:s11+$0x3400] =	vst.msk vm2, v34;
	s12 =	spop (v2sf)  }
0x390: {  	v34 =	vld [tilespmem:s7+$0x20];
	s11 =	sadd.s32 s11, s12  }
0x391: {  	v35 =	vld [tilespmem:s6+$0x20]  }
0x392: {  	v36 =	vld [tilespmem:s8+$0x20]  }
0x393: {  	v37 =	vld [tilespmem:s7+$0x10]  }
0x394: {  	v38 =	vld [tilespmem:s7+$0x0]  }
0x395: {  	v39 =	vld [tilespmem:s6+$0xFFFFFFF0]  }
0x396: {  	v34 =	vsub.f32 v34, v31;
	v40 =	vld [tilespmem:s7+$0xFFFFFFF0]  }
0x397: {  	v41 =	vld [tilespmem:s8+$0xFFFFFFF0];
	v36 =	vsub.f32 v36, v32  }
0x398: {  	v34 =	vmul.f32 v34, v34;
	v42 =	vld [tilespmem:s6+$0xFFFFFFE0];
	v37 =	vsub.f32 v37, v31  }
0x399: {  	v35 =	vsub.f32 v35, v30;
	v43 =	vld [tilespmem:s7+$0xFFFFFFE0];
	v38 =	vsub.f32 v38, v31;
	v36 =	vmul.f32 v36, v36  }
0x39a: {  	v44 =	vld [tilespmem:s8+$0xFFFFFFE0];
	v39 =	vsub.f32 v39, v30;
	v37 =	vmul.f32 v37, v37  }
0x39b: {  	v35 =	vmul.f32 v35, v35;
	v45 =	vld [tilespmem:s7+$0xFFFFFFD0];
	v40 =	vsub.f32 v40, v31;
	v34 =	vadd.f32 v34, v36  }
0x39c: {  	v36 =	vld [tilespmem:s7+$0xFFFFFFC0];
	v41 =	vsub.f32 v41, v32  }
0x39d: {  	v46 =	vld [tilespmem:s8+$0xFFFFFFC0];
	v42 =	vsub.f32 v42, v30;
	v40 =	vmul.f32 v40, v40;
	v34 =	vadd.f32 v35, v34  }
0x39e: {  	v35 =	vld [tilespmem:s8+$0xFFFFFFD0];
	v43 =	vsub.f32 v43, v31;
	v41 =	vmul.f32 v41, v41  }
0x39f: {  	v38 =	vmul.f32 v38, v38;
	v47 =	vld [tilespmem:s6+$0xFFFFFFC0];
	v44 =	vsub.f32 v44, v32  }
0x3a0: {  	v39 =	vmul.f32 v39, v39;
	v45 =	vsub.f32 v45, v31;
	v48 =	vld [tilespmem:s6+$0xFFFFFFD0];
	v40 =	vadd.f32 v40, v41  }
0x3a1: {  	v43 =	vmul.f32 v43, v43;
	v36 =	vsub.f32 v36, v31;
	v41 =	vmul.f32 v44, v44;
	v44 =	vld [tilespmem:s8+$0x0]  }
0x3a2: {  	v46 =	vsub.f32 v46, v32;
	v45 =	vmul.f32 v45, v45;
	v39 =	vadd.f32 v39, v40;
	v40 =	vld [tilespmem:s8+$0x10]  }
0x3a3: {  	v42 =	vmul.f32 v42, v42;
	v35 =	vsub.f32 v35, v32;
	v41 =	vadd.f32 v43, v41;
	v43 =	vld [tilespmem:s6+$0x0]  }
0x3a4: {  	v36 =	vmul.f32 v36, v36;
	v47 =	vsub.f32 v47, v30;
	v46 =	vmul.f32 v46, v46;
	v49 =	vld [tilespmem:s6+$0x10]  }
0x3a5: {  	v48 =	vsub.f32 v48, v30;
	v35 =	vmul.f32 v35, v35;
	v41 =	vadd.f32 v42, v41  }
0x3a6: {  	v36 =	vadd.f32 v36, v46;
	v42 =	vmul.f32 v47, v47;
	v44 =	vsub.f32 v44, v32;
	v46 =	vld [tilespmem:s8+$0x30]  }
0x3a7: {  	v35 =	vadd.f32 v45, v35;
	v45 =	vmul.f32 v48, v48;
	v40 =	vsub.f32 v40, v32  }
0x3a8: {  	vm3 =	vle.f32 v39, $2.250000090e-02;
	v36 =	vadd.f32 v42, v36;
	v39 =	vmul.f32 v44, v44;
	v42 =	vld [tilespmem:s7+$0x30]  }
0x3a9: {  	s12 =	sadd.s32 $0xFFFFFF90, s9;
	v43 =	vsub.f32 v43, v30;
	v35 =	vadd.f32 v45, v35;
	v40 =	vmul.f32 v40, v40  }
0x3aa: {  	vm0 =	vle.f32 v36, $2.250000090e-02;
	v36 =	vadd.f32 v38, v39;
	v38 =	vsub.f32 v49, v30;
	v39 =	vld [tilespmem:s6+$0x30]  }
0x3ab: {  	v45 =	vor.u32 s12, v0;
	v44 =	vmpcnt.ones.xlane vm0;
	vm5 =	vle.f32 v35, $2.250000090e-02  }
0x3ac: {  	vm4 =	vle.f32 v41, $2.250000090e-02;
	v41 =	vmul.f32 v43, v43;
	v35 =	vmpcnt.ones.xlane vm5;
	[tilespmem:s11+$0x3400] =	vst.msk vm0, v45  }
0x3ad: {  	v43 =	vmpcnt.ones.xlane vm4;
	v45 =	vsub.f32 v46, v32;
	(v2sf) =	vpush v44, $0x0  }
0x3ae: {  	v37 =	vadd.f32 v37, v40;
	v44 =	vmpcnt.ones.xlane vm3;
	(v2sf) =	vpush v35, $0x0  }
0x3af: {  	v35 =	vmul.f32 v38, v38;
	v38 =	vsub.f32 v42, v31;
	(v2sf) =	vpush v43, $0x0  }
0x3b0: {  	v40 =	vmul.f32 v45, v45;
	v39 =	vsub.f32 v39, v30;
	(v2sf) =	vpush v44, $0x0  }
0x3b1: {  	v36 =	vadd.f32 v41, v36;
	v35 =	vadd.f32 v35, v37;
	v37 =	vmul.f32 v38, v38  }
0x3b2: {  	v38 =	vmul.f32 v39, v39  }
0x3b3: {  	vm6 =	vle.f32 v36, $2.250000090e-02;
	vm0 =	vle.f32 v35, $2.250000090e-02;
	v35 =	vadd.f32 v37, v40  }
0x3b4: {  	v36 =	vmpcnt.ones.xlane vm6;
	v37 =	vmpcnt.ones.xlane vm0  }
0x3b5: {  	vm1 =	vle.f32 v34, $2.250000090e-02;
	v34 =	vadd.f32 v38, v35  }
0x3b6: {  	v35 =	vmpcnt.ones.xlane vm1;
	(v2sf) =	vpush v36, $0x0  }
0x3b7: {  	vm2 =	vle.f32 v34, $2.250000090e-02;
	(v2sf) =	vpush v37, $0x0  }
0x3b8: {  	v34 =	vmpcnt.ones.xlane vm2;
	(v2sf) =	vpush v35, $0x0;
	_ =	sdelay $0x1  }
0x3b9: {  	(v2sf) =	vpush v34, $0x0;
	_ =	sdelay $0x1  }
0x3ba: {  	s13 =	sadd.s32 $0xFFFFFFD0, s9;
	s12 =	sadd.s32 $0xFFFFFFA0, s9;
	s14 =	spop (v2sf)  }
0x3bb: {  	v34 =	vor.u32 s12, v0;
	s12 =	sadd.s32 $0xFFFFFFB0, s9;
	s11 =	sadd.s32 s11, s14;
	s14 =	spop (v2sf)  }
0x3bc: {  	v35 =	vor.u32 s12, v0;
	s12 =	sadd.s32 $0xFFFFFFC0, s9;
	[tilespmem:s11+$0x3400] =	vst.msk vm5, v34;
	s11 =	sadd.s32 s11, s14;
	s14 =	spop (v2sf)  }
.Ltmp29:
0x3bd: {  	v34 =	vor.u32 s12, v0;
	[tilespmem:s11+$0x3400] =	vst.msk vm4, v35;
	s11 =	sadd.s32 s11, s14;
	s12 =	spop (v2sf);
	(pc) =	sbr.rel @p1 .LBB2_37-.Ltmp29, $3  }
0x3be: {  	v35 =	vor.u32 s13, v0;
	[tilespmem:s11+$0x3400] =	vst.msk vm3, v34;
	s11 =	sadd.s32 s11, s12  }
0x3bf: {  	[tilespmem:s11+$0x3400] =	vst.msk vm6, v35;
	_ =	sdelay $0x1  }
0x3c0: {  	s12 =	sadd.s32 $0xFFFFFFE0, s9  }
0x3c1: {  	_ =	sdelay $0x1  }
0x3c2: {  	s6 =	spop (v2sf)  }
0x3c3: {  	s6 =	sadd.s32 s11, s6;
	s7 =	spop (v2sf)  }
0x3c4: {  	s7 =	sadd.s32 s6, s7;
	s8 =	spop (v2sf)  }
0x3c5: {  	v34 =	vor.u32 s12, v0;
	s8 =	sadd.s32 s7, s8;
	s16 =	spop (v2sf)  }
0x3c6: {  	[tilespmem:s6+$0x3400] =	vst.msk vm0, v34;
	s6 =	sadd.s32 s8, s16  }
0x3c7: {  	p1 =	slt.s32 s6, $0x41  }
.Ltmp30:
0x3c8: {  	_ = 	snop;
	(pc) =	sbr.rel @p1 .LBB2_70-.Ltmp30, $4  }
0x3c9: {  	s10 =	sadd.s32 $0xFFFFFFF0, s9  }
0x3ca: {  	v35 =	vor.u32 s10, v0  }
0x3cb: {  	v63 =	vor.u32 s9, v0;
	[tilespmem:s7+$0x3400] =	vst.msk vm1, v35  }
0x3cc: {  	[tilespmem:s8+$0x3400] =	vst.msk vm2, v63  }
0x3cd: {  	s7 =	sadd.s32 $0xF, s6  }
0x3ce: {  	s8 =	sand.u32 $0xF, s7  }
0x3cf: {  	s9 =	sshra.s32 s7, $0x1F;
	p1 =	slt.s32 s7, $0x0;
	p2 =	sne.s32 s8, $0x0  }
0x3d0: {  	s16 =	sshrl.u32 s9, $0x1C;
	p1 =	por !p1, !p2  }
0x3d1: {  	s8 =	simm.s32 $0x1;
	s7 =	sadd.s32 s16, s7;
	p1 =	por !p1, !p1  }
0x3d2: {  	s7 =	sshra.s32 s7, $0x4;
	s8 =	simm.s32 @!p1 $0x0  }
0x3d3: {  	s8 =	ssub.s32 s7, s8  }
0x3d4: {  	v34 =	vmov s6;
	s10 =	simm.s32 $0x0;
	s9 =	simm.s32 $0x3CB851EC;
	p2 =	slt.s32 s8, $0x1  }
.LBB2_41:
0x3d5: {  	s7 =	sadd.s32 s10, s9  }
0x3d6: {  	s11 =	sand.u32 $0x1, s7  }
.Ltmp31:
0x3d7: {  	p1 =	slt.s32 s7, $0x1;
	p3 =	seq.s32 s11, $0x1;
	(pc) =	sbr.rel @!p2 .LBB2_42-.Ltmp31, $4  }
0x3d8: {  	s16 =	sshrl.u32 s7, $0x1F;
	p1 =	por !p1, !p3  }
0x3d9: {  	s7 =	sadd.s32 s16, s7;
	s11 =	simm.s32 $0x1;
	p1 =	por !p1, !p1  }
0x3da: {  	s7 =	sshra.s32 s7, $0x1;
	s11 =	simm.s32 @!p1 $0x0  }
0x3db: {  	s11 =	ssub.s32 s7, s11  }
0x3dc: {  	s10 =	sadd.s32 $0x1, s11  }
0x3dd: {  	p1 =	slt.s32 s10, s9  }
.Ltmp32:
0x3de: {  	_ = 	snop;
	(pc) =	sbr.rel @p1 .LBB2_41-.Ltmp32, $4  }
.Ltmp33:
0x3df: {  	_ = 	snop;
	(pc) =	sbr.rel @!p1 .LBB2_69-.Ltmp33, $4  }
0x3e0: {  	_ = 	snop  }
0x3e1: {  	_ = 	snop  }
0x3e2: {  	_ = 	snop  }
0x3e3: {  	_ = 	snop  }
.LBB2_42:
0x3e4: {  	p1 =	sne.s32 s8, $0x1  }
.Ltmp34:
0x3e5: {  	_ = 	snop;
	(pc) =	sbr.rel @!p1 .LBB2_43-.Ltmp34, $4  }
0x3e6: {  	s13 =	simm.s32 $0x3400  }
0x3e7: {  	s12 =	simm.s32 $0x0;
	s7 =	sadd.s32 $0xFFFFFFFF, s8;
	s3 =	simm.s32 @!p1 $0x0  }
0x3e8: {  	p3 =	por $0x0, $0x0;
	p4 =	por $0x0, $0x0;
	s3 =	simm.s32 @p1 $0x1  }
0x3e9: {  	v35 =	vmov s11;
	p5 =	por $0x0, $0x0;
	p6 =	por $0x0, $0x0;
	v43 =	vld [tilespmem:s13+$0x0];
	[smem:$0x7FD] =	sst s3  }
0x3ea: {  	_ =	sdelay $0x3  }
0x3eb: {  	p1 =	sne.s32 s7, $0x1  }
.Ltmp35:
0x3ec: {  	_ = 	snop;
	(pc) =	sbr.rel @!p1 .LBB2_45-.Ltmp35, $4  }
0x3ed: {  	s13 =	simm.s32 $0x3410  }
0x3ee: {  	v36 =	vld [tilespmem:s13+$0x0]  }
0x3ef: {  	v37 =	vld.idx.msk [tilespmem:v43+s2+$0x0], $0xffff  }
0x3f0: {  	p3 =	por $0x1, $0x1;
	s13 =	sadd.s32 $0xFFFFFFFF, s7;
	v39 =	vld.idx.msk [tilespmem:v43+s20+$0x0], $0xffff  }
0x3f1: {  	_ =	sdelay $0x3  }
0x3f2: {  	v38 =	vld.idx.msk [tilespmem:v43+s21+$0x0], $0xffff;
	_ =	sdelay $0x1  }
0x3f3: {  	p1 =	sne.s32 s13, $0x1  }
.Ltmp36:
0x3f4: {  	v37 =	vsub.f32 v37, v32;
	v39 =	vsub.f32 v39, v31;
	(pc) =	sbr.rel @!p1 .LBB2_47-.Ltmp36, $4  }
0x3f5: {  	s14 =	simm.s32 $0x3420  }
0x3f6: {  	v44 =	vld [tilespmem:s14+$0x0];
	v38 =	vsub.f32 v38, v30;
	v40 =	vmul.f32 v37, v37;
	v41 =	vmul.f32 v39, v39  }
0x3f7: {  	v37 =	vld.idx.msk [tilespmem:v36+s2+$0x0], $0xffff  }
0x3f8: {  	s13 =	sadd.s32 $0xFFFFFFFF, s13;
	p4 =	por $0x1, $0x1;
	v39 =	vld.idx.msk [tilespmem:v36+s20+$0x0], $0xffff;
	v42 =	vmul.f32 v38, v38;
	v41 =	vadd.f32 v41, v40  }
0x3f9: {  	_ = 	snop  }
0x3fa: {  	v59 =	vadd.f32 v42, v41  }
0x3fb: {  	v40 =	vor.u32 s12, v0  }
0x3fc: {  	vm0 =	vlt.s32 v40, v34;
	vm1 =	vge.s32 v35, v59  }
0x3fd: {  	vm0 =	vmand vm0, vm1  }
0x3fe: {  	v60 =	vmpcnt.ones.xlane vm0;
	_ =	sdelay $0x1  }
0x3ff: {  	(v2sf) =	vpush v60, $0x0;
	_ =	sdelay $0x1  }
0x400: {  	v38 =	vld.idx.msk [tilespmem:v36+s21+$0x0], $0xffff;
	s14 =	simm.s32 $0x3430  }
0x401: {  	v36 =	vld [tilespmem:s14+$0x0];
	_ =	sdelay $0x1  }
0x402: {  	p1 =	sne.s32 s13, $0x1  }
.Ltmp37:
0x403: {  	v37 =	vsub.f32 v37, v32;
	v39 =	vsub.f32 v39, v31;
	(pc) =	sbr.rel @!p1 .LBB2_49-.Ltmp37, $4  }
0x404: {  	_ = 	snop  }
0x405: {  	v61 =	vsub.f32 v38, v30;
	v62 =	vmul.f32 v37, v37;
	v63 =	vmul.f32 v39, v39  }
0x406: {  	v37 =	vld.idx.msk [tilespmem:v44+s2+$0x0], $0xffff  }
0x407: {  	s13 =	sadd.s32 $0xFFFFFFFF, s13;
	p5 =	por $0x1, $0x1;
	v39 =	vld.idx.msk [tilespmem:v44+s20+$0x0], $0xffff;
	v40 =	vmul.f32 v61, v61;
	v38 =	vadd.f32 v63, v62  }
0x408: {  	_ = 	snop  }
0x409: {  	s14 =	simm.s32 $0x10;
	v42 =	vadd.f32 v40, v38  }
0x40a: {  	v43 =	vor.u32 s14, v0  }
0x40b: {  	vm0 =	vlt.s32 v43, v34;
	vm1 =	vge.s32 v35, v42  }
0x40c: {  	vm0 =	vmand vm0, vm1  }
0x40d: {  	v61 =	vmpcnt.ones.xlane vm0  }
0x40e: {  	v41 =	vld.idx.msk [tilespmem:v44+s21+$0x0], $0xffff  }
0x40f: {  	(v2sf) =	vpush v61, $0x0  }
0x410: {  	p1 =	sne.s32 s13, $0x1  }
.Ltmp38:
0x411: {  	s15 =	simm.s32 $0x3440;
	v37 =	vsub.f32 v37, v32;
	v39 =	vsub.f32 v39, v31;
	(pc) =	sbr.rel @!p1 .LBB2_51-.Ltmp38, $4  }
0x412: {  	v44 =	vld [tilespmem:s15+$0x0]  }
0x413: {  	v62 =	vsub.f32 v41, v30;
	v63 =	vmul.f32 v37, v37;
	v45 =	vmul.f32 v39, v39  }
0x414: {  	v37 =	vld.idx.msk [tilespmem:v36+s2+$0x0], $0xffff  }
0x415: {  	s16 =	sadd.s32 $0xFFFFFFFF, s13;
	p6 =	por $0x1, $0x1;
	s13 =	simm.s32 $0x0;
	v39 =	vld.idx.msk [tilespmem:v36+s20+$0x0], $0xffff;
	v42 =	vmul.f32 v62, v62;
	v41 =	vadd.f32 v45, v63  }
.LBB2_52:
0x416: {  	p1 =	sne.s32 s16, $0x1;
	v43 =	vld.idx.msk [tilespmem:v36+s21+$0x0], $0xffff  }
0x417: {  	s14 =	sadd.s32 $0x10, s14;
	v41 =	vadd.f32 v42, v41;
	v36 =	vmov v44  }
0x418: {  	v42 =	vor.u32 s14, v0  }
0x419: {  	vm0 =	vlt.s32 v42, v34;
	vm1 =	vge.s32 v35, v41  }
.Ltmp39:
0x41a: {  	s15 =	sadd.s32 $0x10, s15;
	v41 =	vsub.f32 v37, v32;
	v39 =	vsub.f32 v39, v31;
	vm0 =	vmand vm0, vm1;
	s3 =	spop (v2sf);
	(pc) =	sbr.rel @p1 .LBB2_52-.Ltmp39, $4  }
0x41b: {  	v44 =	vld [tilespmem:s15+$0x0];
	v42 =	vmpcnt.ones.xlane vm0;
	s13 =	sadd.s32 s13, s3  }
0x41c: {  	v43 =	vsub.f32 v43, v30;
	v41 =	vmul.f32 v41, v41;
	v45 =	vmul.f32 v39, v39;
	v37 =	vld.idx.msk [tilespmem:v36+s2+$0x0], $0xffff  }
0x41d: {  	v39 =	vld.idx.msk [tilespmem:v36+s20+$0x0], $0xffff;
	(v2sf) =	vpush v42, $0x0  }
0x41e: {  	s16 =	sadd.s32 $0xFFFFFFFF, s16;
	v41 =	vadd.f32 v45, v41;
	v42 =	vmul.f32 v43, v43  }
0x41f: {  	_ = 	snop  }
0x420: {  	v43 =	vmov v36;
	v36 =	vmov v44  }
.LBB2_54:
0x421: {  	_ =	sdelay $0x3  }
0x422: {  	v43 =	vld.idx.msk @p3 [tilespmem:v43+s21+$0x0], $0xffff  }
0x423: {  	v44 =	vld.idx.msk [tilespmem:v36+s2+$0x0], $0xffff  }
0x424: {  	v37 =	vsub.f32 @p3 v37, v32;
	v45 =	vld.idx.msk [tilespmem:v36+s20+$0x0], $0xffff;
	v39 =	vsub.f32 @p3 v39, v31;
	_ =	sdelay $0x1  }
0x425: {  	v56 =	vld.idx.msk [tilespmem:v36+s21+$0x0], $0xffff;
	v37 =	vmul.f32 @p3 v37, v37;
	v39 =	vmul.f32 @p3 v39, v39  }
0x426: {  	v41 =	vadd.f32 @p4 v42, v41;
	s3 =	sadd.s32 @p5 $0x10, s14;
	s14 =	simm.s32 $0x0  }
0x427: {  	s14 =	smov.u32 @p5 s3;
	v42 =	vsub.f32 @p3 v43, v30;
	v37 =	vadd.f32 @p3 v39, v37  }
0x428: {  	v39 =	vor.u32 @p4 s14, v0;
	v57 =	vsub.f32 v44, v32;
	v58 =	vsub.f32 v45, v31  }
0x429: {  	vm1 =	vge.s32 @p4 v35, v41;
	vm0 =	vlt.s32 @p4 v39, v34;
	v39 =	vmul.f32 @p3 v42, v42  }
0x42a: {  	v36 =	vsub.f32 v56, v30;
	v59 =	vmul.f32 v57, v57;
	v60 =	vmul.f32 v58, v58  }
0x42b: {  	s3 =	sadd.s32 @p4 $0x10, s14;
	s14 =	simm.s32 $0x0;
	vm0 =	vmand @p4 vm0, vm1;
	v37 =	vpsel p3, v37, v38;
	v38 =	vpsel p3, v39, v40  }
0x42c: {  	s14 =	smov.u32 @p4 s3;
	v36 =	vmul.f32 v36, v36;
	v61 =	vadd.f32 v60, v59;
	v37 =	vadd.f32 @p3 v38, v37  }
0x42d: {  	s3 =	sadd.s32 @p3 $0x10, s14;
	v39 =	vmpcnt.ones.xlane @p4 vm0;
	v40 =	vor.u32 @p3 s14, v0;
	s14 =	simm.s32 $0x0  }
0x42e: {  	vm0 =	vlt.s32 @p3 v40, v34;
	s14 =	smov.u32 @p3 s3;
	v36 =	vadd.f32 v36, v61;
	vm1 =	vge.s32 @p3 v35, v37  }
0x42f: {  	(v2sf) =	vpush @p4 v39, $0x0;
	v62 =	vor.u32 s14, v0;
	vm0 =	vmand @p3 vm0, vm1  }
0x430: {  	vm14 =	vlt.s32 v62, v34;
	vm15 =	vge.s32 v35, v36;
	v38 =	vmpcnt.ones.xlane @p3 vm0  }
0x431: {  	vm0 =	vmand vm14, vm15  }
0x432: {  	v63 =	vmpcnt.ones.xlane vm0;
	(v2sf) =	vpush @p3 v38, $0x0;
	_ =	sdelay $0x1  }
0x433: {  	(v2sf) =	vpush v63, $0x0;
	_ =	sdelay $0x6  }
0x434: {  	s3 =	spop @p6 (v2sf)  }
0x435: {  	s3 =	sadd.s32 @p6 s13, s3;
	s13 =	simm.s32 $0x0  }
0x436: {  	s14 =	spop @p5 (v2sf);
	s13 =	smov.u32 @p6 s3  }
0x437: {  	s3 =	sadd.s32 @p5 s13, s14;
	s13 =	simm.s32 $0x0  }
0x438: {  	s13 =	smov.u32 @p5 s3;
	s14 =	spop @p4 (v2sf)  }
0x439: {  	s3 =	sadd.s32 @p4 s13, s14;
	s13 =	simm.s32 $0x0  }
0x43a: {  	s13 =	smov.u32 @p4 s3;
	s3 =	spop @p3 (v2sf)  }
0x43b: {  	s3 =	sadd.s32 @p3 s13, s3  }
0x43c: {  	s16 =	spop (v2sf);
	s12 =	smov.u32 @p3 s3  }
0x43d: {  	s3 =	sadd.s32 s12, s16  }
0x43e: {  	s12 =	sadd.s32 $0x1, s11;
	p1 =	sgt.s32 s3, $0x3F  }
0x43f: {  	s12 =	smov.u32 @p1 s10;
	s9 =	smov.u32 @p1 s11  }
0x440: {  	p1 =	sge.s32 s12, s9  }
.Ltmp40:
0x441: {  	_ = 	snop;
	(pc) =	sbr.rel @p1 .LBB2_56-.Ltmp40, $1  }
0x442: {  	_ =	sdelay $0x3  }
.Ltmp41:
0x443: {  	(pc) =	sbr.rel .LBB2_41-.Ltmp41, $2  }
0x444: {  	_ =	sdelay $0x2  }
0x445: {  	s10 =	smov.u32 s12  }
.LBB2_43:
.Ltmp42:
0x446: {  	_ = 	snop;
	(pc) =	sbr.rel .LBB2_54-.Ltmp42, $2  }
0x447: {  	_ =	sdelay $0x2  }
0x448: {  	s14 =	simm.s32 $0x0;
	s13 =	simm.s32 $0x0;
	v36 =	vmov v43  }
.LBB2_45:
.Ltmp43:
0x449: {  	(pc) =	sbr.rel .LBB2_54-.Ltmp43, $2  }
0x44a: {  	_ =	sdelay $0x2  }
0x44b: {  	s14 =	simm.s32 $0x0;
	s13 =	simm.s32 $0x0  }
.LBB2_47:
.Ltmp44:
0x44c: {  	(pc) =	sbr.rel .LBB2_54-.Ltmp44, $2  }
0x44d: {  	_ =	sdelay $0x2  }
0x44e: {  	v43 =	vmov v36;
	s14 =	simm.s32 $0x0;
	s13 =	simm.s32 $0x0;
	v36 =	vmov v44  }
.LBB2_49:
.Ltmp45:
0x44f: {  	(pc) =	sbr.rel .LBB2_54-.Ltmp45, $2  }
0x450: {  	_ =	sdelay $0x2  }
0x451: {  	v43 =	vmov v44;
	s14 =	simm.s32 $0x0;
	s13 =	simm.s32 $0x0;
	v41 =	vmov v38;
	v42 =	vmov v40  }
.LBB2_51:
.Ltmp46:
0x452: {  	(pc) =	sbr.rel .LBB2_54-.Ltmp46, $2  }
0x453: {  	_ =	sdelay $0x2  }
0x454: {  	v43 =	vmov v36;
	s13 =	simm.s32 $0x0;
	v36 =	vmov v44  }
.LBB2_56:
0x455: {  	s3 =	sld [smem:$0x7FD];
	_ =	sdelay $0x2  }
0x456: {  	p5 =	seq.s32 s3, $0x1  }
.Ltmp47:
0x457: {  	_ = 	snop;
	(pc) =	sbr.rel @!p5 .LBB2_57-.Ltmp47, $3  }
0x458: {  	_ =	sdelay $0x1  }
0x459: {  	s9 =	simm.s32 $0x3400  }
0x45a: {  	v35 =	vmov s12;
	s8 =	simm.s32 $0x0;
	p2 =	por $0x0, $0x0;
	v36 =	vld [tilespmem:s9+$0x0]  }
0x45b: {  	_ =	sdelay $0x7  }
0x45c: {  	v37 =	vld.idx.msk [tilespmem:v36+s8+$0x0], $0xffff  }
0x45d: {  	v38 =	vld.idx.msk [tilespmem:v36+s20+$0x0], $0xffff;
	_ =	sdelay $0x1  }
0x45e: {  	v39 =	vld.idx.msk [tilespmem:v36+s21+$0x0], $0xffff;
	_ =	sdelay $0x2  }
0x45f: {  	v37 =	vsub.f32 v37, v32;
	v38 =	vsub.f32 v38, v31;
	_ =	sdelay $0x1  }
0x460: {  	v39 =	vsub.f32 v39, v30;
	v37 =	vmul.f32 v37, v37;
	v38 =	vmul.f32 v38, v38;
	_ =	sdelay $0x1  }
0x461: {  	v61 =	vmul.f32 v39, v39;
	v37 =	vadd.f32 v38, v37;
	_ =	sdelay $0x1  }
0x462: {  	v37 =	vadd.f32 v61, v37  }
0x463: {  	v62 =	vor.u32 s8, v0;
	p1 =	sne.s32 s7, $0x1  }
.Ltmp48:
0x464: {  	vm0 =	vlt.s32 v62, v34;
	vm1 =	vgt.s32 v35, v37;
	(pc) =	sbr.rel @!p1 .LBB2_59-.Ltmp48, $4  }
0x465: {  	vm0 =	vmand vm0, vm1  }
0x466: {  	s12 =	simm.s32 $0x3410;
	v63 =	vmpcnt.ones.xlane vm0;
	[tilespmem:s8+$0x3C80] =	vst.msk vm0, v36  }
0x467: {  	s13 =	sadd.s32 $0xFFFFFFFF, s7;
	v36 =	vld [tilespmem:s12+$0x0]  }
0x468: {  	p3 =	por $0x1, $0x1;
	s10 =	simm.s32 $0x0;
	s11 =	simm.s32 $0x0;
	(v2sf) =	vpush v63, $0x0  }
.LBB2_60:
0x469: {  	p4 =	sne.s32 s13, $0x1;
	_ =	sdelay $0x5  }
0x46a: {  	v37 =	vld.idx.msk [tilespmem:v36+s8+$0x0], $0xffff  }
0x46b: {  	v38 =	vld.idx.msk [tilespmem:v36+s20+$0x0], $0xffff;
	_ =	sdelay $0x1  }
0x46c: {  	v39 =	vld.idx.msk [tilespmem:v36+s21+$0x0], $0xffff;
	_ =	sdelay $0x3  }
0x46d: {  	v37 =	vsub.f32 v37, v32;
	v38 =	vsub.f32 v38, v31  }
0x46e: {  	s3 =	spop (v2sf)  }
0x46f: {  	v37 =	vmul.f32 v37, v37;
	v39 =	vsub.f32 v39, v30;
	v38 =	vmul.f32 v38, v38;
	s10 =	sadd.s32 s10, s3;
	_ =	sdelay $0x1  }
0x470: {  	v37 =	vadd.f32 v38, v37;
	v38 =	vmul.f32 v39, v39;
	_ =	sdelay $0x1  }
0x471: {  	s11 =	sadd.s32 $0x10, s11;
	v37 =	vadd.f32 v38, v37  }
0x472: {  	v38 =	vor.u32 s11, v0  }
.Ltmp49:
0x473: {  	vm0 =	vlt.s32 v38, v34;
	vm1 =	vgt.s32 v35, v37;
	(pc) =	sbr.rel @p4 .LBB2_60-.Ltmp49, $4  }
0x474: {  	vm0 =	vmand vm0, vm1  }
0x475: {  	s12 =	sadd.s32 $0x10, s12;
	v37 =	vmpcnt.ones.xlane vm0;
	[tilespmem:s10+$0x3C80] =	vst.msk vm0, v36  }
0x476: {  	v36 =	vld [tilespmem:s12+$0x0]  }
0x477: {  	s13 =	sadd.s32 $0xFFFFFFFF, s13;
	(v2sf) =	vpush v37, $0x0  }
.LBB2_61:
0x478: {  	_ =	sdelay $0x6  }
0x479: {  	v37 =	vld.idx.msk [tilespmem:v36+s8+$0x0], $0xffff  }
0x47a: {  	v38 =	vld.idx.msk [tilespmem:v36+s20+$0x0], $0xffff;
	_ =	sdelay $0x1  }
0x47b: {  	v39 =	vld.idx.msk [tilespmem:v36+s21+$0x0], $0xffff;
	_ =	sdelay $0x2  }
0x47c: {  	v37 =	vsub.f32 v37, v32;
	v38 =	vsub.f32 v38, v31;
	_ =	sdelay $0x1  }
0x47d: {  	v39 =	vsub.f32 v39, v30;
	v37 =	vmul.f32 v37, v37;
	v38 =	vmul.f32 v38, v38;
	_ =	sdelay $0x1  }
0x47e: {  	v61 =	vmul.f32 v39, v39;
	v37 =	vadd.f32 v38, v37  }
0x47f: {  	s3 =	sadd.s32 @p3 $0x10, s11;
	s11 =	simm.s32 $0x0  }
0x480: {  	s11 =	smov.u32 @p3 s3;
	v37 =	vadd.f32 v61, v37  }
0x481: {  	v62 =	vor.u32 s11, v0  }
0x482: {  	vm0 =	vlt.s32 v62, v34;
	vm1 =	vgt.s32 v35, v37  }
0x483: {  	vm0 =	vmand vm0, vm1  }
0x484: {  	v63 =	vmpcnt.ones.xlane vm0;
	_ =	sdelay $0x1  }
0x485: {  	(v2sf) =	vpush v63, $0x0;
	_ =	sdelay $0xb  }
.Ltmp50:
0x486: {  	_ = 	snop;
	(pc) =	sbr.rel @!p5 .LBB2_62-.Ltmp50, $4  }
0x487: {  	s3 =	spop @p3 (v2sf)  }
0x488: {  	s3 =	sadd.s32 @p3 s10, s3;
	s10 =	simm.s32 $0x0  }
0x489: {  	s10 =	smov.u32 @p3 s3;
	s16 =	spop (v2sf)  }
0x48a: {  	[tilespmem:s10+$0x3C80] =	vst.msk vm0, v36;
	s10 =	sadd.s32 s10, s16  }
0x48b: {  	v36 =	vld [tilespmem:s9+$0x0];
	_ =	sdelay $0x7  }
0x48c: {  	v37 =	vld.idx.msk [tilespmem:v36+s2+$0x0], $0xffff  }
0x48d: {  	v38 =	vld.idx.msk [tilespmem:v36+s20+$0x0], $0xffff;
	_ =	sdelay $0x1  }
0x48e: {  	v39 =	vld.idx.msk [tilespmem:v36+s21+$0x0], $0xffff;
	_ =	sdelay $0x1  }
0x48f: {  	p3 =	sne.s32 s7, $0x1  }
.Ltmp51:
0x490: {  	v37 =	vsub.f32 v37, v32;
	v38 =	vsub.f32 v38, v31;
	(pc) =	sbr.rel @!p3 .LBB2_64-.Ltmp51, $3  }
0x491: {  	_ = 	snop  }
0x492: {  	v39 =	vsub.f32 v39, v30;
	v37 =	vmul.f32 v37, v37;
	v38 =	vmul.f32 v38, v38;
	_ =	sdelay $0x1  }
0x493: {  	s12 =	sadd.s32 $0xFFFFFFFF, s7;
	p1 =	por $0x1, $0x1;
	v37 =	vadd.f32 v38, v37;
	v38 =	vmul.f32 v39, v39  }
0x494: {  	_ = 	snop  }
0x495: {  	v37 =	vadd.f32 v38, v37  }
0x496: {  	v59 =	vor.u32 s8, v0  }
0x497: {  	vm0 =	vlt.s32 v59, v34;
	vm1 =	veq.s32 v35, v37  }
0x498: {  	vm0 =	vmand vm0, vm1  }
0x499: {  	v60 =	vsel vm0, $0x1, v3  }
0x49a: {  	(xrf0) =	vadd.scan.msk.s32 $0xffff, v60;
	_ =	sdelay $0x5  }
0x49b: {  	v37, _, _ =	vpop (xrf0)  }
0x49c: {  	v37 =	vadd.s32 s10, v37  }
0x49d: {  	vm15 =	vlt.s32 v37, $0x41  }
0x49e: {  	vm0 =	vmand vm0, vm15  }
0x49f: {  	s11 =	simm.s32 $0x3410;
	[tilespmem:s10+$0x3C80] =	vst.msk vm0, v36  }
0x4a0: {  	v36 =	vld [tilespmem:s11+$0x0]  }
0x4a1: {  	v61 =	vmpcnt.ones.xlane vm0;
	_ =	sdelay $0x1  }
0x4a2: {  	(v2sf) =	vpush v61, $0x0;
	_ =	sdelay $0x4  }
0x4a3: {  	v62 =	vld.idx.msk [tilespmem:v36+s2+$0x0], $0xffff  }
0x4a4: {  	v63 =	vld.idx.msk [tilespmem:v36+s20+$0x0], $0xffff;
	_ =	sdelay $0x1  }
0x4a5: {  	v39 =	vld.idx.msk [tilespmem:v36+s21+$0x0], $0xffff;
	_ =	sdelay $0x2  }
0x4a6: {  	p3 =	sne.s32 s12, $0x1;
	v37 =	vsub.f32 v62, v32;
	v38 =	vsub.f32 v63, v31  }
.Ltmp52:
0x4a7: {  	_ = 	snop;
	(pc) =	sbr.rel @!p3 .LBB2_66-.Ltmp52, $3  }
0x4a8: {  	v39 =	vsub.f32 v39, v30;
	v37 =	vmul.f32 v37, v37;
	v38 =	vmul.f32 v38, v38;
	_ =	sdelay $0x1  }
0x4a9: {  	s13 =	sadd.s32 $0xFFFFFFFF, s12;
	s3 =	spop (v2sf);
	v37 =	vadd.f32 v38, v37;
	v38 =	vmul.f32 v39, v39  }
0x4aa: {  	p2 =	por $0x1, $0x1;
	s12 =	simm.s32 $0x0;
	s7 =	sadd.s32 s10, s3  }
.LBB2_67:
0x4ab: {  	p3 =	sne.s32 s13, $0x1;
	v37 =	vadd.f32 v38, v37;
	s12 =	sadd.s32 $0x10, s12  }
0x4ac: {  	v38 =	vor.u32 s12, v0  }
0x4ad: {  	vm0 =	vlt.s32 v38, v34;
	vm1 =	veq.s32 v35, v37  }
0x4ae: {  	vm0 =	vmand vm0, vm1  }
0x4af: {  	v37 =	vsel vm0, $0x1, v3  }
0x4b0: {  	(xrf0) =	vadd.scan.msk.s32 $0xffff, v37;
	_ =	sdelay $0x5  }
0x4b1: {  	v37, _, _ =	vpop (xrf0)  }
0x4b2: {  	v37 =	vadd.s32 s7, v37  }
0x4b3: {  	vm1 =	vlt.s32 v37, $0x41  }
0x4b4: {  	vm0 =	vmand vm0, vm1  }
0x4b5: {  	s11 =	sadd.s32 $0x10, s11;
	[tilespmem:s7+$0x3C80] =	vst.msk vm0, v36;
	v37 =	vmpcnt.ones.xlane vm0  }
0x4b6: {  	v36 =	vld [tilespmem:s11+$0x0]  }
0x4b7: {  	(v2sf) =	vpush v37, $0x0;
	_ =	sdelay $0x6  }
0x4b8: {  	v37 =	vld.idx.msk [tilespmem:v36+s2+$0x0], $0xffff  }
0x4b9: {  	v38 =	vld.idx.msk [tilespmem:v36+s20+$0x0], $0xffff;
	_ =	sdelay $0x1  }
0x4ba: {  	v39 =	vld.idx.msk [tilespmem:v36+s21+$0x0], $0xffff;
	_ =	sdelay $0x3  }
0x4bb: {  	v37 =	vsub.f32 v37, v32;
	v38 =	vsub.f32 v38, v31  }
.Ltmp53:
0x4bc: {  	s3 =	spop (v2sf);
	(pc) =	sbr.rel @p3 .LBB2_67-.Ltmp53, $3  }
0x4bd: {  	v37 =	vmul.f32 v37, v37;
	v39 =	vsub.f32 v39, v30;
	v38 =	vmul.f32 v38, v38;
	s7 =	sadd.s32 s7, s3;
	_ =	sdelay $0x1  }
0x4be: {  	v37 =	vadd.f32 v38, v37;
	v38 =	vmul.f32 v39, v39  }
0x4bf: {  	s13 =	sadd.s32 $0xFFFFFFFF, s13  }
.Ltmp54:
0x4c0: {  	_ = 	snop;
	(pc) =	sbr.rel .LBB2_68-.Ltmp54, $1  }
0x4c1: {  	_ =	sdelay $0x3  }
.LBB2_23:
.Ltmp55:
0x4c2: {  	(pc) =	sbr.rel .LBB2_27-.Ltmp55, $2  }
0x4c3: {  	_ =	sdelay $0x2  }
0x4c4: {  	s9 =	simm.s32 $0x0;
	s10 =	simm.s32 $0x0;
	p2 =	por $0x0, $0x0  }
.LBB2_28:
.Ltmp56:
0x4c5: {  	(pc) =	sbr.rel .LBB2_34-.Ltmp56, $3  }
0x4c6: {  	_ =	sdelay $0x1  }
0x4c7: {  	s11 =	simm.s32 $0x0  }
0x4c8: {  	s6 =	smov.u32 s9;
	s10 =	simm.s32 $0x3400;
	p0 =	por $0x0, $0x0  }
.LBB2_57:
.Ltmp57:
0x4c9: {  	(pc) =	sbr.rel .LBB2_61-.Ltmp57, $2  }
0x4ca: {  	_ =	sdelay $0x2  }
0x4cb: {  	s10 =	simm.s32 $0x0;
	s11 =	simm.s32 $0x0;
	p3 =	por $0x0, $0x0  }
.LBB2_25:
.Ltmp58:
0x4cc: {  	(pc) =	sbr.rel .LBB2_27-.Ltmp58, $2  }
0x4cd: {  	_ =	sdelay $0x2  }
0x4ce: {  	s9 =	simm.s32 $0x0;
	s10 =	simm.s32 $0x0  }
.LBB2_30:
.Ltmp59:
0x4cf: {  	(pc) =	sbr.rel .LBB2_34-.Ltmp59, $2  }
0x4d0: {  	_ =	sdelay $0x2  }
0x4d1: {  	s11 =	simm.s32 $0x0;
	s6 =	smov.u32 s9;
	s10 =	simm.s32 $0x3400  }
.LBB2_59:
.Ltmp60:
0x4d2: {  	(pc) =	sbr.rel .LBB2_61-.Ltmp60, $2  }
0x4d3: {  	_ =	sdelay $0x2  }
0x4d4: {  	s10 =	simm.s32 $0x0;
	s11 =	simm.s32 $0x0  }
.LBB2_64:
.Ltmp61:
0x4d5: {  	(pc) =	sbr.rel .LBB2_68-.Ltmp61, $2  }
0x4d6: {  	_ =	sdelay $0x2  }
0x4d7: {  	s12 =	simm.s32 $0x0;
	s7 =	smov.u32 s10;
	s11 =	simm.s32 $0x3400  }
.LBB2_32:
.Ltmp62:
0x4d8: {  	(pc) =	sbr.rel .LBB2_34-.Ltmp62, $2  }
0x4d9: {  	_ =	sdelay $0x2  }
0x4da: {  	s11 =	simm.s32 $0x0  }
.LBB2_66:
.Ltmp63:
0x4db: {  	(pc) =	sbr.rel .LBB2_68-.Ltmp63, $2  }
0x4dc: {  	_ =	sdelay $0x2  }
0x4dd: {  	s12 =	simm.s32 $0x0  }
.LBB2_72:
0x4de: {  	_ =	sfence.sel $0x180000  }
0x4df: {  	[bflag:$0x0] =	sbarrier.arrive $0xFFFF  }
0x4e0: {  	_ =	strace $0x90000047  }
0x4e1: {  	s0 =	stileid.u32;
	[bflag:$0x2] =	sbarrier.arrive $0xFFFF  }
0x4e2: {  	p0 =	sne.s32 s0, $0x0;
	s0 =	rddreg [dreg:$0x3]  }
0x4e3: {  	s0 =	sadd.s32 @!p0 $0x100000, s0  }
0x4e4: {  	[sflag:s0] =	ssyncadd.tile.s32 @!p0 $0x1;
	_ =	shalt  }
.Lfunc_end2:
_tile_overlayer_lowered:
.L_overlay_start_2:
0x4e5: {  	(tag) =	ssettag $0x2  }
0x4e6: {  	s0 =	rddreg [dreg:$0x0];
	s2 =	stileid.u32  }
0x4e7: {  	s1 =	rddreg [dreg:$0x1];
	p0 =	sne.s32 s2, $0x0  }
0x4e8: {  	s3 =	rddreg [dreg:$0x2];
	[bflag:$0x3] =	sbarrier.arrive $0xFFFF;
	s2 =	simm.s32 @!p0 $0x1C03  }
0x4e9: {  	[timem:s3], [sflag:s2] =	dma.local @!p0 [hbm:s0], s1  }
0x4ea: {  	s0 =	simm.s32 @!p0 $0x3  }
0x4eb: {  	_ =	swait.ge @!p0 [sflag:s0], s1  }
0x4ec: {  	s1 =	ssub.s32 @!p0 $0x0, s1;
	[sflag:s0] =	ssyncset.done @!p0 $0x0  }
0x4ed: {  	[sflag:s0] =	ssyncadd.s32 @!p0 s1  }
0x4ee: {  	[bflag:$0x3] =	sbarrier.arrive $0xFFFF  }
0x4ef: {  	_ =	shalt  }

</sc_bundles>
